<compile_context>
chip_gen: v7x
topology: tpu7x:2x2x1
jax: 0.10.2.dev20260603
libtpu: 0.0.44.dev20260713+nightly
codegen_flags: <defaults>
</compile_context>

<pallas_src>
import functools

import jax
import jax.numpy as jnp
from jax import lax
from jax.experimental import pallas as pl
from jax.experimental.pallas import tpu as pltpu
from jax.experimental.pallas import tpu_sc as plsc

N = 10000
E = 320000
D = 128
H = 128
C = 7
B = 4096

NC = 2
NS = 16
NW = NC * NS
NPAD = 10240
ROWS_PER_TILE = NPAD // NS
K = 128
EDGES_PER_TILE = E // NW
CHUNKS_PER_TILE = EDGES_PER_TILE // K

_mesh = lambda: plsc.VectorSubcoreMesh(
    core_axis_name="c", subcore_axis_name="s", num_cores=NC, num_subcores=NS)


def _gelu(x):
    return jax.nn.gelu(x)



_RB = 1000


def _dense2_body(x_ref, wa_ref, ba_ref, wb_ref, bb_ref, ya_ref, yb_ref):
    ya = _gelu(jnp.dot(x_ref[...], wa_ref[...],
                       preferred_element_type=jnp.float32) + ba_ref[...])
    ya_ref[...] = ya
    yb_ref[...] = _gelu(jnp.dot(ya, wb_ref[...],
                                preferred_element_type=jnp.float32) + bb_ref[...])


def _tc_dense2(x, wa, ba, wb, bb):
    n = x.shape[0]
    grid = (n // _RB,)
    full = lambda i: (0, 0)
    return pl.pallas_call(
        _dense2_body,
        grid=grid,
        in_specs=[
            pl.BlockSpec((_RB, H), lambda i: (i, 0)),
            pl.BlockSpec((H, H), full), pl.BlockSpec((1, H), full),
            pl.BlockSpec((H, H), full), pl.BlockSpec((1, H), full),
        ],
        out_specs=[pl.BlockSpec((_RB, H), lambda i: (i, 0)),
                   pl.BlockSpec((_RB, H), lambda i: (i, 0))],
        out_shape=[jax.ShapeDtypeStruct((n, H), jnp.float32),
                   jax.ShapeDtypeStruct((n, H), jnp.float32)],
    )(x, wa, ba, wb, bb)


def _update_body(with_prep, agg_ref, deg_ref, x_ref, wu_ref, bu_ref,
                 wp_ref, bp_ref, *out_refs):
    deg = jnp.maximum(deg_ref[0, :, 0:1] + deg_ref[1, :, 0:1], 1.0)
    a = (agg_ref[0] + agg_ref[1]) * (1.0 / deg)
    x2 = _gelu(jnp.dot(a, wu_ref[...],
                       preferred_element_type=jnp.float32) + bu_ref[...]) + x_ref[...]
    out_refs[0][...] = x2
    if with_prep:
        out_refs[1][...] = _gelu(jnp.dot(x2, wp_ref[...],
                                         preferred_element_type=jnp.float32) + bp_ref[...])


def _tc_update(agg, deg, x, wu, bu, wp, bp, with_prep):
    grid = (N // _RB,)
    full = lambda i: (0, 0)
    out_specs = [pl.BlockSpec((_RB, H), lambda i: (i, 0))]
    out_shape = [jax.ShapeDtypeStruct((N, H), jnp.float32)]
    if with_prep:
        out_specs = out_specs * 2
        out_shape = out_shape * 2
    res = pl.pallas_call(
        functools.partial(_update_body, with_prep),
        grid=grid,
        in_specs=[
            pl.BlockSpec((2, _RB, H), lambda i: (0, i, 0)),
            pl.BlockSpec((2, _RB, 1), lambda i: (0, i, 0)),
            pl.BlockSpec((_RB, H), lambda i: (i, 0)),
            pl.BlockSpec((H, H), full), pl.BlockSpec((1, H), full),
            pl.BlockSpec((H, H), full), pl.BlockSpec((1, H), full),
        ],
        out_specs=out_specs,
        out_shape=out_shape,
    )(agg, deg, x, wu, bu, wp, bp)
    return res if with_prep else (res[0], None)


def _head_body(g_ref, w2_ref, b2_ref, w3_ref, b3_ref, o_ref):
    t = _gelu(jnp.dot(g_ref[...], w2_ref[...],
                      preferred_element_type=jnp.float32) + b2_ref[...])
    o_ref[...] = jnp.dot(t, w3_ref[...],
                         preferred_element_type=jnp.float32) + b3_ref[...]


def _tc_head(g, w2, b2, w3, b3):
    rb = 512
    grid = (B // rb,)
    full = lambda i: (0, 0)
    return pl.pallas_call(
        _head_body,
        grid=grid,
        in_specs=[
            pl.BlockSpec((rb, H), lambda i: (i, 0)),
            pl.BlockSpec((H, H), full), pl.BlockSpec((1, H), full),
            pl.BlockSpec((H, C), full), pl.BlockSpec((1, C), full),
        ],
        out_specs=pl.BlockSpec((rb, C), lambda i: (i, 0)),
        out_shape=jax.ShapeDtypeStruct((B, C), jnp.float32),
    )(g, w2, b2, w3, b3)



def _zero_vmem_rows(ref, nrows, ncols):
    z = jnp.zeros((16,), jnp.float32)

    def body(i, _):
        r = i // (ncols // 16)
        c = (i % (ncols // 16)) * 16
        ref[r, pl.ds(c, 16)] = z
        return ()

    lax.fori_loop(0, nrows * (ncols // 16), body, ())


_NBUF = 2
_NIDX = 4


def _edge_agg_body(h_hbm, edges_hbm, agg_hbm,
                   agg_sh, rows0, rows1,
                   eidx0, eidx1, eidx2, eidx3,
                   isem0, isem1, isem2, isem3, gsem0, gsem1, ssem0, ssem1):
    eidx = (eidx0, eidx1, eidx2, eidx3)
    sidx = tuple(e.at[0] for e in eidx)
    didx = tuple(e.at[1] for e in eidx)
    rows = (rows0, rows1)
    isem = (isem0, isem1, isem2, isem3)
    gsem = (gsem0, gsem1)
    ssem = (ssem0, ssem1)
    cid = lax.axis_index("c")
    sid = lax.axis_index("s")

    _zero_vmem_rows(rows0, K, H)
    for j in range(ROWS_PER_TILE // K):
        pltpu.sync_copy(rows0, agg_sh.at[pl.ds(sid * ROWS_PER_TILE + j * K, K)])
    plsc.subcore_barrier()

    wid = cid * NS + sid
    base = (wid * CHUNKS_PER_TILE + jnp.minimum(wid, E // K - NW * CHUNKS_PER_TILE)) * K

    def start_idx(i, s):
        off = base + i * K
        pltpu.async_copy(edges_hbm.at[:, pl.ds(off, K)], eidx[s], isem[s])

    def wait_idx(i, s):
        off = base + i * K
        pltpu.make_async_copy(edges_hbm.at[:, pl.ds(off, K)], eidx[s], isem[s]).wait()

    def run_group(i0, s0, first, prefetch):
        for b in range(_NBUF):
            i = i0 + b
            s = s0 + b
            sp = (s + _NBUF) % _NIDX
            if not first:
                pltpu.make_async_copy(rows[b], agg_sh.at[didx[sp]], ssem[b]).wait()
            if prefetch:
                @pl.when(i + _NBUF < CHUNKS_PER_TILE)
                def _():
                    start_idx(i + _NBUF, sp)
            wait_idx(i, s)
            pltpu.async_copy(h_hbm.at[sidx[s]], rows[b], gsem[b])
        for b in range(_NBUF):
            pltpu.make_async_copy(h_hbm.at[sidx[s0 + b]], rows[b], gsem[b]).wait()
            pltpu.async_copy(rows[b], agg_sh.at[didx[s0 + b]], ssem[b], add=True)

    for i in range(_NBUF):
        start_idx(i, i)

    run_group(0, 0, True, True)
    run_group(2, 2, False, True)

    def supergroup(g, _):
        i0 = (g + 1) * (2 * _NBUF)
        run_group(i0, 0, False, True)
        run_group(i0 + _NBUF, 2, False, True)
        return ()

    lax.fori_loop(0, CHUNKS_PER_TILE // (2 * _NBUF) - 1, supergroup, ())
    run_group(CHUNKS_PER_TILE - _NBUF, 0, False, False)
    for b in range(_NBUF):
        pltpu.make_async_copy(rows[b], agg_sh.at[didx[b]], ssem[b]).wait()
    @pl.when(wid < E // K - NW * CHUNKS_PER_TILE)
    def _():
        off = (wid * (CHUNKS_PER_TILE + 1) + CHUNKS_PER_TILE) * K
        pltpu.sync_copy(edges_hbm.at[:, pl.ds(off, K)], eidx[0])
        pltpu.sync_copy(h_hbm.at[sidx[0]], rows0)
        pltpu.sync_copy(rows0, agg_sh.at[didx[0]], add=True)
    plsc.subcore_barrier()

    nwb = ROWS_PER_TILE // K
    for j in range(nwb):
        r0 = sid * ROWS_PER_TILE + j * K
        rb = rows[j % _NBUF]
        sb = gsem[j % _NBUF]
        if j >= _NBUF:
            rp = sid * ROWS_PER_TILE + (j - _NBUF) * K
            pltpu.make_async_copy(rb, agg_hbm.at[cid, pl.ds(rp, K)], sb).wait()
        pltpu.sync_copy(agg_sh.at[pl.ds(r0, K)], rb)
        pltpu.async_copy(rb, agg_hbm.at[cid, pl.ds(r0, K)], sb)
    for j in range(nwb - _NBUF, nwb):
        r0 = sid * ROWS_PER_TILE + j * K
        pltpu.make_async_copy(rows[j % _NBUF], agg_hbm.at[cid, pl.ds(r0, K)],
                              gsem[j % _NBUF]).wait()


def _sc_edge_agg(h, edges):
    fn = pl.kernel(
        _edge_agg_body,
        out_type=jax.ShapeDtypeStruct((NC, NPAD, H), jnp.float32),
        mesh=_mesh(),
        compiler_params=pltpu.CompilerParams(needs_layout_passes=False),
        scratch_types=(
            pltpu.VMEM_SHARED((NPAD, H), jnp.float32),
            pltpu.VMEM((K, H), jnp.float32),
            pltpu.VMEM((K, H), jnp.float32),
            pltpu.VMEM((2, K), jnp.int32),
            pltpu.VMEM((2, K), jnp.int32),
            pltpu.VMEM((2, K), jnp.int32),
            pltpu.VMEM((2, K), jnp.int32),
            pltpu.SemaphoreType.DMA,
            pltpu.SemaphoreType.DMA,
            pltpu.SemaphoreType.DMA,
            pltpu.SemaphoreType.DMA,
            pltpu.SemaphoreType.DMA,
            pltpu.SemaphoreType.DMA,
            pltpu.SemaphoreType.DMA,
            pltpu.SemaphoreType.DMA,
        ),
    )
    return fn(h, edges)


_HR = 128
_HR_PER_TILE = _HR // NS


def _degree_body(dst_hbm, deg_hbm, stage_sh, didx_v, hist_v, acc_v, tmp_v):
    cid = lax.axis_index("c")
    sid = lax.axis_index("s")
    z = jnp.zeros((16,), jnp.float32)

    def zrow(i, _):
        hist_v[i // 8, pl.ds((i % 8) * 16, 16)] = z
        return ()

    lax.fori_loop(0, _HR * 8, zrow, ())

    base = (cid * NS + sid) * EDGES_PER_TILE
    pltpu.sync_copy(dst_hbm.at[pl.ds(base, EDGES_PER_TILE)], didx_v)
    one = jnp.ones((16,), jnp.float32)

    def step(j, _):
        idx = didx_v[pl.ds(j * 16, 16)]
        plsc.addupdate_scatter(
            hist_v, [lax.shift_right_logical(idx, 7),
                     lax.bitwise_and(idx, 127)], one)
        return ()

    lax.fori_loop(0, EDGES_PER_TILE // 16, step, ())

    pltpu.sync_copy(hist_v, stage_sh.at[sid])
    plsc.subcore_barrier()
    r0 = sid * _HR_PER_TILE

    def zacc(i, _):
        acc_v[i // 8, pl.ds((i % 8) * 16, 16)] = z
        return ()

    lax.fori_loop(0, _HR_PER_TILE * 8, zacc, ())
    for t in range(NS):
        pltpu.sync_copy(stage_sh.at[t, pl.ds(r0, _HR_PER_TILE)], tmp_v)

        def radd(i, _):
            r, c = i // 8, (i % 8) * 16
            acc_v[r, pl.ds(c, 16)] += tmp_v[r, pl.ds(c, 16)]
            return ()

        lax.fori_loop(0, _HR_PER_TILE * 8, radd, ())
    pltpu.sync_copy(acc_v, deg_hbm.at[cid, pl.ds(r0, _HR_PER_TILE)])


def _sc_degree(dst):
    fn = pl.kernel(
        _degree_body,
        out_type=jax.ShapeDtypeStruct((NC, _HR, 128), jnp.float32),
        mesh=_mesh(),
        compiler_params=pltpu.CompilerParams(needs_layout_passes=False),
        scratch_types=(
            pltpu.VMEM_SHARED((NS, _HR, 128), jnp.float32),
            pltpu.VMEM((EDGES_PER_TILE,), jnp.int32),
            pltpu.VMEM((_HR, 128), jnp.float32),
            pltpu.VMEM((_HR_PER_TILE, 128), jnp.float32),
            pltpu.VMEM((_HR_PER_TILE, 128), jnp.float32),
        ),
    )
    return fn(dst).reshape(NC, _HR * 128, 1)


def _gather_body(x_hbm, idx_hbm, out_hbm, idx_v, rows_v):
    wid = lax.axis_index("c") * NS + lax.axis_index("s")
    b0 = wid * (B // NW)
    pltpu.sync_copy(idx_hbm.at[pl.ds(b0, B // NW)], idx_v)
    pltpu.sync_copy(x_hbm.at[idx_v], rows_v)
    pltpu.sync_copy(rows_v, out_hbm.at[pl.ds(b0, B // NW)])


def _sc_gather(x, idx):
    fn = pl.kernel(
        _gather_body,
        out_type=jax.ShapeDtypeStruct((B, H), jnp.float32),
        mesh=_mesh(),
        compiler_params=pltpu.CompilerParams(needs_layout_passes=False),
        scratch_types=(
            pltpu.VMEM((B // NW,), jnp.int32),
            pltpu.VMEM((B // NW, H), jnp.float32),
        ),
    )
    return fn(x, idx)



def kernel(node_features, edges, input_node_indices,
           W1, b1, Wp0, bp0, Wu0, bu0, Wp1, bp1, Wu1, bu1,
           W2, b2, W3, b3):
    dst = edges[1]
    r = lambda b: b.reshape(1, -1)

    x1, h0 = _tc_dense2(node_features, W1, r(b1), Wp0, r(bp0))
    deg = _sc_degree(dst)
    agg0 = _sc_edge_agg(h0, edges)
    x2, h1 = _tc_update(agg0, deg, x1, Wu0, r(bu0), Wp1, r(bp1), with_prep=True)
    agg1 = _sc_edge_agg(h1, edges)
    x3, _ = _tc_update(agg1, deg, x2, Wu1, r(bu1), Wu1, r(bu1), with_prep=False)
    g = _sc_gather(x3, input_node_indices)
    return _tc_head(g, W2, r(b2), W3, r(b3))

# --- scband reference (transcript-rebuilt; emitter-appended) ---
"""Pipeline reference for scband-gnnmodel-32495722561792 (READ-ONLY COPY).

The authoritative reference and input builder live on the scoring server;
editing this copy changes nothing except your own understanding.
"""

import jax, jax.numpy as jnp
import numpy as np

N = 10000
E = 320000
D = 128
H = 128
C = 7
B = 4096


def _dense_init(k, fan_in, fan_out):
    return jax.random.normal(k, (fan_in, fan_out), dtype=jnp.float32) * (1.0 / np.sqrt(fan_in))


def setup_inputs(seed: int = 0) -> dict:
    key = jax.random.key(seed)
    ks = jax.random.split(key, 16)
    inp = {}
    inp["node_features"] = jax.random.normal(ks[0], (N, D), dtype=jnp.float32)
    inp["edges"] = jax.random.randint(ks[1], (2, E), 0, N, dtype=jnp.int32)
    inp["input_node_indices"] = jax.random.randint(ks[2], (B,), 0, N, dtype=jnp.int32)
    # d1: Dense(hidden_units, gelu)
    inp["W1"] = _dense_init(ks[3], D, H)
    inp["b1"] = jnp.zeros((H,), jnp.float32)
    # GraphConvLayer 0: prepare FFN + update FFN
    inp["Wp0"] = _dense_init(ks[4], H, H)
    inp["bp0"] = jnp.zeros((H,), jnp.float32)
    inp["Wu0"] = _dense_init(ks[5], H, H)
    inp["bu0"] = jnp.zeros((H,), jnp.float32)
    # GraphConvLayer 1
    inp["Wp1"] = _dense_init(ks[6], H, H)
    inp["bp1"] = jnp.zeros((H,), jnp.float32)
    inp["Wu1"] = _dense_init(ks[7], H, H)
    inp["bu1"] = jnp.zeros((H,), jnp.float32)
    # d2: Dense(hidden_units, gelu)
    inp["W2"] = _dense_init(ks[8], H, H)
    inp["b2"] = jnp.zeros((H,), jnp.float32)
    # d3: logits Dense(num_classes)
    inp["W3"] = _dense_init(ks[9], H, C)
    inp["b3"] = jnp.zeros((C,), jnp.float32)
    return inp


def reference(node_features, edges, input_node_indices,
              W1, b1, Wp0, bp0, Wu0, bu0, Wp1, bp1, Wu1, bu1,
              W2, b2, W3, b3):
    # d1 + dropout (identity at inference)
    x = jax.nn.gelu(node_features @ W1 + b1)
    src = edges[0]
    dst = edges[1]
    deg = jax.ops.segment_sum(jnp.ones((E,), jnp.float32), dst, num_segments=N)
    deg = jnp.maximum(deg, 1.0)
    # conv layers with residual: x = conv(x, edges) + x
    for (Wp, bp, Wu, bu) in ((Wp0, bp0, Wu0, bu0), (Wp1, bp1, Wu1, bu1)):
        # prepare: gather neighbour (source) representations, FFN
        neigh = jnp.take(x, src, axis=0)
        msg = jax.nn.gelu(neigh @ Wp + bp)
        # aggregate: mean scatter-add over destination nodes
        agg = jax.ops.segment_sum(msg, dst, num_segments=N) / deg[:, None]
        # update FFN, then residual connection
        x = jax.nn.gelu(agg @ Wu + bu) + x
    # d2 + dropout (identity)
    x = jax.nn.gelu(x @ W2 + b2)
    # gather the queried nodes, project to logits
    node_embeddings = jnp.take(x, input_node_indices, axis=0)
    return node_embeddings @ W3 + b3

if __name__ == "__main__":
    import jax
    _d = setup_inputs()
    print(jax.jit(kernel)(*tuple(_d.values())))

</pallas_src>

<mosaic_0001>
#map = affine_map<(d0, d1) -> (0, 0)>
#map1 = affine_map<(d0, d1) -> (0, 0, 0)>
module attributes {stable_mosaic.version = 14 : i64} {
  func.func @_edge_agg_body(%arg0: i32, %arg1: i32, %arg2: memref<10000x128xf32, #tpu.memory_space<hbm>>, %arg3: memref<2x320000xi32, #tpu.memory_space<hbm>>, %arg4: memref<2x10240x128xf32, #tpu.memory_space<hbm>>, %arg5: memref<10240x128xf32, #tpu.memory_space<vmem_shared>>, %arg6: memref<128x128xf32, #tpu.memory_space<vmem>>, %arg7: memref<128x128xf32, #tpu.memory_space<vmem>>, %arg8: memref<2x128xi32, #tpu.memory_space<vmem>>, %arg9: memref<2x128xi32, #tpu.memory_space<vmem>>, %arg10: memref<2x128xi32, #tpu.memory_space<vmem>>, %arg11: memref<2x128xi32, #tpu.memory_space<vmem>>, %arg12: memref<!tpu.dma_semaphore, #tpu.memory_space<semaphore_mem>>, %arg13: memref<!tpu.dma_semaphore, #tpu.memory_space<semaphore_mem>>, %arg14: memref<!tpu.dma_semaphore, #tpu.memory_space<semaphore_mem>>, %arg15: memref<!tpu.dma_semaphore, #tpu.memory_space<semaphore_mem>>, %arg16: memref<!tpu.dma_semaphore, #tpu.memory_space<semaphore_mem>>, %arg17: memref<!tpu.dma_semaphore, #tpu.memory_space<semaphore_mem>>, %arg18: memref<!tpu.dma_semaphore, #tpu.memory_space<semaphore_mem>>, %arg19: memref<!tpu.dma_semaphore, #tpu.memory_space<semaphore_mem>>) attributes {dimension_semantics = [#tpu.dimension_semantics<core_parallel>, #tpu.dimension_semantics<subcore_parallel>], iteration_bounds = array<i64: 2, 16>, scalar_prefetch = 0 : i64, scratch_operands = 15 : i64, tpu.core_type = #tpu.core_type<sc_vector_subcore>, window_params = [{transform_indices = #map}, {transform_indices = #map}, {transform_indices = #map1}]} {
    %broadcast_in_dim3A = arith.constant 0.000000e+00 : f32
    %broadcast_in_dim3A_0 = vector.broadcast %broadcast_in_dim3A : f32 to vector<16xf32>
    %scan3A = arith.constant 0 : i32
    %scan3A_1 = arith.constant 1024 : i32
    %scan3A_2 = arith.addi %scan3A, %scan3A_1 : i32
    %scan3A_3 = arith.constant 1 : i32
    scf.for %scan3A_388 = %scan3A to %scan3A_2 step %scan3A_3  : i32 {
      %jit3A = arith.constant 8 : i32
      %div3A = arith.divsi %scan3A_388, %jit3A : i32
      %sign3A = arith.constant 0 : i32
      %sign3A_389 = arith.cmpi sgt, %scan3A_388, %sign3A : i32
      %sign3A_390 = arith.extui %sign3A_389 : i1 to i32
      %sign3A_391 = arith.constant 0 : i32
      %sign3A_392 = arith.cmpi slt, %scan3A_388, %sign3A_391 : i32
      %sign3A_393 = arith.extui %sign3A_392 : i1 to i32
      %sign3A_394 = arith.subi %sign3A_390, %sign3A_393 : i32
      %sign3A_395 = arith.constant 0 : i32
      %sign3A_396 = arith.cmpi sgt, %jit3A, %sign3A_395 : i32
      %sign3A_397 = arith.extui %sign3A_396 : i1 to i32
      %sign3A_398 = arith.constant 0 : i32
      %sign3A_399 = arith.cmpi slt, %jit3A, %sign3A_398 : i32
      %sign3A_400 = arith.extui %sign3A_399 : i1 to i32
      %sign3A_401 = arith.subi %sign3A_397, %sign3A_400 : i32
      %ne3A = arith.cmpi ne, %sign3A_394, %sign3A_401 : i32
      %rem3A = arith.remsi %scan3A_388, %jit3A : i32
      %ne3A_402 = arith.constant 0 : i32
      %ne3A_403 = arith.cmpi ne, %rem3A, %ne3A_402 : i32
      %and3A = arith.andi %ne3A, %ne3A_403 : i1
      %sub3A = arith.constant 1 : i32
      %sub3A_404 = arith.subi %div3A, %sub3A : i32
      %select_n3A = arith.select %and3A, %sub3A_404, %div3A : i32
      %jit3A_405 = arith.constant 8 : i32
      %eq3A = arith.constant 0 : i32
      %eq3A_406 = arith.cmpi eq, %jit3A_405, %eq3A : i32
      %jit3A_407 = arith.constant 1 : i32
      %select_n3A_408 = arith.select %eq3A_406, %jit3A_407, %jit3A_405 : i32
      %rem3A_409 = arith.remsi %scan3A_388, %select_n3A_408 : i32
      %ne3A_410 = arith.constant 0 : i32
      %ne3A_411 = arith.cmpi ne, %rem3A_409, %ne3A_410 : i32
      %lt3A_412 = arith.constant 0 : i32
      %lt3A_413 = arith.cmpi slt, %rem3A_409, %lt3A_412 : i32
      %lt3A_414 = arith.constant 0 : i32
      %lt3A_415 = arith.cmpi slt, %select_n3A_408, %lt3A_414 : i32
      %ne3A_416 = arith.xori %lt3A_413, %lt3A_415 : i1
      %and3A_417 = arith.andi %ne3A_416, %ne3A_411 : i1
      %add3A_418 = arith.addi %rem3A_409, %select_n3A_408 : i32
      %select_n3A_419 = arith.select %and3A_417, %add3A_418, %rem3A_409 : i32
      %mul3A_420 = arith.constant 16 : i32
      %mul3A_421 = arith.muli %select_n3A_419, %mul3A_420 : i32
      %swap3A = arith.index_cast %select_n3A : i32 to index
      %swap3A_422 = arith.index_cast %mul3A_421 : i32 to index
      %swap3A_423 = tpu.vector_load %arg6[%swap3A, %swap3A_422] {strides = array<i32>} : memref<128x128xf32, #tpu.memory_space<vmem>>, vector<16xf32>,
      tpu.vector_store %arg6[%swap3A, %swap3A_422], %broadcast_in_dim3A_0 {strides = array<i32>} : memref<128x128xf32, #tpu.memory_space<vmem>>, vector<16xf32>,
    }
    %scan3A_4 = arith.constant 1024 : i32
    %mul3A = arith.constant 640 : i32
    %mul3A_5 = arith.muli %arg1, %mul3A : i32
    %add3A = arith.constant 0 : i32
    %add3A_6 = arith.addi %mul3A_5, %add3A : i32
    "tpu.region"() ({
      %run_scoped3A = tpu.sem_alloc : memref<!tpu.dma_semaphore, #tpu.memory_space<semaphore_mem>>
      %dma_start3A_388 = arith.constant 0 : i32
      %dma_start3A_389 = tpu.memref_slice %arg5[%add3A_6, %dma_start3A_388] : memref<10240x128xf32, #tpu.memory_space<vmem_shared>> -> memref<128x128xf32, #tpu.memory_space<vmem_shared>>
      %dma_start3A_390 = arith.constant 0 : i32
      %dma_start3A_391 = tpu.memref_slice %arg5[%add3A_6, %dma_start3A_390] : memref<10240x128xf32, #tpu.memory_space<vmem_shared>> -> memref<128x128xf32, #tpu.memory_space<vmem_shared>>
      tpu.enqueue_dma source(%arg6 : memref<128x128xf32, #tpu.memory_space<vmem>>) target(%dma_start3A_391 : memref<128x128xf32, #tpu.memory_space<vmem_shared>>) target_semaphore(%run_scoped3A : memref<!tpu.dma_semaphore, #tpu.memory_space<semaphore_mem>>)
      %dma_wait3A_392 = arith.constant 0 : i32
      %dma_wait3A_393 = tpu.memref_slice %arg5[%add3A_6, %dma_wait3A_392] : memref<10240x128xf32, #tpu.memory_space<vmem_shared>> -> memref<128x128xf32, #tpu.memory_space<vmem_shared>>
      %dma_wait3A_394 = arith.constant 0 : i32
      %dma_wait3A_395 = tpu.memref_slice %arg5[%add3A_6, %dma_wait3A_394] : memref<10240x128xf32, #tpu.memory_space<vmem_shared>> -> memref<128x128xf32, #tpu.memory_space<vmem_shared>>
      tpu.wait_dma2 semaphore(%run_scoped3A : memref<!tpu.dma_semaphore, #tpu.memory_space<semaphore_mem>>) src(%arg6 : memref<128x128xf32, #tpu.memory_space<vmem>>) dst(%dma_wait3A_395 : memref<128x128xf32, #tpu.memory_space<vmem_shared>>)
      tpu.yield
    }) : () -> ()
    %mul3A_7 = arith.constant 640 : i32
    %mul3A_8 = arith.muli %arg1, %mul3A_7 : i32
    %add3A_9 = arith.constant 128 : i32
    %add3A_10 = arith.addi %mul3A_8, %add3A_9 : i32
    "tpu.region"() ({
      %run_scoped3A = tpu.sem_alloc : memref<!tpu.dma_semaphore, #tpu.memory_space<semaphore_mem>>
      %dma_start3A_388 = arith.constant 0 : i32
      %dma_start3A_389 = tpu.memref_slice %arg5[%add3A_10, %dma_start3A_388] : memref<10240x128xf32, #tpu.memory_space<vmem_shared>> -> memref<128x128xf32, #tpu.memory_space<vmem_shared>>
      %dma_start3A_390 = arith.constant 0 : i32
      %dma_start3A_391 = tpu.memref_slice %arg5[%add3A_10, %dma_start3A_390] : memref<10240x128xf32, #tpu.memory_space<vmem_shared>> -> memref<128x128xf32, #tpu.memory_space<vmem_shared>>
      tpu.enqueue_dma source(%arg6 : memref<128x128xf32, #tpu.memory_space<vmem>>) target(%dma_start3A_391 : memref<128x128xf32, #tpu.memory_space<vmem_shared>>) target_semaphore(%run_scoped3A : memref<!tpu.dma_semaphore, #tpu.memory_space<semaphore_mem>>)
      %dma_wait3A_392 = arith.constant 0 : i32
      %dma_wait3A_393 = tpu.memref_slice %arg5[%add3A_10, %dma_wait3A_392] : memref<10240x128xf32, #tpu.memory_space<vmem_shared>> -> memref<128x128xf32, #tpu.memory_space<vmem_shared>>
      %dma_wait3A_394 = arith.constant 0 : i32
      %dma_wait3A_395 = tpu.memref_slice %arg5[%add3A_10, %dma_wait3A_394] : memref<10240x128xf32, #tpu.memory_space<vmem_shared>> -> memref<128x128xf32, #tpu.memory_space<vmem_shared>>
      tpu.wait_dma2 semaphore(%run_scoped3A : memref<!tpu.dma_semaphore, #tpu.memory_space<semaphore_mem>>) src(%arg6 : memref<128x128xf32, #tpu.memory_space<vmem>>) dst(%dma_wait3A_395 : memref<128x128xf32, #tpu.memory_space<vmem_shared>>)
      tpu.yield
    }) : () -> ()
    %mul3A_11 = arith.constant 640 : i32
    %mul3A_12 = arith.muli %arg1, %mul3A_11 : i32
    %add3A_13 = arith.constant 256 : i32
    %add3A_14 = arith.addi %mul3A_12, %add3A_13 : i32
    "tpu.region"() ({
      %run_scoped3A = tpu.sem_alloc : memref<!tpu.dma_semaphore, #tpu.memory_space<semaphore_mem>>
      %dma_start3A_388 = arith.constant 0 : i32
      %dma_start3A_389 = tpu.memref_slice %arg5[%add3A_14, %dma_start3A_388] : memref<10240x128xf32, #tpu.memory_space<vmem_shared>> -> memref<128x128xf32, #tpu.memory_space<vmem_shared>>
      %dma_start3A_390 = arith.constant 0 : i32
      %dma_start3A_391 = tpu.memref_slice %arg5[%add3A_14, %dma_start3A_390] : memref<10240x128xf32, #tpu.memory_space<vmem_shared>> -> memref<128x128xf32, #tpu.memory_space<vmem_shared>>
      tpu.enqueue_dma source(%arg6 : memref<128x128xf32, #tpu.memory_space<vmem>>) target(%dma_start3A_391 : memref<128x128xf32, #tpu.memory_space<vmem_shared>>) target_semaphore(%run_scoped3A : memref<!tpu.dma_semaphore, #tpu.memory_space<semaphore_mem>>)
      %dma_wait3A_392 = arith.constant 0 : i32
      %dma_wait3A_393 = tpu.memref_slice %arg5[%add3A_14, %dma_wait3A_392] : memref<10240x128xf32, #tpu.memory_space<vmem_shared>> -> memref<128x128xf32, #tpu.memory_space<vmem_shared>>
      %dma_wait3A_394 = arith.constant 0 : i32
      %dma_wait3A_395 = tpu.memref_slice %arg5[%add3A_14, %dma_wait3A_394] : memref<10240x128xf32, #tpu.memory_space<vmem_shared>> -> memref<128x128xf32, #tpu.memory_space<vmem_shared>>
      tpu.wait_dma2 semaphore(%run_scoped3A : memref<!tpu.dma_semaphore, #tpu.memory_space<semaphore_mem>>) src(%arg6 : memref<128x128xf32, #tpu.memory_space<vmem>>) dst(%dma_wait3A_395 : memref<128x128xf32, #tpu.memory_space<vmem_shared>>)
      tpu.yield
    }) : () -> ()
    %mul3A_15 = arith.constant 640 : i32
    %mul3A_16 = arith.muli %arg1, %mul3A_15 : i32
    %add3A_17 = arith.constant 384 : i32
    %add3A_18 = arith.addi %mul3A_16, %add3A_17 : i32
    "tpu.region"() ({
      %run_scoped3A = tpu.sem_alloc : memref<!tpu.dma_semaphore, #tpu.memory_space<semaphore_mem>>
      %dma_start3A_388 = arith.constant 0 : i32
      %dma_start3A_389 = tpu.memref_slice %arg5[%add3A_18, %dma_start3A_388] : memref<10240x128xf32, #tpu.memory_space<vmem_shared>> -> memref<128x128xf32, #tpu.memory_space<vmem_shared>>
      %dma_start3A_390 = arith.constant 0 : i32
      %dma_start3A_391 = tpu.memref_slice %arg5[%add3A_18, %dma_start3A_390] : memref<10240x128xf32, #tpu.memory_space<vmem_shared>> -> memref<128x128xf32, #tpu.memory_space<vmem_shared>>
      tpu.enqueue_dma source(%arg6 : memref<128x128xf32, #tpu.memory_space<vmem>>) target(%dma_start3A_391 : memref<128x128xf32, #tpu.memory_space<vmem_shared>>) target_semaphore(%run_scoped3A : memref<!tpu.dma_semaphore, #tpu.memory_space<semaphore_mem>>)
      %dma_wait3A_392 = arith.constant 0 : i32
      %dma_wait3A_393 = tpu.memref_slice %arg5[%add3A_18, %dma_wait3A_392] : memref<10240x128xf32, #tpu.memory_space<vmem_shared>> -> memref<128x128xf32, #tpu.memory_space<vmem_shared>>
      %dma_wait3A_394 = arith.constant 0 : i32
      %dma_wait3A_395 = tpu.memref_slice %arg5[%add3A_18, %dma_wait3A_394] : memref<10240x128xf32, #tpu.memory_space<vmem_shared>> -> memref<128x128xf32, #tpu.memory_space<vmem_shared>>
      tpu.wait_dma2 semaphore(%run_scoped3A : memref<!tpu.dma_semaphore, #tpu.memory_space<semaphore_mem>>) src(%arg6 : memref<128x128xf32, #tpu.memory_space<vmem>>) dst(%dma_wait3A_395 : memref<128x128xf32, #tpu.memory_space<vmem_shared>>)
      tpu.yield
    }) : () -> ()
    %mul3A_19 = arith.constant 640 : i32
    %mul3A_20 = arith.muli %arg1, %mul3A_19 : i32
    %add3A_21 = arith.constant 512 : i32
    %add3A_22 = arith.addi %mul3A_20, %add3A_21 : i32
    "tpu.region"() ({
      %run_scoped3A = tpu.sem_alloc : memref<!tpu.dma_semaphore, #tpu.memory_space<semaphore_mem>>
      %dma_start3A_388 = arith.constant 0 : i32
      %dma_start3A_389 = tpu.memref_slice %arg5[%add3A_22, %dma_start3A_388] : memref<10240x128xf32, #tpu.memory_space<vmem_shared>> -> memref<128x128xf32, #tpu.memory_space<vmem_shared>>
      %dma_start3A_390 = arith.constant 0 : i32
      %dma_start3A_391 = tpu.memref_slice %arg5[%add3A_22, %dma_start3A_390] : memref<10240x128xf32, #tpu.memory_space<vmem_shared>> -> memref<128x128xf32, #tpu.memory_space<vmem_shared>>
      tpu.enqueue_dma source(%arg6 : memref<128x128xf32, #tpu.memory_space<vmem>>) target(%dma_start3A_391 : memref<128x128xf32, #tpu.memory_space<vmem_shared>>) target_semaphore(%run_scoped3A : memref<!tpu.dma_semaphore, #tpu.memory_space<semaphore_mem>>)
      %dma_wait3A_392 = arith.constant 0 : i32
      %dma_wait3A_393 = tpu.memref_slice %arg5[%add3A_22, %dma_wait3A_392] : memref<10240x128xf32, #tpu.memory_space<vmem_shared>> -> memref<128x128xf32, #tpu.memory_space<vmem_shared>>
      %dma_wait3A_394 = arith.constant 0 : i32
      %dma_wait3A_395 = tpu.memref_slice %arg5[%add3A_22, %dma_wait3A_394] : memref<10240x128xf32, #tpu.memory_space<vmem_shared>> -> memref<128x128xf32, #tpu.memory_space<vmem_shared>>
      tpu.wait_dma2 semaphore(%run_scoped3A : memref<!tpu.dma_semaphore, #tpu.memory_space<semaphore_mem>>) src(%arg6 : memref<128x128xf32, #tpu.memory_space<vmem>>) dst(%dma_wait3A_395 : memref<128x128xf32, #tpu.memory_space<vmem_shared>>)
      tpu.yield
    }) : () -> ()
    %barrier3A = arith.constant 0 : index
    tpu.barrier barrier_id(%barrier3A)
    %mul3A_23 = arith.constant 16 : i32
    %mul3A_24 = arith.muli %arg0, %mul3A_23 : i32
    %add3A_25 = arith.addi %mul3A_24, %arg1 : i32
    %mul3A_26 = arith.constant 78 : i32
    %mul3A_27 = arith.muli %add3A_25, %mul3A_26 : i32
    %min3A = arith.constant 4 : i32
    %min3A_28 = arith.minsi %add3A_25, %min3A : i32
    %add3A_29 = arith.addi %mul3A_27, %min3A_28 : i32
    %mul3A_30 = arith.constant 128 : i32
    %mul3A_31 = arith.muli %add3A_29, %mul3A_30 : i32
    %add3A_32 = arith.constant 0 : i32
    %add3A_33 = arith.addi %mul3A_31, %add3A_32 : i32
    %dma_start3A = arith.constant 0 : i32
    %dma_start3A_34 = tpu.memref_slice %arg3[%dma_start3A, %add3A_33] : memref<2x320000xi32, #tpu.memory_space<hbm>> -> memref<2x128xi32, #tpu.memory_space<hbm>>
    %dma_start3A_35 = arith.constant 0 : i32
    %dma_start3A_36 = tpu.memref_slice %arg3[%dma_start3A_35, %add3A_33] : memref<2x320000xi32, #tpu.memory_space<hbm>> -> memref<2x128xi32, #tpu.memory_space<hbm>>
    tpu.enqueue_dma source(%dma_start3A_36 : memref<2x128xi32, #tpu.memory_space<hbm>>) target(%arg8 : memref<2x128xi32, #tpu.memory_space<vmem>>) target_semaphore(%arg12 : memref<!tpu.dma_semaphore, #tpu.memory_space<semaphore_mem>>)
    %add3A_37 = arith.constant 128 : i32
    %add3A_38 = arith.addi %mul3A_31, %add3A_37 : i32
    %dma_start3A_39 = arith.constant 0 : i32
    %dma_start3A_40 = tpu.memref_slice %arg3[%dma_start3A_39, %add3A_38] : memref<2x320000xi32, #tpu.memory_space<hbm>> -> memref<2x128xi32, #tpu.memory_space<hbm>>
    %dma_start3A_41 = arith.constant 0 : i32
    %dma_start3A_42 = tpu.memref_slice %arg3[%dma_start3A_41, %add3A_38] : memref<2x320000xi32, #tpu.memory_space<hbm>> -> memref<2x128xi32, #tpu.memory_space<hbm>>
    tpu.enqueue_dma source(%dma_start3A_42 : memref<2x128xi32, #tpu.memory_space<hbm>>) target(%arg9 : memref<2x128xi32, #tpu.memory_space<vmem>>) target_semaphore(%arg13 : memref<!tpu.dma_semaphore, #tpu.memory_space<semaphore_mem>>)
    %add3A_43 = arith.constant 256 : i32
    %add3A_44 = arith.addi %mul3A_31, %add3A_43 : i32
    %dma_start3A_45 = arith.constant 0 : i32
    %dma_start3A_46 = tpu.memref_slice %arg3[%dma_start3A_45, %add3A_44] : memref<2x320000xi32, #tpu.memory_space<hbm>> -> memref<2x128xi32, #tpu.memory_space<hbm>>
    %dma_start3A_47 = arith.constant 0 : i32
    %dma_start3A_48 = tpu.memref_slice %arg3[%dma_start3A_47, %add3A_44] : memref<2x320000xi32, #tpu.memory_space<hbm>> -> memref<2x128xi32, #tpu.memory_space<hbm>>
    tpu.enqueue_dma source(%dma_start3A_48 : memref<2x128xi32, #tpu.memory_space<hbm>>) target(%arg10 : memref<2x128xi32, #tpu.memory_space<vmem>>) target_semaphore(%arg14 : memref<!tpu.dma_semaphore, #tpu.memory_space<semaphore_mem>>)
    %add3A_49 = arith.constant 0 : i32
    %add3A_50 = arith.addi %mul3A_31, %add3A_49 : i32
    %dma_wait3A = arith.constant 0 : i32
    %dma_wait3A_51 = tpu.memref_slice %arg3[%dma_wait3A, %add3A_50] : memref<2x320000xi32, #tpu.memory_space<hbm>> -> memref<2x128xi32, #tpu.memory_space<hbm>>
    %dma_wait3A_52 = arith.constant 0 : i32
    %dma_wait3A_53 = tpu.memref_slice %arg3[%dma_wait3A_52, %add3A_50] : memref<2x320000xi32, #tpu.memory_space<hbm>> -> memref<2x128xi32, #tpu.memory_space<hbm>>
    tpu.wait_dma2 semaphore(%arg12 : memref<!tpu.dma_semaphore, #tpu.memory_space<semaphore_mem>>) src(%dma_wait3A_53 : memref<2x128xi32, #tpu.memory_space<hbm>>) dst(%arg8 : memref<2x128xi32, #tpu.memory_space<vmem>>)
    %dma_start3A_54 = arith.constant 0 : i32
    %dma_start3A_55 = arith.constant 0 : i32
    %dma_start3A_56 = tpu.memref_slice %arg8[%dma_start3A_54, %dma_start3A_55] : memref<2x128xi32, #tpu.memory_space<vmem>> -> memref<1x128xi32, #tpu.memory_space<vmem>>
    %dma_start3A_57 = tpu.memref_squeeze %dma_start3A_56 : memref<1x128xi32, #tpu.memory_space<vmem>> -> memref<128xi32, #tpu.memory_space<vmem>>
    %dma_start3A_58 = arith.constant 0 : i32
    %dma_start3A_59 = arith.constant 0 : i32
    %dma_start3A_60 = tpu.memref_slice %arg2[%dma_start3A_58, %dma_start3A_59] : memref<10000x128xf32, #tpu.memory_space<hbm>> -> memref<10000x128xf32, #tpu.memory_space<hbm>>
    tpu.enqueue_indirect_dma source(%dma_start3A_60 : memref<10000x128xf32, #tpu.memory_space<hbm>>) target(%arg6 : memref<128x128xf32, #tpu.memory_space<vmem>>) offsets(%dma_start3A_57 : memref<128xi32, #tpu.memory_space<vmem>>) semaphore(%arg16 : memref<!tpu.dma_semaphore, #tpu.memory_space<semaphore_mem>>)
    %add3A_61 = arith.constant 384 : i32
    %add3A_62 = arith.addi %mul3A_31, %add3A_61 : i32
    %dma_start3A_63 = arith.constant 0 : i32
    %dma_start3A_64 = tpu.memref_slice %arg3[%dma_start3A_63, %add3A_62] : memref<2x320000xi32, #tpu.memory_space<hbm>> -> memref<2x128xi32, #tpu.memory_space<hbm>>
    %dma_start3A_65 = arith.constant 0 : i32
    %dma_start3A_66 = tpu.memref_slice %arg3[%dma_start3A_65, %add3A_62] : memref<2x320000xi32, #tpu.memory_space<hbm>> -> memref<2x128xi32, #tpu.memory_space<hbm>>
    tpu.enqueue_dma source(%dma_start3A_66 : memref<2x128xi32, #tpu.memory_space<hbm>>) target(%arg11 : memref<2x128xi32, #tpu.memory_space<vmem>>) target_semaphore(%arg15 : memref<!tpu.dma_semaphore, #tpu.memory_space<semaphore_mem>>)
    %add3A_67 = arith.constant 128 : i32
    %add3A_68 = arith.addi %mul3A_31, %add3A_67 : i32
    %dma_wait3A_69 = arith.constant 0 : i32
    %dma_wait3A_70 = tpu.memref_slice %arg3[%dma_wait3A_69, %add3A_68] : memref<2x320000xi32, #tpu.memory_space<hbm>> -> memref<2x128xi32, #tpu.memory_space<hbm>>
    %dma_wait3A_71 = arith.constant 0 : i32
    %dma_wait3A_72 = tpu.memref_slice %arg3[%dma_wait3A_71, %add3A_68] : memref<2x320000xi32, #tpu.memory_space<hbm>> -> memref<2x128xi32, #tpu.memory_space<hbm>>
    tpu.wait_dma2 semaphore(%arg13 : memref<!tpu.dma_semaphore, #tpu.memory_space<semaphore_mem>>) src(%dma_wait3A_72 : memref<2x128xi32, #tpu.memory_space<hbm>>) dst(%arg9 : memref<2x128xi32, #tpu.memory_space<vmem>>)
    %dma_start3A_73 = arith.constant 0 : i32
    %dma_start3A_74 = arith.constant 0 : i32
    %dma_start3A_75 = tpu.memref_slice %arg9[%dma_start3A_73, %dma_start3A_74] : memref<2x128xi32, #tpu.memory_space<vmem>> -> memref<1x128xi32, #tpu.memory_space<vmem>>
    %dma_start3A_76 = tpu.memref_squeeze %dma_start3A_75 : memref<1x128xi32, #tpu.memory_space<vmem>> -> memref<128xi32, #tpu.memory_space<vmem>>
    %dma_start3A_77 = arith.constant 0 : i32
    %dma_start3A_78 = arith.constant 0 : i32
    %dma_start3A_79 = tpu.memref_slice %arg2[%dma_start3A_77, %dma_start3A_78] : memref<10000x128xf32, #tpu.memory_space<hbm>> -> memref<10000x128xf32, #tpu.memory_space<hbm>>
    tpu.enqueue_indirect_dma source(%dma_start3A_79 : memref<10000x128xf32, #tpu.memory_space<hbm>>) target(%arg7 : memref<128x128xf32, #tpu.memory_space<vmem>>) offsets(%dma_start3A_76 : memref<128xi32, #tpu.memory_space<vmem>>) semaphore(%arg17 : memref<!tpu.dma_semaphore, #tpu.memory_space<semaphore_mem>>)
    %dma_wait3A_80 = arith.constant 0 : i32
    %dma_wait3A_81 = arith.constant 0 : i32
    %dma_wait3A_82 = tpu.memref_slice %arg8[%dma_wait3A_80, %dma_wait3A_81] : memref<2x128xi32, #tpu.memory_space<vmem>> -> memref<1x128xi32, #tpu.memory_space<vmem>>
    %dma_wait3A_83 = tpu.memref_squeeze %dma_wait3A_82 : memref<1x128xi32, #tpu.memory_space<vmem>> -> memref<128xi32, #tpu.memory_space<vmem>>
    %dma_wait3A_84 = arith.constant 0 : i32
    %dma_wait3A_85 = arith.constant 0 : i32
    %dma_wait3A_86 = tpu.memref_slice %arg2[%dma_wait3A_84, %dma_wait3A_85] : memref<10000x128xf32, #tpu.memory_space<hbm>> -> memref<10000x128xf32, #tpu.memory_space<hbm>>
    tpu.wait_indirect_dma semaphore(%arg16 : memref<!tpu.dma_semaphore, #tpu.memory_space<semaphore_mem>>) src(%dma_wait3A_86 : memref<10000x128xf32, #tpu.memory_space<hbm>>) dst(%arg6 : memref<128x128xf32, #tpu.memory_space<vmem>>)
    %dma_start3A_87 = arith.constant 1 : i32
    %dma_start3A_88 = arith.constant 0 : i32
    %dma_start3A_89 = tpu.memref_slice %arg8[%dma_start3A_87, %dma_start3A_88] : memref<2x128xi32, #tpu.memory_space<vmem>> -> memref<1x128xi32, #tpu.memory_space<vmem>>
    %dma_start3A_90 = tpu.memref_squeeze %dma_start3A_89 : memref<1x128xi32, #tpu.memory_space<vmem>> -> memref<128xi32, #tpu.memory_space<vmem>>
    %dma_start3A_91 = arith.constant 0 : i32
    %dma_start3A_92 = arith.constant 0 : i32
    %dma_start3A_93 = tpu.memref_slice %arg5[%dma_start3A_91, %dma_start3A_92] : memref<10240x128xf32, #tpu.memory_space<vmem_shared>> -> memref<10240x128xf32, #tpu.memory_space<vmem_shared>>
    tpu.enqueue_indirect_dma source(%arg6 : memref<128x128xf32, #tpu.memory_space<vmem>>) target(%dma_start3A_93 : memref<10240x128xf32, #tpu.memory_space<vmem_shared>>) offsets(%dma_start3A_90 : memref<128xi32, #tpu.memory_space<vmem>>) semaphore(%arg18 : memref<!tpu.dma_semaphore, #tpu.memory_space<semaphore_mem>>) {add = true}
    %dma_wait3A_94 = arith.constant 0 : i32
    %dma_wait3A_95 = arith.constant 0 : i32
    %dma_wait3A_96 = tpu.memref_slice %arg9[%dma_wait3A_94, %dma_wait3A_95] : memref<2x128xi32, #tpu.memory_space<vmem>> -> memref<1x128xi32, #tpu.memory_space<vmem>>
    %dma_wait3A_97 = tpu.memref_squeeze %dma_wait3A_96 : memref<1x128xi32, #tpu.memory_space<vmem>> -> memref<128xi32, #tpu.memory_space<vmem>>
    %dma_wait3A_98 = arith.constant 0 : i32
    %dma_wait3A_99 = arith.constant 0 : i32
    %dma_wait3A_100 = tpu.memref_slice %arg2[%dma_wait3A_98, %dma_wait3A_99] : memref<10000x128xf32, #tpu.memory_space<hbm>> -> memref<10000x128xf32, #tpu.memory_space<hbm>>
    tpu.wait_indirect_dma semaphore(%arg17 : memref<!tpu.dma_semaphore, #tpu.memory_space<semaphore_mem>>) src(%dma_wait3A_100 : memref<10000x128xf32, #tpu.memory_space<hbm>>) dst(%arg7 : memref<128x128xf32, #tpu.memory_space<vmem>>)
    %dma_start3A_101 = arith.constant 1 : i32
    %dma_start3A_102 = arith.constant 0 : i32
    %dma_start3A_103 = tpu.memref_slice %arg9[%dma_start3A_101, %dma_start3A_102] : memref<2x128xi32, #tpu.memory_space<vmem>> -> memref<1x128xi32, #tpu.memory_space<vmem>>
    %dma_start3A_104 = tpu.memref_squeeze %dma_start3A_103 : memref<1x128xi32, #tpu.memory_space<vmem>> -> memref<128xi32, #tpu.memory_space<vmem>>
    %dma_start3A_105 = arith.constant 0 : i32
    %dma_start3A_106 = arith.constant 0 : i32
    %dma_start3A_107 = tpu.memref_slice %arg5[%dma_start3A_105, %dma_start3A_106] : memref<10240x128xf32, #tpu.memory_space<vmem_shared>> -> memref<10240x128xf32, #tpu.memory_space<vmem_shared>>
    tpu.enqueue_indirect_dma source(%arg7 : memref<128x128xf32, #tpu.memory_space<vmem>>) target(%dma_start3A_107 : memref<10240x128xf32, #tpu.memory_space<vmem_shared>>) offsets(%dma_start3A_104 : memref<128xi32, #tpu.memory_space<vmem>>) semaphore(%arg19 : memref<!tpu.dma_semaphore, #tpu.memory_space<semaphore_mem>>) {add = true}
    %dma_wait3A_108 = arith.constant 1 : i32
    %dma_wait3A_109 = arith.constant 0 : i32
    %dma_wait3A_110 = tpu.memref_slice %arg8[%dma_wait3A_108, %dma_wait3A_109] : memref<2x128xi32, #tpu.memory_space<vmem>> -> memref<1x128xi32, #tpu.memory_space<vmem>>
    %dma_wait3A_111 = tpu.memref_squeeze %dma_wait3A_110 : memref<1x128xi32, #tpu.memory_space<vmem>> -> memref<128xi32, #tpu.memory_space<vmem>>
    %dma_wait3A_112 = arith.constant 0 : i32
    %dma_wait3A_113 = arith.constant 0 : i32
    %dma_wait3A_114 = tpu.memref_slice %arg5[%dma_wait3A_112, %dma_wait3A_113] : memref<10240x128xf32, #tpu.memory_space<vmem_shared>> -> memref<10240x128xf32, #tpu.memory_space<vmem_shared>>
    tpu.wait_indirect_dma semaphore(%arg18 : memref<!tpu.dma_semaphore, #tpu.memory_space<semaphore_mem>>) src(%arg6 : memref<128x128xf32, #tpu.memory_space<vmem>>) dst(%dma_wait3A_114 : memref<10240x128xf32, #tpu.memory_space<vmem_shared>>)
    %add3A_115 = arith.constant 512 : i32
    %add3A_116 = arith.addi %mul3A_31, %add3A_115 : i32
    %dma_start3A_117 = arith.constant 0 : i32
    %dma_start3A_118 = tpu.memref_slice %arg3[%dma_start3A_117, %add3A_116] : memref<2x320000xi32, #tpu.memory_space<hbm>> -> memref<2x128xi32, #tpu.memory_space<hbm>>
    %dma_start3A_119 = arith.constant 0 : i32
    %dma_start3A_120 = tpu.memref_slice %arg3[%dma_start3A_119, %add3A_116] : memref<2x320000xi32, #tpu.memory_space<hbm>> -> memref<2x128xi32, #tpu.memory_space<hbm>>
    tpu.enqueue_dma source(%dma_start3A_120 : memref<2x128xi32, #tpu.memory_space<hbm>>) target(%arg8 : memref<2x128xi32, #tpu.memory_space<vmem>>) target_semaphore(%arg12 : memref<!tpu.dma_semaphore, #tpu.memory_space<semaphore_mem>>)
    %add3A_121 = arith.constant 256 : i32
    %add3A_122 = arith.addi %mul3A_31, %add3A_121 : i32
    %dma_wait3A_123 = arith.constant 0 : i32
    %dma_wait3A_124 = tpu.memref_slice %arg3[%dma_wait3A_123, %add3A_122] : memref<2x320000xi32, #tpu.memory_space<hbm>> -> memref<2x128xi32, #tpu.memory_space<hbm>>
    %dma_wait3A_125 = arith.constant 0 : i32
    %dma_wait3A_126 = tpu.memref_slice %arg3[%dma_wait3A_125, %add3A_122] : memref<2x320000xi32, #tpu.memory_space<hbm>> -> memref<2x128xi32, #tpu.memory_space<hbm>>
    tpu.wait_dma2 semaphore(%arg14 : memref<!tpu.dma_semaphore, #tpu.memory_space<semaphore_mem>>) src(%dma_wait3A_126 : memref<2x128xi32, #tpu.memory_space<hbm>>) dst(%arg10 : memref<2x128xi32, #tpu.memory_space<vmem>>)
    %dma_start3A_127 = arith.constant 0 : i32
    %dma_start3A_128 = arith.constant 0 : i32
    %dma_start3A_129 = tpu.memref_slice %arg10[%dma_start3A_127, %dma_start3A_128] : memref<2x128xi32, #tpu.memory_space<vmem>> -> memref<1x128xi32, #tpu.memory_space<vmem>>
    %dma_start3A_130 = tpu.memref_squeeze %dma_start3A_129 : memref<1x128xi32, #tpu.memory_space<vmem>> -> memref<128xi32, #tpu.memory_space<vmem>>
    %dma_start3A_131 = arith.constant 0 : i32
    %dma_start3A_132 = arith.constant 0 : i32
    %dma_start3A_133 = tpu.memref_slice %arg2[%dma_start3A_131, %dma_start3A_132] : memref<10000x128xf32, #tpu.memory_space<hbm>> -> memref<10000x128xf32, #tpu.memory_space<hbm>>
    tpu.enqueue_indirect_dma source(%dma_start3A_133 : memref<10000x128xf32, #tpu.memory_space<hbm>>) target(%arg6 : memref<128x128xf32, #tpu.memory_space<vmem>>) offsets(%dma_start3A_130 : memref<128xi32, #tpu.memory_space<vmem>>) semaphore(%arg16 : memref<!tpu.dma_semaphore, #tpu.memory_space<semaphore_mem>>)
    %dma_wait3A_134 = arith.constant 1 : i32
    %dma_wait3A_135 = arith.constant 0 : i32
    %dma_wait3A_136 = tpu.memref_slice %arg9[%dma_wait3A_134, %dma_wait3A_135] : memref<2x128xi32, #tpu.memory_space<vmem>> -> memref<1x128xi32, #tpu.memory_space<vmem>>
    %dma_wait3A_137 = tpu.memref_squeeze %dma_wait3A_136 : memref<1x128xi32, #tpu.memory_space<vmem>> -> memref<128xi32, #tpu.memory_space<vmem>>
    %dma_wait3A_138 = arith.constant 0 : i32
    %dma_wait3A_139 = arith.constant 0 : i32
    %dma_wait3A_140 = tpu.memref_slice %arg5[%dma_wait3A_138, %dma_wait3A_139] : memref<10240x128xf32, #tpu.memory_space<vmem_shared>> -> memref<10240x128xf32, #tpu.memory_space<vmem_shared>>
    tpu.wait_indirect_dma semaphore(%arg19 : memref<!tpu.dma_semaphore, #tpu.memory_space<semaphore_mem>>) src(%arg7 : memref<128x128xf32, #tpu.memory_space<vmem>>) dst(%dma_wait3A_140 : memref<10240x128xf32, #tpu.memory_space<vmem_shared>>)
    %add3A_141 = arith.constant 640 : i32
    %add3A_142 = arith.addi %mul3A_31, %add3A_141 : i32
    %dma_start3A_143 = arith.constant 0 : i32
    %dma_start3A_144 = tpu.memref_slice %arg3[%dma_start3A_143, %add3A_142] : memref<2x320000xi32, #tpu.memory_space<hbm>> -> memref<2x128xi32, #tpu.memory_space<hbm>>
    %dma_start3A_145 = arith.constant 0 : i32
    %dma_start3A_146 = tpu.memref_slice %arg3[%dma_start3A_145, %add3A_142] : memref<2x320000xi32, #tpu.memory_space<hbm>> -> memref<2x128xi32, #tpu.memory_space<hbm>>
    tpu.enqueue_dma source(%dma_start3A_146 : memref<2x128xi32, #tpu.memory_space<hbm>>) target(%arg9 : memref<2x128xi32, #tpu.memory_space<vmem>>) target_semaphore(%arg13 : memref<!tpu.dma_semaphore, #tpu.memory_space<semaphore_mem>>)
    %add3A_147 = arith.constant 384 : i32
    %add3A_148 = arith.addi %mul3A_31, %add3A_147 : i32
    %dma_wait3A_149 = arith.constant 0 : i32
    %dma_wait3A_150 = tpu.memref_slice %arg3[%dma_wait3A_149, %add3A_148] : memref<2x320000xi32, #tpu.memory_space<hbm>> -> memref<2x128xi32, #tpu.memory_space<hbm>>
    %dma_wait3A_151 = arith.constant 0 : i32
    %dma_wait3A_152 = tpu.memref_slice %arg3[%dma_wait3A_151, %add3A_148] : memref<2x320000xi32, #tpu.memory_space<hbm>> -> memref<2x128xi32, #tpu.memory_space<hbm>>
    tpu.wait_dma2 semaphore(%arg15 : memref<!tpu.dma_semaphore, #tpu.memory_space<semaphore_mem>>) src(%dma_wait3A_152 : memref<2x128xi32, #tpu.memory_space<hbm>>) dst(%arg11 : memref<2x128xi32, #tpu.memory_space<vmem>>)
    %dma_start3A_153 = arith.constant 0 : i32
    %dma_start3A_154 = arith.constant 0 : i32
    %dma_start3A_155 = tpu.memref_slice %arg11[%dma_start3A_153, %dma_start3A_154] : memref<2x128xi32, #tpu.memory_space<vmem>> -> memref<1x128xi32, #tpu.memory_space<vmem>>
    %dma_start3A_156 = tpu.memref_squeeze %dma_start3A_155 : memref<1x128xi32, #tpu.memory_space<vmem>> -> memref<128xi32, #tpu.memory_space<vmem>>
    %dma_start3A_157 = arith.constant 0 : i32
    %dma_start3A_158 = arith.constant 0 : i32
    %dma_start3A_159 = tpu.memref_slice %arg2[%dma_start3A_157, %dma_start3A_158] : memref<10000x128xf32, #tpu.memory_space<hbm>> -> memref<10000x128xf32, #tpu.memory_space<hbm>>
    tpu.enqueue_indirect_dma source(%dma_start3A_159 : memref<10000x128xf32, #tpu.memory_space<hbm>>) target(%arg7 : memref<128x128xf32, #tpu.memory_space<vmem>>) offsets(%dma_start3A_156 : memref<128xi32, #tpu.memory_space<vmem>>) semaphore(%arg17 : memref<!tpu.dma_semaphore, #tpu.memory_space<semaphore_mem>>)
    %dma_wait3A_160 = arith.constant 0 : i32
    %dma_wait3A_161 = arith.constant 0 : i32
    %dma_wait3A_162 = tpu.memref_slice %arg10[%dma_wait3A_160, %dma_wait3A_161] : memref<2x128xi32, #tpu.memory_space<vmem>> -> memref<1x128xi32, #tpu.memory_space<vmem>>
    %dma_wait3A_163 = tpu.memref_squeeze %dma_wait3A_162 : memref<1x128xi32, #tpu.memory_space<vmem>> -> memref<128xi32, #tpu.memory_space<vmem>>
    %dma_wait3A_164 = arith.constant 0 : i32
    %dma_wait3A_165 = arith.constant 0 : i32
    %dma_wait3A_166 = tpu.memref_slice %arg2[%dma_wait3A_164, %dma_wait3A_165] : memref<10000x128xf32, #tpu.memory_space<hbm>> -> memref<10000x128xf32, #tpu.memory_space<hbm>>
    tpu.wait_indirect_dma semaphore(%arg16 : memref<!tpu.dma_semaphore, #tpu.memory_space<semaphore_mem>>) src(%dma_wait3A_166 : memref<10000x128xf32, #tpu.memory_space<hbm>>) dst(%arg6 : memref<128x128xf32, #tpu.memory_space<vmem>>)
    %dma_start3A_167 = arith.constant 1 : i32
    %dma_start3A_168 = arith.constant 0 : i32
    %dma_start3A_169 = tpu.memref_slice %arg10[%dma_start3A_167, %dma_start3A_168] : memref<2x128xi32, #tpu.memory_space<vmem>> -> memref<1x128xi32, #tpu.memory_space<vmem>>
    %dma_start3A_170 = tpu.memref_squeeze %dma_start3A_169 : memref<1x128xi32, #tpu.memory_space<vmem>> -> memref<128xi32, #tpu.memory_space<vmem>>
    %dma_start3A_171 = arith.constant 0 : i32
    %dma_start3A_172 = arith.constant 0 : i32
    %dma_start3A_173 = tpu.memref_slice %arg5[%dma_start3A_171, %dma_start3A_172] : memref<10240x128xf32, #tpu.memory_space<vmem_shared>> -> memref<10240x128xf32, #tpu.memory_space<vmem_shared>>
    tpu.enqueue_indirect_dma source(%arg6 : memref<128x128xf32, #tpu.memory_space<vmem>>) target(%dma_start3A_173 : memref<10240x128xf32, #tpu.memory_space<vmem_shared>>) offsets(%dma_start3A_170 : memref<128xi32, #tpu.memory_space<vmem>>) semaphore(%arg18 : memref<!tpu.dma_semaphore, #tpu.memory_space<semaphore_mem>>) {add = true}
    %dma_wait3A_174 = arith.constant 0 : i32
    %dma_wait3A_175 = arith.constant 0 : i32
    %dma_wait3A_176 = tpu.memref_slice %arg11[%dma_wait3A_174, %dma_wait3A_175] : memref<2x128xi32, #tpu.memory_space<vmem>> -> memref<1x128xi32, #tpu.memory_space<vmem>>
    %dma_wait3A_177 = tpu.memref_squeeze %dma_wait3A_176 : memref<1x128xi32, #tpu.memory_space<vmem>> -> memref<128xi32, #tpu.memory_space<vmem>>
    %dma_wait3A_178 = arith.constant 0 : i32
    %dma_wait3A_179 = arith.constant 0 : i32
    %dma_wait3A_180 = tpu.memref_slice %arg2[%dma_wait3A_178, %dma_wait3A_179] : memref<10000x128xf32, #tpu.memory_space<hbm>> -> memref<10000x128xf32, #tpu.memory_space<hbm>>
    tpu.wait_indirect_dma semaphore(%arg17 : memref<!tpu.dma_semaphore, #tpu.memory_space<semaphore_mem>>) src(%dma_wait3A_180 : memref<10000x128xf32, #tpu.memory_space<hbm>>) dst(%arg7 : memref<128x128xf32, #tpu.memory_space<vmem>>)
    %dma_start3A_181 = arith.constant 1 : i32
    %dma_start3A_182 = arith.constant 0 : i32
    %dma_start3A_183 = tpu.memref_slice %arg11[%dma_start3A_181, %dma_start3A_182] : memref<2x128xi32, #tpu.memory_space<vmem>> -> memref<1x128xi32, #tpu.memory_space<vmem>>
    %dma_start3A_184 = tpu.memref_squeeze %dma_start3A_183 : memref<1x128xi32, #tpu.memory_space<vmem>> -> memref<128xi32, #tpu.memory_space<vmem>>
    %dma_start3A_185 = arith.constant 0 : i32
    %dma_start3A_186 = arith.constant 0 : i32
    %dma_start3A_187 = tpu.memref_slice %arg5[%dma_start3A_185, %dma_start3A_186] : memref<10240x128xf32, #tpu.memory_space<vmem_shared>> -> memref<10240x128xf32, #tpu.memory_space<vmem_shared>>
    tpu.enqueue_indirect_dma source(%arg7 : memref<128x128xf32, #tpu.memory_space<vmem>>) target(%dma_start3A_187 : memref<10240x128xf32, #tpu.memory_space<vmem_shared>>) offsets(%dma_start3A_184 : memref<128xi32, #tpu.memory_space<vmem>>) semaphore(%arg19 : memref<!tpu.dma_semaphore, #tpu.memory_space<semaphore_mem>>) {add = true}
    %scan3A_188 = arith.constant 1 : i32
    %scan3A_189 = arith.constant 0 : i32
    %scan3A_190 = arith.constant 1 : i32
    %scan3A_191 = arith.constant 0 : i32
    %scan3A_192 = arith.constant 1 : i32
    %scan3A_193 = arith.constant 1 : i32
    %scan3A_194 = arith.constant 0 : i32
    %scan3A_195 = arith.constant 0 : i32
    %scan3A_196 = arith.constant 0 : i32
    %scan3A_197 = arith.constant 18 : i32
    %scan3A_198 = arith.addi %scan3A_196, %scan3A_197 : i32
    %scan3A_199 = arith.constant 1 : i32
    scf.for %scan3A_388 = %scan3A_196 to %scan3A_198 step %scan3A_199  : i32 {
      %add3A_389 = arith.constant 1 : i32
      %add3A_390 = arith.addi %scan3A_388, %add3A_389 : i32
      %mul3A_391 = arith.constant 4 : i32
      %mul3A_392 = arith.muli %add3A_390, %mul3A_391 : i32
      %add3A_393 = arith.constant 0 : i32
      %add3A_394 = arith.addi %mul3A_392, %add3A_393 : i32
      %dma_wait3A_395 = arith.constant 0 : i32
      %dma_wait3A_396 = tpu.memref_slice %arg10[%scan3A_188, %dma_wait3A_395] : memref<2x128xi32, #tpu.memory_space<vmem>> -> memref<1x128xi32, #tpu.memory_space<vmem>>
      %dma_wait3A_397 = tpu.memref_squeeze %dma_wait3A_396 : memref<1x128xi32, #tpu.memory_space<vmem>> -> memref<128xi32, #tpu.memory_space<vmem>>
      %dma_wait3A_398 = arith.constant 0 : i32
      %dma_wait3A_399 = arith.constant 0 : i32
      %dma_wait3A_400 = tpu.memref_slice %arg5[%dma_wait3A_398, %dma_wait3A_399] : memref<10240x128xf32, #tpu.memory_space<vmem_shared>> -> memref<10240x128xf32, #tpu.memory_space<vmem_shared>>
      tpu.wait_indirect_dma semaphore(%arg18 : memref<!tpu.dma_semaphore, #tpu.memory_space<semaphore_mem>>) src(%arg6 : memref<128x128xf32, #tpu.memory_space<vmem>>) dst(%dma_wait3A_400 : memref<10240x128xf32, #tpu.memory_space<vmem_shared>>)
      %add3A_401 = arith.constant 2 : i32
      %add3A_402 = arith.addi %add3A_394, %add3A_401 : i32
      %lt3A_403 = arith.constant 78 : i32
      %lt3A_404 = arith.cmpi slt, %add3A_402, %lt3A_403 : i32
      %convert_element_type3A_405 = arith.extui %lt3A_404 : i1 to i32
      %cond3A_406 = arith.constant 0 : i32
      %cond3A_407 = arith.cmpi ne, %convert_element_type3A_405, %cond3A_406 : i32
      scf.if %cond3A_407 {
        %add3A_555 = arith.constant 2 : i32
        %add3A_556 = arith.addi %add3A_394, %add3A_555 : i32
        %mul3A_557 = arith.constant 128 : i32
        %mul3A_558 = arith.muli %add3A_556, %mul3A_557 : i32
        %add3A_559 = arith.addi %mul3A_31, %mul3A_558 : i32
        %dma_start3A_560 = arith.constant 0 : i32
        %dma_start3A_561 = tpu.memref_slice %arg3[%dma_start3A_560, %add3A_559] : memref<2x320000xi32, #tpu.memory_space<hbm>> -> memref<2x128xi32, #tpu.memory_space<hbm>>
        %dma_start3A_562 = arith.constant 0 : i32
        %dma_start3A_563 = tpu.memref_slice %arg3[%dma_start3A_562, %add3A_559] : memref<2x320000xi32, #tpu.memory_space<hbm>> -> memref<2x128xi32, #tpu.memory_space<hbm>>
        tpu.enqueue_dma source(%dma_start3A_563 : memref<2x128xi32, #tpu.memory_space<hbm>>) target(%arg10 : memref<2x128xi32, #tpu.memory_space<vmem>>) target_semaphore(%arg14 : memref<!tpu.dma_semaphore, #tpu.memory_space<semaphore_mem>>)
      } else {
      }
      %mul3A_408 = arith.constant 128 : i32
      %mul3A_409 = arith.muli %add3A_394, %mul3A_408 : i32
      %add3A_410 = arith.addi %mul3A_31, %mul3A_409 : i32
      %dma_wait3A_411 = arith.constant 0 : i32
      %dma_wait3A_412 = tpu.memref_slice %arg3[%dma_wait3A_411, %add3A_410] : memref<2x320000xi32, #tpu.memory_space<hbm>> -> memref<2x128xi32, #tpu.memory_space<hbm>>
      %dma_wait3A_413 = arith.constant 0 : i32
      %dma_wait3A_414 = tpu.memref_slice %arg3[%dma_wait3A_413, %add3A_410] : memref<2x320000xi32, #tpu.memory_space<hbm>> -> memref<2x128xi32, #tpu.memory_space<hbm>>
      tpu.wait_dma2 semaphore(%arg12 : memref<!tpu.dma_semaphore, #tpu.memory_space<semaphore_mem>>) src(%dma_wait3A_414 : memref<2x128xi32, #tpu.memory_space<hbm>>) dst(%arg8 : memref<2x128xi32, #tpu.memory_space<vmem>>)
      %dma_start3A_415 = arith.constant 0 : i32
      %dma_start3A_416 = tpu.memref_slice %arg8[%scan3A_189, %dma_start3A_415] : memref<2x128xi32, #tpu.memory_space<vmem>> -> memref<1x128xi32, #tpu.memory_space<vmem>>
      %dma_start3A_417 = tpu.memref_squeeze %dma_start3A_416 : memref<1x128xi32, #tpu.memory_space<vmem>> -> memref<128xi32, #tpu.memory_space<vmem>>
      %dma_start3A_418 = arith.constant 0 : i32
      %dma_start3A_419 = arith.constant 0 : i32
      %dma_start3A_420 = tpu.memref_slice %arg2[%dma_start3A_418, %dma_start3A_419] : memref<10000x128xf32, #tpu.memory_space<hbm>> -> memref<10000x128xf32, #tpu.memory_space<hbm>>
      tpu.enqueue_indirect_dma source(%dma_start3A_420 : memref<10000x128xf32, #tpu.memory_space<hbm>>) target(%arg6 : memref<128x128xf32, #tpu.memory_space<vmem>>) offsets(%dma_start3A_417 : memref<128xi32, #tpu.memory_space<vmem>>) semaphore(%arg16 : memref<!tpu.dma_semaphore, #tpu.memory_space<semaphore_mem>>)
      %add3A_421 = arith.constant 1 : i32
      %add3A_422 = arith.addi %mul3A_392, %add3A_421 : i32
      %dma_wait3A_423 = arith.constant 0 : i32
      %dma_wait3A_424 = tpu.memref_slice %arg11[%scan3A_190, %dma_wait3A_423] : memref<2x128xi32, #tpu.memory_space<vmem>> -> memref<1x128xi32, #tpu.memory_space<vmem>>
      %dma_wait3A_425 = tpu.memref_squeeze %dma_wait3A_424 : memref<1x128xi32, #tpu.memory_space<vmem>> -> memref<128xi32, #tpu.memory_space<vmem>>
      %dma_wait3A_426 = arith.constant 0 : i32
      %dma_wait3A_427 = arith.constant 0 : i32
      %dma_wait3A_428 = tpu.memref_slice %arg5[%dma_wait3A_426, %dma_wait3A_427] : memref<10240x128xf32, #tpu.memory_space<vmem_shared>> -> memref<10240x128xf32, #tpu.memory_space<vmem_shared>>
      tpu.wait_indirect_dma semaphore(%arg19 : memref<!tpu.dma_semaphore, #tpu.memory_space<semaphore_mem>>) src(%arg7 : memref<128x128xf32, #tpu.memory_space<vmem>>) dst(%dma_wait3A_428 : memref<10240x128xf32, #tpu.memory_space<vmem_shared>>)
      %add3A_429 = arith.constant 2 : i32
      %add3A_430 = arith.addi %add3A_422, %add3A_429 : i32
      %lt3A_431 = arith.constant 78 : i32
      %lt3A_432 = arith.cmpi slt, %add3A_430, %lt3A_431 : i32
      %convert_element_type3A_433 = arith.extui %lt3A_432 : i1 to i32
      %cond3A_434 = arith.constant 0 : i32
      %cond3A_435 = arith.cmpi ne, %convert_element_type3A_433, %cond3A_434 : i32
      scf.if %cond3A_435 {
        %add3A_555 = arith.constant 2 : i32
        %add3A_556 = arith.addi %add3A_422, %add3A_555 : i32
        %mul3A_557 = arith.constant 128 : i32
        %mul3A_558 = arith.muli %add3A_556, %mul3A_557 : i32
        %add3A_559 = arith.addi %mul3A_31, %mul3A_558 : i32
        %dma_start3A_560 = arith.constant 0 : i32
        %dma_start3A_561 = tpu.memref_slice %arg3[%dma_start3A_560, %add3A_559] : memref<2x320000xi32, #tpu.memory_space<hbm>> -> memref<2x128xi32, #tpu.memory_space<hbm>>
        %dma_start3A_562 = arith.constant 0 : i32
        %dma_start3A_563 = tpu.memref_slice %arg3[%dma_start3A_562, %add3A_559] : memref<2x320000xi32, #tpu.memory_space<hbm>> -> memref<2x128xi32, #tpu.memory_space<hbm>>
        tpu.enqueue_dma source(%dma_start3A_563 : memref<2x128xi32, #tpu.memory_space<hbm>>) target(%arg11 : memref<2x128xi32, #tpu.memory_space<vmem>>) target_semaphore(%arg15 : memref<!tpu.dma_semaphore, #tpu.memory_space<semaphore_mem>>)
      } else {
      }
      %mul3A_436 = arith.constant 128 : i32
      %mul3A_437 = arith.muli %add3A_422, %mul3A_436 : i32
      %add3A_438 = arith.addi %mul3A_31, %mul3A_437 : i32
      %dma_wait3A_439 = arith.constant 0 : i32
      %dma_wait3A_440 = tpu.memref_slice %arg3[%dma_wait3A_439, %add3A_438] : memref<2x320000xi32, #tpu.memory_space<hbm>> -> memref<2x128xi32, #tpu.memory_space<hbm>>
      %dma_wait3A_441 = arith.constant 0 : i32
      %dma_wait3A_442 = tpu.memref_slice %arg3[%dma_wait3A_441, %add3A_438] : memref<2x320000xi32, #tpu.memory_space<hbm>> -> memref<2x128xi32, #tpu.memory_space<hbm>>
      tpu.wait_dma2 semaphore(%arg13 : memref<!tpu.dma_semaphore, #tpu.memory_space<semaphore_mem>>) src(%dma_wait3A_442 : memref<2x128xi32, #tpu.memory_space<hbm>>) dst(%arg9 : memref<2x128xi32, #tpu.memory_space<vmem>>)
      %dma_start3A_443 = arith.constant 0 : i32
      %dma_start3A_444 = tpu.memref_slice %arg9[%scan3A_191, %dma_start3A_443] : memref<2x128xi32, #tpu.memory_space<vmem>> -> memref<1x128xi32, #tpu.memory_space<vmem>>
      %dma_start3A_445 = tpu.memref_squeeze %dma_start3A_444 : memref<1x128xi32, #tpu.memory_space<vmem>> -> memref<128xi32, #tpu.memory_space<vmem>>
      %dma_start3A_446 = arith.constant 0 : i32
      %dma_start3A_447 = arith.constant 0 : i32
      %dma_start3A_448 = tpu.memref_slice %arg2[%dma_start3A_446, %dma_start3A_447] : memref<10000x128xf32, #tpu.memory_space<hbm>> -> memref<10000x128xf32, #tpu.memory_space<hbm>>
      tpu.enqueue_indirect_dma source(%dma_start3A_448 : memref<10000x128xf32, #tpu.memory_space<hbm>>) target(%arg7 : memref<128x128xf32, #tpu.memory_space<vmem>>) offsets(%dma_start3A_445 : memref<128xi32, #tpu.memory_space<vmem>>) semaphore(%arg17 : memref<!tpu.dma_semaphore, #tpu.memory_space<semaphore_mem>>)
      %dma_wait3A_449 = arith.constant 0 : i32
      %dma_wait3A_450 = tpu.memref_slice %arg8[%scan3A_189, %dma_wait3A_449] : memref<2x128xi32, #tpu.memory_space<vmem>> -> memref<1x128xi32, #tpu.memory_space<vmem>>
      %dma_wait3A_451 = tpu.memref_squeeze %dma_wait3A_450 : memref<1x128xi32, #tpu.memory_space<vmem>> -> memref<128xi32, #tpu.memory_space<vmem>>
      %dma_wait3A_452 = arith.constant 0 : i32
      %dma_wait3A_453 = arith.constant 0 : i32
      %dma_wait3A_454 = tpu.memref_slice %arg2[%dma_wait3A_452, %dma_wait3A_453] : memref<10000x128xf32, #tpu.memory_space<hbm>> -> memref<10000x128xf32, #tpu.memory_space<hbm>>
      tpu.wait_indirect_dma semaphore(%arg16 : memref<!tpu.dma_semaphore, #tpu.memory_space<semaphore_mem>>) src(%dma_wait3A_454 : memref<10000x128xf32, #tpu.memory_space<hbm>>) dst(%arg6 : memref<128x128xf32, #tpu.memory_space<vmem>>)
      %dma_start3A_455 = arith.constant 0 : i32
      %dma_start3A_456 = tpu.memref_slice %arg8[%scan3A_192, %dma_start3A_455] : memref<2x128xi32, #tpu.memory_space<vmem>> -> memref<1x128xi32, #tpu.memory_space<vmem>>
      %dma_start3A_457 = tpu.memref_squeeze %dma_start3A_456 : memref<1x128xi32, #tpu.memory_space<vmem>> -> memref<128xi32, #tpu.memory_space<vmem>>
      %dma_start3A_458 = arith.constant 0 : i32
      %dma_start3A_459 = arith.constant 0 : i32
      %dma_start3A_460 = tpu.memref_slice %arg5[%dma_start3A_458, %dma_start3A_459] : memref<10240x128xf32, #tpu.memory_space<vmem_shared>> -> memref<10240x128xf32, #tpu.memory_space<vmem_shared>>
      tpu.enqueue_indirect_dma source(%arg6 : memref<128x128xf32, #tpu.memory_space<vmem>>) target(%dma_start3A_460 : memref<10240x128xf32, #tpu.memory_space<vmem_shared>>) offsets(%dma_start3A_457 : memref<128xi32, #tpu.memory_space<vmem>>) semaphore(%arg18 : memref<!tpu.dma_semaphore, #tpu.memory_space<semaphore_mem>>) {add = true}
      %dma_wait3A_461 = arith.constant 0 : i32
      %dma_wait3A_462 = tpu.memref_slice %arg9[%scan3A_191, %dma_wait3A_461] : memref<2x128xi32, #tpu.memory_space<vmem>> -> memref<1x128xi32, #tpu.memory_space<vmem>>
      %dma_wait3A_463 = tpu.memref_squeeze %dma_wait3A_462 : memref<1x128xi32, #tpu.memory_space<vmem>> -> memref<128xi32, #tpu.memory_space<vmem>>
      %dma_wait3A_464 = arith.constant 0 : i32
      %dma_wait3A_465 = arith.constant 0 : i32
      %dma_wait3A_466 = tpu.memref_slice %arg2[%dma_wait3A_464, %dma_wait3A_465] : memref<10000x128xf32, #tpu.memory_space<hbm>> -> memref<10000x128xf32, #tpu.memory_space<hbm>>
      tpu.wait_indirect_dma semaphore(%arg17 : memref<!tpu.dma_semaphore, #tpu.memory_space<semaphore_mem>>) src(%dma_wait3A_466 : memref<10000x128xf32, #tpu.memory_space<hbm>>) dst(%arg7 : memref<128x128xf32, #tpu.memory_space<vmem>>)
      %dma_start3A_467 = arith.constant 0 : i32
      %dma_start3A_468 = tpu.memref_slice %arg9[%scan3A_193, %dma_start3A_467] : memref<2x128xi32, #tpu.memory_space<vmem>> -> memref<1x128xi32, #tpu.memory_space<vmem>>
      %dma_start3A_469 = tpu.memref_squeeze %dma_start3A_468 : memref<1x128xi32, #tpu.memory_space<vmem>> -> memref<128xi32, #tpu.memory_space<vmem>>
      %dma_start3A_470 = arith.constant 0 : i32
      %dma_start3A_471 = arith.constant 0 : i32
      %dma_start3A_472 = tpu.memref_slice %arg5[%dma_start3A_470, %dma_start3A_471] : memref<10240x128xf32, #tpu.memory_space<vmem_shared>> -> memref<10240x128xf32, #tpu.memory_space<vmem_shared>>
      tpu.enqueue_indirect_dma source(%arg7 : memref<128x128xf32, #tpu.memory_space<vmem>>) target(%dma_start3A_472 : memref<10240x128xf32, #tpu.memory_space<vmem_shared>>) offsets(%dma_start3A_469 : memref<128xi32, #tpu.memory_space<vmem>>) semaphore(%arg19 : memref<!tpu.dma_semaphore, #tpu.memory_space<semaphore_mem>>) {add = true}
      %add3A_473 = arith.constant 2 : i32
      %add3A_474 = arith.addi %mul3A_392, %add3A_473 : i32
      %add3A_475 = arith.constant 0 : i32
      %add3A_476 = arith.addi %add3A_474, %add3A_475 : i32
      %dma_wait3A_477 = arith.constant 0 : i32
      %dma_wait3A_478 = tpu.memref_slice %arg8[%scan3A_192, %dma_wait3A_477] : memref<2x128xi32, #tpu.memory_space<vmem>> -> memref<1x128xi32, #tpu.memory_space<vmem>>
      %dma_wait3A_479 = tpu.memref_squeeze %dma_wait3A_478 : memref<1x128xi32, #tpu.memory_space<vmem>> -> memref<128xi32, #tpu.memory_space<vmem>>
      %dma_wait3A_480 = arith.constant 0 : i32
      %dma_wait3A_481 = arith.constant 0 : i32
      %dma_wait3A_482 = tpu.memref_slice %arg5[%dma_wait3A_480, %dma_wait3A_481] : memref<10240x128xf32, #tpu.memory_space<vmem_shared>> -> memref<10240x128xf32, #tpu.memory_space<vmem_shared>>
      tpu.wait_indirect_dma semaphore(%arg18 : memref<!tpu.dma_semaphore, #tpu.memory_space<semaphore_mem>>) src(%arg6 : memref<128x128xf32, #tpu.memory_space<vmem>>) dst(%dma_wait3A_482 : memref<10240x128xf32, #tpu.memory_space<vmem_shared>>)
      %add3A_483 = arith.constant 2 : i32
      %add3A_484 = arith.addi %add3A_476, %add3A_483 : i32
      %lt3A_485 = arith.constant 78 : i32
      %lt3A_486 = arith.cmpi slt, %add3A_484, %lt3A_485 : i32
      %convert_element_type3A_487 = arith.extui %lt3A_486 : i1 to i32
      %cond3A_488 = arith.constant 0 : i32
      %cond3A_489 = arith.cmpi ne, %convert_element_type3A_487, %cond3A_488 : i32
      scf.if %cond3A_489 {
        %add3A_555 = arith.constant 2 : i32
        %add3A_556 = arith.addi %add3A_476, %add3A_555 : i32
        %mul3A_557 = arith.constant 128 : i32
        %mul3A_558 = arith.muli %add3A_556, %mul3A_557 : i32
        %add3A_559 = arith.addi %mul3A_31, %mul3A_558 : i32
        %dma_start3A_560 = arith.constant 0 : i32
        %dma_start3A_561 = tpu.memref_slice %arg3[%dma_start3A_560, %add3A_559] : memref<2x320000xi32, #tpu.memory_space<hbm>> -> memref<2x128xi32, #tpu.memory_space<hbm>>
        %dma_start3A_562 = arith.constant 0 : i32
        %dma_start3A_563 = tpu.memref_slice %arg3[%dma_start3A_562, %add3A_559] : memref<2x320000xi32, #tpu.memory_space<hbm>> -> memref<2x128xi32, #tpu.memory_space<hbm>>
        tpu.enqueue_dma source(%dma_start3A_563 : memref<2x128xi32, #tpu.memory_space<hbm>>) target(%arg8 : memref<2x128xi32, #tpu.memory_space<vmem>>) target_semaphore(%arg12 : memref<!tpu.dma_semaphore, #tpu.memory_space<semaphore_mem>>)
      } else {
      }
      %mul3A_490 = arith.constant 128 : i32
      %mul3A_491 = arith.muli %add3A_476, %mul3A_490 : i32
      %add3A_492 = arith.addi %mul3A_31, %mul3A_491 : i32
      %dma_wait3A_493 = arith.constant 0 : i32
      %dma_wait3A_494 = tpu.memref_slice %arg3[%dma_wait3A_493, %add3A_492] : memref<2x320000xi32, #tpu.memory_space<hbm>> -> memref<2x128xi32, #tpu.memory_space<hbm>>
      %dma_wait3A_495 = arith.constant 0 : i32
      %dma_wait3A_496 = tpu.memref_slice %arg3[%dma_wait3A_495, %add3A_492] : memref<2x320000xi32, #tpu.memory_space<hbm>> -> memref<2x128xi32, #tpu.memory_space<hbm>>
      tpu.wait_dma2 semaphore(%arg14 : memref<!tpu.dma_semaphore, #tpu.memory_space<semaphore_mem>>) src(%dma_wait3A_496 : memref<2x128xi32, #tpu.memory_space<hbm>>) dst(%arg10 : memref<2x128xi32, #tpu.memory_space<vmem>>)
      %dma_start3A_497 = arith.constant 0 : i32
      %dma_start3A_498 = tpu.memref_slice %arg10[%scan3A_194, %dma_start3A_497] : memref<2x128xi32, #tpu.memory_space<vmem>> -> memref<1x128xi32, #tpu.memory_space<vmem>>
      %dma_start3A_499 = tpu.memref_squeeze %dma_start3A_498 : memref<1x128xi32, #tpu.memory_space<vmem>> -> memref<128xi32, #tpu.memory_space<vmem>>
      %dma_start3A_500 = arith.constant 0 : i32
      %dma_start3A_501 = arith.constant 0 : i32
      %dma_start3A_502 = tpu.memref_slice %arg2[%dma_start3A_500, %dma_start3A_501] : memref<10000x128xf32, #tpu.memory_space<hbm>> -> memref<10000x128xf32, #tpu.memory_space<hbm>>
      tpu.enqueue_indirect_dma source(%dma_start3A_502 : memref<10000x128xf32, #tpu.memory_space<hbm>>) target(%arg6 : memref<128x128xf32, #tpu.memory_space<vmem>>) offsets(%dma_start3A_499 : memref<128xi32, #tpu.memory_space<vmem>>) semaphore(%arg16 : memref<!tpu.dma_semaphore, #tpu.memory_space<semaphore_mem>>)
      %add3A_503 = arith.constant 1 : i32
      %add3A_504 = arith.addi %add3A_474, %add3A_503 : i32
      %dma_wait3A_505 = arith.constant 0 : i32
      %dma_wait3A_506 = tpu.memref_slice %arg9[%scan3A_193, %dma_wait3A_505] : memref<2x128xi32, #tpu.memory_space<vmem>> -> memref<1x128xi32, #tpu.memory_space<vmem>>
      %dma_wait3A_507 = tpu.memref_squeeze %dma_wait3A_506 : memref<1x128xi32, #tpu.memory_space<vmem>> -> memref<128xi32, #tpu.memory_space<vmem>>
      %dma_wait3A_508 = arith.constant 0 : i32
      %dma_wait3A_509 = arith.constant 0 : i32
      %dma_wait3A_510 = tpu.memref_slice %arg5[%dma_wait3A_508, %dma_wait3A_509] : memref<10240x128xf32, #tpu.memory_space<vmem_shared>> -> memref<10240x128xf32, #tpu.memory_space<vmem_shared>>
      tpu.wait_indirect_dma semaphore(%arg19 : memref<!tpu.dma_semaphore, #tpu.memory_space<semaphore_mem>>) src(%arg7 : memref<128x128xf32, #tpu.memory_space<vmem>>) dst(%dma_wait3A_510 : memref<10240x128xf32, #tpu.memory_space<vmem_shared>>)
      %add3A_511 = arith.constant 2 : i32
      %add3A_512 = arith.addi %add3A_504, %add3A_511 : i32
      %lt3A_513 = arith.constant 78 : i32
      %lt3A_514 = arith.cmpi slt, %add3A_512, %lt3A_513 : i32
      %convert_element_type3A_515 = arith.extui %lt3A_514 : i1 to i32
      %cond3A_516 = arith.constant 0 : i32
      %cond3A_517 = arith.cmpi ne, %convert_element_type3A_515, %cond3A_516 : i32
      scf.if %cond3A_517 {
        %add3A_555 = arith.constant 2 : i32
        %add3A_556 = arith.addi %add3A_504, %add3A_555 : i32
        %mul3A_557 = arith.constant 128 : i32
        %mul3A_558 = arith.muli %add3A_556, %mul3A_557 : i32
        %add3A_559 = arith.addi %mul3A_31, %mul3A_558 : i32
        %dma_start3A_560 = arith.constant 0 : i32
        %dma_start3A_561 = tpu.memref_slice %arg3[%dma_start3A_560, %add3A_559] : memref<2x320000xi32, #tpu.memory_space<hbm>> -> memref<2x128xi32, #tpu.memory_space<hbm>>
        %dma_start3A_562 = arith.constant 0 : i32
        %dma_start3A_563 = tpu.memref_slice %arg3[%dma_start3A_562, %add3A_559] : memref<2x320000xi32, #tpu.memory_space<hbm>> -> memref<2x128xi32, #tpu.memory_space<hbm>>
        tpu.enqueue_dma source(%dma_start3A_563 : memref<2x128xi32, #tpu.memory_space<hbm>>) target(%arg9 : memref<2x128xi32, #tpu.memory_space<vmem>>) target_semaphore(%arg13 : memref<!tpu.dma_semaphore, #tpu.memory_space<semaphore_mem>>)
      } else {
      }
      %mul3A_518 = arith.constant 128 : i32
      %mul3A_519 = arith.muli %add3A_504, %mul3A_518 : i32
      %add3A_520 = arith.addi %mul3A_31, %mul3A_519 : i32
      %dma_wait3A_521 = arith.constant 0 : i32
      %dma_wait3A_522 = tpu.memref_slice %arg3[%dma_wait3A_521, %add3A_520] : memref<2x320000xi32, #tpu.memory_space<hbm>> -> memref<2x128xi32, #tpu.memory_space<hbm>>
      %dma_wait3A_523 = arith.constant 0 : i32
      %dma_wait3A_524 = tpu.memref_slice %arg3[%dma_wait3A_523, %add3A_520] : memref<2x320000xi32, #tpu.memory_space<hbm>> -> memref<2x128xi32, #tpu.memory_space<hbm>>
      tpu.wait_dma2 semaphore(%arg15 : memref<!tpu.dma_semaphore, #tpu.memory_space<semaphore_mem>>) src(%dma_wait3A_524 : memref<2x128xi32, #tpu.memory_space<hbm>>) dst(%arg11 : memref<2x128xi32, #tpu.memory_space<vmem>>)
      %dma_start3A_525 = arith.constant 0 : i32
      %dma_start3A_526 = tpu.memref_slice %arg11[%scan3A_195, %dma_start3A_525] : memref<2x128xi32, #tpu.memory_space<vmem>> -> memref<1x128xi32, #tpu.memory_space<vmem>>
      %dma_start3A_527 = tpu.memref_squeeze %dma_start3A_526 : memref<1x128xi32, #tpu.memory_space<vmem>> -> memref<128xi32, #tpu.memory_space<vmem>>
      %dma_start3A_528 = arith.constant 0 : i32
      %dma_start3A_529 = arith.constant 0 : i32
      %dma_start3A_530 = tpu.memref_slice %arg2[%dma_start3A_528, %dma_start3A_529] : memref<10000x128xf32, #tpu.memory_space<hbm>> -> memref<10000x128xf32, #tpu.memory_space<hbm>>
      tpu.enqueue_indirect_dma source(%dma_start3A_530 : memref<10000x128xf32, #tpu.memory_space<hbm>>) target(%arg7 : memref<128x128xf32, #tpu.memory_space<vmem>>) offsets(%dma_start3A_527 : memref<128xi32, #tpu.memory_space<vmem>>) semaphore(%arg17 : memref<!tpu.dma_semaphore, #tpu.memory_space<semaphore_mem>>)
      %dma_wait3A_531 = arith.constant 0 : i32
      %dma_wait3A_532 = tpu.memref_slice %arg10[%scan3A_194, %dma_wait3A_531] : memref<2x128xi32, #tpu.memory_space<vmem>> -> memref<1x128xi32, #tpu.memory_space<vmem>>
      %dma_wait3A_533 = tpu.memref_squeeze %dma_wait3A_532 : memref<1x128xi32, #tpu.memory_space<vmem>> -> memref<128xi32, #tpu.memory_space<vmem>>
      %dma_wait3A_534 = arith.constant 0 : i32
      %dma_wait3A_535 = arith.constant 0 : i32
      %dma_wait3A_536 = tpu.memref_slice %arg2[%dma_wait3A_534, %dma_wait3A_535] : memref<10000x128xf32, #tpu.memory_space<hbm>> -> memref<10000x128xf32, #tpu.memory_space<hbm>>
      tpu.wait_indirect_dma semaphore(%arg16 : memref<!tpu.dma_semaphore, #tpu.memory_space<semaphore_mem>>) src(%dma_wait3A_536 : memref<10000x128xf32, #tpu.memory_space<hbm>>) dst(%arg6 : memref<128x128xf32, #tpu.memory_space<vmem>>)
      %dma_start3A_537 = arith.constant 0 : i32
      %dma_start3A_538 = tpu.memref_slice %arg10[%scan3A_188, %dma_start3A_537] : memref<2x128xi32, #tpu.memory_space<vmem>> -> memref<1x128xi32, #tpu.memory_space<vmem>>
      %dma_start3A_539 = tpu.memref_squeeze %dma_start3A_538 : memref<1x128xi32, #tpu.memory_space<vmem>> -> memref<128xi32, #tpu.memory_space<vmem>>
      %dma_start3A_540 = arith.constant 0 : i32
      %dma_start3A_541 = arith.constant 0 : i32
      %dma_start3A_542 = tpu.memref_slice %arg5[%dma_start3A_540, %dma_start3A_541] : memref<10240x128xf32, #tpu.memory_space<vmem_shared>> -> memref<10240x128xf32, #tpu.memory_space<vmem_shared>>
      tpu.enqueue_indirect_dma source(%arg6 : memref<128x128xf32, #tpu.memory_space<vmem>>) target(%dma_start3A_542 : memref<10240x128xf32, #tpu.memory_space<vmem_shared>>) offsets(%dma_start3A_539 : memref<128xi32, #tpu.memory_space<vmem>>) semaphore(%arg18 : memref<!tpu.dma_semaphore, #tpu.memory_space<semaphore_mem>>) {add = true}
      %dma_wait3A_543 = arith.constant 0 : i32
      %dma_wait3A_544 = tpu.memref_slice %arg11[%scan3A_195, %dma_wait3A_543] : memref<2x128xi32, #tpu.memory_space<vmem>> -> memref<1x128xi32, #tpu.memory_space<vmem>>
      %dma_wait3A_545 = tpu.memref_squeeze %dma_wait3A_544 : memref<1x128xi32, #tpu.memory_space<vmem>> -> memref<128xi32, #tpu.memory_space<vmem>>
      %dma_wait3A_546 = arith.constant 0 : i32
      %dma_wait3A_547 = arith.constant 0 : i32
      %dma_wait3A_548 = tpu.memref_slice %arg2[%dma_wait3A_546, %dma_wait3A_547] : memref<10000x128xf32, #tpu.memory_space<hbm>> -> memref<10000x128xf32, #tpu.memory_space<hbm>>
      tpu.wait_indirect_dma semaphore(%arg17 : memref<!tpu.dma_semaphore, #tpu.memory_space<semaphore_mem>>) src(%dma_wait3A_548 : memref<10000x128xf32, #tpu.memory_space<hbm>>) dst(%arg7 : memref<128x128xf32, #tpu.memory_space<vmem>>)
      %dma_start3A_549 = arith.constant 0 : i32
      %dma_start3A_550 = tpu.memref_slice %arg11[%scan3A_190, %dma_start3A_549] : memref<2x128xi32, #tpu.memory_space<vmem>> -> memref<1x128xi32, #tpu.memory_space<vmem>>
      %dma_start3A_551 = tpu.memref_squeeze %dma_start3A_550 : memref<1x128xi32, #tpu.memory_space<vmem>> -> memref<128xi32, #tpu.memory_space<vmem>>
      %dma_start3A_552 = arith.constant 0 : i32
      %dma_start3A_553 = arith.constant 0 : i32
      %dma_start3A_554 = tpu.memref_slice %arg5[%dma_start3A_552, %dma_start3A_553] : memref<10240x128xf32, #tpu.memory_space<vmem_shared>> -> memref<10240x128xf32, #tpu.memory_space<vmem_shared>>
      tpu.enqueue_indirect_dma source(%arg7 : memref<128x128xf32, #tpu.memory_space<vmem>>) target(%dma_start3A_554 : memref<10240x128xf32, #tpu.memory_space<vmem_shared>>) offsets(%dma_start3A_551 : memref<128xi32, #tpu.memory_space<vmem>>) semaphore(%arg19 : memref<!tpu.dma_semaphore, #tpu.memory_space<semaphore_mem>>) {add = true}
    }
    %scan3A_200 = arith.constant 18 : i32
    %dma_wait3A_201 = arith.constant 1 : i32
    %dma_wait3A_202 = arith.constant 0 : i32
    %dma_wait3A_203 = tpu.memref_slice %arg10[%dma_wait3A_201, %dma_wait3A_202] : memref<2x128xi32, #tpu.memory_space<vmem>> -> memref<1x128xi32, #tpu.memory_space<vmem>>
    %dma_wait3A_204 = tpu.memref_squeeze %dma_wait3A_203 : memref<1x128xi32, #tpu.memory_space<vmem>> -> memref<128xi32, #tpu.memory_space<vmem>>
    %dma_wait3A_205 = arith.constant 0 : i32
    %dma_wait3A_206 = arith.constant 0 : i32
    %dma_wait3A_207 = tpu.memref_slice %arg5[%dma_wait3A_205, %dma_wait3A_206] : memref<10240x128xf32, #tpu.memory_space<vmem_shared>> -> memref<10240x128xf32, #tpu.memory_space<vmem_shared>>
    tpu.wait_indirect_dma semaphore(%arg18 : memref<!tpu.dma_semaphore, #tpu.memory_space<semaphore_mem>>) src(%arg6 : memref<128x128xf32, #tpu.memory_space<vmem>>) dst(%dma_wait3A_207 : memref<10240x128xf32, #tpu.memory_space<vmem_shared>>)
    %add3A_208 = arith.constant 9728 : i32
    %add3A_209 = arith.addi %mul3A_31, %add3A_208 : i32
    %dma_wait3A_210 = arith.constant 0 : i32
    %dma_wait3A_211 = tpu.memref_slice %arg3[%dma_wait3A_210, %add3A_209] : memref<2x320000xi32, #tpu.memory_space<hbm>> -> memref<2x128xi32, #tpu.memory_space<hbm>>
    %dma_wait3A_212 = arith.constant 0 : i32
    %dma_wait3A_213 = tpu.memref_slice %arg3[%dma_wait3A_212, %add3A_209] : memref<2x320000xi32, #tpu.memory_space<hbm>> -> memref<2x128xi32, #tpu.memory_space<hbm>>
    tpu.wait_dma2 semaphore(%arg12 : memref<!tpu.dma_semaphore, #tpu.memory_space<semaphore_mem>>) src(%dma_wait3A_213 : memref<2x128xi32, #tpu.memory_space<hbm>>) dst(%arg8 : memref<2x128xi32, #tpu.memory_space<vmem>>)
    %dma_start3A_214 = arith.constant 0 : i32
    %dma_start3A_215 = arith.constant 0 : i32
    %dma_start3A_216 = tpu.memref_slice %arg8[%dma_start3A_214, %dma_start3A_215] : memref<2x128xi32, #tpu.memory_space<vmem>> -> memref<1x128xi32, #tpu.memory_space<vmem>>
    %dma_start3A_217 = tpu.memref_squeeze %dma_start3A_216 : memref<1x128xi32, #tpu.memory_space<vmem>> -> memref<128xi32, #tpu.memory_space<vmem>>
    %dma_start3A_218 = arith.constant 0 : i32
    %dma_start3A_219 = arith.constant 0 : i32
    %dma_start3A_220 = tpu.memref_slice %arg2[%dma_start3A_218, %dma_start3A_219] : memref<10000x128xf32, #tpu.memory_space<hbm>> -> memref<10000x128xf32, #tpu.memory_space<hbm>>
    tpu.enqueue_indirect_dma source(%dma_start3A_220 : memref<10000x128xf32, #tpu.memory_space<hbm>>) target(%arg6 : memref<128x128xf32, #tpu.memory_space<vmem>>) offsets(%dma_start3A_217 : memref<128xi32, #tpu.memory_space<vmem>>) semaphore(%arg16 : memref<!tpu.dma_semaphore, #tpu.memory_space<semaphore_mem>>)
    %dma_wait3A_221 = arith.constant 1 : i32
    %dma_wait3A_222 = arith.constant 0 : i32
    %dma_wait3A_223 = tpu.memref_slice %arg11[%dma_wait3A_221, %dma_wait3A_222] : memref<2x128xi32, #tpu.memory_space<vmem>> -> memref<1x128xi32, #tpu.memory_space<vmem>>
    %dma_wait3A_224 = tpu.memref_squeeze %dma_wait3A_223 : memref<1x128xi32, #tpu.memory_space<vmem>> -> memref<128xi32, #tpu.memory_space<vmem>>
    %dma_wait3A_225 = arith.constant 0 : i32
    %dma_wait3A_226 = arith.constant 0 : i32
    %dma_wait3A_227 = tpu.memref_slice %arg5[%dma_wait3A_225, %dma_wait3A_226] : memref<10240x128xf32, #tpu.memory_space<vmem_shared>> -> memref<10240x128xf32, #tpu.memory_space<vmem_shared>>
    tpu.wait_indirect_dma semaphore(%arg19 : memref<!tpu.dma_semaphore, #tpu.memory_space<semaphore_mem>>) src(%arg7 : memref<128x128xf32, #tpu.memory_space<vmem>>) dst(%dma_wait3A_227 : memref<10240x128xf32, #tpu.memory_space<vmem_shared>>)
    %add3A_228 = arith.constant 9856 : i32
    %add3A_229 = arith.addi %mul3A_31, %add3A_228 : i32
    %dma_wait3A_230 = arith.constant 0 : i32
    %dma_wait3A_231 = tpu.memref_slice %arg3[%dma_wait3A_230, %add3A_229] : memref<2x320000xi32, #tpu.memory_space<hbm>> -> memref<2x128xi32, #tpu.memory_space<hbm>>
    %dma_wait3A_232 = arith.constant 0 : i32
    %dma_wait3A_233 = tpu.memref_slice %arg3[%dma_wait3A_232, %add3A_229] : memref<2x320000xi32, #tpu.memory_space<hbm>> -> memref<2x128xi32, #tpu.memory_space<hbm>>
    tpu.wait_dma2 semaphore(%arg13 : memref<!tpu.dma_semaphore, #tpu.memory_space<semaphore_mem>>) src(%dma_wait3A_233 : memref<2x128xi32, #tpu.memory_space<hbm>>) dst(%arg9 : memref<2x128xi32, #tpu.memory_space<vmem>>)
    %dma_start3A_234 = arith.constant 0 : i32
    %dma_start3A_235 = arith.constant 0 : i32
    %dma_start3A_236 = tpu.memref_slice %arg9[%dma_start3A_234, %dma_start3A_235] : memref<2x128xi32, #tpu.memory_space<vmem>> -> memref<1x128xi32, #tpu.memory_space<vmem>>
    %dma_start3A_237 = tpu.memref_squeeze %dma_start3A_236 : memref<1x128xi32, #tpu.memory_space<vmem>> -> memref<128xi32, #tpu.memory_space<vmem>>
    %dma_start3A_238 = arith.constant 0 : i32
    %dma_start3A_239 = arith.constant 0 : i32
    %dma_start3A_240 = tpu.memref_slice %arg2[%dma_start3A_238, %dma_start3A_239] : memref<10000x128xf32, #tpu.memory_space<hbm>> -> memref<10000x128xf32, #tpu.memory_space<hbm>>
    tpu.enqueue_indirect_dma source(%dma_start3A_240 : memref<10000x128xf32, #tpu.memory_space<hbm>>) target(%arg7 : memref<128x128xf32, #tpu.memory_space<vmem>>) offsets(%dma_start3A_237 : memref<128xi32, #tpu.memory_space<vmem>>) semaphore(%arg17 : memref<!tpu.dma_semaphore, #tpu.memory_space<semaphore_mem>>)
    %dma_wait3A_241 = arith.constant 0 : i32
    %dma_wait3A_242 = arith.constant 0 : i32
    %dma_wait3A_243 = tpu.memref_slice %arg8[%dma_wait3A_241, %dma_wait3A_242] : memref<2x128xi32, #tpu.memory_space<vmem>> -> memref<1x128xi32, #tpu.memory_space<vmem>>
    %dma_wait3A_244 = tpu.memref_squeeze %dma_wait3A_243 : memref<1x128xi32, #tpu.memory_space<vmem>> -> memref<128xi32, #tpu.memory_space<vmem>>
    %dma_wait3A_245 = arith.constant 0 : i32
    %dma_wait3A_246 = arith.constant 0 : i32
    %dma_wait3A_247 = tpu.memref_slice %arg2[%dma_wait3A_245, %dma_wait3A_246] : memref<10000x128xf32, #tpu.memory_space<hbm>> -> memref<10000x128xf32, #tpu.memory_space<hbm>>
    tpu.wait_indirect_dma semaphore(%arg16 : memref<!tpu.dma_semaphore, #tpu.memory_space<semaphore_mem>>) src(%dma_wait3A_247 : memref<10000x128xf32, #tpu.memory_space<hbm>>) dst(%arg6 : memref<128x128xf32, #tpu.memory_space<vmem>>)
    %dma_start3A_248 = arith.constant 1 : i32
    %dma_start3A_249 = arith.constant 0 : i32
    %dma_start3A_250 = tpu.memref_slice %arg8[%dma_start3A_248, %dma_start3A_249] : memref<2x128xi32, #tpu.memory_space<vmem>> -> memref<1x128xi32, #tpu.memory_space<vmem>>
    %dma_start3A_251 = tpu.memref_squeeze %dma_start3A_250 : memref<1x128xi32, #tpu.memory_space<vmem>> -> memref<128xi32, #tpu.memory_space<vmem>>
    %dma_start3A_252 = arith.constant 0 : i32
    %dma_start3A_253 = arith.constant 0 : i32
    %dma_start3A_254 = tpu.memref_slice %arg5[%dma_start3A_252, %dma_start3A_253] : memref<10240x128xf32, #tpu.memory_space<vmem_shared>> -> memref<10240x128xf32, #tpu.memory_space<vmem_shared>>
    tpu.enqueue_indirect_dma source(%arg6 : memref<128x128xf32, #tpu.memory_space<vmem>>) target(%dma_start3A_254 : memref<10240x128xf32, #tpu.memory_space<vmem_shared>>) offsets(%dma_start3A_251 : memref<128xi32, #tpu.memory_space<vmem>>) semaphore(%arg18 : memref<!tpu.dma_semaphore, #tpu.memory_space<semaphore_mem>>) {add = true}
    %dma_wait3A_255 = arith.constant 0 : i32
    %dma_wait3A_256 = arith.constant 0 : i32
    %dma_wait3A_257 = tpu.memref_slice %arg9[%dma_wait3A_255, %dma_wait3A_256] : memref<2x128xi32, #tpu.memory_space<vmem>> -> memref<1x128xi32, #tpu.memory_space<vmem>>
    %dma_wait3A_258 = tpu.memref_squeeze %dma_wait3A_257 : memref<1x128xi32, #tpu.memory_space<vmem>> -> memref<128xi32, #tpu.memory_space<vmem>>
    %dma_wait3A_259 = arith.constant 0 : i32
    %dma_wait3A_260 = arith.constant 0 : i32
    %dma_wait3A_261 = tpu.memref_slice %arg2[%dma_wait3A_259, %dma_wait3A_260] : memref<10000x128xf32, #tpu.memory_space<hbm>> -> memref<10000x128xf32, #tpu.memory_space<hbm>>
    tpu.wait_indirect_dma semaphore(%arg17 : memref<!tpu.dma_semaphore, #tpu.memory_space<semaphore_mem>>) src(%dma_wait3A_261 : memref<10000x128xf32, #tpu.memory_space<hbm>>) dst(%arg7 : memref<128x128xf32, #tpu.memory_space<vmem>>)
    %dma_start3A_262 = arith.constant 1 : i32
    %dma_start3A_263 = arith.constant 0 : i32
    %dma_start3A_264 = tpu.memref_slice %arg9[%dma_start3A_262, %dma_start3A_263] : memref<2x128xi32, #tpu.memory_space<vmem>> -> memref<1x128xi32, #tpu.memory_space<vmem>>
    %dma_start3A_265 = tpu.memref_squeeze %dma_start3A_264 : memref<1x128xi32, #tpu.memory_space<vmem>> -> memref<128xi32, #tpu.memory_space<vmem>>
    %dma_start3A_266 = arith.constant 0 : i32
    %dma_start3A_267 = arith.constant 0 : i32
    %dma_start3A_268 = tpu.memref_slice %arg5[%dma_start3A_266, %dma_start3A_267] : memref<10240x128xf32, #tpu.memory_space<vmem_shared>> -> memref<10240x128xf32, #tpu.memory_space<vmem_shared>>
    tpu.enqueue_indirect_dma source(%arg7 : memref<128x128xf32, #tpu.memory_space<vmem>>) target(%dma_start3A_268 : memref<10240x128xf32, #tpu.memory_space<vmem_shared>>) offsets(%dma_start3A_265 : memref<128xi32, #tpu.memory_space<vmem>>) semaphore(%arg19 : memref<!tpu.dma_semaphore, #tpu.memory_space<semaphore_mem>>) {add = true}
    %dma_wait3A_269 = arith.constant 1 : i32
    %dma_wait3A_270 = arith.constant 0 : i32
    %dma_wait3A_271 = tpu.memref_slice %arg8[%dma_wait3A_269, %dma_wait3A_270] : memref<2x128xi32, #tpu.memory_space<vmem>> -> memref<1x128xi32, #tpu.memory_space<vmem>>
    %dma_wait3A_272 = tpu.memref_squeeze %dma_wait3A_271 : memref<1x128xi32, #tpu.memory_space<vmem>> -> memref<128xi32, #tpu.memory_space<vmem>>
    %dma_wait3A_273 = arith.constant 0 : i32
    %dma_wait3A_274 = arith.constant 0 : i32
    %dma_wait3A_275 = tpu.memref_slice %arg5[%dma_wait3A_273, %dma_wait3A_274] : memref<10240x128xf32, #tpu.memory_space<vmem_shared>> -> memref<10240x128xf32, #tpu.memory_space<vmem_shared>>
    tpu.wait_indirect_dma semaphore(%arg18 : memref<!tpu.dma_semaphore, #tpu.memory_space<semaphore_mem>>) src(%arg6 : memref<128x128xf32, #tpu.memory_space<vmem>>) dst(%dma_wait3A_275 : memref<10240x128xf32, #tpu.memory_space<vmem_shared>>)
    %dma_wait3A_276 = arith.constant 1 : i32
    %dma_wait3A_277 = arith.constant 0 : i32
    %dma_wait3A_278 = tpu.memref_slice %arg9[%dma_wait3A_276, %dma_wait3A_277] : memref<2x128xi32, #tpu.memory_space<vmem>> -> memref<1x128xi32, #tpu.memory_space<vmem>>
    %dma_wait3A_279 = tpu.memref_squeeze %dma_wait3A_278 : memref<1x128xi32, #tpu.memory_space<vmem>> -> memref<128xi32, #tpu.memory_space<vmem>>
    %dma_wait3A_280 = arith.constant 0 : i32
    %dma_wait3A_281 = arith.constant 0 : i32
    %dma_wait3A_282 = tpu.memref_slice %arg5[%dma_wait3A_280, %dma_wait3A_281] : memref<10240x128xf32, #tpu.memory_space<vmem_shared>> -> memref<10240x128xf32, #tpu.memory_space<vmem_shared>>
    tpu.wait_indirect_dma semaphore(%arg19 : memref<!tpu.dma_semaphore, #tpu.memory_space<semaphore_mem>>) src(%arg7 : memref<128x128xf32, #tpu.memory_space<vmem>>) dst(%dma_wait3A_282 : memref<10240x128xf32, #tpu.memory_space<vmem_shared>>)
    %lt3A = arith.constant 4 : i32
    %lt3A_283 = arith.cmpi slt, %add3A_25, %lt3A : i32
    %convert_element_type3A = arith.extui %lt3A_283 : i1 to i32
    %cond3A = arith.constant 0 : i32
    %cond3A_284 = arith.constant 1 : i32
    %cond3A_285 = arith.constant 0 : i32
    %cond3A_286 = arith.cmpi ne, %convert_element_type3A, %cond3A_285 : i32
    scf.if %cond3A_286 {
      %mul3A_388 = arith.constant 79 : i32
      %mul3A_389 = arith.muli %add3A_25, %mul3A_388 : i32
      %add3A_390 = arith.constant 78 : i32
      %add3A_391 = arith.addi %mul3A_389, %add3A_390 : i32
      %mul3A_392 = arith.constant 128 : i32
      %mul3A_393 = arith.muli %add3A_391, %mul3A_392 : i32
      "tpu.region"() ({
        %run_scoped3A = tpu.sem_alloc : memref<!tpu.dma_semaphore, #tpu.memory_space<semaphore_mem>>
        %dma_start3A_394 = arith.constant 0 : i32
        %dma_start3A_395 = tpu.memref_slice %arg3[%dma_start3A_394, %mul3A_393] : memref<2x320000xi32, #tpu.memory_space<hbm>> -> memref<2x128xi32, #tpu.memory_space<hbm>>
        %dma_start3A_396 = arith.constant 0 : i32
        %dma_start3A_397 = tpu.memref_slice %arg3[%dma_start3A_396, %mul3A_393] : memref<2x320000xi32, #tpu.memory_space<hbm>> -> memref<2x128xi32, #tpu.memory_space<hbm>>
        tpu.enqueue_dma source(%dma_start3A_397 : memref<2x128xi32, #tpu.memory_space<hbm>>) target(%arg8 : memref<2x128xi32, #tpu.memory_space<vmem>>) target_semaphore(%run_scoped3A : memref<!tpu.dma_semaphore, #tpu.memory_space<semaphore_mem>>)
        %dma_wait3A_398 = arith.constant 0 : i32
        %dma_wait3A_399 = tpu.memref_slice %arg3[%dma_wait3A_398, %mul3A_393] : memref<2x320000xi32, #tpu.memory_space<hbm>> -> memref<2x128xi32, #tpu.memory_space<hbm>>
        %dma_wait3A_400 = arith.constant 0 : i32
        %dma_wait3A_401 = tpu.memref_slice %arg3[%dma_wait3A_400, %mul3A_393] : memref<2x320000xi32, #tpu.memory_space<hbm>> -> memref<2x128xi32, #tpu.memory_space<hbm>>
        tpu.wait_dma2 semaphore(%run_scoped3A : memref<!tpu.dma_semaphore, #tpu.memory_space<semaphore_mem>>) src(%dma_wait3A_401 : memref<2x128xi32, #tpu.memory_space<hbm>>) dst(%arg8 : memref<2x128xi32, #tpu.memory_space<vmem>>)
        tpu.yield
      }) : () -> ()
      "tpu.region"() ({
        %run_scoped3A = tpu.sem_alloc : memref<!tpu.dma_semaphore, #tpu.memory_space<semaphore_mem>>
        %dma_start3A_394 = arith.constant 0 : i32
        %dma_start3A_395 = tpu.memref_slice %arg8[%cond3A, %dma_start3A_394] : memref<2x128xi32, #tpu.memory_space<vmem>> -> memref<1x128xi32, #tpu.memory_space<vmem>>
        %dma_start3A_396 = tpu.memref_squeeze %dma_start3A_395 : memref<1x128xi32, #tpu.memory_space<vmem>> -> memref<128xi32, #tpu.memory_space<vmem>>
        %dma_start3A_397 = arith.constant 0 : i32
        %dma_start3A_398 = arith.constant 0 : i32
        %dma_start3A_399 = tpu.memref_slice %arg2[%dma_start3A_397, %dma_start3A_398] : memref<10000x128xf32, #tpu.memory_space<hbm>> -> memref<10000x128xf32, #tpu.memory_space<hbm>>
        tpu.enqueue_indirect_dma source(%dma_start3A_399 : memref<10000x128xf32, #tpu.memory_space<hbm>>) target(%arg6 : memref<128x128xf32, #tpu.memory_space<vmem>>) offsets(%dma_start3A_396 : memref<128xi32, #tpu.memory_space<vmem>>) semaphore(%run_scoped3A : memref<!tpu.dma_semaphore, #tpu.memory_space<semaphore_mem>>)
        %dma_wait3A_400 = arith.constant 0 : i32
        %dma_wait3A_401 = tpu.memref_slice %arg8[%cond3A, %dma_wait3A_400] : memref<2x128xi32, #tpu.memory_space<vmem>> -> memref<1x128xi32, #tpu.memory_space<vmem>>
        %dma_wait3A_402 = tpu.memref_squeeze %dma_wait3A_401 : memref<1x128xi32, #tpu.memory_space<vmem>> -> memref<128xi32, #tpu.memory_space<vmem>>
        %dma_wait3A_403 = arith.constant 0 : i32
        %dma_wait3A_404 = arith.constant 0 : i32
        %dma_wait3A_405 = tpu.memref_slice %arg2[%dma_wait3A_403, %dma_wait3A_404] : memref<10000x128xf32, #tpu.memory_space<hbm>> -> memref<10000x128xf32, #tpu.memory_space<hbm>>
        tpu.wait_indirect_dma semaphore(%run_scoped3A : memref<!tpu.dma_semaphore, #tpu.memory_space<semaphore_mem>>) src(%dma_wait3A_405 : memref<10000x128xf32, #tpu.memory_space<hbm>>) dst(%arg6 : memref<128x128xf32, #tpu.memory_space<vmem>>)
        tpu.yield
      }) : () -> ()
      "tpu.region"() ({
        %run_scoped3A = tpu.sem_alloc : memref<!tpu.dma_semaphore, #tpu.memory_space<semaphore_mem>>
        %dma_start3A_394 = arith.constant 0 : i32
        %dma_start3A_395 = tpu.memref_slice %arg8[%cond3A_284, %dma_start3A_394] : memref<2x128xi32, #tpu.memory_space<vmem>> -> memref<1x128xi32, #tpu.memory_space<vmem>>
        %dma_start3A_396 = tpu.memref_squeeze %dma_start3A_395 : memref<1x128xi32, #tpu.memory_space<vmem>> -> memref<128xi32, #tpu.memory_space<vmem>>
        %dma_start3A_397 = arith.constant 0 : i32
        %dma_start3A_398 = arith.constant 0 : i32
        %dma_start3A_399 = tpu.memref_slice %arg5[%dma_start3A_397, %dma_start3A_398] : memref<10240x128xf32, #tpu.memory_space<vmem_shared>> -> memref<10240x128xf32, #tpu.memory_space<vmem_shared>>
        tpu.enqueue_indirect_dma source(%arg6 : memref<128x128xf32, #tpu.memory_space<vmem>>) target(%dma_start3A_399 : memref<10240x128xf32, #tpu.memory_space<vmem_shared>>) offsets(%dma_start3A_396 : memref<128xi32, #tpu.memory_space<vmem>>) semaphore(%run_scoped3A : memref<!tpu.dma_semaphore, #tpu.memory_space<semaphore_mem>>) {add = true}
        %dma_wait3A_400 = arith.constant 0 : i32
        %dma_wait3A_401 = tpu.memref_slice %arg8[%cond3A_284, %dma_wait3A_400] : memref<2x128xi32, #tpu.memory_space<vmem>> -> memref<1x128xi32, #tpu.memory_space<vmem>>
        %dma_wait3A_402 = tpu.memref_squeeze %dma_wait3A_401 : memref<1x128xi32, #tpu.memory_space<vmem>> -> memref<128xi32, #tpu.memory_space<vmem>>
        %dma_wait3A_403 = arith.constant 0 : i32
        %dma_wait3A_404 = arith.constant 0 : i32
        %dma_wait3A_405 = tpu.memref_slice %arg5[%dma_wait3A_403, %dma_wait3A_404] : memref<10240x128xf32, #tpu.memory_space<vmem_shared>> -> memref<10240x128xf32, #tpu.memory_space<vmem_shared>>
        tpu.wait_indirect_dma semaphore(%run_scoped3A : memref<!tpu.dma_semaphore, #tpu.memory_space<semaphore_mem>>) src(%arg6 : memref<128x128xf32, #tpu.memory_space<vmem>>) dst(%dma_wait3A_405 : memref<10240x128xf32, #tpu.memory_space<vmem_shared>>)
        tpu.yield
      }) : () -> ()
    } else {
    }
    %barrier3A_287 = arith.constant 0 : index
    tpu.barrier barrier_id(%barrier3A_287)
    %mul3A_288 = arith.constant 640 : i32
    %mul3A_289 = arith.muli %arg1, %mul3A_288 : i32
    %add3A_290 = arith.constant 0 : i32
    %add3A_291 = arith.addi %mul3A_289, %add3A_290 : i32
    "tpu.region"() ({
      %run_scoped3A = tpu.sem_alloc : memref<!tpu.dma_semaphore, #tpu.memory_space<semaphore_mem>>
      %dma_start3A_388 = arith.constant 0 : i32
      %dma_start3A_389 = tpu.memref_slice %arg5[%add3A_291, %dma_start3A_388] : memref<10240x128xf32, #tpu.memory_space<vmem_shared>> -> memref<128x128xf32, #tpu.memory_space<vmem_shared>>
      %dma_start3A_390 = arith.constant 0 : i32
      %dma_start3A_391 = tpu.memref_slice %arg5[%add3A_291, %dma_start3A_390] : memref<10240x128xf32, #tpu.memory_space<vmem_shared>> -> memref<128x128xf32, #tpu.memory_space<vmem_shared>>
      tpu.enqueue_dma source(%dma_start3A_391 : memref<128x128xf32, #tpu.memory_space<vmem_shared>>) target(%arg6 : memref<128x128xf32, #tpu.memory_space<vmem>>) target_semaphore(%run_scoped3A : memref<!tpu.dma_semaphore, #tpu.memory_space<semaphore_mem>>)
      %dma_wait3A_392 = arith.constant 0 : i32
      %dma_wait3A_393 = tpu.memref_slice %arg5[%add3A_291, %dma_wait3A_392] : memref<10240x128xf32, #tpu.memory_space<vmem_shared>> -> memref<128x128xf32, #tpu.memory_space<vmem_shared>>
      %dma_wait3A_394 = arith.constant 0 : i32
      %dma_wait3A_395 = tpu.memref_slice %arg5[%add3A_291, %dma_wait3A_394] : memref<10240x128xf32, #tpu.memory_space<vmem_shared>> -> memref<128x128xf32, #tpu.memory_space<vmem_shared>>
      tpu.wait_dma2 semaphore(%run_scoped3A : memref<!tpu.dma_semaphore, #tpu.memory_space<semaphore_mem>>) src(%dma_wait3A_395 : memref<128x128xf32, #tpu.memory_space<vmem_shared>>) dst(%arg6 : memref<128x128xf32, #tpu.memory_space<vmem>>)
      tpu.yield
    }) : () -> ()
    %dma_start3A_292 = arith.constant 0 : i32
    %dma_start3A_293 = tpu.memref_slice %arg4[%arg0, %add3A_291, %dma_start3A_292] : memref<2x10240x128xf32, #tpu.memory_space<hbm>> -> memref<1x128x128xf32, #tpu.memory_space<hbm>>
    %dma_start3A_294 = tpu.memref_squeeze %dma_start3A_293 : memref<1x128x128xf32, #tpu.memory_space<hbm>> -> memref<128x128xf32, #tpu.memory_space<hbm>>
    %dma_start3A_295 = arith.constant 0 : i32
    %dma_start3A_296 = tpu.memref_slice %arg4[%arg0, %add3A_291, %dma_start3A_295] : memref<2x10240x128xf32, #tpu.memory_space<hbm>> -> memref<1x128x128xf32, #tpu.memory_space<hbm>>
    %dma_start3A_297 = tpu.memref_squeeze %dma_start3A_296 : memref<1x128x128xf32, #tpu.memory_space<hbm>> -> memref<128x128xf32, #tpu.memory_space<hbm>>
    tpu.enqueue_dma source(%arg6 : memref<128x128xf32, #tpu.memory_space<vmem>>) target(%dma_start3A_297 : memref<128x128xf32, #tpu.memory_space<hbm>>) target_semaphore(%arg16 : memref<!tpu.dma_semaphore, #tpu.memory_space<semaphore_mem>>)
    %mul3A_298 = arith.constant 640 : i32
    %mul3A_299 = arith.muli %arg1, %mul3A_298 : i32
    %add3A_300 = arith.constant 128 : i32
    %add3A_301 = arith.addi %mul3A_299, %add3A_300 : i32
    "tpu.region"() ({
      %run_scoped3A = tpu.sem_alloc : memref<!tpu.dma_semaphore, #tpu.memory_space<semaphore_mem>>
      %dma_start3A_388 = arith.constant 0 : i32
      %dma_start3A_389 = tpu.memref_slice %arg5[%add3A_301, %dma_start3A_388] : memref<10240x128xf32, #tpu.memory_space<vmem_shared>> -> memref<128x128xf32, #tpu.memory_space<vmem_shared>>
      %dma_start3A_390 = arith.constant 0 : i32
      %dma_start3A_391 = tpu.memref_slice %arg5[%add3A_301, %dma_start3A_390] : memref<10240x128xf32, #tpu.memory_space<vmem_shared>> -> memref<128x128xf32, #tpu.memory_space<vmem_shared>>
      tpu.enqueue_dma source(%dma_start3A_391 : memref<128x128xf32, #tpu.memory_space<vmem_shared>>) target(%arg7 : memref<128x128xf32, #tpu.memory_space<vmem>>) target_semaphore(%run_scoped3A : memref<!tpu.dma_semaphore, #tpu.memory_space<semaphore_mem>>)
      %dma_wait3A_392 = arith.constant 0 : i32
      %dma_wait3A_393 = tpu.memref_slice %arg5[%add3A_301, %dma_wait3A_392] : memref<10240x128xf32, #tpu.memory_space<vmem_shared>> -> memref<128x128xf32, #tpu.memory_space<vmem_shared>>
      %dma_wait3A_394 = arith.constant 0 : i32
      %dma_wait3A_395 = tpu.memref_slice %arg5[%add3A_301, %dma_wait3A_394] : memref<10240x128xf32, #tpu.memory_space<vmem_shared>> -> memref<128x128xf32, #tpu.memory_space<vmem_shared>>
      tpu.wait_dma2 semaphore(%run_scoped3A : memref<!tpu.dma_semaphore, #tpu.memory_space<semaphore_mem>>) src(%dma_wait3A_395 : memref<128x128xf32, #tpu.memory_space<vmem_shared>>) dst(%arg7 : memref<128x128xf32, #tpu.memory_space<vmem>>)
      tpu.yield
    }) : () -> ()
    %dma_start3A_302 = arith.constant 0 : i32
    %dma_start3A_303 = tpu.memref_slice %arg4[%arg0, %add3A_301, %dma_start3A_302] : memref<2x10240x128xf32, #tpu.memory_space<hbm>> -> memref<1x128x128xf32, #tpu.memory_space<hbm>>
    %dma_start3A_304 = tpu.memref_squeeze %dma_start3A_303 : memref<1x128x128xf32, #tpu.memory_space<hbm>> -> memref<128x128xf32, #tpu.memory_space<hbm>>
    %dma_start3A_305 = arith.constant 0 : i32
    %dma_start3A_306 = tpu.memref_slice %arg4[%arg0, %add3A_301, %dma_start3A_305] : memref<2x10240x128xf32, #tpu.memory_space<hbm>> -> memref<1x128x128xf32, #tpu.memory_space<hbm>>
    %dma_start3A_307 = tpu.memref_squeeze %dma_start3A_306 : memref<1x128x128xf32, #tpu.memory_space<hbm>> -> memref<128x128xf32, #tpu.memory_space<hbm>>
    tpu.enqueue_dma source(%arg7 : memref<128x128xf32, #tpu.memory_space<vmem>>) target(%dma_start3A_307 : memref<128x128xf32, #tpu.memory_space<hbm>>) target_semaphore(%arg17 : memref<!tpu.dma_semaphore, #tpu.memory_space<semaphore_mem>>)
    %mul3A_308 = arith.constant 640 : i32
    %mul3A_309 = arith.muli %arg1, %mul3A_308 : i32
    %add3A_310 = arith.constant 256 : i32
    %add3A_311 = arith.addi %mul3A_309, %add3A_310 : i32
    %mul3A_312 = arith.constant 640 : i32
    %mul3A_313 = arith.muli %arg1, %mul3A_312 : i32
    %add3A_314 = arith.constant 0 : i32
    %add3A_315 = arith.addi %mul3A_313, %add3A_314 : i32
    %dma_wait3A_316 = arith.constant 0 : i32
    %dma_wait3A_317 = tpu.memref_slice %arg4[%arg0, %add3A_315, %dma_wait3A_316] : memref<2x10240x128xf32, #tpu.memory_space<hbm>> -> memref<1x128x128xf32, #tpu.memory_space<hbm>>
    %dma_wait3A_318 = tpu.memref_squeeze %dma_wait3A_317 : memref<1x128x128xf32, #tpu.memory_space<hbm>> -> memref<128x128xf32, #tpu.memory_space<hbm>>
    %dma_wait3A_319 = arith.constant 0 : i32
    %dma_wait3A_320 = tpu.memref_slice %arg4[%arg0, %add3A_315, %dma_wait3A_319] : memref<2x10240x128xf32, #tpu.memory_space<hbm>> -> memref<1x128x128xf32, #tpu.memory_space<hbm>>
    %dma_wait3A_321 = tpu.memref_squeeze %dma_wait3A_320 : memref<1x128x128xf32, #tpu.memory_space<hbm>> -> memref<128x128xf32, #tpu.memory_space<hbm>>
    tpu.wait_dma2 semaphore(%arg16 : memref<!tpu.dma_semaphore, #tpu.memory_space<semaphore_mem>>) src(%arg6 : memref<128x128xf32, #tpu.memory_space<vmem>>) dst(%dma_wait3A_321 : memref<128x128xf32, #tpu.memory_space<hbm>>)
    "tpu.region"() ({
      %run_scoped3A = tpu.sem_alloc : memref<!tpu.dma_semaphore, #tpu.memory_space<semaphore_mem>>
      %dma_start3A_388 = arith.constant 0 : i32
      %dma_start3A_389 = tpu.memref_slice %arg5[%add3A_311, %dma_start3A_388] : memref<10240x128xf32, #tpu.memory_space<vmem_shared>> -> memref<128x128xf32, #tpu.memory_space<vmem_shared>>
      %dma_start3A_390 = arith.constant 0 : i32
      %dma_start3A_391 = tpu.memref_slice %arg5[%add3A_311, %dma_start3A_390] : memref<10240x128xf32, #tpu.memory_space<vmem_shared>> -> memref<128x128xf32, #tpu.memory_space<vmem_shared>>
      tpu.enqueue_dma source(%dma_start3A_391 : memref<128x128xf32, #tpu.memory_space<vmem_shared>>) target(%arg6 : memref<128x128xf32, #tpu.memory_space<vmem>>) target_semaphore(%run_scoped3A : memref<!tpu.dma_semaphore, #tpu.memory_space<semaphore_mem>>)
      %dma_wait3A_392 = arith.constant 0 : i32
      %dma_wait3A_393 = tpu.memref_slice %arg5[%add3A_311, %dma_wait3A_392] : memref<10240x128xf32, #tpu.memory_space<vmem_shared>> -> memref<128x128xf32, #tpu.memory_space<vmem_shared>>
      %dma_wait3A_394 = arith.constant 0 : i32
      %dma_wait3A_395 = tpu.memref_slice %arg5[%add3A_311, %dma_wait3A_394] : memref<10240x128xf32, #tpu.memory_space<vmem_shared>> -> memref<128x128xf32, #tpu.memory_space<vmem_shared>>
      tpu.wait_dma2 semaphore(%run_scoped3A : memref<!tpu.dma_semaphore, #tpu.memory_space<semaphore_mem>>) src(%dma_wait3A_395 : memref<128x128xf32, #tpu.memory_space<vmem_shared>>) dst(%arg6 : memref<128x128xf32, #tpu.memory_space<vmem>>)
      tpu.yield
    }) : () -> ()
    %dma_start3A_322 = arith.constant 0 : i32
    %dma_start3A_323 = tpu.memref_slice %arg4[%arg0, %add3A_311, %dma_start3A_322] : memref<2x10240x128xf32, #tpu.memory_space<hbm>> -> memref<1x128x128xf32, #tpu.memory_space<hbm>>
    %dma_start3A_324 = tpu.memref_squeeze %dma_start3A_323 : memref<1x128x128xf32, #tpu.memory_space<hbm>> -> memref<128x128xf32, #tpu.memory_space<hbm>>
    %dma_start3A_325 = arith.constant 0 : i32
    %dma_start3A_326 = tpu.memref_slice %arg4[%arg0, %add3A_311, %dma_start3A_325] : memref<2x10240x128xf32, #tpu.memory_space<hbm>> -> memref<1x128x128xf32, #tpu.memory_space<hbm>>
    %dma_start3A_327 = tpu.memref_squeeze %dma_start3A_326 : memref<1x128x128xf32, #tpu.memory_space<hbm>> -> memref<128x128xf32, #tpu.memory_space<hbm>>
    tpu.enqueue_dma source(%arg6 : memref<128x128xf32, #tpu.memory_space<vmem>>) target(%dma_start3A_327 : memref<128x128xf32, #tpu.memory_space<hbm>>) target_semaphore(%arg16 : memref<!tpu.dma_semaphore, #tpu.memory_space<semaphore_mem>>)
    %mul3A_328 = arith.constant 640 : i32
    %mul3A_329 = arith.muli %arg1, %mul3A_328 : i32
    %add3A_330 = arith.constant 384 : i32
    %add3A_331 = arith.addi %mul3A_329, %add3A_330 : i32
    %mul3A_332 = arith.constant 640 : i32
    %mul3A_333 = arith.muli %arg1, %mul3A_332 : i32
    %add3A_334 = arith.constant 128 : i32
    %add3A_335 = arith.addi %mul3A_333, %add3A_334 : i32
    %dma_wait3A_336 = arith.constant 0 : i32
    %dma_wait3A_337 = tpu.memref_slice %arg4[%arg0, %add3A_335, %dma_wait3A_336] : memref<2x10240x128xf32, #tpu.memory_space<hbm>> -> memref<1x128x128xf32, #tpu.memory_space<hbm>>
    %dma_wait3A_338 = tpu.memref_squeeze %dma_wait3A_337 : memref<1x128x128xf32, #tpu.memory_space<hbm>> -> memref<128x128xf32, #tpu.memory_space<hbm>>
    %dma_wait3A_339 = arith.constant 0 : i32
    %dma_wait3A_340 = tpu.memref_slice %arg4[%arg0, %add3A_335, %dma_wait3A_339] : memref<2x10240x128xf32, #tpu.memory_space<hbm>> -> memref<1x128x128xf32, #tpu.memory_space<hbm>>
    %dma_wait3A_341 = tpu.memref_squeeze %dma_wait3A_340 : memref<1x128x128xf32, #tpu.memory_space<hbm>> -> memref<128x128xf32, #tpu.memory_space<hbm>>
    tpu.wait_dma2 semaphore(%arg17 : memref<!tpu.dma_semaphore, #tpu.memory_space<semaphore_mem>>) src(%arg7 : memref<128x128xf32, #tpu.memory_space<vmem>>) dst(%dma_wait3A_341 : memref<128x128xf32, #tpu.memory_space<hbm>>)
    "tpu.region"() ({
      %run_scoped3A = tpu.sem_alloc : memref<!tpu.dma_semaphore, #tpu.memory_space<semaphore_mem>>
      %dma_start3A_388 = arith.constant 0 : i32
      %dma_start3A_389 = tpu.memref_slice %arg5[%add3A_331, %dma_start3A_388] : memref<10240x128xf32, #tpu.memory_space<vmem_shared>> -> memref<128x128xf32, #tpu.memory_space<vmem_shared>>
      %dma_start3A_390 = arith.constant 0 : i32
      %dma_start3A_391 = tpu.memref_slice %arg5[%add3A_331, %dma_start3A_390] : memref<10240x128xf32, #tpu.memory_space<vmem_shared>> -> memref<128x128xf32, #tpu.memory_space<vmem_shared>>
      tpu.enqueue_dma source(%dma_start3A_391 : memref<128x128xf32, #tpu.memory_space<vmem_shared>>) target(%arg7 : memref<128x128xf32, #tpu.memory_space<vmem>>) target_semaphore(%run_scoped3A : memref<!tpu.dma_semaphore, #tpu.memory_space<semaphore_mem>>)
      %dma_wait3A_392 = arith.constant 0 : i32
      %dma_wait3A_393 = tpu.memref_slice %arg5[%add3A_331, %dma_wait3A_392] : memref<10240x128xf32, #tpu.memory_space<vmem_shared>> -> memref<128x128xf32, #tpu.memory_space<vmem_shared>>
      %dma_wait3A_394 = arith.constant 0 : i32
      %dma_wait3A_395 = tpu.memref_slice %arg5[%add3A_331, %dma_wait3A_394] : memref<10240x128xf32, #tpu.memory_space<vmem_shared>> -> memref<128x128xf32, #tpu.memory_space<vmem_shared>>
      tpu.wait_dma2 semaphore(%run_scoped3A : memref<!tpu.dma_semaphore, #tpu.memory_space<semaphore_mem>>) src(%dma_wait3A_395 : memref<128x128xf32, #tpu.memory_space<vmem_shared>>) dst(%arg7 : memref<128x128xf32, #tpu.memory_space<vmem>>)
      tpu.yield
    }) : () -> ()
    %dma_start3A_342 = arith.constant 0 : i32
    %dma_start3A_343 = tpu.memref_slice %arg4[%arg0, %add3A_331, %dma_start3A_342] : memref<2x10240x128xf32, #tpu.memory_space<hbm>> -> memref<1x128x128xf32, #tpu.memory_space<hbm>>
    %dma_start3A_344 = tpu.memref_squeeze %dma_start3A_343 : memref<1x128x128xf32, #tpu.memory_space<hbm>> -> memref<128x128xf32, #tpu.memory_space<hbm>>
    %dma_start3A_345 = arith.constant 0 : i32
    %dma_start3A_346 = tpu.memref_slice %arg4[%arg0, %add3A_331, %dma_start3A_345] : memref<2x10240x128xf32, #tpu.memory_space<hbm>> -> memref<1x128x128xf32, #tpu.memory_space<hbm>>
    %dma_start3A_347 = tpu.memref_squeeze %dma_start3A_346 : memref<1x128x128xf32, #tpu.memory_space<hbm>> -> memref<128x128xf32, #tpu.memory_space<hbm>>
    tpu.enqueue_dma source(%arg7 : memref<128x128xf32, #tpu.memory_space<vmem>>) target(%dma_start3A_347 : memref<128x128xf32, #tpu.memory_space<hbm>>) target_semaphore(%arg17 : memref<!tpu.dma_semaphore, #tpu.memory_space<semaphore_mem>>)
    %mul3A_348 = arith.constant 640 : i32
    %mul3A_349 = arith.muli %arg1, %mul3A_348 : i32
    %add3A_350 = arith.constant 512 : i32
    %add3A_351 = arith.addi %mul3A_349, %add3A_350 : i32
    %mul3A_352 = arith.constant 640 : i32
    %mul3A_353 = arith.muli %arg1, %mul3A_352 : i32
    %add3A_354 = arith.constant 256 : i32
    %add3A_355 = arith.addi %mul3A_353, %add3A_354 : i32
    %dma_wait3A_356 = arith.constant 0 : i32
    %dma_wait3A_357 = tpu.memref_slice %arg4[%arg0, %add3A_355, %dma_wait3A_356] : memref<2x10240x128xf32, #tpu.memory_space<hbm>> -> memref<1x128x128xf32, #tpu.memory_space<hbm>>
    %dma_wait3A_358 = tpu.memref_squeeze %dma_wait3A_357 : memref<1x128x128xf32, #tpu.memory_space<hbm>> -> memref<128x128xf32, #tpu.memory_space<hbm>>
    %dma_wait3A_359 = arith.constant 0 : i32
    %dma_wait3A_360 = tpu.memref_slice %arg4[%arg0, %add3A_355, %dma_wait3A_359] : memref<2x10240x128xf32, #tpu.memory_space<hbm>> -> memref<1x128x128xf32, #tpu.memory_space<hbm>>
    %dma_wait3A_361 = tpu.memref_squeeze %dma_wait3A_360 : memref<1x128x128xf32, #tpu.memory_space<hbm>> -> memref<128x128xf32, #tpu.memory_space<hbm>>
    tpu.wait_dma2 semaphore(%arg16 : memref<!tpu.dma_semaphore, #tpu.memory_space<semaphore_mem>>) src(%arg6 : memref<128x128xf32, #tpu.memory_space<vmem>>) dst(%dma_wait3A_361 : memref<128x128xf32, #tpu.memory_space<hbm>>)
    "tpu.region"() ({
      %run_scoped3A = tpu.sem_alloc : memref<!tpu.dma_semaphore, #tpu.memory_space<semaphore_mem>>
      %dma_start3A_388 = arith.constant 0 : i32
      %dma_start3A_389 = tpu.memref_slice %arg5[%add3A_351, %dma_start3A_388] : memref<10240x128xf32, #tpu.memory_space<vmem_shared>> -> memref<128x128xf32, #tpu.memory_space<vmem_shared>>
      %dma_start3A_390 = arith.constant 0 : i32
      %dma_start3A_391 = tpu.memref_slice %arg5[%add3A_351, %dma_start3A_390] : memref<10240x128xf32, #tpu.memory_space<vmem_shared>> -> memref<128x128xf32, #tpu.memory_space<vmem_shared>>
      tpu.enqueue_dma source(%dma_start3A_391 : memref<128x128xf32, #tpu.memory_space<vmem_shared>>) target(%arg6 : memref<128x128xf32, #tpu.memory_space<vmem>>) target_semaphore(%run_scoped3A : memref<!tpu.dma_semaphore, #tpu.memory_space<semaphore_mem>>)
      %dma_wait3A_392 = arith.constant 0 : i32
      %dma_wait3A_393 = tpu.memref_slice %arg5[%add3A_351, %dma_wait3A_392] : memref<10240x128xf32, #tpu.memory_space<vmem_shared>> -> memref<128x128xf32, #tpu.memory_space<vmem_shared>>
      %dma_wait3A_394 = arith.constant 0 : i32
      %dma_wait3A_395 = tpu.memref_slice %arg5[%add3A_351, %dma_wait3A_394] : memref<10240x128xf32, #tpu.memory_space<vmem_shared>> -> memref<128x128xf32, #tpu.memory_space<vmem_shared>>
      tpu.wait_dma2 semaphore(%run_scoped3A : memref<!tpu.dma_semaphore, #tpu.memory_space<semaphore_mem>>) src(%dma_wait3A_395 : memref<128x128xf32, #tpu.memory_space<vmem_shared>>) dst(%arg6 : memref<128x128xf32, #tpu.memory_space<vmem>>)
      tpu.yield
    }) : () -> ()
    %dma_start3A_362 = arith.constant 0 : i32
    %dma_start3A_363 = tpu.memref_slice %arg4[%arg0, %add3A_351, %dma_start3A_362] : memref<2x10240x128xf32, #tpu.memory_space<hbm>> -> memref<1x128x128xf32, #tpu.memory_space<hbm>>
    %dma_start3A_364 = tpu.memref_squeeze %dma_start3A_363 : memref<1x128x128xf32, #tpu.memory_space<hbm>> -> memref<128x128xf32, #tpu.memory_space<hbm>>
    %dma_start3A_365 = arith.constant 0 : i32
    %dma_start3A_366 = tpu.memref_slice %arg4[%arg0, %add3A_351, %dma_start3A_365] : memref<2x10240x128xf32, #tpu.memory_space<hbm>> -> memref<1x128x128xf32, #tpu.memory_space<hbm>>
    %dma_start3A_367 = tpu.memref_squeeze %dma_start3A_366 : memref<1x128x128xf32, #tpu.memory_space<hbm>> -> memref<128x128xf32, #tpu.memory_space<hbm>>
    tpu.enqueue_dma source(%arg6 : memref<128x128xf32, #tpu.memory_space<vmem>>) target(%dma_start3A_367 : memref<128x128xf32, #tpu.memory_space<hbm>>) target_semaphore(%arg16 : memref<!tpu.dma_semaphore, #tpu.memory_space<semaphore_mem>>)
    %mul3A_368 = arith.constant 640 : i32
    %mul3A_369 = arith.muli %arg1, %mul3A_368 : i32
    %add3A_370 = arith.constant 384 : i32
    %add3A_371 = arith.addi %mul3A_369, %add3A_370 : i32
    %dma_wait3A_372 = arith.constant 0 : i32
    %dma_wait3A_373 = tpu.memref_slice %arg4[%arg0, %add3A_371, %dma_wait3A_372] : memref<2x10240x128xf32, #tpu.memory_space<hbm>> -> memref<1x128x128xf32, #tpu.memory_space<hbm>>
    %dma_wait3A_374 = tpu.memref_squeeze %dma_wait3A_373 : memref<1x128x128xf32, #tpu.memory_space<hbm>> -> memref<128x128xf32, #tpu.memory_space<hbm>>
    %dma_wait3A_375 = arith.constant 0 : i32
    %dma_wait3A_376 = tpu.memref_slice %arg4[%arg0, %add3A_371, %dma_wait3A_375] : memref<2x10240x128xf32, #tpu.memory_space<hbm>> -> memref<1x128x128xf32, #tpu.memory_space<hbm>>
    %dma_wait3A_377 = tpu.memref_squeeze %dma_wait3A_376 : memref<1x128x128xf32, #tpu.memory_space<hbm>> -> memref<128x128xf32, #tpu.memory_space<hbm>>
    tpu.wait_dma2 semaphore(%arg17 : memref<!tpu.dma_semaphore, #tpu.memory_space<semaphore_mem>>) src(%arg7 : memref<128x128xf32, #tpu.memory_space<vmem>>) dst(%dma_wait3A_377 : memref<128x128xf32, #tpu.memory_space<hbm>>)
    %mul3A_378 = arith.constant 640 : i32
    %mul3A_379 = arith.muli %arg1, %mul3A_378 : i32
    %add3A_380 = arith.constant 512 : i32
    %add3A_381 = arith.addi %mul3A_379, %add3A_380 : i32
    %dma_wait3A_382 = arith.constant 0 : i32
    %dma_wait3A_383 = tpu.memref_slice %arg4[%arg0, %add3A_381, %dma_wait3A_382] : memref<2x10240x128xf32, #tpu.memory_space<hbm>> -> memref<1x128x128xf32, #tpu.memory_space<hbm>>
    %dma_wait3A_384 = tpu.memref_squeeze %dma_wait3A_383 : memref<1x128x128xf32, #tpu.memory_space<hbm>> -> memref<128x128xf32, #tpu.memory_space<hbm>>
    %dma_wait3A_385 = arith.constant 0 : i32
    %dma_wait3A_386 = tpu.memref_slice %arg4[%arg0, %add3A_381, %dma_wait3A_385] : memref<2x10240x128xf32, #tpu.memory_space<hbm>> -> memref<1x128x128xf32, #tpu.memory_space<hbm>>
    %dma_wait3A_387 = tpu.memref_squeeze %dma_wait3A_386 : memref<1x128x128xf32, #tpu.memory_space<hbm>> -> memref<128x128xf32, #tpu.memory_space<hbm>>
    tpu.wait_dma2 semaphore(%arg16 : memref<!tpu.dma_semaphore, #tpu.memory_space<semaphore_mem>>) src(%arg6 : memref<128x128xf32, #tpu.memory_space<vmem>>) dst(%dma_wait3A_387 : memref<128x128xf32, #tpu.memory_space<hbm>>)
    return
  }
}

#map = affine_map<(d0, d1) -> (0)>
#map1 = affine_map<(d0, d1) -> (0, 0, 0)>
module attributes {stable_mosaic.version = 14 : i64} {
  func.func @_degree_body(%arg0: i32, %arg1: i32, %arg2: memref<320000xi32, #tpu.memory_space<hbm>>, %arg3: memref<2x128x128xf32, #tpu.memory_space<hbm>>, %arg4: memref<16x128x128xf32, #tpu.memory_space<vmem_shared>>, %arg5: memref<10000xi32, #tpu.memory_space<vmem>>, %arg6: memref<128x128xf32, #tpu.memory_space<vmem>>, %arg7: memref<8x128xf32, #tpu.memory_space<vmem>>, %arg8: memref<8x128xf32, #tpu.memory_space<vmem>>) attributes {dimension_semantics = [#tpu.dimension_semantics<core_parallel>, #tpu.dimension_semantics<subcore_parallel>], iteration_bounds = array<i64: 2, 16>, scalar_prefetch = 0 : i64, scratch_operands = 5 : i64, tpu.core_type = #tpu.core_type<sc_vector_subcore>, window_params = [{transform_indices = #map}, {transform_indices = #map1}]} {
    %broadcast_in_dim3A = arith.constant 0.000000e+00 : f32
    %broadcast_in_dim3A_0 = vector.broadcast %broadcast_in_dim3A : f32 to vector<16xf32>
    %scan3A = arith.constant 0 : i32
    %scan3A_1 = arith.constant 1024 : i32
    %scan3A_2 = arith.addi %scan3A, %scan3A_1 : i32
    %scan3A_3 = arith.constant 1 : i32
    scf.for %scan3A_117 = %scan3A to %scan3A_2 step %scan3A_3  : i32 {
      %jit3A = arith.constant 8 : i32
      %div3A = arith.divsi %scan3A_117, %jit3A : i32
      %sign3A = arith.constant 0 : i32
      %sign3A_118 = arith.cmpi sgt, %scan3A_117, %sign3A : i32
      %sign3A_119 = arith.extui %sign3A_118 : i1 to i32
      %sign3A_120 = arith.constant 0 : i32
      %sign3A_121 = arith.cmpi slt, %scan3A_117, %sign3A_120 : i32
      %sign3A_122 = arith.extui %sign3A_121 : i1 to i32
      %sign3A_123 = arith.subi %sign3A_119, %sign3A_122 : i32
      %sign3A_124 = arith.constant 0 : i32
      %sign3A_125 = arith.cmpi sgt, %jit3A, %sign3A_124 : i32
      %sign3A_126 = arith.extui %sign3A_125 : i1 to i32
      %sign3A_127 = arith.constant 0 : i32
      %sign3A_128 = arith.cmpi slt, %jit3A, %sign3A_127 : i32
      %sign3A_129 = arith.extui %sign3A_128 : i1 to i32
      %sign3A_130 = arith.subi %sign3A_126, %sign3A_129 : i32
      %ne3A = arith.cmpi ne, %sign3A_123, %sign3A_130 : i32
      %rem3A = arith.remsi %scan3A_117, %jit3A : i32
      %ne3A_131 = arith.constant 0 : i32
      %ne3A_132 = arith.cmpi ne, %rem3A, %ne3A_131 : i32
      %and3A = arith.andi %ne3A, %ne3A_132 : i1
      %sub3A = arith.constant 1 : i32
      %sub3A_133 = arith.subi %div3A, %sub3A : i32
      %select_n3A = arith.select %and3A, %sub3A_133, %div3A : i32
      %jit3A_134 = arith.constant 8 : i32
      %eq3A = arith.constant 0 : i32
      %eq3A_135 = arith.cmpi eq, %jit3A_134, %eq3A : i32
      %jit3A_136 = arith.constant 1 : i32
      %select_n3A_137 = arith.select %eq3A_135, %jit3A_136, %jit3A_134 : i32
      %rem3A_138 = arith.remsi %scan3A_117, %select_n3A_137 : i32
      %ne3A_139 = arith.constant 0 : i32
      %ne3A_140 = arith.cmpi ne, %rem3A_138, %ne3A_139 : i32
      %lt3A = arith.constant 0 : i32
      %lt3A_141 = arith.cmpi slt, %rem3A_138, %lt3A : i32
      %lt3A_142 = arith.constant 0 : i32
      %lt3A_143 = arith.cmpi slt, %select_n3A_137, %lt3A_142 : i32
      %ne3A_144 = arith.xori %lt3A_141, %lt3A_143 : i1
      %and3A_145 = arith.andi %ne3A_144, %ne3A_140 : i1
      %add3A_146 = arith.addi %rem3A_138, %select_n3A_137 : i32
      %select_n3A_147 = arith.select %and3A_145, %add3A_146, %rem3A_138 : i32
      %mul3A_148 = arith.constant 16 : i32
      %mul3A_149 = arith.muli %select_n3A_147, %mul3A_148 : i32
      %swap3A = arith.index_cast %select_n3A : i32 to index
      %swap3A_150 = arith.index_cast %mul3A_149 : i32 to index
      %swap3A_151 = tpu.vector_load %arg6[%swap3A, %swap3A_150] {strides = array<i32>} : memref<128x128xf32, #tpu.memory_space<vmem>>, vector<16xf32>,
      tpu.vector_store %arg6[%swap3A, %swap3A_150], %broadcast_in_dim3A_0 {strides = array<i32>} : memref<128x128xf32, #tpu.memory_space<vmem>>, vector<16xf32>,
    }
    %scan3A_4 = arith.constant 1024 : i32
    %mul3A = arith.constant 16 : i32
    %mul3A_5 = arith.muli %arg0, %mul3A : i32
    %add3A = arith.addi %mul3A_5, %arg1 : i32
    %mul3A_6 = arith.constant 10000 : i32
    %mul3A_7 = arith.muli %add3A, %mul3A_6 : i32
    "tpu.region"() ({
      %run_scoped3A_117 = tpu.sem_alloc : memref<!tpu.dma_semaphore, #tpu.memory_space<semaphore_mem>>
      %dma_start3A = tpu.memref_slice %arg2[%mul3A_7] : memref<320000xi32, #tpu.memory_space<hbm>> -> memref<10000xi32, #tpu.memory_space<hbm>>
      %dma_start3A_118 = tpu.memref_slice %arg2[%mul3A_7] : memref<320000xi32, #tpu.memory_space<hbm>> -> memref<10000xi32, #tpu.memory_space<hbm>>
      tpu.enqueue_dma source(%dma_start3A_118 : memref<10000xi32, #tpu.memory_space<hbm>>) target(%arg5 : memref<10000xi32, #tpu.memory_space<vmem>>) target_semaphore(%run_scoped3A_117 : memref<!tpu.dma_semaphore, #tpu.memory_space<semaphore_mem>>)
      %dma_wait3A = tpu.memref_slice %arg2[%mul3A_7] : memref<320000xi32, #tpu.memory_space<hbm>> -> memref<10000xi32, #tpu.memory_space<hbm>>
      %dma_wait3A_119 = tpu.memref_slice %arg2[%mul3A_7] : memref<320000xi32, #tpu.memory_space<hbm>> -> memref<10000xi32, #tpu.memory_space<hbm>>
      tpu.wait_dma2 semaphore(%run_scoped3A_117 : memref<!tpu.dma_semaphore, #tpu.memory_space<semaphore_mem>>) src(%dma_wait3A_119 : memref<10000xi32, #tpu.memory_space<hbm>>) dst(%arg5 : memref<10000xi32, #tpu.memory_space<vmem>>)
      tpu.yield
    }) : () -> ()
    %broadcast_in_dim3A_8 = arith.constant 1.000000e+00 : f32
    %broadcast_in_dim3A_9 = vector.broadcast %broadcast_in_dim3A_8 : f32 to vector<16xf32>
    %scan3A_10 = arith.constant 0 : i32
    %scan3A_11 = arith.constant 625 : i32
    %scan3A_12 = arith.addi %scan3A_10, %scan3A_11 : i32
    %scan3A_13 = arith.constant 1 : i32
    scf.for %scan3A_117 = %scan3A_10 to %scan3A_12 step %scan3A_13  : i32 {
      %mul3A_118 = arith.constant 16 : i32
      %mul3A_119 = arith.muli %scan3A_117, %mul3A_118 : i32
      %get3A = arith.index_cast %mul3A_119 : i32 to index
      %get3A_120 = tpu.vector_load %arg5[%get3A] {strides = array<i32>} : memref<10000xi32, #tpu.memory_space<vmem>>, vector<16xi32>,
      %shift_right_logical3A = arith.constant 7 : i32
      %shift_right_logical3A_121 = vector.broadcast %shift_right_logical3A : i32 to vector<16xi32>
      %shift_right_logical3A_122 = arith.shrui %get3A_120, %shift_right_logical3A_121 : vector<16xi32>
      %and3A = arith.constant 127 : i32
      %and3A_123 = vector.broadcast %and3A : i32 to vector<16xi32>
      %and3A_124 = arith.andi %get3A_120, %and3A_123 : vector<16xi32>
      tpu.vector_store_idx %arg6[%shift_right_logical3A_122, %and3A_124], %broadcast_in_dim3A_9 {add = true} : memref<128x128xf32, #tpu.memory_space<vmem>>[vector<16xi32>, vector<16xi32>], vector<16xf32>,
    }
    %scan3A_14 = arith.constant 625 : i32
    "tpu.region"() ({
      %run_scoped3A_117 = tpu.sem_alloc : memref<!tpu.dma_semaphore, #tpu.memory_space<semaphore_mem>>
      %dma_start3A = arith.constant 0 : i32
      %dma_start3A_118 = arith.constant 0 : i32
      %dma_start3A_119 = tpu.memref_slice %arg4[%arg1, %dma_start3A, %dma_start3A_118] : memref<16x128x128xf32, #tpu.memory_space<vmem_shared>> -> memref<1x128x128xf32, #tpu.memory_space<vmem_shared>>
      %dma_start3A_120 = tpu.memref_squeeze %dma_start3A_119 : memref<1x128x128xf32, #tpu.memory_space<vmem_shared>> -> memref<128x128xf32, #tpu.memory_space<vmem_shared>>
      %dma_start3A_121 = arith.constant 0 : i32
      %dma_start3A_122 = arith.constant 0 : i32
      %dma_start3A_123 = tpu.memref_slice %arg4[%arg1, %dma_start3A_121, %dma_start3A_122] : memref<16x128x128xf32, #tpu.memory_space<vmem_shared>> -> memref<1x128x128xf32, #tpu.memory_space<vmem_shared>>
      %dma_start3A_124 = tpu.memref_squeeze %dma_start3A_123 : memref<1x128x128xf32, #tpu.memory_space<vmem_shared>> -> memref<128x128xf32, #tpu.memory_space<vmem_shared>>
      tpu.enqueue_dma source(%arg6 : memref<128x128xf32, #tpu.memory_space<vmem>>) target(%dma_start3A_124 : memref<128x128xf32, #tpu.memory_space<vmem_shared>>) target_semaphore(%run_scoped3A_117 : memref<!tpu.dma_semaphore, #tpu.memory_space<semaphore_mem>>)
      %dma_wait3A = arith.constant 0 : i32
      %dma_wait3A_125 = arith.constant 0 : i32
      %dma_wait3A_126 = tpu.memref_slice %arg4[%arg1, %dma_wait3A, %dma_wait3A_125] : memref<16x128x128xf32, #tpu.memory_space<vmem_shared>> -> memref<1x128x128xf32, #tpu.memory_space<vmem_shared>>
      %dma_wait3A_127 = tpu.memref_squeeze %dma_wait3A_126 : memref<1x128x128xf32, #tpu.memory_space<vmem_shared>> -> memref<128x128xf32, #tpu.memory_space<vmem_shared>>
      %dma_wait3A_128 = arith.constant 0 : i32
      %dma_wait3A_129 = arith.constant 0 : i32
      %dma_wait3A_130 = tpu.memref_slice %arg4[%arg1, %dma_wait3A_128, %dma_wait3A_129] : memref<16x128x128xf32, #tpu.memory_space<vmem_shared>> -> memref<1x128x128xf32, #tpu.memory_space<vmem_shared>>
      %dma_wait3A_131 = tpu.memref_squeeze %dma_wait3A_130 : memref<1x128x128xf32, #tpu.memory_space<vmem_shared>> -> memref<128x128xf32, #tpu.memory_space<vmem_shared>>
      tpu.wait_dma2 semaphore(%run_scoped3A_117 : memref<!tpu.dma_semaphore, #tpu.memory_space<semaphore_mem>>) src(%arg6 : memref<128x128xf32, #tpu.memory_space<vmem>>) dst(%dma_wait3A_131 : memref<128x128xf32, #tpu.memory_space<vmem_shared>>)
      tpu.yield
    }) : () -> ()
    %barrier3A = arith.constant 0 : index
    tpu.barrier barrier_id(%barrier3A)
    %mul3A_15 = arith.constant 8 : i32
    %mul3A_16 = arith.muli %arg1, %mul3A_15 : i32
    %scan3A_17 = arith.constant 0 : i32
    %scan3A_18 = arith.constant 64 : i32
    %scan3A_19 = arith.addi %scan3A_17, %scan3A_18 : i32
    %scan3A_20 = arith.constant 1 : i32
    scf.for %scan3A_117 = %scan3A_17 to %scan3A_19 step %scan3A_20  : i32 {
      %jit3A = arith.constant 8 : i32
      %div3A = arith.divsi %scan3A_117, %jit3A : i32
      %sign3A = arith.constant 0 : i32
      %sign3A_118 = arith.cmpi sgt, %scan3A_117, %sign3A : i32
      %sign3A_119 = arith.extui %sign3A_118 : i1 to i32
      %sign3A_120 = arith.constant 0 : i32
      %sign3A_121 = arith.cmpi slt, %scan3A_117, %sign3A_120 : i32
      %sign3A_122 = arith.extui %sign3A_121 : i1 to i32
      %sign3A_123 = arith.subi %sign3A_119, %sign3A_122 : i32
      %sign3A_124 = arith.constant 0 : i32
      %sign3A_125 = arith.cmpi sgt, %jit3A, %sign3A_124 : i32
      %sign3A_126 = arith.extui %sign3A_125 : i1 to i32
      %sign3A_127 = arith.constant 0 : i32
      %sign3A_128 = arith.cmpi slt, %jit3A, %sign3A_127 : i32
      %sign3A_129 = arith.extui %sign3A_128 : i1 to i32
      %sign3A_130 = arith.subi %sign3A_126, %sign3A_129 : i32
      %ne3A = arith.cmpi ne, %sign3A_123, %sign3A_130 : i32
      %rem3A = arith.remsi %scan3A_117, %jit3A : i32
      %ne3A_131 = arith.constant 0 : i32
      %ne3A_132 = arith.cmpi ne, %rem3A, %ne3A_131 : i32
      %and3A = arith.andi %ne3A, %ne3A_132 : i1
      %sub3A = arith.constant 1 : i32
      %sub3A_133 = arith.subi %div3A, %sub3A : i32
      %select_n3A = arith.select %and3A, %sub3A_133, %div3A : i32
      %jit3A_134 = arith.constant 8 : i32
      %eq3A = arith.constant 0 : i32
      %eq3A_135 = arith.cmpi eq, %jit3A_134, %eq3A : i32
      %jit3A_136 = arith.constant 1 : i32
      %select_n3A_137 = arith.select %eq3A_135, %jit3A_136, %jit3A_134 : i32
      %rem3A_138 = arith.remsi %scan3A_117, %select_n3A_137 : i32
      %ne3A_139 = arith.constant 0 : i32
      %ne3A_140 = arith.cmpi ne, %rem3A_138, %ne3A_139 : i32
      %lt3A = arith.constant 0 : i32
      %lt3A_141 = arith.cmpi slt, %rem3A_138, %lt3A : i32
      %lt3A_142 = arith.constant 0 : i32
      %lt3A_143 = arith.cmpi slt, %select_n3A_137, %lt3A_142 : i32
      %ne3A_144 = arith.xori %lt3A_141, %lt3A_143 : i1
      %and3A_145 = arith.andi %ne3A_144, %ne3A_140 : i1
      %add3A_146 = arith.addi %rem3A_138, %select_n3A_137 : i32
      %select_n3A_147 = arith.select %and3A_145, %add3A_146, %rem3A_138 : i32
      %mul3A_148 = arith.constant 16 : i32
      %mul3A_149 = arith.muli %select_n3A_147, %mul3A_148 : i32
      %swap3A = arith.index_cast %select_n3A : i32 to index
      %swap3A_150 = arith.index_cast %mul3A_149 : i32 to index
      %swap3A_151 = tpu.vector_load %arg7[%swap3A, %swap3A_150] {strides = array<i32>} : memref<8x128xf32, #tpu.memory_space<vmem>>, vector<16xf32>,
      tpu.vector_store %arg7[%swap3A, %swap3A_150], %broadcast_in_dim3A_0 {strides = array<i32>} : memref<8x128xf32, #tpu.memory_space<vmem>>, vector<16xf32>,
    }
    %scan3A_21 = arith.constant 64 : i32
    %run_scoped3A = arith.constant 0 : i32
    "tpu.region"() ({
      %run_scoped3A_117 = tpu.sem_alloc : memref<!tpu.dma_semaphore, #tpu.memory_space<semaphore_mem>>
      %dma_start3A = arith.constant 0 : i32
      %dma_start3A_118 = tpu.memref_slice %arg4[%run_scoped3A, %mul3A_16, %dma_start3A] : memref<16x128x128xf32, #tpu.memory_space<vmem_shared>> -> memref<1x8x128xf32, #tpu.memory_space<vmem_shared>>
      %dma_start3A_119 = tpu.memref_squeeze %dma_start3A_118 : memref<1x8x128xf32, #tpu.memory_space<vmem_shared>> -> memref<8x128xf32, #tpu.memory_space<vmem_shared>>
      %dma_start3A_120 = arith.constant 0 : i32
      %dma_start3A_121 = tpu.memref_slice %arg4[%run_scoped3A, %mul3A_16, %dma_start3A_120] : memref<16x128x128xf32, #tpu.memory_space<vmem_shared>> -> memref<1x8x128xf32, #tpu.memory_space<vmem_shared>>
      %dma_start3A_122 = tpu.memref_squeeze %dma_start3A_121 : memref<1x8x128xf32, #tpu.memory_space<vmem_shared>> -> memref<8x128xf32, #tpu.memory_space<vmem_shared>>
      tpu.enqueue_dma source(%dma_start3A_122 : memref<8x128xf32, #tpu.memory_space<vmem_shared>>) target(%arg8 : memref<8x128xf32, #tpu.memory_space<vmem>>) target_semaphore(%run_scoped3A_117 : memref<!tpu.dma_semaphore, #tpu.memory_space<semaphore_mem>>)
      %dma_wait3A = arith.constant 0 : i32
      %dma_wait3A_123 = tpu.memref_slice %arg4[%run_scoped3A, %mul3A_16, %dma_wait3A] : memref<16x128x128xf32, #tpu.memory_space<vmem_shared>> -> memref<1x8x128xf32, #tpu.memory_space<vmem_shared>>
      %dma_wait3A_124 = tpu.memref_squeeze %dma_wait3A_123 : memref<1x8x128xf32, #tpu.memory_space<vmem_shared>> -> memref<8x128xf32, #tpu.memory_space<vmem_shared>>
      %dma_wait3A_125 = arith.constant 0 : i32
      %dma_wait3A_126 = tpu.memref_slice %arg4[%run_scoped3A, %mul3A_16, %dma_wait3A_125] : memref<16x128x128xf32, #tpu.memory_space<vmem_shared>> -> memref<1x8x128xf32, #tpu.memory_space<vmem_shared>>
      %dma_wait3A_127 = tpu.memref_squeeze %dma_wait3A_126 : memref<1x8x128xf32, #tpu.memory_space<vmem_shared>> -> memref<8x128xf32, #tpu.memory_space<vmem_shared>>
      tpu.wait_dma2 semaphore(%run_scoped3A_117 : memref<!tpu.dma_semaphore, #tpu.memory_space<semaphore_mem>>) src(%dma_wait3A_127 : memref<8x128xf32, #tpu.memory_space<vmem_shared>>) dst(%arg8 : memref<8x128xf32, #tpu.memory_space<vmem>>)
      tpu.yield
    }) : () -> ()
    %scan3A_22 = arith.constant 0 : i32
    %scan3A_23 = arith.constant 64 : i32
    %scan3A_24 = arith.addi %scan3A_22, %scan3A_23 : i32
    %scan3A_25 = arith.constant 1 : i32
    scf.for %scan3A_117 = %scan3A_22 to %scan3A_24 step %scan3A_25  : i32 {
      %jit3A = arith.constant 8 : i32
      %div3A = arith.divsi %scan3A_117, %jit3A : i32
      %sign3A = arith.constant 0 : i32
      %sign3A_118 = arith.cmpi sgt, %scan3A_117, %sign3A : i32
      %sign3A_119 = arith.extui %sign3A_118 : i1 to i32
      %sign3A_120 = arith.constant 0 : i32
      %sign3A_121 = arith.cmpi slt, %scan3A_117, %sign3A_120 : i32
      %sign3A_122 = arith.extui %sign3A_121 : i1 to i32
      %sign3A_123 = arith.subi %sign3A_119, %sign3A_122 : i32
      %sign3A_124 = arith.constant 0 : i32
      %sign3A_125 = arith.cmpi sgt, %jit3A, %sign3A_124 : i32
      %sign3A_126 = arith.extui %sign3A_125 : i1 to i32
      %sign3A_127 = arith.constant 0 : i32
      %sign3A_128 = arith.cmpi slt, %jit3A, %sign3A_127 : i32
      %sign3A_129 = arith.extui %sign3A_128 : i1 to i32
      %sign3A_130 = arith.subi %sign3A_126, %sign3A_129 : i32
      %ne3A = arith.cmpi ne, %sign3A_123, %sign3A_130 : i32
      %rem3A = arith.remsi %scan3A_117, %jit3A : i32
      %ne3A_131 = arith.constant 0 : i32
      %ne3A_132 = arith.cmpi ne, %rem3A, %ne3A_131 : i32
      %and3A = arith.andi %ne3A, %ne3A_132 : i1
      %sub3A = arith.constant 1 : i32
      %sub3A_133 = arith.subi %div3A, %sub3A : i32
      %select_n3A = arith.select %and3A, %sub3A_133, %div3A : i32
      %jit3A_134 = arith.constant 8 : i32
      %eq3A = arith.constant 0 : i32
      %eq3A_135 = arith.cmpi eq, %jit3A_134, %eq3A : i32
      %jit3A_136 = arith.constant 1 : i32
      %select_n3A_137 = arith.select %eq3A_135, %jit3A_136, %jit3A_134 : i32
      %rem3A_138 = arith.remsi %scan3A_117, %select_n3A_137 : i32
      %ne3A_139 = arith.constant 0 : i32
      %ne3A_140 = arith.cmpi ne, %rem3A_138, %ne3A_139 : i32
      %lt3A = arith.constant 0 : i32
      %lt3A_141 = arith.cmpi slt, %rem3A_138, %lt3A : i32
      %lt3A_142 = arith.constant 0 : i32
      %lt3A_143 = arith.cmpi slt, %select_n3A_137, %lt3A_142 : i32
      %ne3A_144 = arith.xori %lt3A_141, %lt3A_143 : i1
      %and3A_145 = arith.andi %ne3A_144, %ne3A_140 : i1
      %add3A_146 = arith.addi %rem3A_138, %select_n3A_137 : i32
      %select_n3A_147 = arith.select %and3A_145, %add3A_146, %rem3A_138 : i32
      %mul3A_148 = arith.constant 16 : i32
      %mul3A_149 = arith.muli %select_n3A_147, %mul3A_148 : i32
      %get3A = arith.index_cast %select_n3A : i32 to index
      %get3A_150 = arith.index_cast %mul3A_149 : i32 to index
      %get3A_151 = tpu.vector_load %arg7[%get3A, %get3A_150] {strides = array<i32>} : memref<8x128xf32, #tpu.memory_space<vmem>>, vector<16xf32>,
      %get3A_152 = arith.index_cast %select_n3A : i32 to index
      %get3A_153 = arith.index_cast %mul3A_149 : i32 to index
      %get3A_154 = tpu.vector_load %arg8[%get3A_152, %get3A_153] {strides = array<i32>} : memref<8x128xf32, #tpu.memory_space<vmem>>, vector<16xf32>,
      %add3A_155 = arith.addf %get3A_151, %get3A_154 : vector<16xf32>
      %swap3A = arith.index_cast %select_n3A : i32 to index
      %swap3A_156 = arith.index_cast %mul3A_149 : i32 to index
      %swap3A_157 = tpu.vector_load %arg7[%swap3A, %swap3A_156] {strides = array<i32>} : memref<8x128xf32, #tpu.memory_space<vmem>>, vector<16xf32>,
      tpu.vector_store %arg7[%swap3A, %swap3A_156], %add3A_155 {strides = array<i32>} : memref<8x128xf32, #tpu.memory_space<vmem>>, vector<16xf32>,
    }
    %scan3A_26 = arith.constant 64 : i32
    %run_scoped3A_27 = arith.constant 1 : i32
    "tpu.region"() ({
      %run_scoped3A_117 = tpu.sem_alloc : memref<!tpu.dma_semaphore, #tpu.memory_space<semaphore_mem>>
      %dma_start3A = arith.constant 0 : i32
      %dma_start3A_118 = tpu.memref_slice %arg4[%run_scoped3A_27, %mul3A_16, %dma_start3A] : memref<16x128x128xf32, #tpu.memory_space<vmem_shared>> -> memref<1x8x128xf32, #tpu.memory_space<vmem_shared>>
      %dma_start3A_119 = tpu.memref_squeeze %dma_start3A_118 : memref<1x8x128xf32, #tpu.memory_space<vmem_shared>> -> memref<8x128xf32, #tpu.memory_space<vmem_shared>>
      %dma_start3A_120 = arith.constant 0 : i32
      %dma_start3A_121 = tpu.memref_slice %arg4[%run_scoped3A_27, %mul3A_16, %dma_start3A_120] : memref<16x128x128xf32, #tpu.memory_space<vmem_shared>> -> memref<1x8x128xf32, #tpu.memory_space<vmem_shared>>
      %dma_start3A_122 = tpu.memref_squeeze %dma_start3A_121 : memref<1x8x128xf32, #tpu.memory_space<vmem_shared>> -> memref<8x128xf32, #tpu.memory_space<vmem_shared>>
      tpu.enqueue_dma source(%dma_start3A_122 : memref<8x128xf32, #tpu.memory_space<vmem_shared>>) target(%arg8 : memref<8x128xf32, #tpu.memory_space<vmem>>) target_semaphore(%run_scoped3A_117 : memref<!tpu.dma_semaphore, #tpu.memory_space<semaphore_mem>>)
      %dma_wait3A = arith.constant 0 : i32
      %dma_wait3A_123 = tpu.memref_slice %arg4[%run_scoped3A_27, %mul3A_16, %dma_wait3A] : memref<16x128x128xf32, #tpu.memory_space<vmem_shared>> -> memref<1x8x128xf32, #tpu.memory_space<vmem_shared>>
      %dma_wait3A_124 = tpu.memref_squeeze %dma_wait3A_123 : memref<1x8x128xf32, #tpu.memory_space<vmem_shared>> -> memref<8x128xf32, #tpu.memory_space<vmem_shared>>
      %dma_wait3A_125 = arith.constant 0 : i32
      %dma_wait3A_126 = tpu.memref_slice %arg4[%run_scoped3A_27, %mul3A_16, %dma_wait3A_125] : memref<16x128x128xf32, #tpu.memory_space<vmem_shared>> -> memref<1x8x128xf32, #tpu.memory_space<vmem_shared>>
      %dma_wait3A_127 = tpu.memref_squeeze %dma_wait3A_126 : memref<1x8x128xf32, #tpu.memory_space<vmem_shared>> -> memref<8x128xf32, #tpu.memory_space<vmem_shared>>
      tpu.wait_dma2 semaphore(%run_scoped3A_117 : memref<!tpu.dma_semaphore, #tpu.memory_space<semaphore_mem>>) src(%dma_wait3A_127 : memref<8x128xf32, #tpu.memory_space<vmem_shared>>) dst(%arg8 : memref<8x128xf32, #tpu.memory_space<vmem>>)
      tpu.yield
    }) : () -> ()
    %scan3A_28 = arith.constant 0 : i32
    %scan3A_29 = arith.constant 64 : i32
    %scan3A_30 = arith.addi %scan3A_28, %scan3A_29 : i32
    %scan3A_31 = arith.constant 1 : i32
    scf.for %scan3A_117 = %scan3A_28 to %scan3A_30 step %scan3A_31  : i32 {
      %jit3A = arith.constant 8 : i32
      %div3A = arith.divsi %scan3A_117, %jit3A : i32
      %sign3A = arith.constant 0 : i32
      %sign3A_118 = arith.cmpi sgt, %scan3A_117, %sign3A : i32
      %sign3A_119 = arith.extui %sign3A_118 : i1 to i32
      %sign3A_120 = arith.constant 0 : i32
      %sign3A_121 = arith.cmpi slt, %scan3A_117, %sign3A_120 : i32
      %sign3A_122 = arith.extui %sign3A_121 : i1 to i32
      %sign3A_123 = arith.subi %sign3A_119, %sign3A_122 : i32
      %sign3A_124 = arith.constant 0 : i32
      %sign3A_125 = arith.cmpi sgt, %jit3A, %sign3A_124 : i32
      %sign3A_126 = arith.extui %sign3A_125 : i1 to i32
      %sign3A_127 = arith.constant 0 : i32
      %sign3A_128 = arith.cmpi slt, %jit3A, %sign3A_127 : i32
      %sign3A_129 = arith.extui %sign3A_128 : i1 to i32
      %sign3A_130 = arith.subi %sign3A_126, %sign3A_129 : i32
      %ne3A = arith.cmpi ne, %sign3A_123, %sign3A_130 : i32
      %rem3A = arith.remsi %scan3A_117, %jit3A : i32
      %ne3A_131 = arith.constant 0 : i32
      %ne3A_132 = arith.cmpi ne, %rem3A, %ne3A_131 : i32
      %and3A = arith.andi %ne3A, %ne3A_132 : i1
      %sub3A = arith.constant 1 : i32
      %sub3A_133 = arith.subi %div3A, %sub3A : i32
      %select_n3A = arith.select %and3A, %sub3A_133, %div3A : i32
      %jit3A_134 = arith.constant 8 : i32
      %eq3A = arith.constant 0 : i32
      %eq3A_135 = arith.cmpi eq, %jit3A_134, %eq3A : i32
      %jit3A_136 = arith.constant 1 : i32
      %select_n3A_137 = arith.select %eq3A_135, %jit3A_136, %jit3A_134 : i32
      %rem3A_138 = arith.remsi %scan3A_117, %select_n3A_137 : i32
      %ne3A_139 = arith.constant 0 : i32
      %ne3A_140 = arith.cmpi ne, %rem3A_138, %ne3A_139 : i32
      %lt3A = arith.constant 0 : i32
      %lt3A_141 = arith.cmpi slt, %rem3A_138, %lt3A : i32
      %lt3A_142 = arith.constant 0 : i32
      %lt3A_143 = arith.cmpi slt, %select_n3A_137, %lt3A_142 : i32
      %ne3A_144 = arith.xori %lt3A_141, %lt3A_143 : i1
      %and3A_145 = arith.andi %ne3A_144, %ne3A_140 : i1
      %add3A_146 = arith.addi %rem3A_138, %select_n3A_137 : i32
      %select_n3A_147 = arith.select %and3A_145, %add3A_146, %rem3A_138 : i32
      %mul3A_148 = arith.constant 16 : i32
      %mul3A_149 = arith.muli %select_n3A_147, %mul3A_148 : i32
      %get3A = arith.index_cast %select_n3A : i32 to index
      %get3A_150 = arith.index_cast %mul3A_149 : i32 to index
      %get3A_151 = tpu.vector_load %arg7[%get3A, %get3A_150] {strides = array<i32>} : memref<8x128xf32, #tpu.memory_space<vmem>>, vector<16xf32>,
      %get3A_152 = arith.index_cast %select_n3A : i32 to index
      %get3A_153 = arith.index_cast %mul3A_149 : i32 to index
      %get3A_154 = tpu.vector_load %arg8[%get3A_152, %get3A_153] {strides = array<i32>} : memref<8x128xf32, #tpu.memory_space<vmem>>, vector<16xf32>,
      %add3A_155 = arith.addf %get3A_151, %get3A_154 : vector<16xf32>
      %swap3A = arith.index_cast %select_n3A : i32 to index
      %swap3A_156 = arith.index_cast %mul3A_149 : i32 to index
      %swap3A_157 = tpu.vector_load %arg7[%swap3A, %swap3A_156] {strides = array<i32>} : memref<8x128xf32, #tpu.memory_space<vmem>>, vector<16xf32>,
      tpu.vector_store %arg7[%swap3A, %swap3A_156], %add3A_155 {strides = array<i32>} : memref<8x128xf32, #tpu.memory_space<vmem>>, vector<16xf32>,
    }
    %scan3A_32 = arith.constant 64 : i32
    %run_scoped3A_33 = arith.constant 2 : i32
    "tpu.region"() ({
      %run_scoped3A_117 = tpu.sem_alloc : memref<!tpu.dma_semaphore, #tpu.memory_space<semaphore_mem>>
      %dma_start3A = arith.constant 0 : i32
      %dma_start3A_118 = tpu.memref_slice %arg4[%run_scoped3A_33, %mul3A_16, %dma_start3A] : memref<16x128x128xf32, #tpu.memory_space<vmem_shared>> -> memref<1x8x128xf32, #tpu.memory_space<vmem_shared>>
      %dma_start3A_119 = tpu.memref_squeeze %dma_start3A_118 : memref<1x8x128xf32, #tpu.memory_space<vmem_shared>> -> memref<8x128xf32, #tpu.memory_space<vmem_shared>>
      %dma_start3A_120 = arith.constant 0 : i32
      %dma_start3A_121 = tpu.memref_slice %arg4[%run_scoped3A_33, %mul3A_16, %dma_start3A_120] : memref<16x128x128xf32, #tpu.memory_space<vmem_shared>> -> memref<1x8x128xf32, #tpu.memory_space<vmem_shared>>
      %dma_start3A_122 = tpu.memref_squeeze %dma_start3A_121 : memref<1x8x128xf32, #tpu.memory_space<vmem_shared>> -> memref<8x128xf32, #tpu.memory_space<vmem_shared>>
      tpu.enqueue_dma source(%dma_start3A_122 : memref<8x128xf32, #tpu.memory_space<vmem_shared>>) target(%arg8 : memref<8x128xf32, #tpu.memory_space<vmem>>) target_semaphore(%run_scoped3A_117 : memref<!tpu.dma_semaphore, #tpu.memory_space<semaphore_mem>>)
      %dma_wait3A = arith.constant 0 : i32
      %dma_wait3A_123 = tpu.memref_slice %arg4[%run_scoped3A_33, %mul3A_16, %dma_wait3A] : memref<16x128x128xf32, #tpu.memory_space<vmem_shared>> -> memref<1x8x128xf32, #tpu.memory_space<vmem_shared>>
      %dma_wait3A_124 = tpu.memref_squeeze %dma_wait3A_123 : memref<1x8x128xf32, #tpu.memory_space<vmem_shared>> -> memref<8x128xf32, #tpu.memory_space<vmem_shared>>
      %dma_wait3A_125 = arith.constant 0 : i32
      %dma_wait3A_126 = tpu.memref_slice %arg4[%run_scoped3A_33, %mul3A_16, %dma_wait3A_125] : memref<16x128x128xf32, #tpu.memory_space<vmem_shared>> -> memref<1x8x128xf32, #tpu.memory_space<vmem_shared>>
      %dma_wait3A_127 = tpu.memref_squeeze %dma_wait3A_126 : memref<1x8x128xf32, #tpu.memory_space<vmem_shared>> -> memref<8x128xf32, #tpu.memory_space<vmem_shared>>
      tpu.wait_dma2 semaphore(%run_scoped3A_117 : memref<!tpu.dma_semaphore, #tpu.memory_space<semaphore_mem>>) src(%dma_wait3A_127 : memref<8x128xf32, #tpu.memory_space<vmem_shared>>) dst(%arg8 : memref<8x128xf32, #tpu.memory_space<vmem>>)
      tpu.yield
    }) : () -> ()
    %scan3A_34 = arith.constant 0 : i32
    %scan3A_35 = arith.constant 64 : i32
    %scan3A_36 = arith.addi %scan3A_34, %scan3A_35 : i32
    %scan3A_37 = arith.constant 1 : i32
    scf.for %scan3A_117 = %scan3A_34 to %scan3A_36 step %scan3A_37  : i32 {
      %jit3A = arith.constant 8 : i32
      %div3A = arith.divsi %scan3A_117, %jit3A : i32
      %sign3A = arith.constant 0 : i32
      %sign3A_118 = arith.cmpi sgt, %scan3A_117, %sign3A : i32
      %sign3A_119 = arith.extui %sign3A_118 : i1 to i32
      %sign3A_120 = arith.constant 0 : i32
      %sign3A_121 = arith.cmpi slt, %scan3A_117, %sign3A_120 : i32
      %sign3A_122 = arith.extui %sign3A_121 : i1 to i32
      %sign3A_123 = arith.subi %sign3A_119, %sign3A_122 : i32
      %sign3A_124 = arith.constant 0 : i32
      %sign3A_125 = arith.cmpi sgt, %jit3A, %sign3A_124 : i32
      %sign3A_126 = arith.extui %sign3A_125 : i1 to i32
      %sign3A_127 = arith.constant 0 : i32
      %sign3A_128 = arith.cmpi slt, %jit3A, %sign3A_127 : i32
      %sign3A_129 = arith.extui %sign3A_128 : i1 to i32
      %sign3A_130 = arith.subi %sign3A_126, %sign3A_129 : i32
      %ne3A = arith.cmpi ne, %sign3A_123, %sign3A_130 : i32
      %rem3A = arith.remsi %scan3A_117, %jit3A : i32
      %ne3A_131 = arith.constant 0 : i32
      %ne3A_132 = arith.cmpi ne, %rem3A, %ne3A_131 : i32
      %and3A = arith.andi %ne3A, %ne3A_132 : i1
      %sub3A = arith.constant 1 : i32
      %sub3A_133 = arith.subi %div3A, %sub3A : i32
      %select_n3A = arith.select %and3A, %sub3A_133, %div3A : i32
      %jit3A_134 = arith.constant 8 : i32
      %eq3A = arith.constant 0 : i32
      %eq3A_135 = arith.cmpi eq, %jit3A_134, %eq3A : i32
      %jit3A_136 = arith.constant 1 : i32
      %select_n3A_137 = arith.select %eq3A_135, %jit3A_136, %jit3A_134 : i32
      %rem3A_138 = arith.remsi %scan3A_117, %select_n3A_137 : i32
      %ne3A_139 = arith.constant 0 : i32
      %ne3A_140 = arith.cmpi ne, %rem3A_138, %ne3A_139 : i32
      %lt3A = arith.constant 0 : i32
      %lt3A_141 = arith.cmpi slt, %rem3A_138, %lt3A : i32
      %lt3A_142 = arith.constant 0 : i32
      %lt3A_143 = arith.cmpi slt, %select_n3A_137, %lt3A_142 : i32
      %ne3A_144 = arith.xori %lt3A_141, %lt3A_143 : i1
      %and3A_145 = arith.andi %ne3A_144, %ne3A_140 : i1
      %add3A_146 = arith.addi %rem3A_138, %select_n3A_137 : i32
      %select_n3A_147 = arith.select %and3A_145, %add3A_146, %rem3A_138 : i32
      %mul3A_148 = arith.constant 16 : i32
      %mul3A_149 = arith.muli %select_n3A_147, %mul3A_148 : i32
      %get3A = arith.index_cast %select_n3A : i32 to index
      %get3A_150 = arith.index_cast %mul3A_149 : i32 to index
      %get3A_151 = tpu.vector_load %arg7[%get3A, %get3A_150] {strides = array<i32>} : memref<8x128xf32, #tpu.memory_space<vmem>>, vector<16xf32>,
      %get3A_152 = arith.index_cast %select_n3A : i32 to index
      %get3A_153 = arith.index_cast %mul3A_149 : i32 to index
      %get3A_154 = tpu.vector_load %arg8[%get3A_152, %get3A_153] {strides = array<i32>} : memref<8x128xf32, #tpu.memory_space<vmem>>, vector<16xf32>,
      %add3A_155 = arith.addf %get3A_151, %get3A_154 : vector<16xf32>
      %swap3A = arith.index_cast %select_n3A : i32 to index
      %swap3A_156 = arith.index_cast %mul3A_149 : i32 to index
      %swap3A_157 = tpu.vector_load %arg7[%swap3A, %swap3A_156] {strides = array<i32>} : memref<8x128xf32, #tpu.memory_space<vmem>>, vector<16xf32>,
      tpu.vector_store %arg7[%swap3A, %swap3A_156], %add3A_155 {strides = array<i32>} : memref<8x128xf32, #tpu.memory_space<vmem>>, vector<16xf32>,
    }
    %scan3A_38 = arith.constant 64 : i32
    %run_scoped3A_39 = arith.constant 3 : i32
    "tpu.region"() ({
      %run_scoped3A_117 = tpu.sem_alloc : memref<!tpu.dma_semaphore, #tpu.memory_space<semaphore_mem>>
      %dma_start3A = arith.constant 0 : i32
      %dma_start3A_118 = tpu.memref_slice %arg4[%run_scoped3A_39, %mul3A_16, %dma_start3A] : memref<16x128x128xf32, #tpu.memory_space<vmem_shared>> -> memref<1x8x128xf32, #tpu.memory_space<vmem_shared>>
      %dma_start3A_119 = tpu.memref_squeeze %dma_start3A_118 : memref<1x8x128xf32, #tpu.memory_space<vmem_shared>> -> memref<8x128xf32, #tpu.memory_space<vmem_shared>>
      %dma_start3A_120 = arith.constant 0 : i32
      %dma_start3A_121 = tpu.memref_slice %arg4[%run_scoped3A_39, %mul3A_16, %dma_start3A_120] : memref<16x128x128xf32, #tpu.memory_space<vmem_shared>> -> memref<1x8x128xf32, #tpu.memory_space<vmem_shared>>
      %dma_start3A_122 = tpu.memref_squeeze %dma_start3A_121 : memref<1x8x128xf32, #tpu.memory_space<vmem_shared>> -> memref<8x128xf32, #tpu.memory_space<vmem_shared>>
      tpu.enqueue_dma source(%dma_start3A_122 : memref<8x128xf32, #tpu.memory_space<vmem_shared>>) target(%arg8 : memref<8x128xf32, #tpu.memory_space<vmem>>) target_semaphore(%run_scoped3A_117 : memref<!tpu.dma_semaphore, #tpu.memory_space<semaphore_mem>>)
      %dma_wait3A = arith.constant 0 : i32
      %dma_wait3A_123 = tpu.memref_slice %arg4[%run_scoped3A_39, %mul3A_16, %dma_wait3A] : memref<16x128x128xf32, #tpu.memory_space<vmem_shared>> -> memref<1x8x128xf32, #tpu.memory_space<vmem_shared>>
      %dma_wait3A_124 = tpu.memref_squeeze %dma_wait3A_123 : memref<1x8x128xf32, #tpu.memory_space<vmem_shared>> -> memref<8x128xf32, #tpu.memory_space<vmem_shared>>
      %dma_wait3A_125 = arith.constant 0 : i32
      %dma_wait3A_126 = tpu.memref_slice %arg4[%run_scoped3A_39, %mul3A_16, %dma_wait3A_125] : memref<16x128x128xf32, #tpu.memory_space<vmem_shared>> -> memref<1x8x128xf32, #tpu.memory_space<vmem_shared>>
      %dma_wait3A_127 = tpu.memref_squeeze %dma_wait3A_126 : memref<1x8x128xf32, #tpu.memory_space<vmem_shared>> -> memref<8x128xf32, #tpu.memory_space<vmem_shared>>
      tpu.wait_dma2 semaphore(%run_scoped3A_117 : memref<!tpu.dma_semaphore, #tpu.memory_space<semaphore_mem>>) src(%dma_wait3A_127 : memref<8x128xf32, #tpu.memory_space<vmem_shared>>) dst(%arg8 : memref<8x128xf32, #tpu.memory_space<vmem>>)
      tpu.yield
    }) : () -> ()
    %scan3A_40 = arith.constant 0 : i32
    %scan3A_41 = arith.constant 64 : i32
    %scan3A_42 = arith.addi %scan3A_40, %scan3A_41 : i32
    %scan3A_43 = arith.constant 1 : i32
    scf.for %scan3A_117 = %scan3A_40 to %scan3A_42 step %scan3A_43  : i32 {
      %jit3A = arith.constant 8 : i32
      %div3A = arith.divsi %scan3A_117, %jit3A : i32
      %sign3A = arith.constant 0 : i32
      %sign3A_118 = arith.cmpi sgt, %scan3A_117, %sign3A : i32
      %sign3A_119 = arith.extui %sign3A_118 : i1 to i32
      %sign3A_120 = arith.constant 0 : i32
      %sign3A_121 = arith.cmpi slt, %scan3A_117, %sign3A_120 : i32
      %sign3A_122 = arith.extui %sign3A_121 : i1 to i32
      %sign3A_123 = arith.subi %sign3A_119, %sign3A_122 : i32
      %sign3A_124 = arith.constant 0 : i32
      %sign3A_125 = arith.cmpi sgt, %jit3A, %sign3A_124 : i32
      %sign3A_126 = arith.extui %sign3A_125 : i1 to i32
      %sign3A_127 = arith.constant 0 : i32
      %sign3A_128 = arith.cmpi slt, %jit3A, %sign3A_127 : i32
      %sign3A_129 = arith.extui %sign3A_128 : i1 to i32
      %sign3A_130 = arith.subi %sign3A_126, %sign3A_129 : i32
      %ne3A = arith.cmpi ne, %sign3A_123, %sign3A_130 : i32
      %rem3A = arith.remsi %scan3A_117, %jit3A : i32
      %ne3A_131 = arith.constant 0 : i32
      %ne3A_132 = arith.cmpi ne, %rem3A, %ne3A_131 : i32
      %and3A = arith.andi %ne3A, %ne3A_132 : i1
      %sub3A = arith.constant 1 : i32
      %sub3A_133 = arith.subi %div3A, %sub3A : i32
      %select_n3A = arith.select %and3A, %sub3A_133, %div3A : i32
      %jit3A_134 = arith.constant 8 : i32
      %eq3A = arith.constant 0 : i32
      %eq3A_135 = arith.cmpi eq, %jit3A_134, %eq3A : i32
      %jit3A_136 = arith.constant 1 : i32
      %select_n3A_137 = arith.select %eq3A_135, %jit3A_136, %jit3A_134 : i32
      %rem3A_138 = arith.remsi %scan3A_117, %select_n3A_137 : i32
      %ne3A_139 = arith.constant 0 : i32
      %ne3A_140 = arith.cmpi ne, %rem3A_138, %ne3A_139 : i32
      %lt3A = arith.constant 0 : i32
      %lt3A_141 = arith.cmpi slt, %rem3A_138, %lt3A : i32
      %lt3A_142 = arith.constant 0 : i32
      %lt3A_143 = arith.cmpi slt, %select_n3A_137, %lt3A_142 : i32
      %ne3A_144 = arith.xori %lt3A_141, %lt3A_143 : i1
      %and3A_145 = arith.andi %ne3A_144, %ne3A_140 : i1
      %add3A_146 = arith.addi %rem3A_138, %select_n3A_137 : i32
      %select_n3A_147 = arith.select %and3A_145, %add3A_146, %rem3A_138 : i32
      %mul3A_148 = arith.constant 16 : i32
      %mul3A_149 = arith.muli %select_n3A_147, %mul3A_148 : i32
      %get3A = arith.index_cast %select_n3A : i32 to index
      %get3A_150 = arith.index_cast %mul3A_149 : i32 to index
      %get3A_151 = tpu.vector_load %arg7[%get3A, %get3A_150] {strides = array<i32>} : memref<8x128xf32, #tpu.memory_space<vmem>>, vector<16xf32>,
      %get3A_152 = arith.index_cast %select_n3A : i32 to index
      %get3A_153 = arith.index_cast %mul3A_149 : i32 to index
      %get3A_154 = tpu.vector_load %arg8[%get3A_152, %get3A_153] {strides = array<i32>} : memref<8x128xf32, #tpu.memory_space<vmem>>, vector<16xf32>,
      %add3A_155 = arith.addf %get3A_151, %get3A_154 : vector<16xf32>
      %swap3A = arith.index_cast %select_n3A : i32 to index
      %swap3A_156 = arith.index_cast %mul3A_149 : i32 to index
      %swap3A_157 = tpu.vector_load %arg7[%swap3A, %swap3A_156] {strides = array<i32>} : memref<8x128xf32, #tpu.memory_space<vmem>>, vector<16xf32>,
      tpu.vector_store %arg7[%swap3A, %swap3A_156], %add3A_155 {strides = array<i32>} : memref<8x128xf32, #tpu.memory_space<vmem>>, vector<16xf32>,
    }
    %scan3A_44 = arith.constant 64 : i32
    %run_scoped3A_45 = arith.constant 4 : i32
    "tpu.region"() ({
      %run_scoped3A_117 = tpu.sem_alloc : memref<!tpu.dma_semaphore, #tpu.memory_space<semaphore_mem>>
      %dma_start3A = arith.constant 0 : i32
      %dma_start3A_118 = tpu.memref_slice %arg4[%run_scoped3A_45, %mul3A_16, %dma_start3A] : memref<16x128x128xf32, #tpu.memory_space<vmem_shared>> -> memref<1x8x128xf32, #tpu.memory_space<vmem_shared>>
      %dma_start3A_119 = tpu.memref_squeeze %dma_start3A_118 : memref<1x8x128xf32, #tpu.memory_space<vmem_shared>> -> memref<8x128xf32, #tpu.memory_space<vmem_shared>>
      %dma_start3A_120 = arith.constant 0 : i32
      %dma_start3A_121 = tpu.memref_slice %arg4[%run_scoped3A_45, %mul3A_16, %dma_start3A_120] : memref<16x128x128xf32, #tpu.memory_space<vmem_shared>> -> memref<1x8x128xf32, #tpu.memory_space<vmem_shared>>
      %dma_start3A_122 = tpu.memref_squeeze %dma_start3A_121 : memref<1x8x128xf32, #tpu.memory_space<vmem_shared>> -> memref<8x128xf32, #tpu.memory_space<vmem_shared>>
      tpu.enqueue_dma source(%dma_start3A_122 : memref<8x128xf32, #tpu.memory_space<vmem_shared>>) target(%arg8 : memref<8x128xf32, #tpu.memory_space<vmem>>) target_semaphore(%run_scoped3A_117 : memref<!tpu.dma_semaphore, #tpu.memory_space<semaphore_mem>>)
      %dma_wait3A = arith.constant 0 : i32
      %dma_wait3A_123 = tpu.memref_slice %arg4[%run_scoped3A_45, %mul3A_16, %dma_wait3A] : memref<16x128x128xf32, #tpu.memory_space<vmem_shared>> -> memref<1x8x128xf32, #tpu.memory_space<vmem_shared>>
      %dma_wait3A_124 = tpu.memref_squeeze %dma_wait3A_123 : memref<1x8x128xf32, #tpu.memory_space<vmem_shared>> -> memref<8x128xf32, #tpu.memory_space<vmem_shared>>
      %dma_wait3A_125 = arith.constant 0 : i32
      %dma_wait3A_126 = tpu.memref_slice %arg4[%run_scoped3A_45, %mul3A_16, %dma_wait3A_125] : memref<16x128x128xf32, #tpu.memory_space<vmem_shared>> -> memref<1x8x128xf32, #tpu.memory_space<vmem_shared>>
      %dma_wait3A_127 = tpu.memref_squeeze %dma_wait3A_126 : memref<1x8x128xf32, #tpu.memory_space<vmem_shared>> -> memref<8x128xf32, #tpu.memory_space<vmem_shared>>
      tpu.wait_dma2 semaphore(%run_scoped3A_117 : memref<!tpu.dma_semaphore, #tpu.memory_space<semaphore_mem>>) src(%dma_wait3A_127 : memref<8x128xf32, #tpu.memory_space<vmem_shared>>) dst(%arg8 : memref<8x128xf32, #tpu.memory_space<vmem>>)
      tpu.yield
    }) : () -> ()
    %scan3A_46 = arith.constant 0 : i32
    %scan3A_47 = arith.constant 64 : i32
    %scan3A_48 = arith.addi %scan3A_46, %scan3A_47 : i32
    %scan3A_49 = arith.constant 1 : i32
    scf.for %scan3A_117 = %scan3A_46 to %scan3A_48 step %scan3A_49  : i32 {
      %jit3A = arith.constant 8 : i32
      %div3A = arith.divsi %scan3A_117, %jit3A : i32
      %sign3A = arith.constant 0 : i32
      %sign3A_118 = arith.cmpi sgt, %scan3A_117, %sign3A : i32
      %sign3A_119 = arith.extui %sign3A_118 : i1 to i32
      %sign3A_120 = arith.constant 0 : i32
      %sign3A_121 = arith.cmpi slt, %scan3A_117, %sign3A_120 : i32
      %sign3A_122 = arith.extui %sign3A_121 : i1 to i32
      %sign3A_123 = arith.subi %sign3A_119, %sign3A_122 : i32
      %sign3A_124 = arith.constant 0 : i32
      %sign3A_125 = arith.cmpi sgt, %jit3A, %sign3A_124 : i32
      %sign3A_126 = arith.extui %sign3A_125 : i1 to i32
      %sign3A_127 = arith.constant 0 : i32
      %sign3A_128 = arith.cmpi slt, %jit3A, %sign3A_127 : i32
      %sign3A_129 = arith.extui %sign3A_128 : i1 to i32
      %sign3A_130 = arith.subi %sign3A_126, %sign3A_129 : i32
      %ne3A = arith.cmpi ne, %sign3A_123, %sign3A_130 : i32
      %rem3A = arith.remsi %scan3A_117, %jit3A : i32
      %ne3A_131 = arith.constant 0 : i32
      %ne3A_132 = arith.cmpi ne, %rem3A, %ne3A_131 : i32
      %and3A = arith.andi %ne3A, %ne3A_132 : i1
      %sub3A = arith.constant 1 : i32
      %sub3A_133 = arith.subi %div3A, %sub3A : i32
      %select_n3A = arith.select %and3A, %sub3A_133, %div3A : i32
      %jit3A_134 = arith.constant 8 : i32
      %eq3A = arith.constant 0 : i32
      %eq3A_135 = arith.cmpi eq, %jit3A_134, %eq3A : i32
      %jit3A_136 = arith.constant 1 : i32
      %select_n3A_137 = arith.select %eq3A_135, %jit3A_136, %jit3A_134 : i32
      %rem3A_138 = arith.remsi %scan3A_117, %select_n3A_137 : i32
      %ne3A_139 = arith.constant 0 : i32
      %ne3A_140 = arith.cmpi ne, %rem3A_138, %ne3A_139 : i32
      %lt3A = arith.constant 0 : i32
      %lt3A_141 = arith.cmpi slt, %rem3A_138, %lt3A : i32
      %lt3A_142 = arith.constant 0 : i32
      %lt3A_143 = arith.cmpi slt, %select_n3A_137, %lt3A_142 : i32
      %ne3A_144 = arith.xori %lt3A_141, %lt3A_143 : i1
      %and3A_145 = arith.andi %ne3A_144, %ne3A_140 : i1
      %add3A_146 = arith.addi %rem3A_138, %select_n3A_137 : i32
      %select_n3A_147 = arith.select %and3A_145, %add3A_146, %rem3A_138 : i32
      %mul3A_148 = arith.constant 16 : i32
      %mul3A_149 = arith.muli %select_n3A_147, %mul3A_148 : i32
      %get3A = arith.index_cast %select_n3A : i32 to index
      %get3A_150 = arith.index_cast %mul3A_149 : i32 to index
      %get3A_151 = tpu.vector_load %arg7[%get3A, %get3A_150] {strides = array<i32>} : memref<8x128xf32, #tpu.memory_space<vmem>>, vector<16xf32>,
      %get3A_152 = arith.index_cast %select_n3A : i32 to index
      %get3A_153 = arith.index_cast %mul3A_149 : i32 to index
      %get3A_154 = tpu.vector_load %arg8[%get3A_152, %get3A_153] {strides = array<i32>} : memref<8x128xf32, #tpu.memory_space<vmem>>, vector<16xf32>,
      %add3A_155 = arith.addf %get3A_151, %get3A_154 : vector<16xf32>
      %swap3A = arith.index_cast %select_n3A : i32 to index
      %swap3A_156 = arith.index_cast %mul3A_149 : i32 to index
      %swap3A_157 = tpu.vector_load %arg7[%swap3A, %swap3A_156] {strides = array<i32>} : memref<8x128xf32, #tpu.memory_space<vmem>>, vector<16xf32>,
      tpu.vector_store %arg7[%swap3A, %swap3A_156], %add3A_155 {strides = array<i32>} : memref<8x128xf32, #tpu.memory_space<vmem>>, vector<16xf32>,
    }
    %scan3A_50 = arith.constant 64 : i32
    %run_scoped3A_51 = arith.constant 5 : i32
    "tpu.region"() ({
      %run_scoped3A_117 = tpu.sem_alloc : memref<!tpu.dma_semaphore, #tpu.memory_space<semaphore_mem>>
      %dma_start3A = arith.constant 0 : i32
      %dma_start3A_118 = tpu.memref_slice %arg4[%run_scoped3A_51, %mul3A_16, %dma_start3A] : memref<16x128x128xf32, #tpu.memory_space<vmem_shared>> -> memref<1x8x128xf32, #tpu.memory_space<vmem_shared>>
      %dma_start3A_119 = tpu.memref_squeeze %dma_start3A_118 : memref<1x8x128xf32, #tpu.memory_space<vmem_shared>> -> memref<8x128xf32, #tpu.memory_space<vmem_shared>>
      %dma_start3A_120 = arith.constant 0 : i32
      %dma_start3A_121 = tpu.memref_slice %arg4[%run_scoped3A_51, %mul3A_16, %dma_start3A_120] : memref<16x128x128xf32, #tpu.memory_space<vmem_shared>> -> memref<1x8x128xf32, #tpu.memory_space<vmem_shared>>
      %dma_start3A_122 = tpu.memref_squeeze %dma_start3A_121 : memref<1x8x128xf32, #tpu.memory_space<vmem_shared>> -> memref<8x128xf32, #tpu.memory_space<vmem_shared>>
      tpu.enqueue_dma source(%dma_start3A_122 : memref<8x128xf32, #tpu.memory_space<vmem_shared>>) target(%arg8 : memref<8x128xf32, #tpu.memory_space<vmem>>) target_semaphore(%run_scoped3A_117 : memref<!tpu.dma_semaphore, #tpu.memory_space<semaphore_mem>>)
      %dma_wait3A = arith.constant 0 : i32
      %dma_wait3A_123 = tpu.memref_slice %arg4[%run_scoped3A_51, %mul3A_16, %dma_wait3A] : memref<16x128x128xf32, #tpu.memory_space<vmem_shared>> -> memref<1x8x128xf32, #tpu.memory_space<vmem_shared>>
      %dma_wait3A_124 = tpu.memref_squeeze %dma_wait3A_123 : memref<1x8x128xf32, #tpu.memory_space<vmem_shared>> -> memref<8x128xf32, #tpu.memory_space<vmem_shared>>
      %dma_wait3A_125 = arith.constant 0 : i32
      %dma_wait3A_126 = tpu.memref_slice %arg4[%run_scoped3A_51, %mul3A_16, %dma_wait3A_125] : memref<16x128x128xf32, #tpu.memory_space<vmem_shared>> -> memref<1x8x128xf32, #tpu.memory_space<vmem_shared>>
      %dma_wait3A_127 = tpu.memref_squeeze %dma_wait3A_126 : memref<1x8x128xf32, #tpu.memory_space<vmem_shared>> -> memref<8x128xf32, #tpu.memory_space<vmem_shared>>
      tpu.wait_dma2 semaphore(%run_scoped3A_117 : memref<!tpu.dma_semaphore, #tpu.memory_space<semaphore_mem>>) src(%dma_wait3A_127 : memref<8x128xf32, #tpu.memory_space<vmem_shared>>) dst(%arg8 : memref<8x128xf32, #tpu.memory_space<vmem>>)
      tpu.yield
    }) : () -> ()
    %scan3A_52 = arith.constant 0 : i32
    %scan3A_53 = arith.constant 64 : i32
    %scan3A_54 = arith.addi %scan3A_52, %scan3A_53 : i32
    %scan3A_55 = arith.constant 1 : i32
    scf.for %scan3A_117 = %scan3A_52 to %scan3A_54 step %scan3A_55  : i32 {
      %jit3A = arith.constant 8 : i32
      %div3A = arith.divsi %scan3A_117, %jit3A : i32
      %sign3A = arith.constant 0 : i32
      %sign3A_118 = arith.cmpi sgt, %scan3A_117, %sign3A : i32
      %sign3A_119 = arith.extui %sign3A_118 : i1 to i32
      %sign3A_120 = arith.constant 0 : i32
      %sign3A_121 = arith.cmpi slt, %scan3A_117, %sign3A_120 : i32
      %sign3A_122 = arith.extui %sign3A_121 : i1 to i32
      %sign3A_123 = arith.subi %sign3A_119, %sign3A_122 : i32
      %sign3A_124 = arith.constant 0 : i32
      %sign3A_125 = arith.cmpi sgt, %jit3A, %sign3A_124 : i32
      %sign3A_126 = arith.extui %sign3A_125 : i1 to i32
      %sign3A_127 = arith.constant 0 : i32
      %sign3A_128 = arith.cmpi slt, %jit3A, %sign3A_127 : i32
      %sign3A_129 = arith.extui %sign3A_128 : i1 to i32
      %sign3A_130 = arith.subi %sign3A_126, %sign3A_129 : i32
      %ne3A = arith.cmpi ne, %sign3A_123, %sign3A_130 : i32
      %rem3A = arith.remsi %scan3A_117, %jit3A : i32
      %ne3A_131 = arith.constant 0 : i32
      %ne3A_132 = arith.cmpi ne, %rem3A, %ne3A_131 : i32
      %and3A = arith.andi %ne3A, %ne3A_132 : i1
      %sub3A = arith.constant 1 : i32
      %sub3A_133 = arith.subi %div3A, %sub3A : i32
      %select_n3A = arith.select %and3A, %sub3A_133, %div3A : i32
      %jit3A_134 = arith.constant 8 : i32
      %eq3A = arith.constant 0 : i32
      %eq3A_135 = arith.cmpi eq, %jit3A_134, %eq3A : i32
      %jit3A_136 = arith.constant 1 : i32
      %select_n3A_137 = arith.select %eq3A_135, %jit3A_136, %jit3A_134 : i32
      %rem3A_138 = arith.remsi %scan3A_117, %select_n3A_137 : i32
      %ne3A_139 = arith.constant 0 : i32
      %ne3A_140 = arith.cmpi ne, %rem3A_138, %ne3A_139 : i32
      %lt3A = arith.constant 0 : i32
      %lt3A_141 = arith.cmpi slt, %rem3A_138, %lt3A : i32
      %lt3A_142 = arith.constant 0 : i32
      %lt3A_143 = arith.cmpi slt, %select_n3A_137, %lt3A_142 : i32
      %ne3A_144 = arith.xori %lt3A_141, %lt3A_143 : i1
      %and3A_145 = arith.andi %ne3A_144, %ne3A_140 : i1
      %add3A_146 = arith.addi %rem3A_138, %select_n3A_137 : i32
      %select_n3A_147 = arith.select %and3A_145, %add3A_146, %rem3A_138 : i32
      %mul3A_148 = arith.constant 16 : i32
      %mul3A_149 = arith.muli %select_n3A_147, %mul3A_148 : i32
      %get3A = arith.index_cast %select_n3A : i32 to index
      %get3A_150 = arith.index_cast %mul3A_149 : i32 to index
      %get3A_151 = tpu.vector_load %arg7[%get3A, %get3A_150] {strides = array<i32>} : memref<8x128xf32, #tpu.memory_space<vmem>>, vector<16xf32>,
      %get3A_152 = arith.index_cast %select_n3A : i32 to index
      %get3A_153 = arith.index_cast %mul3A_149 : i32 to index
      %get3A_154 = tpu.vector_load %arg8[%get3A_152, %get3A_153] {strides = array<i32>} : memref<8x128xf32, #tpu.memory_space<vmem>>, vector<16xf32>,
      %add3A_155 = arith.addf %get3A_151, %get3A_154 : vector<16xf32>
      %swap3A = arith.index_cast %select_n3A : i32 to index
      %swap3A_156 = arith.index_cast %mul3A_149 : i32 to index
      %swap3A_157 = tpu.vector_load %arg7[%swap3A, %swap3A_156] {strides = array<i32>} : memref<8x128xf32, #tpu.memory_space<vmem>>, vector<16xf32>,
      tpu.vector_store %arg7[%swap3A, %swap3A_156], %add3A_155 {strides = array<i32>} : memref<8x128xf32, #tpu.memory_space<vmem>>, vector<16xf32>,
    }
    %scan3A_56 = arith.constant 64 : i32
    %run_scoped3A_57 = arith.constant 6 : i32
    "tpu.region"() ({
      %run_scoped3A_117 = tpu.sem_alloc : memref<!tpu.dma_semaphore, #tpu.memory_space<semaphore_mem>>
      %dma_start3A = arith.constant 0 : i32
      %dma_start3A_118 = tpu.memref_slice %arg4[%run_scoped3A_57, %mul3A_16, %dma_start3A] : memref<16x128x128xf32, #tpu.memory_space<vmem_shared>> -> memref<1x8x128xf32, #tpu.memory_space<vmem_shared>>
      %dma_start3A_119 = tpu.memref_squeeze %dma_start3A_118 : memref<1x8x128xf32, #tpu.memory_space<vmem_shared>> -> memref<8x128xf32, #tpu.memory_space<vmem_shared>>
      %dma_start3A_120 = arith.constant 0 : i32
      %dma_start3A_121 = tpu.memref_slice %arg4[%run_scoped3A_57, %mul3A_16, %dma_start3A_120] : memref<16x128x128xf32, #tpu.memory_space<vmem_shared>> -> memref<1x8x128xf32, #tpu.memory_space<vmem_shared>>
      %dma_start3A_122 = tpu.memref_squeeze %dma_start3A_121 : memref<1x8x128xf32, #tpu.memory_space<vmem_shared>> -> memref<8x128xf32, #tpu.memory_space<vmem_shared>>
      tpu.enqueue_dma source(%dma_start3A_122 : memref<8x128xf32, #tpu.memory_space<vmem_shared>>) target(%arg8 : memref<8x128xf32, #tpu.memory_space<vmem>>) target_semaphore(%run_scoped3A_117 : memref<!tpu.dma_semaphore, #tpu.memory_space<semaphore_mem>>)
      %dma_wait3A = arith.constant 0 : i32
      %dma_wait3A_123 = tpu.memref_slice %arg4[%run_scoped3A_57, %mul3A_16, %dma_wait3A] : memref<16x128x128xf32, #tpu.memory_space<vmem_shared>> -> memref<1x8x128xf32, #tpu.memory_space<vmem_shared>>
      %dma_wait3A_124 = tpu.memref_squeeze %dma_wait3A_123 : memref<1x8x128xf32, #tpu.memory_space<vmem_shared>> -> memref<8x128xf32, #tpu.memory_space<vmem_shared>>
      %dma_wait3A_125 = arith.constant 0 : i32
      %dma_wait3A_126 = tpu.memref_slice %arg4[%run_scoped3A_57, %mul3A_16, %dma_wait3A_125] : memref<16x128x128xf32, #tpu.memory_space<vmem_shared>> -> memref<1x8x128xf32, #tpu.memory_space<vmem_shared>>
      %dma_wait3A_127 = tpu.memref_squeeze %dma_wait3A_126 : memref<1x8x128xf32, #tpu.memory_space<vmem_shared>> -> memref<8x128xf32, #tpu.memory_space<vmem_shared>>
      tpu.wait_dma2 semaphore(%run_scoped3A_117 : memref<!tpu.dma_semaphore, #tpu.memory_space<semaphore_mem>>) src(%dma_wait3A_127 : memref<8x128xf32, #tpu.memory_space<vmem_shared>>) dst(%arg8 : memref<8x128xf32, #tpu.memory_space<vmem>>)
      tpu.yield
    }) : () -> ()
    %scan3A_58 = arith.constant 0 : i32
    %scan3A_59 = arith.constant 64 : i32
    %scan3A_60 = arith.addi %scan3A_58, %scan3A_59 : i32
    %scan3A_61 = arith.constant 1 : i32
    scf.for %scan3A_117 = %scan3A_58 to %scan3A_60 step %scan3A_61  : i32 {
      %jit3A = arith.constant 8 : i32
      %div3A = arith.divsi %scan3A_117, %jit3A : i32
      %sign3A = arith.constant 0 : i32
      %sign3A_118 = arith.cmpi sgt, %scan3A_117, %sign3A : i32
      %sign3A_119 = arith.extui %sign3A_118 : i1 to i32
      %sign3A_120 = arith.constant 0 : i32
      %sign3A_121 = arith.cmpi slt, %scan3A_117, %sign3A_120 : i32
      %sign3A_122 = arith.extui %sign3A_121 : i1 to i32
      %sign3A_123 = arith.subi %sign3A_119, %sign3A_122 : i32
      %sign3A_124 = arith.constant 0 : i32
      %sign3A_125 = arith.cmpi sgt, %jit3A, %sign3A_124 : i32
      %sign3A_126 = arith.extui %sign3A_125 : i1 to i32
      %sign3A_127 = arith.constant 0 : i32
      %sign3A_128 = arith.cmpi slt, %jit3A, %sign3A_127 : i32
      %sign3A_129 = arith.extui %sign3A_128 : i1 to i32
      %sign3A_130 = arith.subi %sign3A_126, %sign3A_129 : i32
      %ne3A = arith.cmpi ne, %sign3A_123, %sign3A_130 : i32
      %rem3A = arith.remsi %scan3A_117, %jit3A : i32
      %ne3A_131 = arith.constant 0 : i32
      %ne3A_132 = arith.cmpi ne, %rem3A, %ne3A_131 : i32
      %and3A = arith.andi %ne3A, %ne3A_132 : i1
      %sub3A = arith.constant 1 : i32
      %sub3A_133 = arith.subi %div3A, %sub3A : i32
      %select_n3A = arith.select %and3A, %sub3A_133, %div3A : i32
      %jit3A_134 = arith.constant 8 : i32
      %eq3A = arith.constant 0 : i32
      %eq3A_135 = arith.cmpi eq, %jit3A_134, %eq3A : i32
      %jit3A_136 = arith.constant 1 : i32
      %select_n3A_137 = arith.select %eq3A_135, %jit3A_136, %jit3A_134 : i32
      %rem3A_138 = arith.remsi %scan3A_117, %select_n3A_137 : i32
      %ne3A_139 = arith.constant 0 : i32
      %ne3A_140 = arith.cmpi ne, %rem3A_138, %ne3A_139 : i32
      %lt3A = arith.constant 0 : i32
      %lt3A_141 = arith.cmpi slt, %rem3A_138, %lt3A : i32
      %lt3A_142 = arith.constant 0 : i32
      %lt3A_143 = arith.cmpi slt, %select_n3A_137, %lt3A_142 : i32
      %ne3A_144 = arith.xori %lt3A_141, %lt3A_143 : i1
      %and3A_145 = arith.andi %ne3A_144, %ne3A_140 : i1
      %add3A_146 = arith.addi %rem3A_138, %select_n3A_137 : i32
      %select_n3A_147 = arith.select %and3A_145, %add3A_146, %rem3A_138 : i32
      %mul3A_148 = arith.constant 16 : i32
      %mul3A_149 = arith.muli %select_n3A_147, %mul3A_148 : i32
      %get3A = arith.index_cast %select_n3A : i32 to index
      %get3A_150 = arith.index_cast %mul3A_149 : i32 to index
      %get3A_151 = tpu.vector_load %arg7[%get3A, %get3A_150] {strides = array<i32>} : memref<8x128xf32, #tpu.memory_space<vmem>>, vector<16xf32>,
      %get3A_152 = arith.index_cast %select_n3A : i32 to index
      %get3A_153 = arith.index_cast %mul3A_149 : i32 to index
      %get3A_154 = tpu.vector_load %arg8[%get3A_152, %get3A_153] {strides = array<i32>} : memref<8x128xf32, #tpu.memory_space<vmem>>, vector<16xf32>,
      %add3A_155 = arith.addf %get3A_151, %get3A_154 : vector<16xf32>
      %swap3A = arith.index_cast %select_n3A : i32 to index
      %swap3A_156 = arith.index_cast %mul3A_149 : i32 to index
      %swap3A_157 = tpu.vector_load %arg7[%swap3A, %swap3A_156] {strides = array<i32>} : memref<8x128xf32, #tpu.memory_space<vmem>>, vector<16xf32>,
      tpu.vector_store %arg7[%swap3A, %swap3A_156], %add3A_155 {strides = array<i32>} : memref<8x128xf32, #tpu.memory_space<vmem>>, vector<16xf32>,
    }
    %scan3A_62 = arith.constant 64 : i32
    %run_scoped3A_63 = arith.constant 7 : i32
    "tpu.region"() ({
      %run_scoped3A_117 = tpu.sem_alloc : memref<!tpu.dma_semaphore, #tpu.memory_space<semaphore_mem>>
      %dma_start3A = arith.constant 0 : i32
      %dma_start3A_118 = tpu.memref_slice %arg4[%run_scoped3A_63, %mul3A_16, %dma_start3A] : memref<16x128x128xf32, #tpu.memory_space<vmem_shared>> -> memref<1x8x128xf32, #tpu.memory_space<vmem_shared>>
      %dma_start3A_119 = tpu.memref_squeeze %dma_start3A_118 : memref<1x8x128xf32, #tpu.memory_space<vmem_shared>> -> memref<8x128xf32, #tpu.memory_space<vmem_shared>>
      %dma_start3A_120 = arith.constant 0 : i32
      %dma_start3A_121 = tpu.memref_slice %arg4[%run_scoped3A_63, %mul3A_16, %dma_start3A_120] : memref<16x128x128xf32, #tpu.memory_space<vmem_shared>> -> memref<1x8x128xf32, #tpu.memory_space<vmem_shared>>
      %dma_start3A_122 = tpu.memref_squeeze %dma_start3A_121 : memref<1x8x128xf32, #tpu.memory_space<vmem_shared>> -> memref<8x128xf32, #tpu.memory_space<vmem_shared>>
      tpu.enqueue_dma source(%dma_start3A_122 : memref<8x128xf32, #tpu.memory_space<vmem_shared>>) target(%arg8 : memref<8x128xf32, #tpu.memory_space<vmem>>) target_semaphore(%run_scoped3A_117 : memref<!tpu.dma_semaphore, #tpu.memory_space<semaphore_mem>>)
      %dma_wait3A = arith.constant 0 : i32
      %dma_wait3A_123 = tpu.memref_slice %arg4[%run_scoped3A_63, %mul3A_16, %dma_wait3A] : memref<16x128x128xf32, #tpu.memory_space<vmem_shared>> -> memref<1x8x128xf32, #tpu.memory_space<vmem_shared>>
      %dma_wait3A_124 = tpu.memref_squeeze %dma_wait3A_123 : memref<1x8x128xf32, #tpu.memory_space<vmem_shared>> -> memref<8x128xf32, #tpu.memory_space<vmem_shared>>
      %dma_wait3A_125 = arith.constant 0 : i32
      %dma_wait3A_126 = tpu.memref_slice %arg4[%run_scoped3A_63, %mul3A_16, %dma_wait3A_125] : memref<16x128x128xf32, #tpu.memory_space<vmem_shared>> -> memref<1x8x128xf32, #tpu.memory_space<vmem_shared>>
      %dma_wait3A_127 = tpu.memref_squeeze %dma_wait3A_126 : memref<1x8x128xf32, #tpu.memory_space<vmem_shared>> -> memref<8x128xf32, #tpu.memory_space<vmem_shared>>
      tpu.wait_dma2 semaphore(%run_scoped3A_117 : memref<!tpu.dma_semaphore, #tpu.memory_space<semaphore_mem>>) src(%dma_wait3A_127 : memref<8x128xf32, #tpu.memory_space<vmem_shared>>) dst(%arg8 : memref<8x128xf32, #tpu.memory_space<vmem>>)
      tpu.yield
    }) : () -> ()
    %scan3A_64 = arith.constant 0 : i32
    %scan3A_65 = arith.constant 64 : i32
    %scan3A_66 = arith.addi %scan3A_64, %scan3A_65 : i32
    %scan3A_67 = arith.constant 1 : i32
    scf.for %scan3A_117 = %scan3A_64 to %scan3A_66 step %scan3A_67  : i32 {
      %jit3A = arith.constant 8 : i32
      %div3A = arith.divsi %scan3A_117, %jit3A : i32
      %sign3A = arith.constant 0 : i32
      %sign3A_118 = arith.cmpi sgt, %scan3A_117, %sign3A : i32
      %sign3A_119 = arith.extui %sign3A_118 : i1 to i32
      %sign3A_120 = arith.constant 0 : i32
      %sign3A_121 = arith.cmpi slt, %scan3A_117, %sign3A_120 : i32
      %sign3A_122 = arith.extui %sign3A_121 : i1 to i32
      %sign3A_123 = arith.subi %sign3A_119, %sign3A_122 : i32
      %sign3A_124 = arith.constant 0 : i32
      %sign3A_125 = arith.cmpi sgt, %jit3A, %sign3A_124 : i32
      %sign3A_126 = arith.extui %sign3A_125 : i1 to i32
      %sign3A_127 = arith.constant 0 : i32
      %sign3A_128 = arith.cmpi slt, %jit3A, %sign3A_127 : i32
      %sign3A_129 = arith.extui %sign3A_128 : i1 to i32
      %sign3A_130 = arith.subi %sign3A_126, %sign3A_129 : i32
      %ne3A = arith.cmpi ne, %sign3A_123, %sign3A_130 : i32
      %rem3A = arith.remsi %scan3A_117, %jit3A : i32
      %ne3A_131 = arith.constant 0 : i32
      %ne3A_132 = arith.cmpi ne, %rem3A, %ne3A_131 : i32
      %and3A = arith.andi %ne3A, %ne3A_132 : i1
      %sub3A = arith.constant 1 : i32
      %sub3A_133 = arith.subi %div3A, %sub3A : i32
      %select_n3A = arith.select %and3A, %sub3A_133, %div3A : i32
      %jit3A_134 = arith.constant 8 : i32
      %eq3A = arith.constant 0 : i32
      %eq3A_135 = arith.cmpi eq, %jit3A_134, %eq3A : i32
      %jit3A_136 = arith.constant 1 : i32
      %select_n3A_137 = arith.select %eq3A_135, %jit3A_136, %jit3A_134 : i32
      %rem3A_138 = arith.remsi %scan3A_117, %select_n3A_137 : i32
      %ne3A_139 = arith.constant 0 : i32
      %ne3A_140 = arith.cmpi ne, %rem3A_138, %ne3A_139 : i32
      %lt3A = arith.constant 0 : i32
      %lt3A_141 = arith.cmpi slt, %rem3A_138, %lt3A : i32
      %lt3A_142 = arith.constant 0 : i32
      %lt3A_143 = arith.cmpi slt, %select_n3A_137, %lt3A_142 : i32
      %ne3A_144 = arith.xori %lt3A_141, %lt3A_143 : i1
      %and3A_145 = arith.andi %ne3A_144, %ne3A_140 : i1
      %add3A_146 = arith.addi %rem3A_138, %select_n3A_137 : i32
      %select_n3A_147 = arith.select %and3A_145, %add3A_146, %rem3A_138 : i32
      %mul3A_148 = arith.constant 16 : i32
      %mul3A_149 = arith.muli %select_n3A_147, %mul3A_148 : i32
      %get3A = arith.index_cast %select_n3A : i32 to index
      %get3A_150 = arith.index_cast %mul3A_149 : i32 to index
      %get3A_151 = tpu.vector_load %arg7[%get3A, %get3A_150] {strides = array<i32>} : memref<8x128xf32, #tpu.memory_space<vmem>>, vector<16xf32>,
      %get3A_152 = arith.index_cast %select_n3A : i32 to index
      %get3A_153 = arith.index_cast %mul3A_149 : i32 to index
      %get3A_154 = tpu.vector_load %arg8[%get3A_152, %get3A_153] {strides = array<i32>} : memref<8x128xf32, #tpu.memory_space<vmem>>, vector<16xf32>,
      %add3A_155 = arith.addf %get3A_151, %get3A_154 : vector<16xf32>
      %swap3A = arith.index_cast %select_n3A : i32 to index
      %swap3A_156 = arith.index_cast %mul3A_149 : i32 to index
      %swap3A_157 = tpu.vector_load %arg7[%swap3A, %swap3A_156] {strides = array<i32>} : memref<8x128xf32, #tpu.memory_space<vmem>>, vector<16xf32>,
      tpu.vector_store %arg7[%swap3A, %swap3A_156], %add3A_155 {strides = array<i32>} : memref<8x128xf32, #tpu.memory_space<vmem>>, vector<16xf32>,
    }
    %scan3A_68 = arith.constant 64 : i32
    %run_scoped3A_69 = arith.constant 8 : i32
    "tpu.region"() ({
      %run_scoped3A_117 = tpu.sem_alloc : memref<!tpu.dma_semaphore, #tpu.memory_space<semaphore_mem>>
      %dma_start3A = arith.constant 0 : i32
      %dma_start3A_118 = tpu.memref_slice %arg4[%run_scoped3A_69, %mul3A_16, %dma_start3A] : memref<16x128x128xf32, #tpu.memory_space<vmem_shared>> -> memref<1x8x128xf32, #tpu.memory_space<vmem_shared>>
      %dma_start3A_119 = tpu.memref_squeeze %dma_start3A_118 : memref<1x8x128xf32, #tpu.memory_space<vmem_shared>> -> memref<8x128xf32, #tpu.memory_space<vmem_shared>>
      %dma_start3A_120 = arith.constant 0 : i32
      %dma_start3A_121 = tpu.memref_slice %arg4[%run_scoped3A_69, %mul3A_16, %dma_start3A_120] : memref<16x128x128xf32, #tpu.memory_space<vmem_shared>> -> memref<1x8x128xf32, #tpu.memory_space<vmem_shared>>
      %dma_start3A_122 = tpu.memref_squeeze %dma_start3A_121 : memref<1x8x128xf32, #tpu.memory_space<vmem_shared>> -> memref<8x128xf32, #tpu.memory_space<vmem_shared>>
      tpu.enqueue_dma source(%dma_start3A_122 : memref<8x128xf32, #tpu.memory_space<vmem_shared>>) target(%arg8 : memref<8x128xf32, #tpu.memory_space<vmem>>) target_semaphore(%run_scoped3A_117 : memref<!tpu.dma_semaphore, #tpu.memory_space<semaphore_mem>>)
      %dma_wait3A = arith.constant 0 : i32
      %dma_wait3A_123 = tpu.memref_slice %arg4[%run_scoped3A_69, %mul3A_16, %dma_wait3A] : memref<16x128x128xf32, #tpu.memory_space<vmem_shared>> -> memref<1x8x128xf32, #tpu.memory_space<vmem_shared>>
      %dma_wait3A_124 = tpu.memref_squeeze %dma_wait3A_123 : memref<1x8x128xf32, #tpu.memory_space<vmem_shared>> -> memref<8x128xf32, #tpu.memory_space<vmem_shared>>
      %dma_wait3A_125 = arith.constant 0 : i32
      %dma_wait3A_126 = tpu.memref_slice %arg4[%run_scoped3A_69, %mul3A_16, %dma_wait3A_125] : memref<16x128x128xf32, #tpu.memory_space<vmem_shared>> -> memref<1x8x128xf32, #tpu.memory_space<vmem_shared>>
      %dma_wait3A_127 = tpu.memref_squeeze %dma_wait3A_126 : memref<1x8x128xf32, #tpu.memory_space<vmem_shared>> -> memref<8x128xf32, #tpu.memory_space<vmem_shared>>
      tpu.wait_dma2 semaphore(%run_scoped3A_117 : memref<!tpu.dma_semaphore, #tpu.memory_space<semaphore_mem>>) src(%dma_wait3A_127 : memref<8x128xf32, #tpu.memory_space<vmem_shared>>) dst(%arg8 : memref<8x128xf32, #tpu.memory_space<vmem>>)
      tpu.yield
    }) : () -> ()
    %scan3A_70 = arith.constant 0 : i32
    %scan3A_71 = arith.constant 64 : i32
    %scan3A_72 = arith.addi %scan3A_70, %scan3A_71 : i32
    %scan3A_73 = arith.constant 1 : i32
    scf.for %scan3A_117 = %scan3A_70 to %scan3A_72 step %scan3A_73  : i32 {
      %jit3A = arith.constant 8 : i32
      %div3A = arith.divsi %scan3A_117, %jit3A : i32
      %sign3A = arith.constant 0 : i32
      %sign3A_118 = arith.cmpi sgt, %scan3A_117, %sign3A : i32
      %sign3A_119 = arith.extui %sign3A_118 : i1 to i32
      %sign3A_120 = arith.constant 0 : i32
      %sign3A_121 = arith.cmpi slt, %scan3A_117, %sign3A_120 : i32
      %sign3A_122 = arith.extui %sign3A_121 : i1 to i32
      %sign3A_123 = arith.subi %sign3A_119, %sign3A_122 : i32
      %sign3A_124 = arith.constant 0 : i32
      %sign3A_125 = arith.cmpi sgt, %jit3A, %sign3A_124 : i32
      %sign3A_126 = arith.extui %sign3A_125 : i1 to i32
      %sign3A_127 = arith.constant 0 : i32
      %sign3A_128 = arith.cmpi slt, %jit3A, %sign3A_127 : i32
      %sign3A_129 = arith.extui %sign3A_128 : i1 to i32
      %sign3A_130 = arith.subi %sign3A_126, %sign3A_129 : i32
      %ne3A = arith.cmpi ne, %sign3A_123, %sign3A_130 : i32
      %rem3A = arith.remsi %scan3A_117, %jit3A : i32
      %ne3A_131 = arith.constant 0 : i32
      %ne3A_132 = arith.cmpi ne, %rem3A, %ne3A_131 : i32
      %and3A = arith.andi %ne3A, %ne3A_132 : i1
      %sub3A = arith.constant 1 : i32
      %sub3A_133 = arith.subi %div3A, %sub3A : i32
      %select_n3A = arith.select %and3A, %sub3A_133, %div3A : i32
      %jit3A_134 = arith.constant 8 : i32
      %eq3A = arith.constant 0 : i32
      %eq3A_135 = arith.cmpi eq, %jit3A_134, %eq3A : i32
      %jit3A_136 = arith.constant 1 : i32
      %select_n3A_137 = arith.select %eq3A_135, %jit3A_136, %jit3A_134 : i32
      %rem3A_138 = arith.remsi %scan3A_117, %select_n3A_137 : i32
      %ne3A_139 = arith.constant 0 : i32
      %ne3A_140 = arith.cmpi ne, %rem3A_138, %ne3A_139 : i32
      %lt3A = arith.constant 0 : i32
      %lt3A_141 = arith.cmpi slt, %rem3A_138, %lt3A : i32
      %lt3A_142 = arith.constant 0 : i32
      %lt3A_143 = arith.cmpi slt, %select_n3A_137, %lt3A_142 : i32
      %ne3A_144 = arith.xori %lt3A_141, %lt3A_143 : i1
      %and3A_145 = arith.andi %ne3A_144, %ne3A_140 : i1
      %add3A_146 = arith.addi %rem3A_138, %select_n3A_137 : i32
      %select_n3A_147 = arith.select %and3A_145, %add3A_146, %rem3A_138 : i32
      %mul3A_148 = arith.constant 16 : i32
      %mul3A_149 = arith.muli %select_n3A_147, %mul3A_148 : i32
      %get3A = arith.index_cast %select_n3A : i32 to index
      %get3A_150 = arith.index_cast %mul3A_149 : i32 to index
      %get3A_151 = tpu.vector_load %arg7[%get3A, %get3A_150] {strides = array<i32>} : memref<8x128xf32, #tpu.memory_space<vmem>>, vector<16xf32>,
      %get3A_152 = arith.index_cast %select_n3A : i32 to index
      %get3A_153 = arith.index_cast %mul3A_149 : i32 to index
      %get3A_154 = tpu.vector_load %arg8[%get3A_152, %get3A_153] {strides = array<i32>} : memref<8x128xf32, #tpu.memory_space<vmem>>, vector<16xf32>,
      %add3A_155 = arith.addf %get3A_151, %get3A_154 : vector<16xf32>
      %swap3A = arith.index_cast %select_n3A : i32 to index
      %swap3A_156 = arith.index_cast %mul3A_149 : i32 to index
      %swap3A_157 = tpu.vector_load %arg7[%swap3A, %swap3A_156] {strides = array<i32>} : memref<8x128xf32, #tpu.memory_space<vmem>>, vector<16xf32>,
      tpu.vector_store %arg7[%swap3A, %swap3A_156], %add3A_155 {strides = array<i32>} : memref<8x128xf32, #tpu.memory_space<vmem>>, vector<16xf32>,
    }
    %scan3A_74 = arith.constant 64 : i32
    %run_scoped3A_75 = arith.constant 9 : i32
    "tpu.region"() ({
      %run_scoped3A_117 = tpu.sem_alloc : memref<!tpu.dma_semaphore, #tpu.memory_space<semaphore_mem>>
      %dma_start3A = arith.constant 0 : i32
      %dma_start3A_118 = tpu.memref_slice %arg4[%run_scoped3A_75, %mul3A_16, %dma_start3A] : memref<16x128x128xf32, #tpu.memory_space<vmem_shared>> -> memref<1x8x128xf32, #tpu.memory_space<vmem_shared>>
      %dma_start3A_119 = tpu.memref_squeeze %dma_start3A_118 : memref<1x8x128xf32, #tpu.memory_space<vmem_shared>> -> memref<8x128xf32, #tpu.memory_space<vmem_shared>>
      %dma_start3A_120 = arith.constant 0 : i32
      %dma_start3A_121 = tpu.memref_slice %arg4[%run_scoped3A_75, %mul3A_16, %dma_start3A_120] : memref<16x128x128xf32, #tpu.memory_space<vmem_shared>> -> memref<1x8x128xf32, #tpu.memory_space<vmem_shared>>
      %dma_start3A_122 = tpu.memref_squeeze %dma_start3A_121 : memref<1x8x128xf32, #tpu.memory_space<vmem_shared>> -> memref<8x128xf32, #tpu.memory_space<vmem_shared>>
      tpu.enqueue_dma source(%dma_start3A_122 : memref<8x128xf32, #tpu.memory_space<vmem_shared>>) target(%arg8 : memref<8x128xf32, #tpu.memory_space<vmem>>) target_semaphore(%run_scoped3A_117 : memref<!tpu.dma_semaphore, #tpu.memory_space<semaphore_mem>>)
      %dma_wait3A = arith.constant 0 : i32
      %dma_wait3A_123 = tpu.memref_slice %arg4[%run_scoped3A_75, %mul3A_16, %dma_wait3A] : memref<16x128x128xf32, #tpu.memory_space<vmem_shared>> -> memref<1x8x128xf32, #tpu.memory_space<vmem_shared>>
      %dma_wait3A_124 = tpu.memref_squeeze %dma_wait3A_123 : memref<1x8x128xf32, #tpu.memory_space<vmem_shared>> -> memref<8x128xf32, #tpu.memory_space<vmem_shared>>
      %dma_wait3A_125 = arith.constant 0 : i32
      %dma_wait3A_126 = tpu.memref_slice %arg4[%run_scoped3A_75, %mul3A_16, %dma_wait3A_125] : memref<16x128x128xf32, #tpu.memory_space<vmem_shared>> -> memref<1x8x128xf32, #tpu.memory_space<vmem_shared>>
      %dma_wait3A_127 = tpu.memref_squeeze %dma_wait3A_126 : memref<1x8x128xf32, #tpu.memory_space<vmem_shared>> -> memref<8x128xf32, #tpu.memory_space<vmem_shared>>
      tpu.wait_dma2 semaphore(%run_scoped3A_117 : memref<!tpu.dma_semaphore, #tpu.memory_space<semaphore_mem>>) src(%dma_wait3A_127 : memref<8x128xf32, #tpu.memory_space<vmem_shared>>) dst(%arg8 : memref<8x128xf32, #tpu.memory_space<vmem>>)
      tpu.yield
    }) : () -> ()
    %scan3A_76 = arith.constant 0 : i32
    %scan3A_77 = arith.constant 64 : i32
    %scan3A_78 = arith.addi %scan3A_76, %scan3A_77 : i32
    %scan3A_79 = arith.constant 1 : i32
    scf.for %scan3A_117 = %scan3A_76 to %scan3A_78 step %scan3A_79  : i32 {
      %jit3A = arith.constant 8 : i32
      %div3A = arith.divsi %scan3A_117, %jit3A : i32
      %sign3A = arith.constant 0 : i32
      %sign3A_118 = arith.cmpi sgt, %scan3A_117, %sign3A : i32
      %sign3A_119 = arith.extui %sign3A_118 : i1 to i32
      %sign3A_120 = arith.constant 0 : i32
      %sign3A_121 = arith.cmpi slt, %scan3A_117, %sign3A_120 : i32
      %sign3A_122 = arith.extui %sign3A_121 : i1 to i32
      %sign3A_123 = arith.subi %sign3A_119, %sign3A_122 : i32
      %sign3A_124 = arith.constant 0 : i32
      %sign3A_125 = arith.cmpi sgt, %jit3A, %sign3A_124 : i32
      %sign3A_126 = arith.extui %sign3A_125 : i1 to i32
      %sign3A_127 = arith.constant 0 : i32
      %sign3A_128 = arith.cmpi slt, %jit3A, %sign3A_127 : i32
      %sign3A_129 = arith.extui %sign3A_128 : i1 to i32
      %sign3A_130 = arith.subi %sign3A_126, %sign3A_129 : i32
      %ne3A = arith.cmpi ne, %sign3A_123, %sign3A_130 : i32
      %rem3A = arith.remsi %scan3A_117, %jit3A : i32
      %ne3A_131 = arith.constant 0 : i32
      %ne3A_132 = arith.cmpi ne, %rem3A, %ne3A_131 : i32
      %and3A = arith.andi %ne3A, %ne3A_132 : i1
      %sub3A = arith.constant 1 : i32
      %sub3A_133 = arith.subi %div3A, %sub3A : i32
      %select_n3A = arith.select %and3A, %sub3A_133, %div3A : i32
      %jit3A_134 = arith.constant 8 : i32
      %eq3A = arith.constant 0 : i32
      %eq3A_135 = arith.cmpi eq, %jit3A_134, %eq3A : i32
      %jit3A_136 = arith.constant 1 : i32
      %select_n3A_137 = arith.select %eq3A_135, %jit3A_136, %jit3A_134 : i32
      %rem3A_138 = arith.remsi %scan3A_117, %select_n3A_137 : i32
      %ne3A_139 = arith.constant 0 : i32
      %ne3A_140 = arith.cmpi ne, %rem3A_138, %ne3A_139 : i32
      %lt3A = arith.constant 0 : i32
      %lt3A_141 = arith.cmpi slt, %rem3A_138, %lt3A : i32
      %lt3A_142 = arith.constant 0 : i32
      %lt3A_143 = arith.cmpi slt, %select_n3A_137, %lt3A_142 : i32
      %ne3A_144 = arith.xori %lt3A_141, %lt3A_143 : i1
      %and3A_145 = arith.andi %ne3A_144, %ne3A_140 : i1
      %add3A_146 = arith.addi %rem3A_138, %select_n3A_137 : i32
      %select_n3A_147 = arith.select %and3A_145, %add3A_146, %rem3A_138 : i32
      %mul3A_148 = arith.constant 16 : i32
      %mul3A_149 = arith.muli %select_n3A_147, %mul3A_148 : i32
      %get3A = arith.index_cast %select_n3A : i32 to index
      %get3A_150 = arith.index_cast %mul3A_149 : i32 to index
      %get3A_151 = tpu.vector_load %arg7[%get3A, %get3A_150] {strides = array<i32>} : memref<8x128xf32, #tpu.memory_space<vmem>>, vector<16xf32>,
      %get3A_152 = arith.index_cast %select_n3A : i32 to index
      %get3A_153 = arith.index_cast %mul3A_149 : i32 to index
      %get3A_154 = tpu.vector_load %arg8[%get3A_152, %get3A_153] {strides = array<i32>} : memref<8x128xf32, #tpu.memory_space<vmem>>, vector<16xf32>,
      %add3A_155 = arith.addf %get3A_151, %get3A_154 : vector<16xf32>
      %swap3A = arith.index_cast %select_n3A : i32 to index
      %swap3A_156 = arith.index_cast %mul3A_149 : i32 to index
      %swap3A_157 = tpu.vector_load %arg7[%swap3A, %swap3A_156] {strides = array<i32>} : memref<8x128xf32, #tpu.memory_space<vmem>>, vector<16xf32>,
      tpu.vector_store %arg7[%swap3A, %swap3A_156], %add3A_155 {strides = array<i32>} : memref<8x128xf32, #tpu.memory_space<vmem>>, vector<16xf32>,
    }
    %scan3A_80 = arith.constant 64 : i32
    %run_scoped3A_81 = arith.constant 10 : i32
    "tpu.region"() ({
      %run_scoped3A_117 = tpu.sem_alloc : memref<!tpu.dma_semaphore, #tpu.memory_space<semaphore_mem>>
      %dma_start3A = arith.constant 0 : i32
      %dma_start3A_118 = tpu.memref_slice %arg4[%run_scoped3A_81, %mul3A_16, %dma_start3A] : memref<16x128x128xf32, #tpu.memory_space<vmem_shared>> -> memref<1x8x128xf32, #tpu.memory_space<vmem_shared>>
      %dma_start3A_119 = tpu.memref_squeeze %dma_start3A_118 : memref<1x8x128xf32, #tpu.memory_space<vmem_shared>> -> memref<8x128xf32, #tpu.memory_space<vmem_shared>>
      %dma_start3A_120 = arith.constant 0 : i32
      %dma_start3A_121 = tpu.memref_slice %arg4[%run_scoped3A_81, %mul3A_16, %dma_start3A_120] : memref<16x128x128xf32, #tpu.memory_space<vmem_shared>> -> memref<1x8x128xf32, #tpu.memory_space<vmem_shared>>
      %dma_start3A_122 = tpu.memref_squeeze %dma_start3A_121 : memref<1x8x128xf32, #tpu.memory_space<vmem_shared>> -> memref<8x128xf32, #tpu.memory_space<vmem_shared>>
      tpu.enqueue_dma source(%dma_start3A_122 : memref<8x128xf32, #tpu.memory_space<vmem_shared>>) target(%arg8 : memref<8x128xf32, #tpu.memory_space<vmem>>) target_semaphore(%run_scoped3A_117 : memref<!tpu.dma_semaphore, #tpu.memory_space<semaphore_mem>>)
      %dma_wait3A = arith.constant 0 : i32
      %dma_wait3A_123 = tpu.memref_slice %arg4[%run_scoped3A_81, %mul3A_16, %dma_wait3A] : memref<16x128x128xf32, #tpu.memory_space<vmem_shared>> -> memref<1x8x128xf32, #tpu.memory_space<vmem_shared>>
      %dma_wait3A_124 = tpu.memref_squeeze %dma_wait3A_123 : memref<1x8x128xf32, #tpu.memory_space<vmem_shared>> -> memref<8x128xf32, #tpu.memory_space<vmem_shared>>
      %dma_wait3A_125 = arith.constant 0 : i32
      %dma_wait3A_126 = tpu.memref_slice %arg4[%run_scoped3A_81, %mul3A_16, %dma_wait3A_125] : memref<16x128x128xf32, #tpu.memory_space<vmem_shared>> -> memref<1x8x128xf32, #tpu.memory_space<vmem_shared>>
      %dma_wait3A_127 = tpu.memref_squeeze %dma_wait3A_126 : memref<1x8x128xf32, #tpu.memory_space<vmem_shared>> -> memref<8x128xf32, #tpu.memory_space<vmem_shared>>
      tpu.wait_dma2 semaphore(%run_scoped3A_117 : memref<!tpu.dma_semaphore, #tpu.memory_space<semaphore_mem>>) src(%dma_wait3A_127 : memref<8x128xf32, #tpu.memory_space<vmem_shared>>) dst(%arg8 : memref<8x128xf32, #tpu.memory_space<vmem>>)
      tpu.yield
    }) : () -> ()
    %scan3A_82 = arith.constant 0 : i32
    %scan3A_83 = arith.constant 64 : i32
    %scan3A_84 = arith.addi %scan3A_82, %scan3A_83 : i32
    %scan3A_85 = arith.constant 1 : i32
    scf.for %scan3A_117 = %scan3A_82 to %scan3A_84 step %scan3A_85  : i32 {
      %jit3A = arith.constant 8 : i32
      %div3A = arith.divsi %scan3A_117, %jit3A : i32
      %sign3A = arith.constant 0 : i32
      %sign3A_118 = arith.cmpi sgt, %scan3A_117, %sign3A : i32
      %sign3A_119 = arith.extui %sign3A_118 : i1 to i32
      %sign3A_120 = arith.constant 0 : i32
      %sign3A_121 = arith.cmpi slt, %scan3A_117, %sign3A_120 : i32
      %sign3A_122 = arith.extui %sign3A_121 : i1 to i32
      %sign3A_123 = arith.subi %sign3A_119, %sign3A_122 : i32
      %sign3A_124 = arith.constant 0 : i32
      %sign3A_125 = arith.cmpi sgt, %jit3A, %sign3A_124 : i32
      %sign3A_126 = arith.extui %sign3A_125 : i1 to i32
      %sign3A_127 = arith.constant 0 : i32
      %sign3A_128 = arith.cmpi slt, %jit3A, %sign3A_127 : i32
      %sign3A_129 = arith.extui %sign3A_128 : i1 to i32
      %sign3A_130 = arith.subi %sign3A_126, %sign3A_129 : i32
      %ne3A = arith.cmpi ne, %sign3A_123, %sign3A_130 : i32
      %rem3A = arith.remsi %scan3A_117, %jit3A : i32
      %ne3A_131 = arith.constant 0 : i32
      %ne3A_132 = arith.cmpi ne, %rem3A, %ne3A_131 : i32
      %and3A = arith.andi %ne3A, %ne3A_132 : i1
      %sub3A = arith.constant 1 : i32
      %sub3A_133 = arith.subi %div3A, %sub3A : i32
      %select_n3A = arith.select %and3A, %sub3A_133, %div3A : i32
      %jit3A_134 = arith.constant 8 : i32
      %eq3A = arith.constant 0 : i32
      %eq3A_135 = arith.cmpi eq, %jit3A_134, %eq3A : i32
      %jit3A_136 = arith.constant 1 : i32
      %select_n3A_137 = arith.select %eq3A_135, %jit3A_136, %jit3A_134 : i32
      %rem3A_138 = arith.remsi %scan3A_117, %select_n3A_137 : i32
      %ne3A_139 = arith.constant 0 : i32
      %ne3A_140 = arith.cmpi ne, %rem3A_138, %ne3A_139 : i32
      %lt3A = arith.constant 0 : i32
      %lt3A_141 = arith.cmpi slt, %rem3A_138, %lt3A : i32
      %lt3A_142 = arith.constant 0 : i32
      %lt3A_143 = arith.cmpi slt, %select_n3A_137, %lt3A_142 : i32
      %ne3A_144 = arith.xori %lt3A_141, %lt3A_143 : i1
      %and3A_145 = arith.andi %ne3A_144, %ne3A_140 : i1
      %add3A_146 = arith.addi %rem3A_138, %select_n3A_137 : i32
      %select_n3A_147 = arith.select %and3A_145, %add3A_146, %rem3A_138 : i32
      %mul3A_148 = arith.constant 16 : i32
      %mul3A_149 = arith.muli %select_n3A_147, %mul3A_148 : i32
      %get3A = arith.index_cast %select_n3A : i32 to index
      %get3A_150 = arith.index_cast %mul3A_149 : i32 to index
      %get3A_151 = tpu.vector_load %arg7[%get3A, %get3A_150] {strides = array<i32>} : memref<8x128xf32, #tpu.memory_space<vmem>>, vector<16xf32>,
      %get3A_152 = arith.index_cast %select_n3A : i32 to index
      %get3A_153 = arith.index_cast %mul3A_149 : i32 to index
      %get3A_154 = tpu.vector_load %arg8[%get3A_152, %get3A_153] {strides = array<i32>} : memref<8x128xf32, #tpu.memory_space<vmem>>, vector<16xf32>,
      %add3A_155 = arith.addf %get3A_151, %get3A_154 : vector<16xf32>
      %swap3A = arith.index_cast %select_n3A : i32 to index
      %swap3A_156 = arith.index_cast %mul3A_149 : i32 to index
      %swap3A_157 = tpu.vector_load %arg7[%swap3A, %swap3A_156] {strides = array<i32>} : memref<8x128xf32, #tpu.memory_space<vmem>>, vector<16xf32>,
      tpu.vector_store %arg7[%swap3A, %swap3A_156], %add3A_155 {strides = array<i32>} : memref<8x128xf32, #tpu.memory_space<vmem>>, vector<16xf32>,
    }
    %scan3A_86 = arith.constant 64 : i32
    %run_scoped3A_87 = arith.constant 11 : i32
    "tpu.region"() ({
      %run_scoped3A_117 = tpu.sem_alloc : memref<!tpu.dma_semaphore, #tpu.memory_space<semaphore_mem>>
      %dma_start3A = arith.constant 0 : i32
      %dma_start3A_118 = tpu.memref_slice %arg4[%run_scoped3A_87, %mul3A_16, %dma_start3A] : memref<16x128x128xf32, #tpu.memory_space<vmem_shared>> -> memref<1x8x128xf32, #tpu.memory_space<vmem_shared>>
      %dma_start3A_119 = tpu.memref_squeeze %dma_start3A_118 : memref<1x8x128xf32, #tpu.memory_space<vmem_shared>> -> memref<8x128xf32, #tpu.memory_space<vmem_shared>>
      %dma_start3A_120 = arith.constant 0 : i32
      %dma_start3A_121 = tpu.memref_slice %arg4[%run_scoped3A_87, %mul3A_16, %dma_start3A_120] : memref<16x128x128xf32, #tpu.memory_space<vmem_shared>> -> memref<1x8x128xf32, #tpu.memory_space<vmem_shared>>
      %dma_start3A_122 = tpu.memref_squeeze %dma_start3A_121 : memref<1x8x128xf32, #tpu.memory_space<vmem_shared>> -> memref<8x128xf32, #tpu.memory_space<vmem_shared>>
      tpu.enqueue_dma source(%dma_start3A_122 : memref<8x128xf32, #tpu.memory_space<vmem_shared>>) target(%arg8 : memref<8x128xf32, #tpu.memory_space<vmem>>) target_semaphore(%run_scoped3A_117 : memref<!tpu.dma_semaphore, #tpu.memory_space<semaphore_mem>>)
      %dma_wait3A = arith.constant 0 : i32
      %dma_wait3A_123 = tpu.memref_slice %arg4[%run_scoped3A_87, %mul3A_16, %dma_wait3A] : memref<16x128x128xf32, #tpu.memory_space<vmem_shared>> -> memref<1x8x128xf32, #tpu.memory_space<vmem_shared>>
      %dma_wait3A_124 = tpu.memref_squeeze %dma_wait3A_123 : memref<1x8x128xf32, #tpu.memory_space<vmem_shared>> -> memref<8x128xf32, #tpu.memory_space<vmem_shared>>
      %dma_wait3A_125 = arith.constant 0 : i32
      %dma_wait3A_126 = tpu.memref_slice %arg4[%run_scoped3A_87, %mul3A_16, %dma_wait3A_125] : memref<16x128x128xf32, #tpu.memory_space<vmem_shared>> -> memref<1x8x128xf32, #tpu.memory_space<vmem_shared>>
      %dma_wait3A_127 = tpu.memref_squeeze %dma_wait3A_126 : memref<1x8x128xf32, #tpu.memory_space<vmem_shared>> -> memref<8x128xf32, #tpu.memory_space<vmem_shared>>
      tpu.wait_dma2 semaphore(%run_scoped3A_117 : memref<!tpu.dma_semaphore, #tpu.memory_space<semaphore_mem>>) src(%dma_wait3A_127 : memref<8x128xf32, #tpu.memory_space<vmem_shared>>) dst(%arg8 : memref<8x128xf32, #tpu.memory_space<vmem>>)
      tpu.yield
    }) : () -> ()
    %scan3A_88 = arith.constant 0 : i32
    %scan3A_89 = arith.constant 64 : i32
    %scan3A_90 = arith.addi %scan3A_88, %scan3A_89 : i32
    %scan3A_91 = arith.constant 1 : i32
    scf.for %scan3A_117 = %scan3A_88 to %scan3A_90 step %scan3A_91  : i32 {
      %jit3A = arith.constant 8 : i32
      %div3A = arith.divsi %scan3A_117, %jit3A : i32
      %sign3A = arith.constant 0 : i32
      %sign3A_118 = arith.cmpi sgt, %scan3A_117, %sign3A : i32
      %sign3A_119 = arith.extui %sign3A_118 : i1 to i32
      %sign3A_120 = arith.constant 0 : i32
      %sign3A_121 = arith.cmpi slt, %scan3A_117, %sign3A_120 : i32
      %sign3A_122 = arith.extui %sign3A_121 : i1 to i32
      %sign3A_123 = arith.subi %sign3A_119, %sign3A_122 : i32
      %sign3A_124 = arith.constant 0 : i32
      %sign3A_125 = arith.cmpi sgt, %jit3A, %sign3A_124 : i32
      %sign3A_126 = arith.extui %sign3A_125 : i1 to i32
      %sign3A_127 = arith.constant 0 : i32
      %sign3A_128 = arith.cmpi slt, %jit3A, %sign3A_127 : i32
      %sign3A_129 = arith.extui %sign3A_128 : i1 to i32
      %sign3A_130 = arith.subi %sign3A_126, %sign3A_129 : i32
      %ne3A = arith.cmpi ne, %sign3A_123, %sign3A_130 : i32
      %rem3A = arith.remsi %scan3A_117, %jit3A : i32
      %ne3A_131 = arith.constant 0 : i32
      %ne3A_132 = arith.cmpi ne, %rem3A, %ne3A_131 : i32
      %and3A = arith.andi %ne3A, %ne3A_132 : i1
      %sub3A = arith.constant 1 : i32
      %sub3A_133 = arith.subi %div3A, %sub3A : i32
      %select_n3A = arith.select %and3A, %sub3A_133, %div3A : i32
      %jit3A_134 = arith.constant 8 : i32
      %eq3A = arith.constant 0 : i32
      %eq3A_135 = arith.cmpi eq, %jit3A_134, %eq3A : i32
      %jit3A_136 = arith.constant 1 : i32
      %select_n3A_137 = arith.select %eq3A_135, %jit3A_136, %jit3A_134 : i32
      %rem3A_138 = arith.remsi %scan3A_117, %select_n3A_137 : i32
      %ne3A_139 = arith.constant 0 : i32
      %ne3A_140 = arith.cmpi ne, %rem3A_138, %ne3A_139 : i32
      %lt3A = arith.constant 0 : i32
      %lt3A_141 = arith.cmpi slt, %rem3A_138, %lt3A : i32
      %lt3A_142 = arith.constant 0 : i32
      %lt3A_143 = arith.cmpi slt, %select_n3A_137, %lt3A_142 : i32
      %ne3A_144 = arith.xori %lt3A_141, %lt3A_143 : i1
      %and3A_145 = arith.andi %ne3A_144, %ne3A_140 : i1
      %add3A_146 = arith.addi %rem3A_138, %select_n3A_137 : i32
      %select_n3A_147 = arith.select %and3A_145, %add3A_146, %rem3A_138 : i32
      %mul3A_148 = arith.constant 16 : i32
      %mul3A_149 = arith.muli %select_n3A_147, %mul3A_148 : i32
      %get3A = arith.index_cast %select_n3A : i32 to index
      %get3A_150 = arith.index_cast %mul3A_149 : i32 to index
      %get3A_151 = tpu.vector_load %arg7[%get3A, %get3A_150] {strides = array<i32>} : memref<8x128xf32, #tpu.memory_space<vmem>>, vector<16xf32>,
      %get3A_152 = arith.index_cast %select_n3A : i32 to index
      %get3A_153 = arith.index_cast %mul3A_149 : i32 to index
      %get3A_154 = tpu.vector_load %arg8[%get3A_152, %get3A_153] {strides = array<i32>} : memref<8x128xf32, #tpu.memory_space<vmem>>, vector<16xf32>,
      %add3A_155 = arith.addf %get3A_151, %get3A_154 : vector<16xf32>
      %swap3A = arith.index_cast %select_n3A : i32 to index
      %swap3A_156 = arith.index_cast %mul3A_149 : i32 to index
      %swap3A_157 = tpu.vector_load %arg7[%swap3A, %swap3A_156] {strides = array<i32>} : memref<8x128xf32, #tpu.memory_space<vmem>>, vector<16xf32>,
      tpu.vector_store %arg7[%swap3A, %swap3A_156], %add3A_155 {strides = array<i32>} : memref<8x128xf32, #tpu.memory_space<vmem>>, vector<16xf32>,
    }
    %scan3A_92 = arith.constant 64 : i32
    %run_scoped3A_93 = arith.constant 12 : i32
    "tpu.region"() ({
      %run_scoped3A_117 = tpu.sem_alloc : memref<!tpu.dma_semaphore, #tpu.memory_space<semaphore_mem>>
      %dma_start3A = arith.constant 0 : i32
      %dma_start3A_118 = tpu.memref_slice %arg4[%run_scoped3A_93, %mul3A_16, %dma_start3A] : memref<16x128x128xf32, #tpu.memory_space<vmem_shared>> -> memref<1x8x128xf32, #tpu.memory_space<vmem_shared>>
      %dma_start3A_119 = tpu.memref_squeeze %dma_start3A_118 : memref<1x8x128xf32, #tpu.memory_space<vmem_shared>> -> memref<8x128xf32, #tpu.memory_space<vmem_shared>>
      %dma_start3A_120 = arith.constant 0 : i32
      %dma_start3A_121 = tpu.memref_slice %arg4[%run_scoped3A_93, %mul3A_16, %dma_start3A_120] : memref<16x128x128xf32, #tpu.memory_space<vmem_shared>> -> memref<1x8x128xf32, #tpu.memory_space<vmem_shared>>
      %dma_start3A_122 = tpu.memref_squeeze %dma_start3A_121 : memref<1x8x128xf32, #tpu.memory_space<vmem_shared>> -> memref<8x128xf32, #tpu.memory_space<vmem_shared>>
      tpu.enqueue_dma source(%dma_start3A_122 : memref<8x128xf32, #tpu.memory_space<vmem_shared>>) target(%arg8 : memref<8x128xf32, #tpu.memory_space<vmem>>) target_semaphore(%run_scoped3A_117 : memref<!tpu.dma_semaphore, #tpu.memory_space<semaphore_mem>>)
      %dma_wait3A = arith.constant 0 : i32
      %dma_wait3A_123 = tpu.memref_slice %arg4[%run_scoped3A_93, %mul3A_16, %dma_wait3A] : memref<16x128x128xf32, #tpu.memory_space<vmem_shared>> -> memref<1x8x128xf32, #tpu.memory_space<vmem_shared>>
      %dma_wait3A_124 = tpu.memref_squeeze %dma_wait3A_123 : memref<1x8x128xf32, #tpu.memory_space<vmem_shared>> -> memref<8x128xf32, #tpu.memory_space<vmem_shared>>
      %dma_wait3A_125 = arith.constant 0 : i32
      %dma_wait3A_126 = tpu.memref_slice %arg4[%run_scoped3A_93, %mul3A_16, %dma_wait3A_125] : memref<16x128x128xf32, #tpu.memory_space<vmem_shared>> -> memref<1x8x128xf32, #tpu.memory_space<vmem_shared>>
      %dma_wait3A_127 = tpu.memref_squeeze %dma_wait3A_126 : memref<1x8x128xf32, #tpu.memory_space<vmem_shared>> -> memref<8x128xf32, #tpu.memory_space<vmem_shared>>
      tpu.wait_dma2 semaphore(%run_scoped3A_117 : memref<!tpu.dma_semaphore, #tpu.memory_space<semaphore_mem>>) src(%dma_wait3A_127 : memref<8x128xf32, #tpu.memory_space<vmem_shared>>) dst(%arg8 : memref<8x128xf32, #tpu.memory_space<vmem>>)
      tpu.yield
    }) : () -> ()
    %scan3A_94 = arith.constant 0 : i32
    %scan3A_95 = arith.constant 64 : i32
    %scan3A_96 = arith.addi %scan3A_94, %scan3A_95 : i32
    %scan3A_97 = arith.constant 1 : i32
    scf.for %scan3A_117 = %scan3A_94 to %scan3A_96 step %scan3A_97  : i32 {
      %jit3A = arith.constant 8 : i32
      %div3A = arith.divsi %scan3A_117, %jit3A : i32
      %sign3A = arith.constant 0 : i32
      %sign3A_118 = arith.cmpi sgt, %scan3A_117, %sign3A : i32
      %sign3A_119 = arith.extui %sign3A_118 : i1 to i32
      %sign3A_120 = arith.constant 0 : i32
      %sign3A_121 = arith.cmpi slt, %scan3A_117, %sign3A_120 : i32
      %sign3A_122 = arith.extui %sign3A_121 : i1 to i32
      %sign3A_123 = arith.subi %sign3A_119, %sign3A_122 : i32
      %sign3A_124 = arith.constant 0 : i32
      %sign3A_125 = arith.cmpi sgt, %jit3A, %sign3A_124 : i32
      %sign3A_126 = arith.extui %sign3A_125 : i1 to i32
      %sign3A_127 = arith.constant 0 : i32
      %sign3A_128 = arith.cmpi slt, %jit3A, %sign3A_127 : i32
      %sign3A_129 = arith.extui %sign3A_128 : i1 to i32
      %sign3A_130 = arith.subi %sign3A_126, %sign3A_129 : i32
      %ne3A = arith.cmpi ne, %sign3A_123, %sign3A_130 : i32
      %rem3A = arith.remsi %scan3A_117, %jit3A : i32
      %ne3A_131 = arith.constant 0 : i32
      %ne3A_132 = arith.cmpi ne, %rem3A, %ne3A_131 : i32
      %and3A = arith.andi %ne3A, %ne3A_132 : i1
      %sub3A = arith.constant 1 : i32
      %sub3A_133 = arith.subi %div3A, %sub3A : i32
      %select_n3A = arith.select %and3A, %sub3A_133, %div3A : i32
      %jit3A_134 = arith.constant 8 : i32
      %eq3A = arith.constant 0 : i32
      %eq3A_135 = arith.cmpi eq, %jit3A_134, %eq3A : i32
      %jit3A_136 = arith.constant 1 : i32
      %select_n3A_137 = arith.select %eq3A_135, %jit3A_136, %jit3A_134 : i32
      %rem3A_138 = arith.remsi %scan3A_117, %select_n3A_137 : i32
      %ne3A_139 = arith.constant 0 : i32
      %ne3A_140 = arith.cmpi ne, %rem3A_138, %ne3A_139 : i32
      %lt3A = arith.constant 0 : i32
      %lt3A_141 = arith.cmpi slt, %rem3A_138, %lt3A : i32
      %lt3A_142 = arith.constant 0 : i32
      %lt3A_143 = arith.cmpi slt, %select_n3A_137, %lt3A_142 : i32
      %ne3A_144 = arith.xori %lt3A_141, %lt3A_143 : i1
      %and3A_145 = arith.andi %ne3A_144, %ne3A_140 : i1
      %add3A_146 = arith.addi %rem3A_138, %select_n3A_137 : i32
      %select_n3A_147 = arith.select %and3A_145, %add3A_146, %rem3A_138 : i32
      %mul3A_148 = arith.constant 16 : i32
      %mul3A_149 = arith.muli %select_n3A_147, %mul3A_148 : i32
      %get3A = arith.index_cast %select_n3A : i32 to index
      %get3A_150 = arith.index_cast %mul3A_149 : i32 to index
      %get3A_151 = tpu.vector_load %arg7[%get3A, %get3A_150] {strides = array<i32>} : memref<8x128xf32, #tpu.memory_space<vmem>>, vector<16xf32>,
      %get3A_152 = arith.index_cast %select_n3A : i32 to index
      %get3A_153 = arith.index_cast %mul3A_149 : i32 to index
      %get3A_154 = tpu.vector_load %arg8[%get3A_152, %get3A_153] {strides = array<i32>} : memref<8x128xf32, #tpu.memory_space<vmem>>, vector<16xf32>,
      %add3A_155 = arith.addf %get3A_151, %get3A_154 : vector<16xf32>
      %swap3A = arith.index_cast %select_n3A : i32 to index
      %swap3A_156 = arith.index_cast %mul3A_149 : i32 to index
      %swap3A_157 = tpu.vector_load %arg7[%swap3A, %swap3A_156] {strides = array<i32>} : memref<8x128xf32, #tpu.memory_space<vmem>>, vector<16xf32>,
      tpu.vector_store %arg7[%swap3A, %swap3A_156], %add3A_155 {strides = array<i32>} : memref<8x128xf32, #tpu.memory_space<vmem>>, vector<16xf32>,
    }
    %scan3A_98 = arith.constant 64 : i32
    %run_scoped3A_99 = arith.constant 13 : i32
    "tpu.region"() ({
      %run_scoped3A_117 = tpu.sem_alloc : memref<!tpu.dma_semaphore, #tpu.memory_space<semaphore_mem>>
      %dma_start3A = arith.constant 0 : i32
      %dma_start3A_118 = tpu.memref_slice %arg4[%run_scoped3A_99, %mul3A_16, %dma_start3A] : memref<16x128x128xf32, #tpu.memory_space<vmem_shared>> -> memref<1x8x128xf32, #tpu.memory_space<vmem_shared>>
      %dma_start3A_119 = tpu.memref_squeeze %dma_start3A_118 : memref<1x8x128xf32, #tpu.memory_space<vmem_shared>> -> memref<8x128xf32, #tpu.memory_space<vmem_shared>>
      %dma_start3A_120 = arith.constant 0 : i32
      %dma_start3A_121 = tpu.memref_slice %arg4[%run_scoped3A_99, %mul3A_16, %dma_start3A_120] : memref<16x128x128xf32, #tpu.memory_space<vmem_shared>> -> memref<1x8x128xf32, #tpu.memory_space<vmem_shared>>
      %dma_start3A_122 = tpu.memref_squeeze %dma_start3A_121 : memref<1x8x128xf32, #tpu.memory_space<vmem_shared>> -> memref<8x128xf32, #tpu.memory_space<vmem_shared>>
      tpu.enqueue_dma source(%dma_start3A_122 : memref<8x128xf32, #tpu.memory_space<vmem_shared>>) target(%arg8 : memref<8x128xf32, #tpu.memory_space<vmem>>) target_semaphore(%run_scoped3A_117 : memref<!tpu.dma_semaphore, #tpu.memory_space<semaphore_mem>>)
      %dma_wait3A = arith.constant 0 : i32
      %dma_wait3A_123 = tpu.memref_slice %arg4[%run_scoped3A_99, %mul3A_16, %dma_wait3A] : memref<16x128x128xf32, #tpu.memory_space<vmem_shared>> -> memref<1x8x128xf32, #tpu.memory_space<vmem_shared>>
      %dma_wait3A_124 = tpu.memref_squeeze %dma_wait3A_123 : memref<1x8x128xf32, #tpu.memory_space<vmem_shared>> -> memref<8x128xf32, #tpu.memory_space<vmem_shared>>
      %dma_wait3A_125 = arith.constant 0 : i32
      %dma_wait3A_126 = tpu.memref_slice %arg4[%run_scoped3A_99, %mul3A_16, %dma_wait3A_125] : memref<16x128x128xf32, #tpu.memory_space<vmem_shared>> -> memref<1x8x128xf32, #tpu.memory_space<vmem_shared>>
      %dma_wait3A_127 = tpu.memref_squeeze %dma_wait3A_126 : memref<1x8x128xf32, #tpu.memory_space<vmem_shared>> -> memref<8x128xf32, #tpu.memory_space<vmem_shared>>
      tpu.wait_dma2 semaphore(%run_scoped3A_117 : memref<!tpu.dma_semaphore, #tpu.memory_space<semaphore_mem>>) src(%dma_wait3A_127 : memref<8x128xf32, #tpu.memory_space<vmem_shared>>) dst(%arg8 : memref<8x128xf32, #tpu.memory_space<vmem>>)
      tpu.yield
    }) : () -> ()
    %scan3A_100 = arith.constant 0 : i32
    %scan3A_101 = arith.constant 64 : i32
    %scan3A_102 = arith.addi %scan3A_100, %scan3A_101 : i32
    %scan3A_103 = arith.constant 1 : i32
    scf.for %scan3A_117 = %scan3A_100 to %scan3A_102 step %scan3A_103  : i32 {
      %jit3A = arith.constant 8 : i32
      %div3A = arith.divsi %scan3A_117, %jit3A : i32
      %sign3A = arith.constant 0 : i32
      %sign3A_118 = arith.cmpi sgt, %scan3A_117, %sign3A : i32
      %sign3A_119 = arith.extui %sign3A_118 : i1 to i32
      %sign3A_120 = arith.constant 0 : i32
      %sign3A_121 = arith.cmpi slt, %scan3A_117, %sign3A_120 : i32
      %sign3A_122 = arith.extui %sign3A_121 : i1 to i32
      %sign3A_123 = arith.subi %sign3A_119, %sign3A_122 : i32
      %sign3A_124 = arith.constant 0 : i32
      %sign3A_125 = arith.cmpi sgt, %jit3A, %sign3A_124 : i32
      %sign3A_126 = arith.extui %sign3A_125 : i1 to i32
      %sign3A_127 = arith.constant 0 : i32
      %sign3A_128 = arith.cmpi slt, %jit3A, %sign3A_127 : i32
      %sign3A_129 = arith.extui %sign3A_128 : i1 to i32
      %sign3A_130 = arith.subi %sign3A_126, %sign3A_129 : i32
      %ne3A = arith.cmpi ne, %sign3A_123, %sign3A_130 : i32
      %rem3A = arith.remsi %scan3A_117, %jit3A : i32
      %ne3A_131 = arith.constant 0 : i32
      %ne3A_132 = arith.cmpi ne, %rem3A, %ne3A_131 : i32
      %and3A = arith.andi %ne3A, %ne3A_132 : i1
      %sub3A = arith.constant 1 : i32
      %sub3A_133 = arith.subi %div3A, %sub3A : i32
      %select_n3A = arith.select %and3A, %sub3A_133, %div3A : i32
      %jit3A_134 = arith.constant 8 : i32
      %eq3A = arith.constant 0 : i32
      %eq3A_135 = arith.cmpi eq, %jit3A_134, %eq3A : i32
      %jit3A_136 = arith.constant 1 : i32
      %select_n3A_137 = arith.select %eq3A_135, %jit3A_136, %jit3A_134 : i32
      %rem3A_138 = arith.remsi %scan3A_117, %select_n3A_137 : i32
      %ne3A_139 = arith.constant 0 : i32
      %ne3A_140 = arith.cmpi ne, %rem3A_138, %ne3A_139 : i32
      %lt3A = arith.constant 0 : i32
      %lt3A_141 = arith.cmpi slt, %rem3A_138, %lt3A : i32
      %lt3A_142 = arith.constant 0 : i32
      %lt3A_143 = arith.cmpi slt, %select_n3A_137, %lt3A_142 : i32
      %ne3A_144 = arith.xori %lt3A_141, %lt3A_143 : i1
      %and3A_145 = arith.andi %ne3A_144, %ne3A_140 : i1
      %add3A_146 = arith.addi %rem3A_138, %select_n3A_137 : i32
      %select_n3A_147 = arith.select %and3A_145, %add3A_146, %rem3A_138 : i32
      %mul3A_148 = arith.constant 16 : i32
      %mul3A_149 = arith.muli %select_n3A_147, %mul3A_148 : i32
      %get3A = arith.index_cast %select_n3A : i32 to index
      %get3A_150 = arith.index_cast %mul3A_149 : i32 to index
      %get3A_151 = tpu.vector_load %arg7[%get3A, %get3A_150] {strides = array<i32>} : memref<8x128xf32, #tpu.memory_space<vmem>>, vector<16xf32>,
      %get3A_152 = arith.index_cast %select_n3A : i32 to index
      %get3A_153 = arith.index_cast %mul3A_149 : i32 to index
      %get3A_154 = tpu.vector_load %arg8[%get3A_152, %get3A_153] {strides = array<i32>} : memref<8x128xf32, #tpu.memory_space<vmem>>, vector<16xf32>,
      %add3A_155 = arith.addf %get3A_151, %get3A_154 : vector<16xf32>
      %swap3A = arith.index_cast %select_n3A : i32 to index
      %swap3A_156 = arith.index_cast %mul3A_149 : i32 to index
      %swap3A_157 = tpu.vector_load %arg7[%swap3A, %swap3A_156] {strides = array<i32>} : memref<8x128xf32, #tpu.memory_space<vmem>>, vector<16xf32>,
      tpu.vector_store %arg7[%swap3A, %swap3A_156], %add3A_155 {strides = array<i32>} : memref<8x128xf32, #tpu.memory_space<vmem>>, vector<16xf32>,
    }
    %scan3A_104 = arith.constant 64 : i32
    %run_scoped3A_105 = arith.constant 14 : i32
    "tpu.region"() ({
      %run_scoped3A_117 = tpu.sem_alloc : memref<!tpu.dma_semaphore, #tpu.memory_space<semaphore_mem>>
      %dma_start3A = arith.constant 0 : i32
      %dma_start3A_118 = tpu.memref_slice %arg4[%run_scoped3A_105, %mul3A_16, %dma_start3A] : memref<16x128x128xf32, #tpu.memory_space<vmem_shared>> -> memref<1x8x128xf32, #tpu.memory_space<vmem_shared>>
      %dma_start3A_119 = tpu.memref_squeeze %dma_start3A_118 : memref<1x8x128xf32, #tpu.memory_space<vmem_shared>> -> memref<8x128xf32, #tpu.memory_space<vmem_shared>>
      %dma_start3A_120 = arith.constant 0 : i32
      %dma_start3A_121 = tpu.memref_slice %arg4[%run_scoped3A_105, %mul3A_16, %dma_start3A_120] : memref<16x128x128xf32, #tpu.memory_space<vmem_shared>> -> memref<1x8x128xf32, #tpu.memory_space<vmem_shared>>
      %dma_start3A_122 = tpu.memref_squeeze %dma_start3A_121 : memref<1x8x128xf32, #tpu.memory_space<vmem_shared>> -> memref<8x128xf32, #tpu.memory_space<vmem_shared>>
      tpu.enqueue_dma source(%dma_start3A_122 : memref<8x128xf32, #tpu.memory_space<vmem_shared>>) target(%arg8 : memref<8x128xf32, #tpu.memory_space<vmem>>) target_semaphore(%run_scoped3A_117 : memref<!tpu.dma_semaphore, #tpu.memory_space<semaphore_mem>>)
      %dma_wait3A = arith.constant 0 : i32
      %dma_wait3A_123 = tpu.memref_slice %arg4[%run_scoped3A_105, %mul3A_16, %dma_wait3A] : memref<16x128x128xf32, #tpu.memory_space<vmem_shared>> -> memref<1x8x128xf32, #tpu.memory_space<vmem_shared>>
      %dma_wait3A_124 = tpu.memref_squeeze %dma_wait3A_123 : memref<1x8x128xf32, #tpu.memory_space<vmem_shared>> -> memref<8x128xf32, #tpu.memory_space<vmem_shared>>
      %dma_wait3A_125 = arith.constant 0 : i32
      %dma_wait3A_126 = tpu.memref_slice %arg4[%run_scoped3A_105, %mul3A_16, %dma_wait3A_125] : memref<16x128x128xf32, #tpu.memory_space<vmem_shared>> -> memref<1x8x128xf32, #tpu.memory_space<vmem_shared>>
      %dma_wait3A_127 = tpu.memref_squeeze %dma_wait3A_126 : memref<1x8x128xf32, #tpu.memory_space<vmem_shared>> -> memref<8x128xf32, #tpu.memory_space<vmem_shared>>
      tpu.wait_dma2 semaphore(%run_scoped3A_117 : memref<!tpu.dma_semaphore, #tpu.memory_space<semaphore_mem>>) src(%dma_wait3A_127 : memref<8x128xf32, #tpu.memory_space<vmem_shared>>) dst(%arg8 : memref<8x128xf32, #tpu.memory_space<vmem>>)
      tpu.yield
    }) : () -> ()
    %scan3A_106 = arith.constant 0 : i32
    %scan3A_107 = arith.constant 64 : i32
    %scan3A_108 = arith.addi %scan3A_106, %scan3A_107 : i32
    %scan3A_109 = arith.constant 1 : i32
    scf.for %scan3A_117 = %scan3A_106 to %scan3A_108 step %scan3A_109  : i32 {
      %jit3A = arith.constant 8 : i32
      %div3A = arith.divsi %scan3A_117, %jit3A : i32
      %sign3A = arith.constant 0 : i32
      %sign3A_118 = arith.cmpi sgt, %scan3A_117, %sign3A : i32
      %sign3A_119 = arith.extui %sign3A_118 : i1 to i32
      %sign3A_120 = arith.constant 0 : i32
      %sign3A_121 = arith.cmpi slt, %scan3A_117, %sign3A_120 : i32
      %sign3A_122 = arith.extui %sign3A_121 : i1 to i32
      %sign3A_123 = arith.subi %sign3A_119, %sign3A_122 : i32
      %sign3A_124 = arith.constant 0 : i32
      %sign3A_125 = arith.cmpi sgt, %jit3A, %sign3A_124 : i32
      %sign3A_126 = arith.extui %sign3A_125 : i1 to i32
      %sign3A_127 = arith.constant 0 : i32
      %sign3A_128 = arith.cmpi slt, %jit3A, %sign3A_127 : i32
      %sign3A_129 = arith.extui %sign3A_128 : i1 to i32
      %sign3A_130 = arith.subi %sign3A_126, %sign3A_129 : i32
      %ne3A = arith.cmpi ne, %sign3A_123, %sign3A_130 : i32
      %rem3A = arith.remsi %scan3A_117, %jit3A : i32
      %ne3A_131 = arith.constant 0 : i32
      %ne3A_132 = arith.cmpi ne, %rem3A, %ne3A_131 : i32
      %and3A = arith.andi %ne3A, %ne3A_132 : i1
      %sub3A = arith.constant 1 : i32
      %sub3A_133 = arith.subi %div3A, %sub3A : i32
      %select_n3A = arith.select %and3A, %sub3A_133, %div3A : i32
      %jit3A_134 = arith.constant 8 : i32
      %eq3A = arith.constant 0 : i32
      %eq3A_135 = arith.cmpi eq, %jit3A_134, %eq3A : i32
      %jit3A_136 = arith.constant 1 : i32
      %select_n3A_137 = arith.select %eq3A_135, %jit3A_136, %jit3A_134 : i32
      %rem3A_138 = arith.remsi %scan3A_117, %select_n3A_137 : i32
      %ne3A_139 = arith.constant 0 : i32
      %ne3A_140 = arith.cmpi ne, %rem3A_138, %ne3A_139 : i32
      %lt3A = arith.constant 0 : i32
      %lt3A_141 = arith.cmpi slt, %rem3A_138, %lt3A : i32
      %lt3A_142 = arith.constant 0 : i32
      %lt3A_143 = arith.cmpi slt, %select_n3A_137, %lt3A_142 : i32
      %ne3A_144 = arith.xori %lt3A_141, %lt3A_143 : i1
      %and3A_145 = arith.andi %ne3A_144, %ne3A_140 : i1
      %add3A_146 = arith.addi %rem3A_138, %select_n3A_137 : i32
      %select_n3A_147 = arith.select %and3A_145, %add3A_146, %rem3A_138 : i32
      %mul3A_148 = arith.constant 16 : i32
      %mul3A_149 = arith.muli %select_n3A_147, %mul3A_148 : i32
      %get3A = arith.index_cast %select_n3A : i32 to index
      %get3A_150 = arith.index_cast %mul3A_149 : i32 to index
      %get3A_151 = tpu.vector_load %arg7[%get3A, %get3A_150] {strides = array<i32>} : memref<8x128xf32, #tpu.memory_space<vmem>>, vector<16xf32>,
      %get3A_152 = arith.index_cast %select_n3A : i32 to index
      %get3A_153 = arith.index_cast %mul3A_149 : i32 to index
      %get3A_154 = tpu.vector_load %arg8[%get3A_152, %get3A_153] {strides = array<i32>} : memref<8x128xf32, #tpu.memory_space<vmem>>, vector<16xf32>,
      %add3A_155 = arith.addf %get3A_151, %get3A_154 : vector<16xf32>
      %swap3A = arith.index_cast %select_n3A : i32 to index
      %swap3A_156 = arith.index_cast %mul3A_149 : i32 to index
      %swap3A_157 = tpu.vector_load %arg7[%swap3A, %swap3A_156] {strides = array<i32>} : memref<8x128xf32, #tpu.memory_space<vmem>>, vector<16xf32>,
      tpu.vector_store %arg7[%swap3A, %swap3A_156], %add3A_155 {strides = array<i32>} : memref<8x128xf32, #tpu.memory_space<vmem>>, vector<16xf32>,
    }
    %scan3A_110 = arith.constant 64 : i32
    %run_scoped3A_111 = arith.constant 15 : i32
    "tpu.region"() ({
      %run_scoped3A_117 = tpu.sem_alloc : memref<!tpu.dma_semaphore, #tpu.memory_space<semaphore_mem>>
      %dma_start3A = arith.constant 0 : i32
      %dma_start3A_118 = tpu.memref_slice %arg4[%run_scoped3A_111, %mul3A_16, %dma_start3A] : memref<16x128x128xf32, #tpu.memory_space<vmem_shared>> -> memref<1x8x128xf32, #tpu.memory_space<vmem_shared>>
      %dma_start3A_119 = tpu.memref_squeeze %dma_start3A_118 : memref<1x8x128xf32, #tpu.memory_space<vmem_shared>> -> memref<8x128xf32, #tpu.memory_space<vmem_shared>>
      %dma_start3A_120 = arith.constant 0 : i32
      %dma_start3A_121 = tpu.memref_slice %arg4[%run_scoped3A_111, %mul3A_16, %dma_start3A_120] : memref<16x128x128xf32, #tpu.memory_space<vmem_shared>> -> memref<1x8x128xf32, #tpu.memory_space<vmem_shared>>
      %dma_start3A_122 = tpu.memref_squeeze %dma_start3A_121 : memref<1x8x128xf32, #tpu.memory_space<vmem_shared>> -> memref<8x128xf32, #tpu.memory_space<vmem_shared>>
      tpu.enqueue_dma source(%dma_start3A_122 : memref<8x128xf32, #tpu.memory_space<vmem_shared>>) target(%arg8 : memref<8x128xf32, #tpu.memory_space<vmem>>) target_semaphore(%run_scoped3A_117 : memref<!tpu.dma_semaphore, #tpu.memory_space<semaphore_mem>>)
      %dma_wait3A = arith.constant 0 : i32
      %dma_wait3A_123 = tpu.memref_slice %arg4[%run_scoped3A_111, %mul3A_16, %dma_wait3A] : memref<16x128x128xf32, #tpu.memory_space<vmem_shared>> -> memref<1x8x128xf32, #tpu.memory_space<vmem_shared>>
      %dma_wait3A_124 = tpu.memref_squeeze %dma_wait3A_123 : memref<1x8x128xf32, #tpu.memory_space<vmem_shared>> -> memref<8x128xf32, #tpu.memory_space<vmem_shared>>
      %dma_wait3A_125 = arith.constant 0 : i32
      %dma_wait3A_126 = tpu.memref_slice %arg4[%run_scoped3A_111, %mul3A_16, %dma_wait3A_125] : memref<16x128x128xf32, #tpu.memory_space<vmem_shared>> -> memref<1x8x128xf32, #tpu.memory_space<vmem_shared>>
      %dma_wait3A_127 = tpu.memref_squeeze %dma_wait3A_126 : memref<1x8x128xf32, #tpu.memory_space<vmem_shared>> -> memref<8x128xf32, #tpu.memory_space<vmem_shared>>
      tpu.wait_dma2 semaphore(%run_scoped3A_117 : memref<!tpu.dma_semaphore, #tpu.memory_space<semaphore_mem>>) src(%dma_wait3A_127 : memref<8x128xf32, #tpu.memory_space<vmem_shared>>) dst(%arg8 : memref<8x128xf32, #tpu.memory_space<vmem>>)
      tpu.yield
    }) : () -> ()
    %scan3A_112 = arith.constant 0 : i32
    %scan3A_113 = arith.constant 64 : i32
    %scan3A_114 = arith.addi %scan3A_112, %scan3A_113 : i32
    %scan3A_115 = arith.constant 1 : i32
    scf.for %scan3A_117 = %scan3A_112 to %scan3A_114 step %scan3A_115  : i32 {
      %jit3A = arith.constant 8 : i32
      %div3A = arith.divsi %scan3A_117, %jit3A : i32
      %sign3A = arith.constant 0 : i32
      %sign3A_118 = arith.cmpi sgt, %scan3A_117, %sign3A : i32
      %sign3A_119 = arith.extui %sign3A_118 : i1 to i32
      %sign3A_120 = arith.constant 0 : i32
      %sign3A_121 = arith.cmpi slt, %scan3A_117, %sign3A_120 : i32
      %sign3A_122 = arith.extui %sign3A_121 : i1 to i32
      %sign3A_123 = arith.subi %sign3A_119, %sign3A_122 : i32
      %sign3A_124 = arith.constant 0 : i32
      %sign3A_125 = arith.cmpi sgt, %jit3A, %sign3A_124 : i32
      %sign3A_126 = arith.extui %sign3A_125 : i1 to i32
      %sign3A_127 = arith.constant 0 : i32
      %sign3A_128 = arith.cmpi slt, %jit3A, %sign3A_127 : i32
      %sign3A_129 = arith.extui %sign3A_128 : i1 to i32
      %sign3A_130 = arith.subi %sign3A_126, %sign3A_129 : i32
      %ne3A = arith.cmpi ne, %sign3A_123, %sign3A_130 : i32
      %rem3A = arith.remsi %scan3A_117, %jit3A : i32
      %ne3A_131 = arith.constant 0 : i32
      %ne3A_132 = arith.cmpi ne, %rem3A, %ne3A_131 : i32
      %and3A = arith.andi %ne3A, %ne3A_132 : i1
      %sub3A = arith.constant 1 : i32
      %sub3A_133 = arith.subi %div3A, %sub3A : i32
      %select_n3A = arith.select %and3A, %sub3A_133, %div3A : i32
      %jit3A_134 = arith.constant 8 : i32
      %eq3A = arith.constant 0 : i32
      %eq3A_135 = arith.cmpi eq, %jit3A_134, %eq3A : i32
      %jit3A_136 = arith.constant 1 : i32
      %select_n3A_137 = arith.select %eq3A_135, %jit3A_136, %jit3A_134 : i32
      %rem3A_138 = arith.remsi %scan3A_117, %select_n3A_137 : i32
      %ne3A_139 = arith.constant 0 : i32
      %ne3A_140 = arith.cmpi ne, %rem3A_138, %ne3A_139 : i32
      %lt3A = arith.constant 0 : i32
      %lt3A_141 = arith.cmpi slt, %rem3A_138, %lt3A : i32
      %lt3A_142 = arith.constant 0 : i32
      %lt3A_143 = arith.cmpi slt, %select_n3A_137, %lt3A_142 : i32
      %ne3A_144 = arith.xori %lt3A_141, %lt3A_143 : i1
      %and3A_145 = arith.andi %ne3A_144, %ne3A_140 : i1
      %add3A_146 = arith.addi %rem3A_138, %select_n3A_137 : i32
      %select_n3A_147 = arith.select %and3A_145, %add3A_146, %rem3A_138 : i32
      %mul3A_148 = arith.constant 16 : i32
      %mul3A_149 = arith.muli %select_n3A_147, %mul3A_148 : i32
      %get3A = arith.index_cast %select_n3A : i32 to index
      %get3A_150 = arith.index_cast %mul3A_149 : i32 to index
      %get3A_151 = tpu.vector_load %arg7[%get3A, %get3A_150] {strides = array<i32>} : memref<8x128xf32, #tpu.memory_space<vmem>>, vector<16xf32>,
      %get3A_152 = arith.index_cast %select_n3A : i32 to index
      %get3A_153 = arith.index_cast %mul3A_149 : i32 to index
      %get3A_154 = tpu.vector_load %arg8[%get3A_152, %get3A_153] {strides = array<i32>} : memref<8x128xf32, #tpu.memory_space<vmem>>, vector<16xf32>,
      %add3A_155 = arith.addf %get3A_151, %get3A_154 : vector<16xf32>
      %swap3A = arith.index_cast %select_n3A : i32 to index
      %swap3A_156 = arith.index_cast %mul3A_149 : i32 to index
      %swap3A_157 = tpu.vector_load %arg7[%swap3A, %swap3A_156] {strides = array<i32>} : memref<8x128xf32, #tpu.memory_space<vmem>>, vector<16xf32>,
      tpu.vector_store %arg7[%swap3A, %swap3A_156], %add3A_155 {strides = array<i32>} : memref<8x128xf32, #tpu.memory_space<vmem>>, vector<16xf32>,
    }
    %scan3A_116 = arith.constant 64 : i32
    "tpu.region"() ({
      %run_scoped3A_117 = tpu.sem_alloc : memref<!tpu.dma_semaphore, #tpu.memory_space<semaphore_mem>>
      %dma_start3A = arith.constant 0 : i32
      %dma_start3A_118 = tpu.memref_slice %arg3[%arg0, %mul3A_16, %dma_start3A] : memref<2x128x128xf32, #tpu.memory_space<hbm>> -> memref<1x8x128xf32, #tpu.memory_space<hbm>>
      %dma_start3A_119 = tpu.memref_squeeze %dma_start3A_118 : memref<1x8x128xf32, #tpu.memory_space<hbm>> -> memref<8x128xf32, #tpu.memory_space<hbm>>
      %dma_start3A_120 = arith.constant 0 : i32
      %dma_start3A_121 = tpu.memref_slice %arg3[%arg0, %mul3A_16, %dma_start3A_120] : memref<2x128x128xf32, #tpu.memory_space<hbm>> -> memref<1x8x128xf32, #tpu.memory_space<hbm>>
      %dma_start3A_122 = tpu.memref_squeeze %dma_start3A_121 : memref<1x8x128xf32, #tpu.memory_space<hbm>> -> memref<8x128xf32, #tpu.memory_space<hbm>>
      tpu.enqueue_dma source(%arg7 : memref<8x128xf32, #tpu.memory_space<vmem>>) target(%dma_start3A_122 : memref<8x128xf32, #tpu.memory_space<hbm>>) target_semaphore(%run_scoped3A_117 : memref<!tpu.dma_semaphore, #tpu.memory_space<semaphore_mem>>)
      %dma_wait3A = arith.constant 0 : i32
      %dma_wait3A_123 = tpu.memref_slice %arg3[%arg0, %mul3A_16, %dma_wait3A] : memref<2x128x128xf32, #tpu.memory_space<hbm>> -> memref<1x8x128xf32, #tpu.memory_space<hbm>>
      %dma_wait3A_124 = tpu.memref_squeeze %dma_wait3A_123 : memref<1x8x128xf32, #tpu.memory_space<hbm>> -> memref<8x128xf32, #tpu.memory_space<hbm>>
      %dma_wait3A_125 = arith.constant 0 : i32
      %dma_wait3A_126 = tpu.memref_slice %arg3[%arg0, %mul3A_16, %dma_wait3A_125] : memref<2x128x128xf32, #tpu.memory_space<hbm>> -> memref<1x8x128xf32, #tpu.memory_space<hbm>>
      %dma_wait3A_127 = tpu.memref_squeeze %dma_wait3A_126 : memref<1x8x128xf32, #tpu.memory_space<hbm>> -> memref<8x128xf32, #tpu.memory_space<hbm>>
      tpu.wait_dma2 semaphore(%run_scoped3A_117 : memref<!tpu.dma_semaphore, #tpu.memory_space<semaphore_mem>>) src(%arg7 : memref<8x128xf32, #tpu.memory_space<vmem>>) dst(%dma_wait3A_127 : memref<8x128xf32, #tpu.memory_space<hbm>>)
      tpu.yield
    }) : () -> ()
    return
  }
}

#map = affine_map<(d0, d1) -> (0, 0)>
#map1 = affine_map<(d0, d1) -> (0)>
module attributes {stable_mosaic.version = 14 : i64} {
  func.func @_gather_body(%arg0: i32, %arg1: i32, %arg2: memref<10000x128xf32, #tpu.memory_space<hbm>>, %arg3: memref<4096xi32, #tpu.memory_space<hbm>>, %arg4: memref<4096x128xf32, #tpu.memory_space<hbm>>, %arg5: memref<128xi32, #tpu.memory_space<vmem>>, %arg6: memref<128x128xf32, #tpu.memory_space<vmem>>) attributes {dimension_semantics = [#tpu.dimension_semantics<core_parallel>, #tpu.dimension_semantics<subcore_parallel>], iteration_bounds = array<i64: 2, 16>, scalar_prefetch = 0 : i64, scratch_operands = 2 : i64, tpu.core_type = #tpu.core_type<sc_vector_subcore>, window_params = [{transform_indices = #map}, {transform_indices = #map1}, {transform_indices = #map}]} {
    %mul3A = arith.constant 16 : i32
    %mul3A_0 = arith.muli %arg0, %mul3A : i32
    %add3A = arith.addi %mul3A_0, %arg1 : i32
    %mul3A_1 = arith.constant 128 : i32
    %mul3A_2 = arith.muli %add3A, %mul3A_1 : i32
    "tpu.region"() ({
      %run_scoped3A = tpu.sem_alloc : memref<!tpu.dma_semaphore, #tpu.memory_space<semaphore_mem>>
      %dma_start3A = tpu.memref_slice %arg3[%mul3A_2] : memref<4096xi32, #tpu.memory_space<hbm>> -> memref<128xi32, #tpu.memory_space<hbm>>
      %dma_start3A_3 = tpu.memref_slice %arg3[%mul3A_2] : memref<4096xi32, #tpu.memory_space<hbm>> -> memref<128xi32, #tpu.memory_space<hbm>>
      tpu.enqueue_dma source(%dma_start3A_3 : memref<128xi32, #tpu.memory_space<hbm>>) target(%arg5 : memref<128xi32, #tpu.memory_space<vmem>>) target_semaphore(%run_scoped3A : memref<!tpu.dma_semaphore, #tpu.memory_space<semaphore_mem>>)
      %dma_wait3A = tpu.memref_slice %arg3[%mul3A_2] : memref<4096xi32, #tpu.memory_space<hbm>> -> memref<128xi32, #tpu.memory_space<hbm>>
      %dma_wait3A_4 = tpu.memref_slice %arg3[%mul3A_2] : memref<4096xi32, #tpu.memory_space<hbm>> -> memref<128xi32, #tpu.memory_space<hbm>>
      tpu.wait_dma2 semaphore(%run_scoped3A : memref<!tpu.dma_semaphore, #tpu.memory_space<semaphore_mem>>) src(%dma_wait3A_4 : memref<128xi32, #tpu.memory_space<hbm>>) dst(%arg5 : memref<128xi32, #tpu.memory_space<vmem>>)
      tpu.yield
    }) : () -> ()
    "tpu.region"() ({
      %run_scoped3A = tpu.sem_alloc : memref<!tpu.dma_semaphore, #tpu.memory_space<semaphore_mem>>
      %dma_start3A = arith.constant 0 : i32
      %dma_start3A_3 = arith.constant 0 : i32
      %dma_start3A_4 = tpu.memref_slice %arg2[%dma_start3A, %dma_start3A_3] : memref<10000x128xf32, #tpu.memory_space<hbm>> -> memref<10000x128xf32, #tpu.memory_space<hbm>>
      tpu.enqueue_indirect_dma source(%dma_start3A_4 : memref<10000x128xf32, #tpu.memory_space<hbm>>) target(%arg6 : memref<128x128xf32, #tpu.memory_space<vmem>>) offsets(%arg5 : memref<128xi32, #tpu.memory_space<vmem>>) semaphore(%run_scoped3A : memref<!tpu.dma_semaphore, #tpu.memory_space<semaphore_mem>>)
      %dma_wait3A = arith.constant 0 : i32
      %dma_wait3A_5 = arith.constant 0 : i32
      %dma_wait3A_6 = tpu.memref_slice %arg2[%dma_wait3A, %dma_wait3A_5] : memref<10000x128xf32, #tpu.memory_space<hbm>> -> memref<10000x128xf32, #tpu.memory_space<hbm>>
      tpu.wait_indirect_dma semaphore(%run_scoped3A : memref<!tpu.dma_semaphore, #tpu.memory_space<semaphore_mem>>) src(%dma_wait3A_6 : memref<10000x128xf32, #tpu.memory_space<hbm>>) dst(%arg6 : memref<128x128xf32, #tpu.memory_space<vmem>>)
      tpu.yield
    }) : () -> ()
    "tpu.region"() ({
      %run_scoped3A = tpu.sem_alloc : memref<!tpu.dma_semaphore, #tpu.memory_space<semaphore_mem>>
      %dma_start3A = arith.constant 0 : i32
      %dma_start3A_3 = tpu.memref_slice %arg4[%mul3A_2, %dma_start3A] : memref<4096x128xf32, #tpu.memory_space<hbm>> -> memref<128x128xf32, #tpu.memory_space<hbm>>
      %dma_start3A_4 = arith.constant 0 : i32
      %dma_start3A_5 = tpu.memref_slice %arg4[%mul3A_2, %dma_start3A_4] : memref<4096x128xf32, #tpu.memory_space<hbm>> -> memref<128x128xf32, #tpu.memory_space<hbm>>
      tpu.enqueue_dma source(%arg6 : memref<128x128xf32, #tpu.memory_space<vmem>>) target(%dma_start3A_5 : memref<128x128xf32, #tpu.memory_space<hbm>>) target_semaphore(%run_scoped3A : memref<!tpu.dma_semaphore, #tpu.memory_space<semaphore_mem>>)
      %dma_wait3A = arith.constant 0 : i32
      %dma_wait3A_6 = tpu.memref_slice %arg4[%mul3A_2, %dma_wait3A] : memref<4096x128xf32, #tpu.memory_space<hbm>> -> memref<128x128xf32, #tpu.memory_space<hbm>>
      %dma_wait3A_7 = arith.constant 0 : i32
      %dma_wait3A_8 = tpu.memref_slice %arg4[%mul3A_2, %dma_wait3A_7] : memref<4096x128xf32, #tpu.memory_space<hbm>> -> memref<128x128xf32, #tpu.memory_space<hbm>>
      tpu.wait_dma2 semaphore(%run_scoped3A : memref<!tpu.dma_semaphore, #tpu.memory_space<semaphore_mem>>) src(%arg6 : memref<128x128xf32, #tpu.memory_space<vmem>>) dst(%dma_wait3A_8 : memref<128x128xf32, #tpu.memory_space<hbm>>)
      tpu.yield
    }) : () -> ()
    return
  }
}

#map = affine_map<(d0, d1) -> (0, 0)>
#map1 = affine_map<(d0, d1) -> (0, 0, 0)>
module attributes {stable_mosaic.version = 14 : i64} {
  func.func @_edge_agg_body(%arg0: i32, %arg1: i32, %arg2: memref<10000x128xf32, #tpu.memory_space<hbm>>, %arg3: memref<2x320000xi32, #tpu.memory_space<hbm>>, %arg4: memref<2x10240x128xf32, #tpu.memory_space<hbm>>, %arg5: memref<10240x128xf32, #tpu.memory_space<vmem_shared>>, %arg6: memref<128x128xf32, #tpu.memory_space<vmem>>, %arg7: memref<128x128xf32, #tpu.memory_space<vmem>>, %arg8: memref<2x128xi32, #tpu.memory_space<vmem>>, %arg9: memref<2x128xi32, #tpu.memory_space<vmem>>, %arg10: memref<2x128xi32, #tpu.memory_space<vmem>>, %arg11: memref<2x128xi32, #tpu.memory_space<vmem>>, %arg12: memref<!tpu.dma_semaphore, #tpu.memory_space<semaphore_mem>>, %arg13: memref<!tpu.dma_semaphore, #tpu.memory_space<semaphore_mem>>, %arg14: memref<!tpu.dma_semaphore, #tpu.memory_space<semaphore_mem>>, %arg15: memref<!tpu.dma_semaphore, #tpu.memory_space<semaphore_mem>>, %arg16: memref<!tpu.dma_semaphore, #tpu.memory_space<semaphore_mem>>, %arg17: memref<!tpu.dma_semaphore, #tpu.memory_space<semaphore_mem>>, %arg18: memref<!tpu.dma_semaphore, #tpu.memory_space<semaphore_mem>>, %arg19: memref<!tpu.dma_semaphore, #tpu.memory_space<semaphore_mem>>) attributes {dimension_semantics = [#tpu.dimension_semantics<core_parallel>, #tpu.dimension_semantics<subcore_parallel>], iteration_bounds = array<i64: 2, 16>, scalar_prefetch = 0 : i64, scratch_operands = 15 : i64, tpu.core_type = #tpu.core_type<sc_vector_subcore>, window_params = [{transform_indices = #map}, {transform_indices = #map}, {transform_indices = #map1}]} {
    %broadcast_in_dim3A = arith.constant 0.000000e+00 : f32
    %broadcast_in_dim3A_0 = vector.broadcast %broadcast_in_dim3A : f32 to vector<16xf32>
    %scan3A = arith.constant 0 : i32
    %scan3A_1 = arith.constant 1024 : i32
    %scan3A_2 = arith.addi %scan3A, %scan3A_1 : i32
    %scan3A_3 = arith.constant 1 : i32
    scf.for %scan3A_388 = %scan3A to %scan3A_2 step %scan3A_3  : i32 {
      %jit3A = arith.constant 8 : i32
      %div3A = arith.divsi %scan3A_388, %jit3A : i32
      %sign3A = arith.constant 0 : i32
      %sign3A_389 = arith.cmpi sgt, %scan3A_388, %sign3A : i32
      %sign3A_390 = arith.extui %sign3A_389 : i1 to i32
      %sign3A_391 = arith.constant 0 : i32
      %sign3A_392 = arith.cmpi slt, %scan3A_388, %sign3A_391 : i32
      %sign3A_393 = arith.extui %sign3A_392 : i1 to i32
      %sign3A_394 = arith.subi %sign3A_390, %sign3A_393 : i32
      %sign3A_395 = arith.constant 0 : i32
      %sign3A_396 = arith.cmpi sgt, %jit3A, %sign3A_395 : i32
      %sign3A_397 = arith.extui %sign3A_396 : i1 to i32
      %sign3A_398 = arith.constant 0 : i32
      %sign3A_399 = arith.cmpi slt, %jit3A, %sign3A_398 : i32
      %sign3A_400 = arith.extui %sign3A_399 : i1 to i32
      %sign3A_401 = arith.subi %sign3A_397, %sign3A_400 : i32
      %ne3A = arith.cmpi ne, %sign3A_394, %sign3A_401 : i32
      %rem3A = arith.remsi %scan3A_388, %jit3A : i32
      %ne3A_402 = arith.constant 0 : i32
      %ne3A_403 = arith.cmpi ne, %rem3A, %ne3A_402 : i32
      %and3A = arith.andi %ne3A, %ne3A_403 : i1
      %sub3A = arith.constant 1 : i32
      %sub3A_404 = arith.subi %div3A, %sub3A : i32
      %select_n3A = arith.select %and3A, %sub3A_404, %div3A : i32
      %jit3A_405 = arith.constant 8 : i32
      %eq3A = arith.constant 0 : i32
      %eq3A_406 = arith.cmpi eq, %jit3A_405, %eq3A : i32
      %jit3A_407 = arith.constant 1 : i32
      %select_n3A_408 = arith.select %eq3A_406, %jit3A_407, %jit3A_405 : i32
      %rem3A_409 = arith.remsi %scan3A_388, %select_n3A_408 : i32
      %ne3A_410 = arith.constant 0 : i32
      %ne3A_411 = arith.cmpi ne, %rem3A_409, %ne3A_410 : i32
      %lt3A_412 = arith.constant 0 : i32
      %lt3A_413 = arith.cmpi slt, %rem3A_409, %lt3A_412 : i32
      %lt3A_414 = arith.constant 0 : i32
      %lt3A_415 = arith.cmpi slt, %select_n3A_408, %lt3A_414 : i32
      %ne3A_416 = arith.xori %lt3A_413, %lt3A_415 : i1
      %and3A_417 = arith.andi %ne3A_416, %ne3A_411 : i1
      %add3A_418 = arith.addi %rem3A_409, %select_n3A_408 : i32
      %select_n3A_419 = arith.select %and3A_417, %add3A_418, %rem3A_409 : i32
      %mul3A_420 = arith.constant 16 : i32
      %mul3A_421 = arith.muli %select_n3A_419, %mul3A_420 : i32
      %swap3A = arith.index_cast %select_n3A : i32 to index
      %swap3A_422 = arith.index_cast %mul3A_421 : i32 to index
      %swap3A_423 = tpu.vector_load %arg6[%swap3A, %swap3A_422] {strides = array<i32>} : memref<128x128xf32, #tpu.memory_space<vmem>>, vector<16xf32>,
      tpu.vector_store %arg6[%swap3A, %swap3A_422], %broadcast_in_dim3A_0 {strides = array<i32>} : memref<128x128xf32, #tpu.memory_space<vmem>>, vector<16xf32>,
    }
    %scan3A_4 = arith.constant 1024 : i32
    %mul3A = arith.constant 640 : i32
    %mul3A_5 = arith.muli %arg1, %mul3A : i32
    %add3A = arith.constant 0 : i32
    %add3A_6 = arith.addi %mul3A_5, %add3A : i32
    "tpu.region"() ({
      %run_scoped3A = tpu.sem_alloc : memref<!tpu.dma_semaphore, #tpu.memory_space<semaphore_mem>>
      %dma_start3A_388 = arith.constant 0 : i32
      %dma_start3A_389 = tpu.memref_slice %arg5[%add3A_6, %dma_start3A_388] : memref<10240x128xf32, #tpu.memory_space<vmem_shared>> -> memref<128x128xf32, #tpu.memory_space<vmem_shared>>
      %dma_start3A_390 = arith.constant 0 : i32
      %dma_start3A_391 = tpu.memref_slice %arg5[%add3A_6, %dma_start3A_390] : memref<10240x128xf32, #tpu.memory_space<vmem_shared>> -> memref<128x128xf32, #tpu.memory_space<vmem_shared>>
      tpu.enqueue_dma source(%arg6 : memref<128x128xf32, #tpu.memory_space<vmem>>) target(%dma_start3A_391 : memref<128x128xf32, #tpu.memory_space<vmem_shared>>) target_semaphore(%run_scoped3A : memref<!tpu.dma_semaphore, #tpu.memory_space<semaphore_mem>>)
      %dma_wait3A_392 = arith.constant 0 : i32
      %dma_wait3A_393 = tpu.memref_slice %arg5[%add3A_6, %dma_wait3A_392] : memref<10240x128xf32, #tpu.memory_space<vmem_shared>> -> memref<128x128xf32, #tpu.memory_space<vmem_shared>>
      %dma_wait3A_394 = arith.constant 0 : i32
      %dma_wait3A_395 = tpu.memref_slice %arg5[%add3A_6, %dma_wait3A_394] : memref<10240x128xf32, #tpu.memory_space<vmem_shared>> -> memref<128x128xf32, #tpu.memory_space<vmem_shared>>
      tpu.wait_dma2 semaphore(%run_scoped3A : memref<!tpu.dma_semaphore, #tpu.memory_space<semaphore_mem>>) src(%arg6 : memref<128x128xf32, #tpu.memory_space<vmem>>) dst(%dma_wait3A_395 : memref<128x128xf32, #tpu.memory_space<vmem_shared>>)
      tpu.yield
    }) : () -> ()
    %mul3A_7 = arith.constant 640 : i32
    %mul3A_8 = arith.muli %arg1, %mul3A_7 : i32
    %add3A_9 = arith.constant 128 : i32
    %add3A_10 = arith.addi %mul3A_8, %add3A_9 : i32
    "tpu.region"() ({
      %run_scoped3A = tpu.sem_alloc : memref<!tpu.dma_semaphore, #tpu.memory_space<semaphore_mem>>
      %dma_start3A_388 = arith.constant 0 : i32
      %dma_start3A_389 = tpu.memref_slice %arg5[%add3A_10, %dma_start3A_388] : memref<10240x128xf32, #tpu.memory_space<vmem_shared>> -> memref<128x128xf32, #tpu.memory_space<vmem_shared>>
      %dma_start3A_390 = arith.constant 0 : i32
      %dma_start3A_391 = tpu.memref_slice %arg5[%add3A_10, %dma_start3A_390] : memref<10240x128xf32, #tpu.memory_space<vmem_shared>> -> memref<128x128xf32, #tpu.memory_space<vmem_shared>>
      tpu.enqueue_dma source(%arg6 : memref<128x128xf32, #tpu.memory_space<vmem>>) target(%dma_start3A_391 : memref<128x128xf32, #tpu.memory_space<vmem_shared>>) target_semaphore(%run_scoped3A : memref<!tpu.dma_semaphore, #tpu.memory_space<semaphore_mem>>)
      %dma_wait3A_392 = arith.constant 0 : i32
      %dma_wait3A_393 = tpu.memref_slice %arg5[%add3A_10, %dma_wait3A_392] : memref<10240x128xf32, #tpu.memory_space<vmem_shared>> -> memref<128x128xf32, #tpu.memory_space<vmem_shared>>
      %dma_wait3A_394 = arith.constant 0 : i32
      %dma_wait3A_395 = tpu.memref_slice %arg5[%add3A_10, %dma_wait3A_394] : memref<10240x128xf32, #tpu.memory_space<vmem_shared>> -> memref<128x128xf32, #tpu.memory_space<vmem_shared>>
      tpu.wait_dma2 semaphore(%run_scoped3A : memref<!tpu.dma_semaphore, #tpu.memory_space<semaphore_mem>>) src(%arg6 : memref<128x128xf32, #tpu.memory_space<vmem>>) dst(%dma_wait3A_395 : memref<128x128xf32, #tpu.memory_space<vmem_shared>>)
      tpu.yield
    }) : () -> ()
    %mul3A_11 = arith.constant 640 : i32
    %mul3A_12 = arith.muli %arg1, %mul3A_11 : i32
    %add3A_13 = arith.constant 256 : i32
    %add3A_14 = arith.addi %mul3A_12, %add3A_13 : i32
    "tpu.region"() ({
      %run_scoped3A = tpu.sem_alloc : memref<!tpu.dma_semaphore, #tpu.memory_space<semaphore_mem>>
      %dma_start3A_388 = arith.constant 0 : i32
      %dma_start3A_389 = tpu.memref_slice %arg5[%add3A_14, %dma_start3A_388] : memref<10240x128xf32, #tpu.memory_space<vmem_shared>> -> memref<128x128xf32, #tpu.memory_space<vmem_shared>>
      %dma_start3A_390 = arith.constant 0 : i32
      %dma_start3A_391 = tpu.memref_slice %arg5[%add3A_14, %dma_start3A_390] : memref<10240x128xf32, #tpu.memory_space<vmem_shared>> -> memref<128x128xf32, #tpu.memory_space<vmem_shared>>
      tpu.enqueue_dma source(%arg6 : memref<128x128xf32, #tpu.memory_space<vmem>>) target(%dma_start3A_391 : memref<128x128xf32, #tpu.memory_space<vmem_shared>>) target_semaphore(%run_scoped3A : memref<!tpu.dma_semaphore, #tpu.memory_space<semaphore_mem>>)
      %dma_wait3A_392 = arith.constant 0 : i32
      %dma_wait3A_393 = tpu.memref_slice %arg5[%add3A_14, %dma_wait3A_392] : memref<10240x128xf32, #tpu.memory_space<vmem_shared>> -> memref<128x128xf32, #tpu.memory_space<vmem_shared>>
      %dma_wait3A_394 = arith.constant 0 : i32
      %dma_wait3A_395 = tpu.memref_slice %arg5[%add3A_14, %dma_wait3A_394] : memref<10240x128xf32, #tpu.memory_space<vmem_shared>> -> memref<128x128xf32, #tpu.memory_space<vmem_shared>>
      tpu.wait_dma2 semaphore(%run_scoped3A : memref<!tpu.dma_semaphore, #tpu.memory_space<semaphore_mem>>) src(%arg6 : memref<128x128xf32, #tpu.memory_space<vmem>>) dst(%dma_wait3A_395 : memref<128x128xf32, #tpu.memory_space<vmem_shared>>)
      tpu.yield
    }) : () -> ()
    %mul3A_15 = arith.constant 640 : i32
    %mul3A_16 = arith.muli %arg1, %mul3A_15 : i32
    %add3A_17 = arith.constant 384 : i32
    %add3A_18 = arith.addi %mul3A_16, %add3A_17 : i32
    "tpu.region"() ({
      %run_scoped3A = tpu.sem_alloc : memref<!tpu.dma_semaphore, #tpu.memory_space<semaphore_mem>>
      %dma_start3A_388 = arith.constant 0 : i32
      %dma_start3A_389 = tpu.memref_slice %arg5[%add3A_18, %dma_start3A_388] : memref<10240x128xf32, #tpu.memory_space<vmem_shared>> -> memref<128x128xf32, #tpu.memory_space<vmem_shared>>
      %dma_start3A_390 = arith.constant 0 : i32
      %dma_start3A_391 = tpu.memref_slice %arg5[%add3A_18, %dma_start3A_390] : memref<10240x128xf32, #tpu.memory_space<vmem_shared>> -> memref<128x128xf32, #tpu.memory_space<vmem_shared>>
      tpu.enqueue_dma source(%arg6 : memref<128x128xf32, #tpu.memory_space<vmem>>) target(%dma_start3A_391 : memref<128x128xf32, #tpu.memory_space<vmem_shared>>) target_semaphore(%run_scoped3A : memref<!tpu.dma_semaphore, #tpu.memory_space<semaphore_mem>>)
      %dma_wait3A_392 = arith.constant 0 : i32
      %dma_wait3A_393 = tpu.memref_slice %arg5[%add3A_18, %dma_wait3A_392] : memref<10240x128xf32, #tpu.memory_space<vmem_shared>> -> memref<128x128xf32, #tpu.memory_space<vmem_shared>>
      %dma_wait3A_394 = arith.constant 0 : i32
      %dma_wait3A_395 = tpu.memref_slice %arg5[%add3A_18, %dma_wait3A_394] : memref<10240x128xf32, #tpu.memory_space<vmem_shared>> -> memref<128x128xf32, #tpu.memory_space<vmem_shared>>
      tpu.wait_dma2 semaphore(%run_scoped3A : memref<!tpu.dma_semaphore, #tpu.memory_space<semaphore_mem>>) src(%arg6 : memref<128x128xf32, #tpu.memory_space<vmem>>) dst(%dma_wait3A_395 : memref<128x128xf32, #tpu.memory_space<vmem_shared>>)
      tpu.yield
    }) : () -> ()
    %mul3A_19 = arith.constant 640 : i32
    %mul3A_20 = arith.muli %arg1, %mul3A_19 : i32
    %add3A_21 = arith.constant 512 : i32
    %add3A_22 = arith.addi %mul3A_20, %add3A_21 : i32
    "tpu.region"() ({
      %run_scoped3A = tpu.sem_alloc : memref<!tpu.dma_semaphore, #tpu.memory_space<semaphore_mem>>
      %dma_start3A_388 = arith.constant 0 : i32
      %dma_start3A_389 = tpu.memref_slice %arg5[%add3A_22, %dma_start3A_388] : memref<10240x128xf32, #tpu.memory_space<vmem_shared>> -> memref<128x128xf32, #tpu.memory_space<vmem_shared>>
      %dma_start3A_390 = arith.constant 0 : i32
      %dma_start3A_391 = tpu.memref_slice %arg5[%add3A_22, %dma_start3A_390] : memref<10240x128xf32, #tpu.memory_space<vmem_shared>> -> memref<128x128xf32, #tpu.memory_space<vmem_shared>>
      tpu.enqueue_dma source(%arg6 : memref<128x128xf32, #tpu.memory_space<vmem>>) target(%dma_start3A_391 : memref<128x128xf32, #tpu.memory_space<vmem_shared>>) target_semaphore(%run_scoped3A : memref<!tpu.dma_semaphore, #tpu.memory_space<semaphore_mem>>)
      %dma_wait3A_392 = arith.constant 0 : i32
      %dma_wait3A_393 = tpu.memref_slice %arg5[%add3A_22, %dma_wait3A_392] : memref<10240x128xf32, #tpu.memory_space<vmem_shared>> -> memref<128x128xf32, #tpu.memory_space<vmem_shared>>
      %dma_wait3A_394 = arith.constant 0 : i32
      %dma_wait3A_395 = tpu.memref_slice %arg5[%add3A_22, %dma_wait3A_394] : memref<10240x128xf32, #tpu.memory_space<vmem_shared>> -> memref<128x128xf32, #tpu.memory_space<vmem_shared>>
      tpu.wait_dma2 semaphore(%run_scoped3A : memref<!tpu.dma_semaphore, #tpu.memory_space<semaphore_mem>>) src(%arg6 : memref<128x128xf32, #tpu.memory_space<vmem>>) dst(%dma_wait3A_395 : memref<128x128xf32, #tpu.memory_space<vmem_shared>>)
      tpu.yield
    }) : () -> ()
    %barrier3A = arith.constant 0 : index
    tpu.barrier barrier_id(%barrier3A)
    %mul3A_23 = arith.constant 16 : i32
    %mul3A_24 = arith.muli %arg0, %mul3A_23 : i32
    %add3A_25 = arith.addi %mul3A_24, %arg1 : i32
    %mul3A_26 = arith.constant 78 : i32
    %mul3A_27 = arith.muli %add3A_25, %mul3A_26 : i32
    %min3A = arith.constant 4 : i32
    %min3A_28 = arith.minsi %add3A_25, %min3A : i32
    %add3A_29 = arith.addi %mul3A_27, %min3A_28 : i32
    %mul3A_30 = arith.constant 128 : i32
    %mul3A_31 = arith.muli %add3A_29, %mul3A_30 : i32
    %add3A_32 = arith.constant 0 : i32
    %add3A_33 = arith.addi %mul3A_31, %add3A_32 : i32
    %dma_start3A = arith.constant 0 : i32
    %dma_start3A_34 = tpu.memref_slice %arg3[%dma_start3A, %add3A_33] : memref<2x320000xi32, #tpu.memory_space<hbm>> -> memref<2x128xi32, #tpu.memory_space<hbm>>
    %dma_start3A_35 = arith.constant 0 : i32
    %dma_start3A_36 = tpu.memref_slice %arg3[%dma_start3A_35, %add3A_33] : memref<2x320000xi32, #tpu.memory_space<hbm>> -> memref<2x128xi32, #tpu.memory_space<hbm>>
    tpu.enqueue_dma source(%dma_start3A_36 : memref<2x128xi32, #tpu.memory_space<hbm>>) target(%arg8 : memref<2x128xi32, #tpu.memory_space<vmem>>) target_semaphore(%arg12 : memref<!tpu.dma_semaphore, #tpu.memory_space<semaphore_mem>>)
    %add3A_37 = arith.constant 128 : i32
    %add3A_38 = arith.addi %mul3A_31, %add3A_37 : i32
    %dma_start3A_39 = arith.constant 0 : i32
    %dma_start3A_40 = tpu.memref_slice %arg3[%dma_start3A_39, %add3A_38] : memref<2x320000xi32, #tpu.memory_space<hbm>> -> memref<2x128xi32, #tpu.memory_space<hbm>>
    %dma_start3A_41 = arith.constant 0 : i32
    %dma_start3A_42 = tpu.memref_slice %arg3[%dma_start3A_41, %add3A_38] : memref<2x320000xi32, #tpu.memory_space<hbm>> -> memref<2x128xi32, #tpu.memory_space<hbm>>
    tpu.enqueue_dma source(%dma_start3A_42 : memref<2x128xi32, #tpu.memory_space<hbm>>) target(%arg9 : memref<2x128xi32, #tpu.memory_space<vmem>>) target_semaphore(%arg13 : memref<!tpu.dma_semaphore, #tpu.memory_space<semaphore_mem>>)
    %add3A_43 = arith.constant 256 : i32
    %add3A_44 = arith.addi %mul3A_31, %add3A_43 : i32
    %dma_start3A_45 = arith.constant 0 : i32
    %dma_start3A_46 = tpu.memref_slice %arg3[%dma_start3A_45, %add3A_44] : memref<2x320000xi32, #tpu.memory_space<hbm>> -> memref<2x128xi32, #tpu.memory_space<hbm>>
    %dma_start3A_47 = arith.constant 0 : i32
    %dma_start3A_48 = tpu.memref_slice %arg3[%dma_start3A_47, %add3A_44] : memref<2x320000xi32, #tpu.memory_space<hbm>> -> memref<2x128xi32, #tpu.memory_space<hbm>>
    tpu.enqueue_dma source(%dma_start3A_48 : memref<2x128xi32, #tpu.memory_space<hbm>>) target(%arg10 : memref<2x128xi32, #tpu.memory_space<vmem>>) target_semaphore(%arg14 : memref<!tpu.dma_semaphore, #tpu.memory_space<semaphore_mem>>)
    %add3A_49 = arith.constant 0 : i32
    %add3A_50 = arith.addi %mul3A_31, %add3A_49 : i32
    %dma_wait3A = arith.constant 0 : i32
    %dma_wait3A_51 = tpu.memref_slice %arg3[%dma_wait3A, %add3A_50] : memref<2x320000xi32, #tpu.memory_space<hbm>> -> memref<2x128xi32, #tpu.memory_space<hbm>>
    %dma_wait3A_52 = arith.constant 0 : i32
    %dma_wait3A_53 = tpu.memref_slice %arg3[%dma_wait3A_52, %add3A_50] : memref<2x320000xi32, #tpu.memory_space<hbm>> -> memref<2x128xi32, #tpu.memory_space<hbm>>
    tpu.wait_dma2 semaphore(%arg12 : memref<!tpu.dma_semaphore, #tpu.memory_space<semaphore_mem>>) src(%dma_wait3A_53 : memref<2x128xi32, #tpu.memory_space<hbm>>) dst(%arg8 : memref<2x128xi32, #tpu.memory_space<vmem>>)
    %dma_start3A_54 = arith.constant 0 : i32
    %dma_start3A_55 = arith.constant 0 : i32
    %dma_start3A_56 = tpu.memref_slice %arg8[%dma_start3A_54, %dma_start3A_55] : memref<2x128xi32, #tpu.memory_space<vmem>> -> memref<1x128xi32, #tpu.memory_space<vmem>>
    %dma_start3A_57 = tpu.memref_squeeze %dma_start3A_56 : memref<1x128xi32, #tpu.memory_space<vmem>> -> memref<128xi32, #tpu.memory_space<vmem>>
    %dma_start3A_58 = arith.constant 0 : i32
    %dma_start3A_59 = arith.constant 0 : i32
    %dma_start3A_60 = tpu.memref_slice %arg2[%dma_start3A_58, %dma_start3A_59] : memref<10000x128xf32, #tpu.memory_space<hbm>> -> memref<10000x128xf32, #tpu.memory_space<hbm>>
    tpu.enqueue_indirect_dma source(%dma_start3A_60 : memref<10000x128xf32, #tpu.memory_space<hbm>>) target(%arg6 : memref<128x128xf32, #tpu.memory_space<vmem>>) offsets(%dma_start3A_57 : memref<128xi32, #tpu.memory_space<vmem>>) semaphore(%arg16 : memref<!tpu.dma_semaphore, #tpu.memory_space<semaphore_mem>>)
    %add3A_61 = arith.constant 384 : i32
    %add3A_62 = arith.addi %mul3A_31, %add3A_61 : i32
    %dma_start3A_63 = arith.constant 0 : i32
    %dma_start3A_64 = tpu.memref_slice %arg3[%dma_start3A_63, %add3A_62] : memref<2x320000xi32, #tpu.memory_space<hbm>> -> memref<2x128xi32, #tpu.memory_space<hbm>>
    %dma_start3A_65 = arith.constant 0 : i32
    %dma_start3A_66 = tpu.memref_slice %arg3[%dma_start3A_65, %add3A_62] : memref<2x320000xi32, #tpu.memory_space<hbm>> -> memref<2x128xi32, #tpu.memory_space<hbm>>
    tpu.enqueue_dma source(%dma_start3A_66 : memref<2x128xi32, #tpu.memory_space<hbm>>) target(%arg11 : memref<2x128xi32, #tpu.memory_space<vmem>>) target_semaphore(%arg15 : memref<!tpu.dma_semaphore, #tpu.memory_space<semaphore_mem>>)
    %add3A_67 = arith.constant 128 : i32
    %add3A_68 = arith.addi %mul3A_31, %add3A_67 : i32
    %dma_wait3A_69 = arith.constant 0 : i32
    %dma_wait3A_70 = tpu.memref_slice %arg3[%dma_wait3A_69, %add3A_68] : memref<2x320000xi32, #tpu.memory_space<hbm>> -> memref<2x128xi32, #tpu.memory_space<hbm>>
    %dma_wait3A_71 = arith.constant 0 : i32
    %dma_wait3A_72 = tpu.memref_slice %arg3[%dma_wait3A_71, %add3A_68] : memref<2x320000xi32, #tpu.memory_space<hbm>> -> memref<2x128xi32, #tpu.memory_space<hbm>>
    tpu.wait_dma2 semaphore(%arg13 : memref<!tpu.dma_semaphore, #tpu.memory_space<semaphore_mem>>) src(%dma_wait3A_72 : memref<2x128xi32, #tpu.memory_space<hbm>>) dst(%arg9 : memref<2x128xi32, #tpu.memory_space<vmem>>)
    %dma_start3A_73 = arith.constant 0 : i32
    %dma_start3A_74 = arith.constant 0 : i32
    %dma_start3A_75 = tpu.memref_slice %arg9[%dma_start3A_73, %dma_start3A_74] : memref<2x128xi32, #tpu.memory_space<vmem>> -> memref<1x128xi32, #tpu.memory_space<vmem>>
    %dma_start3A_76 = tpu.memref_squeeze %dma_start3A_75 : memref<1x128xi32, #tpu.memory_space<vmem>> -> memref<128xi32, #tpu.memory_space<vmem>>
    %dma_start3A_77 = arith.constant 0 : i32
    %dma_start3A_78 = arith.constant 0 : i32
    %dma_start3A_79 = tpu.memref_slice %arg2[%dma_start3A_77, %dma_start3A_78] : memref<10000x128xf32, #tpu.memory_space<hbm>> -> memref<10000x128xf32, #tpu.memory_space<hbm>>
    tpu.enqueue_indirect_dma source(%dma_start3A_79 : memref<10000x128xf32, #tpu.memory_space<hbm>>) target(%arg7 : memref<128x128xf32, #tpu.memory_space<vmem>>) offsets(%dma_start3A_76 : memref<128xi32, #tpu.memory_space<vmem>>) semaphore(%arg17 : memref<!tpu.dma_semaphore, #tpu.memory_space<semaphore_mem>>)
    %dma_wait3A_80 = arith.constant 0 : i32
    %dma_wait3A_81 = arith.constant 0 : i32
    %dma_wait3A_82 = tpu.memref_slice %arg8[%dma_wait3A_80, %dma_wait3A_81] : memref<2x128xi32, #tpu.memory_space<vmem>> -> memref<1x128xi32, #tpu.memory_space<vmem>>
    %dma_wait3A_83 = tpu.memref_squeeze %dma_wait3A_82 : memref<1x128xi32, #tpu.memory_space<vmem>> -> memref<128xi32, #tpu.memory_space<vmem>>
    %dma_wait3A_84 = arith.constant 0 : i32
    %dma_wait3A_85 = arith.constant 0 : i32
    %dma_wait3A_86 = tpu.memref_slice %arg2[%dma_wait3A_84, %dma_wait3A_85] : memref<10000x128xf32, #tpu.memory_space<hbm>> -> memref<10000x128xf32, #tpu.memory_space<hbm>>
    tpu.wait_indirect_dma semaphore(%arg16 : memref<!tpu.dma_semaphore, #tpu.memory_space<semaphore_mem>>) src(%dma_wait3A_86 : memref<10000x128xf32, #tpu.memory_space<hbm>>) dst(%arg6 : memref<128x128xf32, #tpu.memory_space<vmem>>)
    %dma_start3A_87 = arith.constant 1 : i32
    %dma_start3A_88 = arith.constant 0 : i32
    %dma_start3A_89 = tpu.memref_slice %arg8[%dma_start3A_87, %dma_start3A_88] : memref<2x128xi32, #tpu.memory_space<vmem>> -> memref<1x128xi32, #tpu.memory_space<vmem>>
    %dma_start3A_90 = tpu.memref_squeeze %dma_start3A_89 : memref<1x128xi32, #tpu.memory_space<vmem>> -> memref<128xi32, #tpu.memory_space<vmem>>
    %dma_start3A_91 = arith.constant 0 : i32
    %dma_start3A_92 = arith.constant 0 : i32
    %dma_start3A_93 = tpu.memref_slice %arg5[%dma_start3A_91, %dma_start3A_92] : memref<10240x128xf32, #tpu.memory_space<vmem_shared>> -> memref<10240x128xf32, #tpu.memory_space<vmem_shared>>
    tpu.enqueue_indirect_dma source(%arg6 : memref<128x128xf32, #tpu.memory_space<vmem>>) target(%dma_start3A_93 : memref<10240x128xf32, #tpu.memory_space<vmem_shared>>) offsets(%dma_start3A_90 : memref<128xi32, #tpu.memory_space<vmem>>) semaphore(%arg18 : memref<!tpu.dma_semaphore, #tpu.memory_space<semaphore_mem>>) {add = true}
    %dma_wait3A_94 = arith.constant 0 : i32
    %dma_wait3A_95 = arith.constant 0 : i32
    %dma_wait3A_96 = tpu.memref_slice %arg9[%dma_wait3A_94, %dma_wait3A_95] : memref<2x128xi32, #tpu.memory_space<vmem>> -> memref<1x128xi32, #tpu.memory_space<vmem>>
    %dma_wait3A_97 = tpu.memref_squeeze %dma_wait3A_96 : memref<1x128xi32, #tpu.memory_space<vmem>> -> memref<128xi32, #tpu.memory_space<vmem>>
    %dma_wait3A_98 = arith.constant 0 : i32
    %dma_wait3A_99 = arith.constant 0 : i32
    %dma_wait3A_100 = tpu.memref_slice %arg2[%dma_wait3A_98, %dma_wait3A_99] : memref<10000x128xf32, #tpu.memory_space<hbm>> -> memref<10000x128xf32, #tpu.memory_space<hbm>>
    tpu.wait_indirect_dma semaphore(%arg17 : memref<!tpu.dma_semaphore, #tpu.memory_space<semaphore_mem>>) src(%dma_wait3A_100 : memref<10000x128xf32, #tpu.memory_space<hbm>>) dst(%arg7 : memref<128x128xf32, #tpu.memory_space<vmem>>)
    %dma_start3A_101 = arith.constant 1 : i32
    %dma_start3A_102 = arith.constant 0 : i32
    %dma_start3A_103 = tpu.memref_slice %arg9[%dma_start3A_101, %dma_start3A_102] : memref<2x128xi32, #tpu.memory_space<vmem>> -> memref<1x128xi32, #tpu.memory_space<vmem>>
    %dma_start3A_104 = tpu.memref_squeeze %dma_start3A_103 : memref<1x128xi32, #tpu.memory_space<vmem>> -> memref<128xi32, #tpu.memory_space<vmem>>
    %dma_start3A_105 = arith.constant 0 : i32
    %dma_start3A_106 = arith.constant 0 : i32
    %dma_start3A_107 = tpu.memref_slice %arg5[%dma_start3A_105, %dma_start3A_106] : memref<10240x128xf32, #tpu.memory_space<vmem_shared>> -> memref<10240x128xf32, #tpu.memory_space<vmem_shared>>
    tpu.enqueue_indirect_dma source(%arg7 : memref<128x128xf32, #tpu.memory_space<vmem>>) target(%dma_start3A_107 : memref<10240x128xf32, #tpu.memory_space<vmem_shared>>) offsets(%dma_start3A_104 : memref<128xi32, #tpu.memory_space<vmem>>) semaphore(%arg19 : memref<!tpu.dma_semaphore, #tpu.memory_space<semaphore_mem>>) {add = true}
    %dma_wait3A_108 = arith.constant 1 : i32
    %dma_wait3A_109 = arith.constant 0 : i32
    %dma_wait3A_110 = tpu.memref_slice %arg8[%dma_wait3A_108, %dma_wait3A_109] : memref<2x128xi32, #tpu.memory_space<vmem>> -> memref<1x128xi32, #tpu.memory_space<vmem>>
    %dma_wait3A_111 = tpu.memref_squeeze %dma_wait3A_110 : memref<1x128xi32, #tpu.memory_space<vmem>> -> memref<128xi32, #tpu.memory_space<vmem>>
    %dma_wait3A_112 = arith.constant 0 : i32
    %dma_wait3A_113 = arith.constant 0 : i32
    %dma_wait3A_114 = tpu.memref_slice %arg5[%dma_wait3A_112, %dma_wait3A_113] : memref<10240x128xf32, #tpu.memory_space<vmem_shared>> -> memref<10240x128xf32, #tpu.memory_space<vmem_shared>>
    tpu.wait_indirect_dma semaphore(%arg18 : memref<!tpu.dma_semaphore, #tpu.memory_space<semaphore_mem>>) src(%arg6 : memref<128x128xf32, #tpu.memory_space<vmem>>) dst(%dma_wait3A_114 : memref<10240x128xf32, #tpu.memory_space<vmem_shared>>)
    %add3A_115 = arith.constant 512 : i32
    %add3A_116 = arith.addi %mul3A_31, %add3A_115 : i32
    %dma_start3A_117 = arith.constant 0 : i32
    %dma_start3A_118 = tpu.memref_slice %arg3[%dma_start3A_117, %add3A_116] : memref<2x320000xi32, #tpu.memory_space<hbm>> -> memref<2x128xi32, #tpu.memory_space<hbm>>
    %dma_start3A_119 = arith.constant 0 : i32
    %dma_start3A_120 = tpu.memref_slice %arg3[%dma_start3A_119, %add3A_116] : memref<2x320000xi32, #tpu.memory_space<hbm>> -> memref<2x128xi32, #tpu.memory_space<hbm>>
    tpu.enqueue_dma source(%dma_start3A_120 : memref<2x128xi32, #tpu.memory_space<hbm>>) target(%arg8 : memref<2x128xi32, #tpu.memory_space<vmem>>) target_semaphore(%arg12 : memref<!tpu.dma_semaphore, #tpu.memory_space<semaphore_mem>>)
    %add3A_121 = arith.constant 256 : i32
    %add3A_122 = arith.addi %mul3A_31, %add3A_121 : i32
    %dma_wait3A_123 = arith.constant 0 : i32
    %dma_wait3A_124 = tpu.memref_slice %arg3[%dma_wait3A_123, %add3A_122] : memref<2x320000xi32, #tpu.memory_space<hbm>> -> memref<2x128xi32, #tpu.memory_space<hbm>>
    %dma_wait3A_125 = arith.constant 0 : i32
    %dma_wait3A_126 = tpu.memref_slice %arg3[%dma_wait3A_125, %add3A_122] : memref<2x320000xi32, #tpu.memory_space<hbm>> -> memref<2x128xi32, #tpu.memory_space<hbm>>
    tpu.wait_dma2 semaphore(%arg14 : memref<!tpu.dma_semaphore, #tpu.memory_space<semaphore_mem>>) src(%dma_wait3A_126 : memref<2x128xi32, #tpu.memory_space<hbm>>) dst(%arg10 : memref<2x128xi32, #tpu.memory_space<vmem>>)
    %dma_start3A_127 = arith.constant 0 : i32
    %dma_start3A_128 = arith.constant 0 : i32
    %dma_start3A_129 = tpu.memref_slice %arg10[%dma_start3A_127, %dma_start3A_128] : memref<2x128xi32, #tpu.memory_space<vmem>> -> memref<1x128xi32, #tpu.memory_space<vmem>>
    %dma_start3A_130 = tpu.memref_squeeze %dma_start3A_129 : memref<1x128xi32, #tpu.memory_space<vmem>> -> memref<128xi32, #tpu.memory_space<vmem>>
    %dma_start3A_131 = arith.constant 0 : i32
    %dma_start3A_132 = arith.constant 0 : i32
    %dma_start3A_133 = tpu.memref_slice %arg2[%dma_start3A_131, %dma_start3A_132] : memref<10000x128xf32, #tpu.memory_space<hbm>> -> memref<10000x128xf32, #tpu.memory_space<hbm>>
    tpu.enqueue_indirect_dma source(%dma_start3A_133 : memref<10000x128xf32, #tpu.memory_space<hbm>>) target(%arg6 : memref<128x128xf32, #tpu.memory_space<vmem>>) offsets(%dma_start3A_130 : memref<128xi32, #tpu.memory_space<vmem>>) semaphore(%arg16 : memref<!tpu.dma_semaphore, #tpu.memory_space<semaphore_mem>>)
    %dma_wait3A_134 = arith.constant 1 : i32
    %dma_wait3A_135 = arith.constant 0 : i32
    %dma_wait3A_136 = tpu.memref_slice %arg9[%dma_wait3A_134, %dma_wait3A_135] : memref<2x128xi32, #tpu.memory_space<vmem>> -> memref<1x128xi32, #tpu.memory_space<vmem>>
    %dma_wait3A_137 = tpu.memref_squeeze %dma_wait3A_136 : memref<1x128xi32, #tpu.memory_space<vmem>> -> memref<128xi32, #tpu.memory_space<vmem>>
    %dma_wait3A_138 = arith.constant 0 : i32
    %dma_wait3A_139 = arith.constant 0 : i32
    %dma_wait3A_140 = tpu.memref_slice %arg5[%dma_wait3A_138, %dma_wait3A_139] : memref<10240x128xf32, #tpu.memory_space<vmem_shared>> -> memref<10240x128xf32, #tpu.memory_space<vmem_shared>>
    tpu.wait_indirect_dma semaphore(%arg19 : memref<!tpu.dma_semaphore, #tpu.memory_space<semaphore_mem>>) src(%arg7 : memref<128x128xf32, #tpu.memory_space<vmem>>) dst(%dma_wait3A_140 : memref<10240x128xf32, #tpu.memory_space<vmem_shared>>)
    %add3A_141 = arith.constant 640 : i32
    %add3A_142 = arith.addi %mul3A_31, %add3A_141 : i32
    %dma_start3A_143 = arith.constant 0 : i32
    %dma_start3A_144 = tpu.memref_slice %arg3[%dma_start3A_143, %add3A_142] : memref<2x320000xi32, #tpu.memory_space<hbm>> -> memref<2x128xi32, #tpu.memory_space<hbm>>
    %dma_start3A_145 = arith.constant 0 : i32
    %dma_start3A_146 = tpu.memref_slice %arg3[%dma_start3A_145, %add3A_142] : memref<2x320000xi32, #tpu.memory_space<hbm>> -> memref<2x128xi32, #tpu.memory_space<hbm>>
    tpu.enqueue_dma source(%dma_start3A_146 : memref<2x128xi32, #tpu.memory_space<hbm>>) target(%arg9 : memref<2x128xi32, #tpu.memory_space<vmem>>) target_semaphore(%arg13 : memref<!tpu.dma_semaphore, #tpu.memory_space<semaphore_mem>>)
    %add3A_147 = arith.constant 384 : i32
    %add3A_148 = arith.addi %mul3A_31, %add3A_147 : i32
    %dma_wait3A_149 = arith.constant 0 : i32
    %dma_wait3A_150 = tpu.memref_slice %arg3[%dma_wait3A_149, %add3A_148] : memref<2x320000xi32, #tpu.memory_space<hbm>> -> memref<2x128xi32, #tpu.memory_space<hbm>>
    %dma_wait3A_151 = arith.constant 0 : i32
    %dma_wait3A_152 = tpu.memref_slice %arg3[%dma_wait3A_151, %add3A_148] : memref<2x320000xi32, #tpu.memory_space<hbm>> -> memref<2x128xi32, #tpu.memory_space<hbm>>
    tpu.wait_dma2 semaphore(%arg15 : memref<!tpu.dma_semaphore, #tpu.memory_space<semaphore_mem>>) src(%dma_wait3A_152 : memref<2x128xi32, #tpu.memory_space<hbm>>) dst(%arg11 : memref<2x128xi32, #tpu.memory_space<vmem>>)
    %dma_start3A_153 = arith.constant 0 : i32
    %dma_start3A_154 = arith.constant 0 : i32
    %dma_start3A_155 = tpu.memref_slice %arg11[%dma_start3A_153, %dma_start3A_154] : memref<2x128xi32, #tpu.memory_space<vmem>> -> memref<1x128xi32, #tpu.memory_space<vmem>>
    %dma_start3A_156 = tpu.memref_squeeze %dma_start3A_155 : memref<1x128xi32, #tpu.memory_space<vmem>> -> memref<128xi32, #tpu.memory_space<vmem>>
    %dma_start3A_157 = arith.constant 0 : i32
    %dma_start3A_158 = arith.constant 0 : i32
    %dma_start3A_159 = tpu.memref_slice %arg2[%dma_start3A_157, %dma_start3A_158] : memref<10000x128xf32, #tpu.memory_space<hbm>> -> memref<10000x128xf32, #tpu.memory_space<hbm>>
    tpu.enqueue_indirect_dma source(%dma_start3A_159 : memref<10000x128xf32, #tpu.memory_space<hbm>>) target(%arg7 : memref<128x128xf32, #tpu.memory_space<vmem>>) offsets(%dma_start3A_156 : memref<128xi32, #tpu.memory_space<vmem>>) semaphore(%arg17 : memref<!tpu.dma_semaphore, #tpu.memory_space<semaphore_mem>>)
    %dma_wait3A_160 = arith.constant 0 : i32
    %dma_wait3A_161 = arith.constant 0 : i32
    %dma_wait3A_162 = tpu.memref_slice %arg10[%dma_wait3A_160, %dma_wait3A_161] : memref<2x128xi32, #tpu.memory_space<vmem>> -> memref<1x128xi32, #tpu.memory_space<vmem>>
    %dma_wait3A_163 = tpu.memref_squeeze %dma_wait3A_162 : memref<1x128xi32, #tpu.memory_space<vmem>> -> memref<128xi32, #tpu.memory_space<vmem>>
    %dma_wait3A_164 = arith.constant 0 : i32
    %dma_wait3A_165 = arith.constant 0 : i32
    %dma_wait3A_166 = tpu.memref_slice %arg2[%dma_wait3A_164, %dma_wait3A_165] : memref<10000x128xf32, #tpu.memory_space<hbm>> -> memref<10000x128xf32, #tpu.memory_space<hbm>>
    tpu.wait_indirect_dma semaphore(%arg16 : memref<!tpu.dma_semaphore, #tpu.memory_space<semaphore_mem>>) src(%dma_wait3A_166 : memref<10000x128xf32, #tpu.memory_space<hbm>>) dst(%arg6 : memref<128x128xf32, #tpu.memory_space<vmem>>)
    %dma_start3A_167 = arith.constant 1 : i32
    %dma_start3A_168 = arith.constant 0 : i32
    %dma_start3A_169 = tpu.memref_slice %arg10[%dma_start3A_167, %dma_start3A_168] : memref<2x128xi32, #tpu.memory_space<vmem>> -> memref<1x128xi32, #tpu.memory_space<vmem>>
    %dma_start3A_170 = tpu.memref_squeeze %dma_start3A_169 : memref<1x128xi32, #tpu.memory_space<vmem>> -> memref<128xi32, #tpu.memory_space<vmem>>
    %dma_start3A_171 = arith.constant 0 : i32
    %dma_start3A_172 = arith.constant 0 : i32
    %dma_start3A_173 = tpu.memref_slice %arg5[%dma_start3A_171, %dma_start3A_172] : memref<10240x128xf32, #tpu.memory_space<vmem_shared>> -> memref<10240x128xf32, #tpu.memory_space<vmem_shared>>
    tpu.enqueue_indirect_dma source(%arg6 : memref<128x128xf32, #tpu.memory_space<vmem>>) target(%dma_start3A_173 : memref<10240x128xf32, #tpu.memory_space<vmem_shared>>) offsets(%dma_start3A_170 : memref<128xi32, #tpu.memory_space<vmem>>) semaphore(%arg18 : memref<!tpu.dma_semaphore, #tpu.memory_space<semaphore_mem>>) {add = true}
    %dma_wait3A_174 = arith.constant 0 : i32
    %dma_wait3A_175 = arith.constant 0 : i32
    %dma_wait3A_176 = tpu.memref_slice %arg11[%dma_wait3A_174, %dma_wait3A_175] : memref<2x128xi32, #tpu.memory_space<vmem>> -> memref<1x128xi32, #tpu.memory_space<vmem>>
    %dma_wait3A_177 = tpu.memref_squeeze %dma_wait3A_176 : memref<1x128xi32, #tpu.memory_space<vmem>> -> memref<128xi32, #tpu.memory_space<vmem>>
    %dma_wait3A_178 = arith.constant 0 : i32
    %dma_wait3A_179 = arith.constant 0 : i32
    %dma_wait3A_180 = tpu.memref_slice %arg2[%dma_wait3A_178, %dma_wait3A_179] : memref<10000x128xf32, #tpu.memory_space<hbm>> -> memref<10000x128xf32, #tpu.memory_space<hbm>>
    tpu.wait_indirect_dma semaphore(%arg17 : memref<!tpu.dma_semaphore, #tpu.memory_space<semaphore_mem>>) src(%dma_wait3A_180 : memref<10000x128xf32, #tpu.memory_space<hbm>>) dst(%arg7 : memref<128x128xf32, #tpu.memory_space<vmem>>)
    %dma_start3A_181 = arith.constant 1 : i32
    %dma_start3A_182 = arith.constant 0 : i32
    %dma_start3A_183 = tpu.memref_slice %arg11[%dma_start3A_181, %dma_start3A_182] : memref<2x128xi32, #tpu.memory_space<vmem>> -> memref<1x128xi32, #tpu.memory_space<vmem>>
    %dma_start3A_184 = tpu.memref_squeeze %dma_start3A_183 : memref<1x128xi32, #tpu.memory_space<vmem>> -> memref<128xi32, #tpu.memory_space<vmem>>
    %dma_start3A_185 = arith.constant 0 : i32
    %dma_start3A_186 = arith.constant 0 : i32
    %dma_start3A_187 = tpu.memref_slice %arg5[%dma_start3A_185, %dma_start3A_186] : memref<10240x128xf32, #tpu.memory_space<vmem_shared>> -> memref<10240x128xf32, #tpu.memory_space<vmem_shared>>
    tpu.enqueue_indirect_dma source(%arg7 : memref<128x128xf32, #tpu.memory_space<vmem>>) target(%dma_start3A_187 : memref<10240x128xf32, #tpu.memory_space<vmem_shared>>) offsets(%dma_start3A_184 : memref<128xi32, #tpu.memory_space<vmem>>) semaphore(%arg19 : memref<!tpu.dma_semaphore, #tpu.memory_space<semaphore_mem>>) {add = true}
    %scan3A_188 = arith.constant 1 : i32
    %scan3A_189 = arith.constant 0 : i32
    %scan3A_190 = arith.constant 1 : i32
    %scan3A_191 = arith.constant 0 : i32
    %scan3A_192 = arith.constant 1 : i32
    %scan3A_193 = arith.constant 1 : i32
    %scan3A_194 = arith.constant 0 : i32
    %scan3A_195 = arith.constant 0 : i32
    %scan3A_196 = arith.constant 0 : i32
    %scan3A_197 = arith.constant 18 : i32
    %scan3A_198 = arith.addi %scan3A_196, %scan3A_197 : i32
    %scan3A_199 = arith.constant 1 : i32
    scf.for %scan3A_388 = %scan3A_196 to %scan3A_198 step %scan3A_199  : i32 {
      %add3A_389 = arith.constant 1 : i32
      %add3A_390 = arith.addi %scan3A_388, %add3A_389 : i32
      %mul3A_391 = arith.constant 4 : i32
      %mul3A_392 = arith.muli %add3A_390, %mul3A_391 : i32
      %add3A_393 = arith.constant 0 : i32
      %add3A_394 = arith.addi %mul3A_392, %add3A_393 : i32
      %dma_wait3A_395 = arith.constant 0 : i32
      %dma_wait3A_396 = tpu.memref_slice %arg10[%scan3A_188, %dma_wait3A_395] : memref<2x128xi32, #tpu.memory_space<vmem>> -> memref<1x128xi32, #tpu.memory_space<vmem>>
      %dma_wait3A_397 = tpu.memref_squeeze %dma_wait3A_396 : memref<1x128xi32, #tpu.memory_space<vmem>> -> memref<128xi32, #tpu.memory_space<vmem>>
      %dma_wait3A_398 = arith.constant 0 : i32
      %dma_wait3A_399 = arith.constant 0 : i32
      %dma_wait3A_400 = tpu.memref_slice %arg5[%dma_wait3A_398, %dma_wait3A_399] : memref<10240x128xf32, #tpu.memory_space<vmem_shared>> -> memref<10240x128xf32, #tpu.memory_space<vmem_shared>>
      tpu.wait_indirect_dma semaphore(%arg18 : memref<!tpu.dma_semaphore, #tpu.memory_space<semaphore_mem>>) src(%arg6 : memref<128x128xf32, #tpu.memory_space<vmem>>) dst(%dma_wait3A_400 : memref<10240x128xf32, #tpu.memory_space<vmem_shared>>)
      %add3A_401 = arith.constant 2 : i32
      %add3A_402 = arith.addi %add3A_394, %add3A_401 : i32
      %lt3A_403 = arith.constant 78 : i32
      %lt3A_404 = arith.cmpi slt, %add3A_402, %lt3A_403 : i32
      %convert_element_type3A_405 = arith.extui %lt3A_404 : i1 to i32
      %cond3A_406 = arith.constant 0 : i32
      %cond3A_407 = arith.cmpi ne, %convert_element_type3A_405, %cond3A_406 : i32
      scf.if %cond3A_407 {
        %add3A_555 = arith.constant 2 : i32
        %add3A_556 = arith.addi %add3A_394, %add3A_555 : i32
        %mul3A_557 = arith.constant 128 : i32
        %mul3A_558 = arith.muli %add3A_556, %mul3A_557 : i32
        %add3A_559 = arith.addi %mul3A_31, %mul3A_558 : i32
        %dma_start3A_560 = arith.constant 0 : i32
        %dma_start3A_561 = tpu.memref_slice %arg3[%dma_start3A_560, %add3A_559] : memref<2x320000xi32, #tpu.memory_space<hbm>> -> memref<2x128xi32, #tpu.memory_space<hbm>>
        %dma_start3A_562 = arith.constant 0 : i32
        %dma_start3A_563 = tpu.memref_slice %arg3[%dma_start3A_562, %add3A_559] : memref<2x320000xi32, #tpu.memory_space<hbm>> -> memref<2x128xi32, #tpu.memory_space<hbm>>
        tpu.enqueue_dma source(%dma_start3A_563 : memref<2x128xi32, #tpu.memory_space<hbm>>) target(%arg10 : memref<2x128xi32, #tpu.memory_space<vmem>>) target_semaphore(%arg14 : memref<!tpu.dma_semaphore, #tpu.memory_space<semaphore_mem>>)
      } else {
      }
      %mul3A_408 = arith.constant 128 : i32
      %mul3A_409 = arith.muli %add3A_394, %mul3A_408 : i32
      %add3A_410 = arith.addi %mul3A_31, %mul3A_409 : i32
      %dma_wait3A_411 = arith.constant 0 : i32
      %dma_wait3A_412 = tpu.memref_slice %arg3[%dma_wait3A_411, %add3A_410] : memref<2x320000xi32, #tpu.memory_space<hbm>> -> memref<2x128xi32, #tpu.memory_space<hbm>>
      %dma_wait3A_413 = arith.constant 0 : i32
      %dma_wait3A_414 = tpu.memref_slice %arg3[%dma_wait3A_413, %add3A_410] : memref<2x320000xi32, #tpu.memory_space<hbm>> -> memref<2x128xi32, #tpu.memory_space<hbm>>
      tpu.wait_dma2 semaphore(%arg12 : memref<!tpu.dma_semaphore, #tpu.memory_space<semaphore_mem>>) src(%dma_wait3A_414 : memref<2x128xi32, #tpu.memory_space<hbm>>) dst(%arg8 : memref<2x128xi32, #tpu.memory_space<vmem>>)
      %dma_start3A_415 = arith.constant 0 : i32
      %dma_start3A_416 = tpu.memref_slice %arg8[%scan3A_189, %dma_start3A_415] : memref<2x128xi32, #tpu.memory_space<vmem>> -> memref<1x128xi32, #tpu.memory_space<vmem>>
      %dma_start3A_417 = tpu.memref_squeeze %dma_start3A_416 : memref<1x128xi32, #tpu.memory_space<vmem>> -> memref<128xi32, #tpu.memory_space<vmem>>
      %dma_start3A_418 = arith.constant 0 : i32
      %dma_start3A_419 = arith.constant 0 : i32
      %dma_start3A_420 = tpu.memref_slice %arg2[%dma_start3A_418, %dma_start3A_419] : memref<10000x128xf32, #tpu.memory_space<hbm>> -> memref<10000x128xf32, #tpu.memory_space<hbm>>
      tpu.enqueue_indirect_dma source(%dma_start3A_420 : memref<10000x128xf32, #tpu.memory_space<hbm>>) target(%arg6 : memref<128x128xf32, #tpu.memory_space<vmem>>) offsets(%dma_start3A_417 : memref<128xi32, #tpu.memory_space<vmem>>) semaphore(%arg16 : memref<!tpu.dma_semaphore, #tpu.memory_space<semaphore_mem>>)
      %add3A_421 = arith.constant 1 : i32
      %add3A_422 = arith.addi %mul3A_392, %add3A_421 : i32
      %dma_wait3A_423 = arith.constant 0 : i32
      %dma_wait3A_424 = tpu.memref_slice %arg11[%scan3A_190, %dma_wait3A_423] : memref<2x128xi32, #tpu.memory_space<vmem>> -> memref<1x128xi32, #tpu.memory_space<vmem>>
      %dma_wait3A_425 = tpu.memref_squeeze %dma_wait3A_424 : memref<1x128xi32, #tpu.memory_space<vmem>> -> memref<128xi32, #tpu.memory_space<vmem>>
      %dma_wait3A_426 = arith.constant 0 : i32
      %dma_wait3A_427 = arith.constant 0 : i32
      %dma_wait3A_428 = tpu.memref_slice %arg5[%dma_wait3A_426, %dma_wait3A_427] : memref<10240x128xf32, #tpu.memory_space<vmem_shared>> -> memref<10240x128xf32, #tpu.memory_space<vmem_shared>>
      tpu.wait_indirect_dma semaphore(%arg19 : memref<!tpu.dma_semaphore, #tpu.memory_space<semaphore_mem>>) src(%arg7 : memref<128x128xf32, #tpu.memory_space<vmem>>) dst(%dma_wait3A_428 : memref<10240x128xf32, #tpu.memory_space<vmem_shared>>)
      %add3A_429 = arith.constant 2 : i32
      %add3A_430 = arith.addi %add3A_422, %add3A_429 : i32
      %lt3A_431 = arith.constant 78 : i32
      %lt3A_432 = arith.cmpi slt, %add3A_430, %lt3A_431 : i32
      %convert_element_type3A_433 = arith.extui %lt3A_432 : i1 to i32
      %cond3A_434 = arith.constant 0 : i32
      %cond3A_435 = arith.cmpi ne, %convert_element_type3A_433, %cond3A_434 : i32
      scf.if %cond3A_435 {
        %add3A_555 = arith.constant 2 : i32
        %add3A_556 = arith.addi %add3A_422, %add3A_555 : i32
        %mul3A_557 = arith.constant 128 : i32
        %mul3A_558 = arith.muli %add3A_556, %mul3A_557 : i32
        %add3A_559 = arith.addi %mul3A_31, %mul3A_558 : i32
        %dma_start3A_560 = arith.constant 0 : i32
        %dma_start3A_561 = tpu.memref_slice %arg3[%dma_start3A_560, %add3A_559] : memref<2x320000xi32, #tpu.memory_space<hbm>> -> memref<2x128xi32, #tpu.memory_space<hbm>>
        %dma_start3A_562 = arith.constant 0 : i32
        %dma_start3A_563 = tpu.memref_slice %arg3[%dma_start3A_562, %add3A_559] : memref<2x320000xi32, #tpu.memory_space<hbm>> -> memref<2x128xi32, #tpu.memory_space<hbm>>
        tpu.enqueue_dma source(%dma_start3A_563 : memref<2x128xi32, #tpu.memory_space<hbm>>) target(%arg11 : memref<2x128xi32, #tpu.memory_space<vmem>>) target_semaphore(%arg15 : memref<!tpu.dma_semaphore, #tpu.memory_space<semaphore_mem>>)
      } else {
      }
      %mul3A_436 = arith.constant 128 : i32
      %mul3A_437 = arith.muli %add3A_422, %mul3A_436 : i32
      %add3A_438 = arith.addi %mul3A_31, %mul3A_437 : i32
      %dma_wait3A_439 = arith.constant 0 : i32
      %dma_wait3A_440 = tpu.memref_slice %arg3[%dma_wait3A_439, %add3A_438] : memref<2x320000xi32, #tpu.memory_space<hbm>> -> memref<2x128xi32, #tpu.memory_space<hbm>>
      %dma_wait3A_441 = arith.constant 0 : i32
      %dma_wait3A_442 = tpu.memref_slice %arg3[%dma_wait3A_441, %add3A_438] : memref<2x320000xi32, #tpu.memory_space<hbm>> -> memref<2x128xi32, #tpu.memory_space<hbm>>
      tpu.wait_dma2 semaphore(%arg13 : memref<!tpu.dma_semaphore, #tpu.memory_space<semaphore_mem>>) src(%dma_wait3A_442 : memref<2x128xi32, #tpu.memory_space<hbm>>) dst(%arg9 : memref<2x128xi32, #tpu.memory_space<vmem>>)
      %dma_start3A_443 = arith.constant 0 : i32
      %dma_start3A_444 = tpu.memref_slice %arg9[%scan3A_191, %dma_start3A_443] : memref<2x128xi32, #tpu.memory_space<vmem>> -> memref<1x128xi32, #tpu.memory_space<vmem>>
      %dma_start3A_445 = tpu.memref_squeeze %dma_start3A_444 : memref<1x128xi32, #tpu.memory_space<vmem>> -> memref<128xi32, #tpu.memory_space<vmem>>
      %dma_start3A_446 = arith.constant 0 : i32
      %dma_start3A_447 = arith.constant 0 : i32
      %dma_start3A_448 = tpu.memref_slice %arg2[%dma_start3A_446, %dma_start3A_447] : memref<10000x128xf32, #tpu.memory_space<hbm>> -> memref<10000x128xf32, #tpu.memory_space<hbm>>
      tpu.enqueue_indirect_dma source(%dma_start3A_448 : memref<10000x128xf32, #tpu.memory_space<hbm>>) target(%arg7 : memref<128x128xf32, #tpu.memory_space<vmem>>) offsets(%dma_start3A_445 : memref<128xi32, #tpu.memory_space<vmem>>) semaphore(%arg17 : memref<!tpu.dma_semaphore, #tpu.memory_space<semaphore_mem>>)
      %dma_wait3A_449 = arith.constant 0 : i32
      %dma_wait3A_450 = tpu.memref_slice %arg8[%scan3A_189, %dma_wait3A_449] : memref<2x128xi32, #tpu.memory_space<vmem>> -> memref<1x128xi32, #tpu.memory_space<vmem>>
      %dma_wait3A_451 = tpu.memref_squeeze %dma_wait3A_450 : memref<1x128xi32, #tpu.memory_space<vmem>> -> memref<128xi32, #tpu.memory_space<vmem>>
      %dma_wait3A_452 = arith.constant 0 : i32
      %dma_wait3A_453 = arith.constant 0 : i32
      %dma_wait3A_454 = tpu.memref_slice %arg2[%dma_wait3A_452, %dma_wait3A_453] : memref<10000x128xf32, #tpu.memory_space<hbm>> -> memref<10000x128xf32, #tpu.memory_space<hbm>>
      tpu.wait_indirect_dma semaphore(%arg16 : memref<!tpu.dma_semaphore, #tpu.memory_space<semaphore_mem>>) src(%dma_wait3A_454 : memref<10000x128xf32, #tpu.memory_space<hbm>>) dst(%arg6 : memref<128x128xf32, #tpu.memory_space<vmem>>)
      %dma_start3A_455 = arith.constant 0 : i32
      %dma_start3A_456 = tpu.memref_slice %arg8[%scan3A_192, %dma_start3A_455] : memref<2x128xi32, #tpu.memory_space<vmem>> -> memref<1x128xi32, #tpu.memory_space<vmem>>
      %dma_start3A_457 = tpu.memref_squeeze %dma_start3A_456 : memref<1x128xi32, #tpu.memory_space<vmem>> -> memref<128xi32, #tpu.memory_space<vmem>>
      %dma_start3A_458 = arith.constant 0 : i32
      %dma_start3A_459 = arith.constant 0 : i32
      %dma_start3A_460 = tpu.memref_slice %arg5[%dma_start3A_458, %dma_start3A_459] : memref<10240x128xf32, #tpu.memory_space<vmem_shared>> -> memref<10240x128xf32, #tpu.memory_space<vmem_shared>>
      tpu.enqueue_indirect_dma source(%arg6 : memref<128x128xf32, #tpu.memory_space<vmem>>) target(%dma_start3A_460 : memref<10240x128xf32, #tpu.memory_space<vmem_shared>>) offsets(%dma_start3A_457 : memref<128xi32, #tpu.memory_space<vmem>>) semaphore(%arg18 : memref<!tpu.dma_semaphore, #tpu.memory_space<semaphore_mem>>) {add = true}
      %dma_wait3A_461 = arith.constant 0 : i32
      %dma_wait3A_462 = tpu.memref_slice %arg9[%scan3A_191, %dma_wait3A_461] : memref<2x128xi32, #tpu.memory_space<vmem>> -> memref<1x128xi32, #tpu.memory_space<vmem>>
      %dma_wait3A_463 = tpu.memref_squeeze %dma_wait3A_462 : memref<1x128xi32, #tpu.memory_space<vmem>> -> memref<128xi32, #tpu.memory_space<vmem>>
      %dma_wait3A_464 = arith.constant 0 : i32
      %dma_wait3A_465 = arith.constant 0 : i32
      %dma_wait3A_466 = tpu.memref_slice %arg2[%dma_wait3A_464, %dma_wait3A_465] : memref<10000x128xf32, #tpu.memory_space<hbm>> -> memref<10000x128xf32, #tpu.memory_space<hbm>>
      tpu.wait_indirect_dma semaphore(%arg17 : memref<!tpu.dma_semaphore, #tpu.memory_space<semaphore_mem>>) src(%dma_wait3A_466 : memref<10000x128xf32, #tpu.memory_space<hbm>>) dst(%arg7 : memref<128x128xf32, #tpu.memory_space<vmem>>)
      %dma_start3A_467 = arith.constant 0 : i32
      %dma_start3A_468 = tpu.memref_slice %arg9[%scan3A_193, %dma_start3A_467] : memref<2x128xi32, #tpu.memory_space<vmem>> -> memref<1x128xi32, #tpu.memory_space<vmem>>
      %dma_start3A_469 = tpu.memref_squeeze %dma_start3A_468 : memref<1x128xi32, #tpu.memory_space<vmem>> -> memref<128xi32, #tpu.memory_space<vmem>>
      %dma_start3A_470 = arith.constant 0 : i32
      %dma_start3A_471 = arith.constant 0 : i32
      %dma_start3A_472 = tpu.memref_slice %arg5[%dma_start3A_470, %dma_start3A_471] : memref<10240x128xf32, #tpu.memory_space<vmem_shared>> -> memref<10240x128xf32, #tpu.memory_space<vmem_shared>>
      tpu.enqueue_indirect_dma source(%arg7 : memref<128x128xf32, #tpu.memory_space<vmem>>) target(%dma_start3A_472 : memref<10240x128xf32, #tpu.memory_space<vmem_shared>>) offsets(%dma_start3A_469 : memref<128xi32, #tpu.memory_space<vmem>>) semaphore(%arg19 : memref<!tpu.dma_semaphore, #tpu.memory_space<semaphore_mem>>) {add = true}
      %add3A_473 = arith.constant 2 : i32
      %add3A_474 = arith.addi %mul3A_392, %add3A_473 : i32
      %add3A_475 = arith.constant 0 : i32
      %add3A_476 = arith.addi %add3A_474, %add3A_475 : i32
      %dma_wait3A_477 = arith.constant 0 : i32
      %dma_wait3A_478 = tpu.memref_slice %arg8[%scan3A_192, %dma_wait3A_477] : memref<2x128xi32, #tpu.memory_space<vmem>> -> memref<1x128xi32, #tpu.memory_space<vmem>>
      %dma_wait3A_479 = tpu.memref_squeeze %dma_wait3A_478 : memref<1x128xi32, #tpu.memory_space<vmem>> -> memref<128xi32, #tpu.memory_space<vmem>>
      %dma_wait3A_480 = arith.constant 0 : i32
      %dma_wait3A_481 = arith.constant 0 : i32
      %dma_wait3A_482 = tpu.memref_slice %arg5[%dma_wait3A_480, %dma_wait3A_481] : memref<10240x128xf32, #tpu.memory_space<vmem_shared>> -> memref<10240x128xf32, #tpu.memory_space<vmem_shared>>
      tpu.wait_indirect_dma semaphore(%arg18 : memref<!tpu.dma_semaphore, #tpu.memory_space<semaphore_mem>>) src(%arg6 : memref<128x128xf32, #tpu.memory_space<vmem>>) dst(%dma_wait3A_482 : memref<10240x128xf32, #tpu.memory_space<vmem_shared>>)
      %add3A_483 = arith.constant 2 : i32
      %add3A_484 = arith.addi %add3A_476, %add3A_483 : i32
      %lt3A_485 = arith.constant 78 : i32
      %lt3A_486 = arith.cmpi slt, %add3A_484, %lt3A_485 : i32
      %convert_element_type3A_487 = arith.extui %lt3A_486 : i1 to i32
      %cond3A_488 = arith.constant 0 : i32
      %cond3A_489 = arith.cmpi ne, %convert_element_type3A_487, %cond3A_488 : i32
      scf.if %cond3A_489 {
        %add3A_555 = arith.constant 2 : i32
        %add3A_556 = arith.addi %add3A_476, %add3A_555 : i32
        %mul3A_557 = arith.constant 128 : i32
        %mul3A_558 = arith.muli %add3A_556, %mul3A_557 : i32
        %add3A_559 = arith.addi %mul3A_31, %mul3A_558 : i32
        %dma_start3A_560 = arith.constant 0 : i32
        %dma_start3A_561 = tpu.memref_slice %arg3[%dma_start3A_560, %add3A_559] : memref<2x320000xi32, #tpu.memory_space<hbm>> -> memref<2x128xi32, #tpu.memory_space<hbm>>
        %dma_start3A_562 = arith.constant 0 : i32
        %dma_start3A_563 = tpu.memref_slice %arg3[%dma_start3A_562, %add3A_559] : memref<2x320000xi32, #tpu.memory_space<hbm>> -> memref<2x128xi32, #tpu.memory_space<hbm>>
        tpu.enqueue_dma source(%dma_start3A_563 : memref<2x128xi32, #tpu.memory_space<hbm>>) target(%arg8 : memref<2x128xi32, #tpu.memory_space<vmem>>) target_semaphore(%arg12 : memref<!tpu.dma_semaphore, #tpu.memory_space<semaphore_mem>>)
      } else {
      }
      %mul3A_490 = arith.constant 128 : i32
      %mul3A_491 = arith.muli %add3A_476, %mul3A_490 : i32
      %add3A_492 = arith.addi %mul3A_31, %mul3A_491 : i32
      %dma_wait3A_493 = arith.constant 0 : i32
      %dma_wait3A_494 = tpu.memref_slice %arg3[%dma_wait3A_493, %add3A_492] : memref<2x320000xi32, #tpu.memory_space<hbm>> -> memref<2x128xi32, #tpu.memory_space<hbm>>
      %dma_wait3A_495 = arith.constant 0 : i32
      %dma_wait3A_496 = tpu.memref_slice %arg3[%dma_wait3A_495, %add3A_492] : memref<2x320000xi32, #tpu.memory_space<hbm>> -> memref<2x128xi32, #tpu.memory_space<hbm>>
      tpu.wait_dma2 semaphore(%arg14 : memref<!tpu.dma_semaphore, #tpu.memory_space<semaphore_mem>>) src(%dma_wait3A_496 : memref<2x128xi32, #tpu.memory_space<hbm>>) dst(%arg10 : memref<2x128xi32, #tpu.memory_space<vmem>>)
      %dma_start3A_497 = arith.constant 0 : i32
      %dma_start3A_498 = tpu.memref_slice %arg10[%scan3A_194, %dma_start3A_497] : memref<2x128xi32, #tpu.memory_space<vmem>> -> memref<1x128xi32, #tpu.memory_space<vmem>>
      %dma_start3A_499 = tpu.memref_squeeze %dma_start3A_498 : memref<1x128xi32, #tpu.memory_space<vmem>> -> memref<128xi32, #tpu.memory_space<vmem>>
      %dma_start3A_500 = arith.constant 0 : i32
      %dma_start3A_501 = arith.constant 0 : i32
      %dma_start3A_502 = tpu.memref_slice %arg2[%dma_start3A_500, %dma_start3A_501] : memref<10000x128xf32, #tpu.memory_space<hbm>> -> memref<10000x128xf32, #tpu.memory_space<hbm>>
      tpu.enqueue_indirect_dma source(%dma_start3A_502 : memref<10000x128xf32, #tpu.memory_space<hbm>>) target(%arg6 : memref<128x128xf32, #tpu.memory_space<vmem>>) offsets(%dma_start3A_499 : memref<128xi32, #tpu.memory_space<vmem>>) semaphore(%arg16 : memref<!tpu.dma_semaphore, #tpu.memory_space<semaphore_mem>>)
      %add3A_503 = arith.constant 1 : i32
      %add3A_504 = arith.addi %add3A_474, %add3A_503 : i32
      %dma_wait3A_505 = arith.constant 0 : i32
      %dma_wait3A_506 = tpu.memref_slice %arg9[%scan3A_193, %dma_wait3A_505] : memref<2x128xi32, #tpu.memory_space<vmem>> -> memref<1x128xi32, #tpu.memory_space<vmem>>
      %dma_wait3A_507 = tpu.memref_squeeze %dma_wait3A_506 : memref<1x128xi32, #tpu.memory_space<vmem>> -> memref<128xi32, #tpu.memory_space<vmem>>
      %dma_wait3A_508 = arith.constant 0 : i32
      %dma_wait3A_509 = arith.constant 0 : i32
      %dma_wait3A_510 = tpu.memref_slice %arg5[%dma_wait3A_508, %dma_wait3A_509] : memref<10240x128xf32, #tpu.memory_space<vmem_shared>> -> memref<10240x128xf32, #tpu.memory_space<vmem_shared>>
      tpu.wait_indirect_dma semaphore(%arg19 : memref<!tpu.dma_semaphore, #tpu.memory_space<semaphore_mem>>) src(%arg7 : memref<128x128xf32, #tpu.memory_space<vmem>>) dst(%dma_wait3A_510 : memref<10240x128xf32, #tpu.memory_space<vmem_shared>>)
      %add3A_511 = arith.constant 2 : i32
      %add3A_512 = arith.addi %add3A_504, %add3A_511 : i32
      %lt3A_513 = arith.constant 78 : i32
      %lt3A_514 = arith.cmpi slt, %add3A_512, %lt3A_513 : i32
      %convert_element_type3A_515 = arith.extui %lt3A_514 : i1 to i32
      %cond3A_516 = arith.constant 0 : i32
      %cond3A_517 = arith.cmpi ne, %convert_element_type3A_515, %cond3A_516 : i32
      scf.if %cond3A_517 {
        %add3A_555 = arith.constant 2 : i32
        %add3A_556 = arith.addi %add3A_504, %add3A_555 : i32
        %mul3A_557 = arith.constant 128 : i32
        %mul3A_558 = arith.muli %add3A_556, %mul3A_557 : i32
        %add3A_559 = arith.addi %mul3A_31, %mul3A_558 : i32
        %dma_start3A_560 = arith.constant 0 : i32
        %dma_start3A_561 = tpu.memref_slice %arg3[%dma_start3A_560, %add3A_559] : memref<2x320000xi32, #tpu.memory_space<hbm>> -> memref<2x128xi32, #tpu.memory_space<hbm>>
        %dma_start3A_562 = arith.constant 0 : i32
        %dma_start3A_563 = tpu.memref_slice %arg3[%dma_start3A_562, %add3A_559] : memref<2x320000xi32, #tpu.memory_space<hbm>> -> memref<2x128xi32, #tpu.memory_space<hbm>>
        tpu.enqueue_dma source(%dma_start3A_563 : memref<2x128xi32, #tpu.memory_space<hbm>>) target(%arg9 : memref<2x128xi32, #tpu.memory_space<vmem>>) target_semaphore(%arg13 : memref<!tpu.dma_semaphore, #tpu.memory_space<semaphore_mem>>)
      } else {
      }
      %mul3A_518 = arith.constant 128 : i32
      %mul3A_519 = arith.muli %add3A_504, %mul3A_518 : i32
      %add3A_520 = arith.addi %mul3A_31, %mul3A_519 : i32
      %dma_wait3A_521 = arith.constant 0 : i32
      %dma_wait3A_522 = tpu.memref_slice %arg3[%dma_wait3A_521, %add3A_520] : memref<2x320000xi32, #tpu.memory_space<hbm>> -> memref<2x128xi32, #tpu.memory_space<hbm>>
      %dma_wait3A_523 = arith.constant 0 : i32
      %dma_wait3A_524 = tpu.memref_slice %arg3[%dma_wait3A_523, %add3A_520] : memref<2x320000xi32, #tpu.memory_space<hbm>> -> memref<2x128xi32, #tpu.memory_space<hbm>>
      tpu.wait_dma2 semaphore(%arg15 : memref<!tpu.dma_semaphore, #tpu.memory_space<semaphore_mem>>) src(%dma_wait3A_524 : memref<2x128xi32, #tpu.memory_space<hbm>>) dst(%arg11 : memref<2x128xi32, #tpu.memory_space<vmem>>)
      %dma_start3A_525 = arith.constant 0 : i32
      %dma_start3A_526 = tpu.memref_slice %arg11[%scan3A_195, %dma_start3A_525] : memref<2x128xi32, #tpu.memory_space<vmem>> -> memref<1x128xi32, #tpu.memory_space<vmem>>
      %dma_start3A_527 = tpu.memref_squeeze %dma_start3A_526 : memref<1x128xi32, #tpu.memory_space<vmem>> -> memref<128xi32, #tpu.memory_space<vmem>>
      %dma_start3A_528 = arith.constant 0 : i32
      %dma_start3A_529 = arith.constant 0 : i32
      %dma_start3A_530 = tpu.memref_slice %arg2[%dma_start3A_528, %dma_start3A_529] : memref<10000x128xf32, #tpu.memory_space<hbm>> -> memref<10000x128xf32, #tpu.memory_space<hbm>>
      tpu.enqueue_indirect_dma source(%dma_start3A_530 : memref<10000x128xf32, #tpu.memory_space<hbm>>) target(%arg7 : memref<128x128xf32, #tpu.memory_space<vmem>>) offsets(%dma_start3A_527 : memref<128xi32, #tpu.memory_space<vmem>>) semaphore(%arg17 : memref<!tpu.dma_semaphore, #tpu.memory_space<semaphore_mem>>)
      %dma_wait3A_531 = arith.constant 0 : i32
      %dma_wait3A_532 = tpu.memref_slice %arg10[%scan3A_194, %dma_wait3A_531] : memref<2x128xi32, #tpu.memory_space<vmem>> -> memref<1x128xi32, #tpu.memory_space<vmem>>
      %dma_wait3A_533 = tpu.memref_squeeze %dma_wait3A_532 : memref<1x128xi32, #tpu.memory_space<vmem>> -> memref<128xi32, #tpu.memory_space<vmem>>
      %dma_wait3A_534 = arith.constant 0 : i32
      %dma_wait3A_535 = arith.constant 0 : i32
      %dma_wait3A_536 = tpu.memref_slice %arg2[%dma_wait3A_534, %dma_wait3A_535] : memref<10000x128xf32, #tpu.memory_space<hbm>> -> memref<10000x128xf32, #tpu.memory_space<hbm>>
      tpu.wait_indirect_dma semaphore(%arg16 : memref<!tpu.dma_semaphore, #tpu.memory_space<semaphore_mem>>) src(%dma_wait3A_536 : memref<10000x128xf32, #tpu.memory_space<hbm>>) dst(%arg6 : memref<128x128xf32, #tpu.memory_space<vmem>>)
      %dma_start3A_537 = arith.constant 0 : i32
      %dma_start3A_538 = tpu.memref_slice %arg10[%scan3A_188, %dma_start3A_537] : memref<2x128xi32, #tpu.memory_space<vmem>> -> memref<1x128xi32, #tpu.memory_space<vmem>>
      %dma_start3A_539 = tpu.memref_squeeze %dma_start3A_538 : memref<1x128xi32, #tpu.memory_space<vmem>> -> memref<128xi32, #tpu.memory_space<vmem>>
      %dma_start3A_540 = arith.constant 0 : i32
      %dma_start3A_541 = arith.constant 0 : i32
      %dma_start3A_542 = tpu.memref_slice %arg5[%dma_start3A_540, %dma_start3A_541] : memref<10240x128xf32, #tpu.memory_space<vmem_shared>> -> memref<10240x128xf32, #tpu.memory_space<vmem_shared>>
      tpu.enqueue_indirect_dma source(%arg6 : memref<128x128xf32, #tpu.memory_space<vmem>>) target(%dma_start3A_542 : memref<10240x128xf32, #tpu.memory_space<vmem_shared>>) offsets(%dma_start3A_539 : memref<128xi32, #tpu.memory_space<vmem>>) semaphore(%arg18 : memref<!tpu.dma_semaphore, #tpu.memory_space<semaphore_mem>>) {add = true}
      %dma_wait3A_543 = arith.constant 0 : i32
      %dma_wait3A_544 = tpu.memref_slice %arg11[%scan3A_195, %dma_wait3A_543] : memref<2x128xi32, #tpu.memory_space<vmem>> -> memref<1x128xi32, #tpu.memory_space<vmem>>
      %dma_wait3A_545 = tpu.memref_squeeze %dma_wait3A_544 : memref<1x128xi32, #tpu.memory_space<vmem>> -> memref<128xi32, #tpu.memory_space<vmem>>
      %dma_wait3A_546 = arith.constant 0 : i32
      %dma_wait3A_547 = arith.constant 0 : i32
      %dma_wait3A_548 = tpu.memref_slice %arg2[%dma_wait3A_546, %dma_wait3A_547] : memref<10000x128xf32, #tpu.memory_space<hbm>> -> memref<10000x128xf32, #tpu.memory_space<hbm>>
      tpu.wait_indirect_dma semaphore(%arg17 : memref<!tpu.dma_semaphore, #tpu.memory_space<semaphore_mem>>) src(%dma_wait3A_548 : memref<10000x128xf32, #tpu.memory_space<hbm>>) dst(%arg7 : memref<128x128xf32, #tpu.memory_space<vmem>>)
      %dma_start3A_549 = arith.constant 0 : i32
      %dma_start3A_550 = tpu.memref_slice %arg11[%scan3A_190, %dma_start3A_549] : memref<2x128xi32, #tpu.memory_space<vmem>> -> memref<1x128xi32, #tpu.memory_space<vmem>>
      %dma_start3A_551 = tpu.memref_squeeze %dma_start3A_550 : memref<1x128xi32, #tpu.memory_space<vmem>> -> memref<128xi32, #tpu.memory_space<vmem>>
      %dma_start3A_552 = arith.constant 0 : i32
      %dma_start3A_553 = arith.constant 0 : i32
      %dma_start3A_554 = tpu.memref_slice %arg5[%dma_start3A_552, %dma_start3A_553] : memref<10240x128xf32, #tpu.memory_space<vmem_shared>> -> memref<10240x128xf32, #tpu.memory_space<vmem_shared>>
      tpu.enqueue_indirect_dma source(%arg7 : memref<128x128xf32, #tpu.memory_space<vmem>>) target(%dma_start3A_554 : memref<10240x128xf32, #tpu.memory_space<vmem_shared>>) offsets(%dma_start3A_551 : memref<128xi32, #tpu.memory_space<vmem>>) semaphore(%arg19 : memref<!tpu.dma_semaphore, #tpu.memory_space<semaphore_mem>>) {add = true}
    }
    %scan3A_200 = arith.constant 18 : i32
    %dma_wait3A_201 = arith.constant 1 : i32
    %dma_wait3A_202 = arith.constant 0 : i32
    %dma_wait3A_203 = tpu.memref_slice %arg10[%dma_wait3A_201, %dma_wait3A_202] : memref<2x128xi32, #tpu.memory_space<vmem>> -> memref<1x128xi32, #tpu.memory_space<vmem>>
    %dma_wait3A_204 = tpu.memref_squeeze %dma_wait3A_203 : memref<1x128xi32, #tpu.memory_space<vmem>> -> memref<128xi32, #tpu.memory_space<vmem>>
    %dma_wait3A_205 = arith.constant 0 : i32
    %dma_wait3A_206 = arith.constant 0 : i32
    %dma_wait3A_207 = tpu.memref_slice %arg5[%dma_wait3A_205, %dma_wait3A_206] : memref<10240x128xf32, #tpu.memory_space<vmem_shared>> -> memref<10240x128xf32, #tpu.memory_space<vmem_shared>>
    tpu.wait_indirect_dma semaphore(%arg18 : memref<!tpu.dma_semaphore, #tpu.memory_space<semaphore_mem>>) src(%arg6 : memref<128x128xf32, #tpu.memory_space<vmem>>) dst(%dma_wait3A_207 : memref<10240x128xf32, #tpu.memory_space<vmem_shared>>)
    %add3A_208 = arith.constant 9728 : i32
    %add3A_209 = arith.addi %mul3A_31, %add3A_208 : i32
    %dma_wait3A_210 = arith.constant 0 : i32
    %dma_wait3A_211 = tpu.memref_slice %arg3[%dma_wait3A_210, %add3A_209] : memref<2x320000xi32, #tpu.memory_space<hbm>> -> memref<2x128xi32, #tpu.memory_space<hbm>>
    %dma_wait3A_212 = arith.constant 0 : i32
    %dma_wait3A_213 = tpu.memref_slice %arg3[%dma_wait3A_212, %add3A_209] : memref<2x320000xi32, #tpu.memory_space<hbm>> -> memref<2x128xi32, #tpu.memory_space<hbm>>
    tpu.wait_dma2 semaphore(%arg12 : memref<!tpu.dma_semaphore, #tpu.memory_space<semaphore_mem>>) src(%dma_wait3A_213 : memref<2x128xi32, #tpu.memory_space<hbm>>) dst(%arg8 : memref<2x128xi32, #tpu.memory_space<vmem>>)
    %dma_start3A_214 = arith.constant 0 : i32
    %dma_start3A_215 = arith.constant 0 : i32
    %dma_start3A_216 = tpu.memref_slice %arg8[%dma_start3A_214, %dma_start3A_215] : memref<2x128xi32, #tpu.memory_space<vmem>> -> memref<1x128xi32, #tpu.memory_space<vmem>>
    %dma_start3A_217 = tpu.memref_squeeze %dma_start3A_216 : memref<1x128xi32, #tpu.memory_space<vmem>> -> memref<128xi32, #tpu.memory_space<vmem>>
    %dma_start3A_218 = arith.constant 0 : i32
    %dma_start3A_219 = arith.constant 0 : i32
    %dma_start3A_220 = tpu.memref_slice %arg2[%dma_start3A_218, %dma_start3A_219] : memref<10000x128xf32, #tpu.memory_space<hbm>> -> memref<10000x128xf32, #tpu.memory_space<hbm>>
    tpu.enqueue_indirect_dma source(%dma_start3A_220 : memref<10000x128xf32, #tpu.memory_space<hbm>>) target(%arg6 : memref<128x128xf32, #tpu.memory_space<vmem>>) offsets(%dma_start3A_217 : memref<128xi32, #tpu.memory_space<vmem>>) semaphore(%arg16 : memref<!tpu.dma_semaphore, #tpu.memory_space<semaphore_mem>>)
    %dma_wait3A_221 = arith.constant 1 : i32
    %dma_wait3A_222 = arith.constant 0 : i32
    %dma_wait3A_223 = tpu.memref_slice %arg11[%dma_wait3A_221, %dma_wait3A_222] : memref<2x128xi32, #tpu.memory_space<vmem>> -> memref<1x128xi32, #tpu.memory_space<vmem>>
    %dma_wait3A_224 = tpu.memref_squeeze %dma_wait3A_223 : memref<1x128xi32, #tpu.memory_space<vmem>> -> memref<128xi32, #tpu.memory_space<vmem>>
    %dma_wait3A_225 = arith.constant 0 : i32
    %dma_wait3A_226 = arith.constant 0 : i32
    %dma_wait3A_227 = tpu.memref_slice %arg5[%dma_wait3A_225, %dma_wait3A_226] : memref<10240x128xf32, #tpu.memory_space<vmem_shared>> -> memref<10240x128xf32, #tpu.memory_space<vmem_shared>>
    tpu.wait_indirect_dma semaphore(%arg19 : memref<!tpu.dma_semaphore, #tpu.memory_space<semaphore_mem>>) src(%arg7 : memref<128x128xf32, #tpu.memory_space<vmem>>) dst(%dma_wait3A_227 : memref<10240x128xf32, #tpu.memory_space<vmem_shared>>)
    %add3A_228 = arith.constant 9856 : i32
    %add3A_229 = arith.addi %mul3A_31, %add3A_228 : i32
    %dma_wait3A_230 = arith.constant 0 : i32
    %dma_wait3A_231 = tpu.memref_slice %arg3[%dma_wait3A_230, %add3A_229] : memref<2x320000xi32, #tpu.memory_space<hbm>> -> memref<2x128xi32, #tpu.memory_space<hbm>>
    %dma_wait3A_232 = arith.constant 0 : i32
    %dma_wait3A_233 = tpu.memref_slice %arg3[%dma_wait3A_232, %add3A_229] : memref<2x320000xi32, #tpu.memory_space<hbm>> -> memref<2x128xi32, #tpu.memory_space<hbm>>
    tpu.wait_dma2 semaphore(%arg13 : memref<!tpu.dma_semaphore, #tpu.memory_space<semaphore_mem>>) src(%dma_wait3A_233 : memref<2x128xi32, #tpu.memory_space<hbm>>) dst(%arg9 : memref<2x128xi32, #tpu.memory_space<vmem>>)
    %dma_start3A_234 = arith.constant 0 : i32
    %dma_start3A_235 = arith.constant 0 : i32
    %dma_start3A_236 = tpu.memref_slice %arg9[%dma_start3A_234, %dma_start3A_235] : memref<2x128xi32, #tpu.memory_space<vmem>> -> memref<1x128xi32, #tpu.memory_space<vmem>>
    %dma_start3A_237 = tpu.memref_squeeze %dma_start3A_236 : memref<1x128xi32, #tpu.memory_space<vmem>> -> memref<128xi32, #tpu.memory_space<vmem>>
    %dma_start3A_238 = arith.constant 0 : i32
    %dma_start3A_239 = arith.constant 0 : i32
    %dma_start3A_240 = tpu.memref_slice %arg2[%dma_start3A_238, %dma_start3A_239] : memref<10000x128xf32, #tpu.memory_space<hbm>> -> memref<10000x128xf32, #tpu.memory_space<hbm>>
    tpu.enqueue_indirect_dma source(%dma_start3A_240 : memref<10000x128xf32, #tpu.memory_space<hbm>>) target(%arg7 : memref<128x128xf32, #tpu.memory_space<vmem>>) offsets(%dma_start3A_237 : memref<128xi32, #tpu.memory_space<vmem>>) semaphore(%arg17 : memref<!tpu.dma_semaphore, #tpu.memory_space<semaphore_mem>>)
    %dma_wait3A_241 = arith.constant 0 : i32
    %dma_wait3A_242 = arith.constant 0 : i32
    %dma_wait3A_243 = tpu.memref_slice %arg8[%dma_wait3A_241, %dma_wait3A_242] : memref<2x128xi32, #tpu.memory_space<vmem>> -> memref<1x128xi32, #tpu.memory_space<vmem>>
    %dma_wait3A_244 = tpu.memref_squeeze %dma_wait3A_243 : memref<1x128xi32, #tpu.memory_space<vmem>> -> memref<128xi32, #tpu.memory_space<vmem>>
    %dma_wait3A_245 = arith.constant 0 : i32
    %dma_wait3A_246 = arith.constant 0 : i32
    %dma_wait3A_247 = tpu.memref_slice %arg2[%dma_wait3A_245, %dma_wait3A_246] : memref<10000x128xf32, #tpu.memory_space<hbm>> -> memref<10000x128xf32, #tpu.memory_space<hbm>>
    tpu.wait_indirect_dma semaphore(%arg16 : memref<!tpu.dma_semaphore, #tpu.memory_space<semaphore_mem>>) src(%dma_wait3A_247 : memref<10000x128xf32, #tpu.memory_space<hbm>>) dst(%arg6 : memref<128x128xf32, #tpu.memory_space<vmem>>)
    %dma_start3A_248 = arith.constant 1 : i32
    %dma_start3A_249 = arith.constant 0 : i32
    %dma_start3A_250 = tpu.memref_slice %arg8[%dma_start3A_248, %dma_start3A_249] : memref<2x128xi32, #tpu.memory_space<vmem>> -> memref<1x128xi32, #tpu.memory_space<vmem>>
    %dma_start3A_251 = tpu.memref_squeeze %dma_start3A_250 : memref<1x128xi32, #tpu.memory_space<vmem>> -> memref<128xi32, #tpu.memory_space<vmem>>
    %dma_start3A_252 = arith.constant 0 : i32
    %dma_start3A_253 = arith.constant 0 : i32
    %dma_start3A_254 = tpu.memref_slice %arg5[%dma_start3A_252, %dma_start3A_253] : memref<10240x128xf32, #tpu.memory_space<vmem_shared>> -> memref<10240x128xf32, #tpu.memory_space<vmem_shared>>
    tpu.enqueue_indirect_dma source(%arg6 : memref<128x128xf32, #tpu.memory_space<vmem>>) target(%dma_start3A_254 : memref<10240x128xf32, #tpu.memory_space<vmem_shared>>) offsets(%dma_start3A_251 : memref<128xi32, #tpu.memory_space<vmem>>) semaphore(%arg18 : memref<!tpu.dma_semaphore, #tpu.memory_space<semaphore_mem>>) {add = true}
    %dma_wait3A_255 = arith.constant 0 : i32
    %dma_wait3A_256 = arith.constant 0 : i32
    %dma_wait3A_257 = tpu.memref_slice %arg9[%dma_wait3A_255, %dma_wait3A_256] : memref<2x128xi32, #tpu.memory_space<vmem>> -> memref<1x128xi32, #tpu.memory_space<vmem>>
    %dma_wait3A_258 = tpu.memref_squeeze %dma_wait3A_257 : memref<1x128xi32, #tpu.memory_space<vmem>> -> memref<128xi32, #tpu.memory_space<vmem>>
    %dma_wait3A_259 = arith.constant 0 : i32
    %dma_wait3A_260 = arith.constant 0 : i32
    %dma_wait3A_261 = tpu.memref_slice %arg2[%dma_wait3A_259, %dma_wait3A_260] : memref<10000x128xf32, #tpu.memory_space<hbm>> -> memref<10000x128xf32, #tpu.memory_space<hbm>>
    tpu.wait_indirect_dma semaphore(%arg17 : memref<!tpu.dma_semaphore, #tpu.memory_space<semaphore_mem>>) src(%dma_wait3A_261 : memref<10000x128xf32, #tpu.memory_space<hbm>>) dst(%arg7 : memref<128x128xf32, #tpu.memory_space<vmem>>)
    %dma_start3A_262 = arith.constant 1 : i32
    %dma_start3A_263 = arith.constant 0 : i32
    %dma_start3A_264 = tpu.memref_slice %arg9[%dma_start3A_262, %dma_start3A_263] : memref<2x128xi32, #tpu.memory_space<vmem>> -> memref<1x128xi32, #tpu.memory_space<vmem>>
    %dma_start3A_265 = tpu.memref_squeeze %dma_start3A_264 : memref<1x128xi32, #tpu.memory_space<vmem>> -> memref<128xi32, #tpu.memory_space<vmem>>
    %dma_start3A_266 = arith.constant 0 : i32
    %dma_start3A_267 = arith.constant 0 : i32
    %dma_start3A_268 = tpu.memref_slice %arg5[%dma_start3A_266, %dma_start3A_267] : memref<10240x128xf32, #tpu.memory_space<vmem_shared>> -> memref<10240x128xf32, #tpu.memory_space<vmem_shared>>
    tpu.enqueue_indirect_dma source(%arg7 : memref<128x128xf32, #tpu.memory_space<vmem>>) target(%dma_start3A_268 : memref<10240x128xf32, #tpu.memory_space<vmem_shared>>) offsets(%dma_start3A_265 : memref<128xi32, #tpu.memory_space<vmem>>) semaphore(%arg19 : memref<!tpu.dma_semaphore, #tpu.memory_space<semaphore_mem>>) {add = true}
    %dma_wait3A_269 = arith.constant 1 : i32
    %dma_wait3A_270 = arith.constant 0 : i32
    %dma_wait3A_271 = tpu.memref_slice %arg8[%dma_wait3A_269, %dma_wait3A_270] : memref<2x128xi32, #tpu.memory_space<vmem>> -> memref<1x128xi32, #tpu.memory_space<vmem>>
    %dma_wait3A_272 = tpu.memref_squeeze %dma_wait3A_271 : memref<1x128xi32, #tpu.memory_space<vmem>> -> memref<128xi32, #tpu.memory_space<vmem>>
    %dma_wait3A_273 = arith.constant 0 : i32
    %dma_wait3A_274 = arith.constant 0 : i32
    %dma_wait3A_275 = tpu.memref_slice %arg5[%dma_wait3A_273, %dma_wait3A_274] : memref<10240x128xf32, #tpu.memory_space<vmem_shared>> -> memref<10240x128xf32, #tpu.memory_space<vmem_shared>>
    tpu.wait_indirect_dma semaphore(%arg18 : memref<!tpu.dma_semaphore, #tpu.memory_space<semaphore_mem>>) src(%arg6 : memref<128x128xf32, #tpu.memory_space<vmem>>) dst(%dma_wait3A_275 : memref<10240x128xf32, #tpu.memory_space<vmem_shared>>)
    %dma_wait3A_276 = arith.constant 1 : i32
    %dma_wait3A_277 = arith.constant 0 : i32
    %dma_wait3A_278 = tpu.memref_slice %arg9[%dma_wait3A_276, %dma_wait3A_277] : memref<2x128xi32, #tpu.memory_space<vmem>> -> memref<1x128xi32, #tpu.memory_space<vmem>>
    %dma_wait3A_279 = tpu.memref_squeeze %dma_wait3A_278 : memref<1x128xi32, #tpu.memory_space<vmem>> -> memref<128xi32, #tpu.memory_space<vmem>>
    %dma_wait3A_280 = arith.constant 0 : i32
    %dma_wait3A_281 = arith.constant 0 : i32
    %dma_wait3A_282 = tpu.memref_slice %arg5[%dma_wait3A_280, %dma_wait3A_281] : memref<10240x128xf32, #tpu.memory_space<vmem_shared>> -> memref<10240x128xf32, #tpu.memory_space<vmem_shared>>
    tpu.wait_indirect_dma semaphore(%arg19 : memref<!tpu.dma_semaphore, #tpu.memory_space<semaphore_mem>>) src(%arg7 : memref<128x128xf32, #tpu.memory_space<vmem>>) dst(%dma_wait3A_282 : memref<10240x128xf32, #tpu.memory_space<vmem_shared>>)
    %lt3A = arith.constant 4 : i32
    %lt3A_283 = arith.cmpi slt, %add3A_25, %lt3A : i32
    %convert_element_type3A = arith.extui %lt3A_283 : i1 to i32
    %cond3A = arith.constant 0 : i32
    %cond3A_284 = arith.constant 1 : i32
    %cond3A_285 = arith.constant 0 : i32
    %cond3A_286 = arith.cmpi ne, %convert_element_type3A, %cond3A_285 : i32
    scf.if %cond3A_286 {
      %mul3A_388 = arith.constant 79 : i32
      %mul3A_389 = arith.muli %add3A_25, %mul3A_388 : i32
      %add3A_390 = arith.constant 78 : i32
      %add3A_391 = arith.addi %mul3A_389, %add3A_390 : i32
      %mul3A_392 = arith.constant 128 : i32
      %mul3A_393 = arith.muli %add3A_391, %mul3A_392 : i32
      "tpu.region"() ({
        %run_scoped3A = tpu.sem_alloc : memref<!tpu.dma_semaphore, #tpu.memory_space<semaphore_mem>>
        %dma_start3A_394 = arith.constant 0 : i32
        %dma_start3A_395 = tpu.memref_slice %arg3[%dma_start3A_394, %mul3A_393] : memref<2x320000xi32, #tpu.memory_space<hbm>> -> memref<2x128xi32, #tpu.memory_space<hbm>>
        %dma_start3A_396 = arith.constant 0 : i32
        %dma_start3A_397 = tpu.memref_slice %arg3[%dma_start3A_396, %mul3A_393] : memref<2x320000xi32, #tpu.memory_space<hbm>> -> memref<2x128xi32, #tpu.memory_space<hbm>>
        tpu.enqueue_dma source(%dma_start3A_397 : memref<2x128xi32, #tpu.memory_space<hbm>>) target(%arg8 : memref<2x128xi32, #tpu.memory_space<vmem>>) target_semaphore(%run_scoped3A : memref<!tpu.dma_semaphore, #tpu.memory_space<semaphore_mem>>)
        %dma_wait3A_398 = arith.constant 0 : i32
        %dma_wait3A_399 = tpu.memref_slice %arg3[%dma_wait3A_398, %mul3A_393] : memref<2x320000xi32, #tpu.memory_space<hbm>> -> memref<2x128xi32, #tpu.memory_space<hbm>>
        %dma_wait3A_400 = arith.constant 0 : i32
        %dma_wait3A_401 = tpu.memref_slice %arg3[%dma_wait3A_400, %mul3A_393] : memref<2x320000xi32, #tpu.memory_space<hbm>> -> memref<2x128xi32, #tpu.memory_space<hbm>>
        tpu.wait_dma2 semaphore(%run_scoped3A : memref<!tpu.dma_semaphore, #tpu.memory_space<semaphore_mem>>) src(%dma_wait3A_401 : memref<2x128xi32, #tpu.memory_space<hbm>>) dst(%arg8 : memref<2x128xi32, #tpu.memory_space<vmem>>)
        tpu.yield
      }) : () -> ()
      "tpu.region"() ({
        %run_scoped3A = tpu.sem_alloc : memref<!tpu.dma_semaphore, #tpu.memory_space<semaphore_mem>>
        %dma_start3A_394 = arith.constant 0 : i32
        %dma_start3A_395 = tpu.memref_slice %arg8[%cond3A, %dma_start3A_394] : memref<2x128xi32, #tpu.memory_space<vmem>> -> memref<1x128xi32, #tpu.memory_space<vmem>>
        %dma_start3A_396 = tpu.memref_squeeze %dma_start3A_395 : memref<1x128xi32, #tpu.memory_space<vmem>> -> memref<128xi32, #tpu.memory_space<vmem>>
        %dma_start3A_397 = arith.constant 0 : i32
        %dma_start3A_398 = arith.constant 0 : i32
        %dma_start3A_399 = tpu.memref_slice %arg2[%dma_start3A_397, %dma_start3A_398] : memref<10000x128xf32, #tpu.memory_space<hbm>> -> memref<10000x128xf32, #tpu.memory_space<hbm>>
        tpu.enqueue_indirect_dma source(%dma_start3A_399 : memref<10000x128xf32, #tpu.memory_space<hbm>>) target(%arg6 : memref<128x128xf32, #tpu.memory_space<vmem>>) offsets(%dma_start3A_396 : memref<128xi32, #tpu.memory_space<vmem>>) semaphore(%run_scoped3A : memref<!tpu.dma_semaphore, #tpu.memory_space<semaphore_mem>>)
        %dma_wait3A_400 = arith.constant 0 : i32
        %dma_wait3A_401 = tpu.memref_slice %arg8[%cond3A, %dma_wait3A_400] : memref<2x128xi32, #tpu.memory_space<vmem>> -> memref<1x128xi32, #tpu.memory_space<vmem>>
        %dma_wait3A_402 = tpu.memref_squeeze %dma_wait3A_401 : memref<1x128xi32, #tpu.memory_space<vmem>> -> memref<128xi32, #tpu.memory_space<vmem>>
        %dma_wait3A_403 = arith.constant 0 : i32
        %dma_wait3A_404 = arith.constant 0 : i32
        %dma_wait3A_405 = tpu.memref_slice %arg2[%dma_wait3A_403, %dma_wait3A_404] : memref<10000x128xf32, #tpu.memory_space<hbm>> -> memref<10000x128xf32, #tpu.memory_space<hbm>>
        tpu.wait_indirect_dma semaphore(%run_scoped3A : memref<!tpu.dma_semaphore, #tpu.memory_space<semaphore_mem>>) src(%dma_wait3A_405 : memref<10000x128xf32, #tpu.memory_space<hbm>>) dst(%arg6 : memref<128x128xf32, #tpu.memory_space<vmem>>)
        tpu.yield
      }) : () -> ()
      "tpu.region"() ({
        %run_scoped3A = tpu.sem_alloc : memref<!tpu.dma_semaphore, #tpu.memory_space<semaphore_mem>>
        %dma_start3A_394 = arith.constant 0 : i32
        %dma_start3A_395 = tpu.memref_slice %arg8[%cond3A_284, %dma_start3A_394] : memref<2x128xi32, #tpu.memory_space<vmem>> -> memref<1x128xi32, #tpu.memory_space<vmem>>
        %dma_start3A_396 = tpu.memref_squeeze %dma_start3A_395 : memref<1x128xi32, #tpu.memory_space<vmem>> -> memref<128xi32, #tpu.memory_space<vmem>>
        %dma_start3A_397 = arith.constant 0 : i32
        %dma_start3A_398 = arith.constant 0 : i32
        %dma_start3A_399 = tpu.memref_slice %arg5[%dma_start3A_397, %dma_start3A_398] : memref<10240x128xf32, #tpu.memory_space<vmem_shared>> -> memref<10240x128xf32, #tpu.memory_space<vmem_shared>>
        tpu.enqueue_indirect_dma source(%arg6 : memref<128x128xf32, #tpu.memory_space<vmem>>) target(%dma_start3A_399 : memref<10240x128xf32, #tpu.memory_space<vmem_shared>>) offsets(%dma_start3A_396 : memref<128xi32, #tpu.memory_space<vmem>>) semaphore(%run_scoped3A : memref<!tpu.dma_semaphore, #tpu.memory_space<semaphore_mem>>) {add = true}
        %dma_wait3A_400 = arith.constant 0 : i32
        %dma_wait3A_401 = tpu.memref_slice %arg8[%cond3A_284, %dma_wait3A_400] : memref<2x128xi32, #tpu.memory_space<vmem>> -> memref<1x128xi32, #tpu.memory_space<vmem>>
        %dma_wait3A_402 = tpu.memref_squeeze %dma_wait3A_401 : memref<1x128xi32, #tpu.memory_space<vmem>> -> memref<128xi32, #tpu.memory_space<vmem>>
        %dma_wait3A_403 = arith.constant 0 : i32
        %dma_wait3A_404 = arith.constant 0 : i32
        %dma_wait3A_405 = tpu.memref_slice %arg5[%dma_wait3A_403, %dma_wait3A_404] : memref<10240x128xf32, #tpu.memory_space<vmem_shared>> -> memref<10240x128xf32, #tpu.memory_space<vmem_shared>>
        tpu.wait_indirect_dma semaphore(%run_scoped3A : memref<!tpu.dma_semaphore, #tpu.memory_space<semaphore_mem>>) src(%arg6 : memref<128x128xf32, #tpu.memory_space<vmem>>) dst(%dma_wait3A_405 : memref<10240x128xf32, #tpu.memory_space<vmem_shared>>)
        tpu.yield
      }) : () -> ()
    } else {
    }
    %barrier3A_287 = arith.constant 0 : index
    tpu.barrier barrier_id(%barrier3A_287)
    %mul3A_288 = arith.constant 640 : i32
    %mul3A_289 = arith.muli %arg1, %mul3A_288 : i32
    %add3A_290 = arith.constant 0 : i32
    %add3A_291 = arith.addi %mul3A_289, %add3A_290 : i32
    "tpu.region"() ({
      %run_scoped3A = tpu.sem_alloc : memref<!tpu.dma_semaphore, #tpu.memory_space<semaphore_mem>>
      %dma_start3A_388 = arith.constant 0 : i32
      %dma_start3A_389 = tpu.memref_slice %arg5[%add3A_291, %dma_start3A_388] : memref<10240x128xf32, #tpu.memory_space<vmem_shared>> -> memref<128x128xf32, #tpu.memory_space<vmem_shared>>
      %dma_start3A_390 = arith.constant 0 : i32
      %dma_start3A_391 = tpu.memref_slice %arg5[%add3A_291, %dma_start3A_390] : memref<10240x128xf32, #tpu.memory_space<vmem_shared>> -> memref<128x128xf32, #tpu.memory_space<vmem_shared>>
      tpu.enqueue_dma source(%dma_start3A_391 : memref<128x128xf32, #tpu.memory_space<vmem_shared>>) target(%arg6 : memref<128x128xf32, #tpu.memory_space<vmem>>) target_semaphore(%run_scoped3A : memref<!tpu.dma_semaphore, #tpu.memory_space<semaphore_mem>>)
      %dma_wait3A_392 = arith.constant 0 : i32
      %dma_wait3A_393 = tpu.memref_slice %arg5[%add3A_291, %dma_wait3A_392] : memref<10240x128xf32, #tpu.memory_space<vmem_shared>> -> memref<128x128xf32, #tpu.memory_space<vmem_shared>>
      %dma_wait3A_394 = arith.constant 0 : i32
      %dma_wait3A_395 = tpu.memref_slice %arg5[%add3A_291, %dma_wait3A_394] : memref<10240x128xf32, #tpu.memory_space<vmem_shared>> -> memref<128x128xf32, #tpu.memory_space<vmem_shared>>
      tpu.wait_dma2 semaphore(%run_scoped3A : memref<!tpu.dma_semaphore, #tpu.memory_space<semaphore_mem>>) src(%dma_wait3A_395 : memref<128x128xf32, #tpu.memory_space<vmem_shared>>) dst(%arg6 : memref<128x128xf32, #tpu.memory_space<vmem>>)
      tpu.yield
    }) : () -> ()
    %dma_start3A_292 = arith.constant 0 : i32
    %dma_start3A_293 = tpu.memref_slice %arg4[%arg0, %add3A_291, %dma_start3A_292] : memref<2x10240x128xf32, #tpu.memory_space<hbm>> -> memref<1x128x128xf32, #tpu.memory_space<hbm>>
    %dma_start3A_294 = tpu.memref_squeeze %dma_start3A_293 : memref<1x128x128xf32, #tpu.memory_space<hbm>> -> memref<128x128xf32, #tpu.memory_space<hbm>>
    %dma_start3A_295 = arith.constant 0 : i32
    %dma_start3A_296 = tpu.memref_slice %arg4[%arg0, %add3A_291, %dma_start3A_295] : memref<2x10240x128xf32, #tpu.memory_space<hbm>> -> memref<1x128x128xf32, #tpu.memory_space<hbm>>
    %dma_start3A_297 = tpu.memref_squeeze %dma_start3A_296 : memref<1x128x128xf32, #tpu.memory_space<hbm>> -> memref<128x128xf32, #tpu.memory_space<hbm>>
    tpu.enqueue_dma source(%arg6 : memref<128x128xf32, #tpu.memory_space<vmem>>) target(%dma_start3A_297 : memref<128x128xf32, #tpu.memory_space<hbm>>) target_semaphore(%arg16 : memref<!tpu.dma_semaphore, #tpu.memory_space<semaphore_mem>>)
    %mul3A_298 = arith.constant 640 : i32
    %mul3A_299 = arith.muli %arg1, %mul3A_298 : i32
    %add3A_300 = arith.constant 128 : i32
    %add3A_301 = arith.addi %mul3A_299, %add3A_300 : i32
    "tpu.region"() ({
      %run_scoped3A = tpu.sem_alloc : memref<!tpu.dma_semaphore, #tpu.memory_space<semaphore_mem>>
      %dma_start3A_388 = arith.constant 0 : i32
      %dma_start3A_389 = tpu.memref_slice %arg5[%add3A_301, %dma_start3A_388] : memref<10240x128xf32, #tpu.memory_space<vmem_shared>> -> memref<128x128xf32, #tpu.memory_space<vmem_shared>>
      %dma_start3A_390 = arith.constant 0 : i32
      %dma_start3A_391 = tpu.memref_slice %arg5[%add3A_301, %dma_start3A_390] : memref<10240x128xf32, #tpu.memory_space<vmem_shared>> -> memref<128x128xf32, #tpu.memory_space<vmem_shared>>
      tpu.enqueue_dma source(%dma_start3A_391 : memref<128x128xf32, #tpu.memory_space<vmem_shared>>) target(%arg7 : memref<128x128xf32, #tpu.memory_space<vmem>>) target_semaphore(%run_scoped3A : memref<!tpu.dma_semaphore, #tpu.memory_space<semaphore_mem>>)
      %dma_wait3A_392 = arith.constant 0 : i32
      %dma_wait3A_393 = tpu.memref_slice %arg5[%add3A_301, %dma_wait3A_392] : memref<10240x128xf32, #tpu.memory_space<vmem_shared>> -> memref<128x128xf32, #tpu.memory_space<vmem_shared>>
      %dma_wait3A_394 = arith.constant 0 : i32
      %dma_wait3A_395 = tpu.memref_slice %arg5[%add3A_301, %dma_wait3A_394] : memref<10240x128xf32, #tpu.memory_space<vmem_shared>> -> memref<128x128xf32, #tpu.memory_space<vmem_shared>>
      tpu.wait_dma2 semaphore(%run_scoped3A : memref<!tpu.dma_semaphore, #tpu.memory_space<semaphore_mem>>) src(%dma_wait3A_395 : memref<128x128xf32, #tpu.memory_space<vmem_shared>>) dst(%arg7 : memref<128x128xf32, #tpu.memory_space<vmem>>)
      tpu.yield
    }) : () -> ()
    %dma_start3A_302 = arith.constant 0 : i32
    %dma_start3A_303 = tpu.memref_slice %arg4[%arg0, %add3A_301, %dma_start3A_302] : memref<2x10240x128xf32, #tpu.memory_space<hbm>> -> memref<1x128x128xf32, #tpu.memory_space<hbm>>
    %dma_start3A_304 = tpu.memref_squeeze %dma_start3A_303 : memref<1x128x128xf32, #tpu.memory_space<hbm>> -> memref<128x128xf32, #tpu.memory_space<hbm>>
    %dma_start3A_305 = arith.constant 0 : i32
    %dma_start3A_306 = tpu.memref_slice %arg4[%arg0, %add3A_301, %dma_start3A_305] : memref<2x10240x128xf32, #tpu.memory_space<hbm>> -> memref<1x128x128xf32, #tpu.memory_space<hbm>>
    %dma_start3A_307 = tpu.memref_squeeze %dma_start3A_306 : memref<1x128x128xf32, #tpu.memory_space<hbm>> -> memref<128x128xf32, #tpu.memory_space<hbm>>
    tpu.enqueue_dma source(%arg7 : memref<128x128xf32, #tpu.memory_space<vmem>>) target(%dma_start3A_307 : memref<128x128xf32, #tpu.memory_space<hbm>>) target_semaphore(%arg17 : memref<!tpu.dma_semaphore, #tpu.memory_space<semaphore_mem>>)
    %mul3A_308 = arith.constant 640 : i32
    %mul3A_309 = arith.muli %arg1, %mul3A_308 : i32
    %add3A_310 = arith.constant 256 : i32
    %add3A_311 = arith.addi %mul3A_309, %add3A_310 : i32
    %mul3A_312 = arith.constant 640 : i32
    %mul3A_313 = arith.muli %arg1, %mul3A_312 : i32
    %add3A_314 = arith.constant 0 : i32
    %add3A_315 = arith.addi %mul3A_313, %add3A_314 : i32
    %dma_wait3A_316 = arith.constant 0 : i32
    %dma_wait3A_317 = tpu.memref_slice %arg4[%arg0, %add3A_315, %dma_wait3A_316] : memref<2x10240x128xf32, #tpu.memory_space<hbm>> -> memref<1x128x128xf32, #tpu.memory_space<hbm>>
    %dma_wait3A_318 = tpu.memref_squeeze %dma_wait3A_317 : memref<1x128x128xf32, #tpu.memory_space<hbm>> -> memref<128x128xf32, #tpu.memory_space<hbm>>
    %dma_wait3A_319 = arith.constant 0 : i32
    %dma_wait3A_320 = tpu.memref_slice %arg4[%arg0, %add3A_315, %dma_wait3A_319] : memref<2x10240x128xf32, #tpu.memory_space<hbm>> -> memref<1x128x128xf32, #tpu.memory_space<hbm>>
    %dma_wait3A_321 = tpu.memref_squeeze %dma_wait3A_320 : memref<1x128x128xf32, #tpu.memory_space<hbm>> -> memref<128x128xf32, #tpu.memory_space<hbm>>
    tpu.wait_dma2 semaphore(%arg16 : memref<!tpu.dma_semaphore, #tpu.memory_space<semaphore_mem>>) src(%arg6 : memref<128x128xf32, #tpu.memory_space<vmem>>) dst(%dma_wait3A_321 : memref<128x128xf32, #tpu.memory_space<hbm>>)
    "tpu.region"() ({
      %run_scoped3A = tpu.sem_alloc : memref<!tpu.dma_semaphore, #tpu.memory_space<semaphore_mem>>
      %dma_start3A_388 = arith.constant 0 : i32
      %dma_start3A_389 = tpu.memref_slice %arg5[%add3A_311, %dma_start3A_388] : memref<10240x128xf32, #tpu.memory_space<vmem_shared>> -> memref<128x128xf32, #tpu.memory_space<vmem_shared>>
      %dma_start3A_390 = arith.constant 0 : i32
      %dma_start3A_391 = tpu.memref_slice %arg5[%add3A_311, %dma_start3A_390] : memref<10240x128xf32, #tpu.memory_space<vmem_shared>> -> memref<128x128xf32, #tpu.memory_space<vmem_shared>>
      tpu.enqueue_dma source(%dma_start3A_391 : memref<128x128xf32, #tpu.memory_space<vmem_shared>>) target(%arg6 : memref<128x128xf32, #tpu.memory_space<vmem>>) target_semaphore(%run_scoped3A : memref<!tpu.dma_semaphore, #tpu.memory_space<semaphore_mem>>)
      %dma_wait3A_392 = arith.constant 0 : i32
      %dma_wait3A_393 = tpu.memref_slice %arg5[%add3A_311, %dma_wait3A_392] : memref<10240x128xf32, #tpu.memory_space<vmem_shared>> -> memref<128x128xf32, #tpu.memory_space<vmem_shared>>
      %dma_wait3A_394 = arith.constant 0 : i32
      %dma_wait3A_395 = tpu.memref_slice %arg5[%add3A_311, %dma_wait3A_394] : memref<10240x128xf32, #tpu.memory_space<vmem_shared>> -> memref<128x128xf32, #tpu.memory_space<vmem_shared>>
      tpu.wait_dma2 semaphore(%run_scoped3A : memref<!tpu.dma_semaphore, #tpu.memory_space<semaphore_mem>>) src(%dma_wait3A_395 : memref<128x128xf32, #tpu.memory_space<vmem_shared>>) dst(%arg6 : memref<128x128xf32, #tpu.memory_space<vmem>>)
      tpu.yield
    }) : () -> ()
    %dma_start3A_322 = arith.constant 0 : i32
    %dma_start3A_323 = tpu.memref_slice %arg4[%arg0, %add3A_311, %dma_start3A_322] : memref<2x10240x128xf32, #tpu.memory_space<hbm>> -> memref<1x128x128xf32, #tpu.memory_space<hbm>>
    %dma_start3A_324 = tpu.memref_squeeze %dma_start3A_323 : memref<1x128x128xf32, #tpu.memory_space<hbm>> -> memref<128x128xf32, #tpu.memory_space<hbm>>
    %dma_start3A_325 = arith.constant 0 : i32
    %dma_start3A_326 = tpu.memref_slice %arg4[%arg0, %add3A_311, %dma_start3A_325] : memref<2x10240x128xf32, #tpu.memory_space<hbm>> -> memref<1x128x128xf32, #tpu.memory_space<hbm>>
    %dma_start3A_327 = tpu.memref_squeeze %dma_start3A_326 : memref<1x128x128xf32, #tpu.memory_space<hbm>> -> memref<128x128xf32, #tpu.memory_space<hbm>>
    tpu.enqueue_dma source(%arg6 : memref<128x128xf32, #tpu.memory_space<vmem>>) target(%dma_start3A_327 : memref<128x128xf32, #tpu.memory_space<hbm>>) target_semaphore(%arg16 : memref<!tpu.dma_semaphore, #tpu.memory_space<semaphore_mem>>)
    %mul3A_328 = arith.constant 640 : i32
    %mul3A_329 = arith.muli %arg1, %mul3A_328 : i32
    %add3A_330 = arith.constant 384 : i32
    %add3A_331 = arith.addi %mul3A_329, %add3A_330 : i32
    %mul3A_332 = arith.constant 640 : i32
    %mul3A_333 = arith.muli %arg1, %mul3A_332 : i32
    %add3A_334 = arith.constant 128 : i32
    %add3A_335 = arith.addi %mul3A_333, %add3A_334 : i32
    %dma_wait3A_336 = arith.constant 0 : i32
    %dma_wait3A_337 = tpu.memref_slice %arg4[%arg0, %add3A_335, %dma_wait3A_336] : memref<2x10240x128xf32, #tpu.memory_space<hbm>> -> memref<1x128x128xf32, #tpu.memory_space<hbm>>
    %dma_wait3A_338 = tpu.memref_squeeze %dma_wait3A_337 : memref<1x128x128xf32, #tpu.memory_space<hbm>> -> memref<128x128xf32, #tpu.memory_space<hbm>>
    %dma_wait3A_339 = arith.constant 0 : i32
    %dma_wait3A_340 = tpu.memref_slice %arg4[%arg0, %add3A_335, %dma_wait3A_339] : memref<2x10240x128xf32, #tpu.memory_space<hbm>> -> memref<1x128x128xf32, #tpu.memory_space<hbm>>
    %dma_wait3A_341 = tpu.memref_squeeze %dma_wait3A_340 : memref<1x128x128xf32, #tpu.memory_space<hbm>> -> memref<128x128xf32, #tpu.memory_space<hbm>>
    tpu.wait_dma2 semaphore(%arg17 : memref<!tpu.dma_semaphore, #tpu.memory_space<semaphore_mem>>) src(%arg7 : memref<128x128xf32, #tpu.memory_space<vmem>>) dst(%dma_wait3A_341 : memref<128x128xf32, #tpu.memory_space<hbm>>)
    "tpu.region"() ({
      %run_scoped3A = tpu.sem_alloc : memref<!tpu.dma_semaphore, #tpu.memory_space<semaphore_mem>>
      %dma_start3A_388 = arith.constant 0 : i32
      %dma_start3A_389 = tpu.memref_slice %arg5[%add3A_331, %dma_start3A_388] : memref<10240x128xf32, #tpu.memory_space<vmem_shared>> -> memref<128x128xf32, #tpu.memory_space<vmem_shared>>
      %dma_start3A_390 = arith.constant 0 : i32
      %dma_start3A_391 = tpu.memref_slice %arg5[%add3A_331, %dma_start3A_390] : memref<10240x128xf32, #tpu.memory_space<vmem_shared>> -> memref<128x128xf32, #tpu.memory_space<vmem_shared>>
      tpu.enqueue_dma source(%dma_start3A_391 : memref<128x128xf32, #tpu.memory_space<vmem_shared>>) target(%arg7 : memref<128x128xf32, #tpu.memory_space<vmem>>) target_semaphore(%run_scoped3A : memref<!tpu.dma_semaphore, #tpu.memory_space<semaphore_mem>>)
      %dma_wait3A_392 = arith.constant 0 : i32
      %dma_wait3A_393 = tpu.memref_slice %arg5[%add3A_331, %dma_wait3A_392] : memref<10240x128xf32, #tpu.memory_space<vmem_shared>> -> memref<128x128xf32, #tpu.memory_space<vmem_shared>>
      %dma_wait3A_394 = arith.constant 0 : i32
      %dma_wait3A_395 = tpu.memref_slice %arg5[%add3A_331, %dma_wait3A_394] : memref<10240x128xf32, #tpu.memory_space<vmem_shared>> -> memref<128x128xf32, #tpu.memory_space<vmem_shared>>
      tpu.wait_dma2 semaphore(%run_scoped3A : memref<!tpu.dma_semaphore, #tpu.memory_space<semaphore_mem>>) src(%dma_wait3A_395 : memref<128x128xf32, #tpu.memory_space<vmem_shared>>) dst(%arg7 : memref<128x128xf32, #tpu.memory_space<vmem>>)
      tpu.yield
    }) : () -> ()
    %dma_start3A_342 = arith.constant 0 : i32
    %dma_start3A_343 = tpu.memref_slice %arg4[%arg0, %add3A_331, %dma_start3A_342] : memref<2x10240x128xf32, #tpu.memory_space<hbm>> -> memref<1x128x128xf32, #tpu.memory_space<hbm>>
    %dma_start3A_344 = tpu.memref_squeeze %dma_start3A_343 : memref<1x128x128xf32, #tpu.memory_space<hbm>> -> memref<128x128xf32, #tpu.memory_space<hbm>>
    %dma_start3A_345 = arith.constant 0 : i32
    %dma_start3A_346 = tpu.memref_slice %arg4[%arg0, %add3A_331, %dma_start3A_345] : memref<2x10240x128xf32, #tpu.memory_space<hbm>> -> memref<1x128x128xf32, #tpu.memory_space<hbm>>
    %dma_start3A_347 = tpu.memref_squeeze %dma_start3A_346 : memref<1x128x128xf32, #tpu.memory_space<hbm>> -> memref<128x128xf32, #tpu.memory_space<hbm>>
    tpu.enqueue_dma source(%arg7 : memref<128x128xf32, #tpu.memory_space<vmem>>) target(%dma_start3A_347 : memref<128x128xf32, #tpu.memory_space<hbm>>) target_semaphore(%arg17 : memref<!tpu.dma_semaphore, #tpu.memory_space<semaphore_mem>>)
    %mul3A_348 = arith.constant 640 : i32
    %mul3A_349 = arith.muli %arg1, %mul3A_348 : i32
    %add3A_350 = arith.constant 512 : i32
    %add3A_351 = arith.addi %mul3A_349, %add3A_350 : i32
    %mul3A_352 = arith.constant 640 : i32
    %mul3A_353 = arith.muli %arg1, %mul3A_352 : i32
    %add3A_354 = arith.constant 256 : i32
    %add3A_355 = arith.addi %mul3A_353, %add3A_354 : i32
    %dma_wait3A_356 = arith.constant 0 : i32
    %dma_wait3A_357 = tpu.memref_slice %arg4[%arg0, %add3A_355, %dma_wait3A_356] : memref<2x10240x128xf32, #tpu.memory_space<hbm>> -> memref<1x128x128xf32, #tpu.memory_space<hbm>>
    %dma_wait3A_358 = tpu.memref_squeeze %dma_wait3A_357 : memref<1x128x128xf32, #tpu.memory_space<hbm>> -> memref<128x128xf32, #tpu.memory_space<hbm>>
    %dma_wait3A_359 = arith.constant 0 : i32
    %dma_wait3A_360 = tpu.memref_slice %arg4[%arg0, %add3A_355, %dma_wait3A_359] : memref<2x10240x128xf32, #tpu.memory_space<hbm>> -> memref<1x128x128xf32, #tpu.memory_space<hbm>>
    %dma_wait3A_361 = tpu.memref_squeeze %dma_wait3A_360 : memref<1x128x128xf32, #tpu.memory_space<hbm>> -> memref<128x128xf32, #tpu.memory_space<hbm>>
    tpu.wait_dma2 semaphore(%arg16 : memref<!tpu.dma_semaphore, #tpu.memory_space<semaphore_mem>>) src(%arg6 : memref<128x128xf32, #tpu.memory_space<vmem>>) dst(%dma_wait3A_361 : memref<128x128xf32, #tpu.memory_space<hbm>>)
    "tpu.region"() ({
      %run_scoped3A = tpu.sem_alloc : memref<!tpu.dma_semaphore, #tpu.memory_space<semaphore_mem>>
      %dma_start3A_388 = arith.constant 0 : i32
      %dma_start3A_389 = tpu.memref_slice %arg5[%add3A_351, %dma_start3A_388] : memref<10240x128xf32, #tpu.memory_space<vmem_shared>> -> memref<128x128xf32, #tpu.memory_space<vmem_shared>>
      %dma_start3A_390 = arith.constant 0 : i32
      %dma_start3A_391 = tpu.memref_slice %arg5[%add3A_351, %dma_start3A_390] : memref<10240x128xf32, #tpu.memory_space<vmem_shared>> -> memref<128x128xf32, #tpu.memory_space<vmem_shared>>
      tpu.enqueue_dma source(%dma_start3A_391 : memref<128x128xf32, #tpu.memory_space<vmem_shared>>) target(%arg6 : memref<128x128xf32, #tpu.memory_space<vmem>>) target_semaphore(%run_scoped3A : memref<!tpu.dma_semaphore, #tpu.memory_space<semaphore_mem>>)
      %dma_wait3A_392 = arith.constant 0 : i32
      %dma_wait3A_393 = tpu.memref_slice %arg5[%add3A_351, %dma_wait3A_392] : memref<10240x128xf32, #tpu.memory_space<vmem_shared>> -> memref<128x128xf32, #tpu.memory_space<vmem_shared>>
      %dma_wait3A_394 = arith.constant 0 : i32
      %dma_wait3A_395 = tpu.memref_slice %arg5[%add3A_351, %dma_wait3A_394] : memref<10240x128xf32, #tpu.memory_space<vmem_shared>> -> memref<128x128xf32, #tpu.memory_space<vmem_shared>>
      tpu.wait_dma2 semaphore(%run_scoped3A : memref<!tpu.dma_semaphore, #tpu.memory_space<semaphore_mem>>) src(%dma_wait3A_395 : memref<128x128xf32, #tpu.memory_space<vmem_shared>>) dst(%arg6 : memref<128x128xf32, #tpu.memory_space<vmem>>)
      tpu.yield
    }) : () -> ()
    %dma_start3A_362 = arith.constant 0 : i32
    %dma_start3A_363 = tpu.memref_slice %arg4[%arg0, %add3A_351, %dma_start3A_362] : memref<2x10240x128xf32, #tpu.memory_space<hbm>> -> memref<1x128x128xf32, #tpu.memory_space<hbm>>
    %dma_start3A_364 = tpu.memref_squeeze %dma_start3A_363 : memref<1x128x128xf32, #tpu.memory_space<hbm>> -> memref<128x128xf32, #tpu.memory_space<hbm>>
    %dma_start3A_365 = arith.constant 0 : i32
    %dma_start3A_366 = tpu.memref_slice %arg4[%arg0, %add3A_351, %dma_start3A_365] : memref<2x10240x128xf32, #tpu.memory_space<hbm>> -> memref<1x128x128xf32, #tpu.memory_space<hbm>>
    %dma_start3A_367 = tpu.memref_squeeze %dma_start3A_366 : memref<1x128x128xf32, #tpu.memory_space<hbm>> -> memref<128x128xf32, #tpu.memory_space<hbm>>
    tpu.enqueue_dma source(%arg6 : memref<128x128xf32, #tpu.memory_space<vmem>>) target(%dma_start3A_367 : memref<128x128xf32, #tpu.memory_space<hbm>>) target_semaphore(%arg16 : memref<!tpu.dma_semaphore, #tpu.memory_space<semaphore_mem>>)
    %mul3A_368 = arith.constant 640 : i32
    %mul3A_369 = arith.muli %arg1, %mul3A_368 : i32
    %add3A_370 = arith.constant 384 : i32
    %add3A_371 = arith.addi %mul3A_369, %add3A_370 : i32
    %dma_wait3A_372 = arith.constant 0 : i32
    %dma_wait3A_373 = tpu.memref_slice %arg4[%arg0, %add3A_371, %dma_wait3A_372] : memref<2x10240x128xf32, #tpu.memory_space<hbm>> -> memref<1x128x128xf32, #tpu.memory_space<hbm>>
    %dma_wait3A_374 = tpu.memref_squeeze %dma_wait3A_373 : memref<1x128x128xf32, #tpu.memory_space<hbm>> -> memref<128x128xf32, #tpu.memory_space<hbm>>
    %dma_wait3A_375 = arith.constant 0 : i32
    %dma_wait3A_376 = tpu.memref_slice %arg4[%arg0, %add3A_371, %dma_wait3A_375] : memref<2x10240x128xf32, #tpu.memory_space<hbm>> -> memref<1x128x128xf32, #tpu.memory_space<hbm>>
    %dma_wait3A_377 = tpu.memref_squeeze %dma_wait3A_376 : memref<1x128x128xf32, #tpu.memory_space<hbm>> -> memref<128x128xf32, #tpu.memory_space<hbm>>
    tpu.wait_dma2 semaphore(%arg17 : memref<!tpu.dma_semaphore, #tpu.memory_space<semaphore_mem>>) src(%arg7 : memref<128x128xf32, #tpu.memory_space<vmem>>) dst(%dma_wait3A_377 : memref<128x128xf32, #tpu.memory_space<hbm>>)
    %mul3A_378 = arith.constant 640 : i32
    %mul3A_379 = arith.muli %arg1, %mul3A_378 : i32
    %add3A_380 = arith.constant 512 : i32
    %add3A_381 = arith.addi %mul3A_379, %add3A_380 : i32
    %dma_wait3A_382 = arith.constant 0 : i32
    %dma_wait3A_383 = tpu.memref_slice %arg4[%arg0, %add3A_381, %dma_wait3A_382] : memref<2x10240x128xf32, #tpu.memory_space<hbm>> -> memref<1x128x128xf32, #tpu.memory_space<hbm>>
    %dma_wait3A_384 = tpu.memref_squeeze %dma_wait3A_383 : memref<1x128x128xf32, #tpu.memory_space<hbm>> -> memref<128x128xf32, #tpu.memory_space<hbm>>
    %dma_wait3A_385 = arith.constant 0 : i32
    %dma_wait3A_386 = tpu.memref_slice %arg4[%arg0, %add3A_381, %dma_wait3A_385] : memref<2x10240x128xf32, #tpu.memory_space<hbm>> -> memref<1x128x128xf32, #tpu.memory_space<hbm>>
    %dma_wait3A_387 = tpu.memref_squeeze %dma_wait3A_386 : memref<1x128x128xf32, #tpu.memory_space<hbm>> -> memref<128x128xf32, #tpu.memory_space<hbm>>
    tpu.wait_dma2 semaphore(%arg16 : memref<!tpu.dma_semaphore, #tpu.memory_space<semaphore_mem>>) src(%arg6 : memref<128x128xf32, #tpu.memory_space<vmem>>) dst(%dma_wait3A_387 : memref<128x128xf32, #tpu.memory_space<hbm>>)
    return
  }
}

module attributes {stable_mosaic.version = 14 : i64} {
  func.func @_update_body(%arg0: i32, %arg1: memref<2x1000x128xf32, #tpu.memory_space<vmem>>, %arg2: memref<2x1000x1xf32, #tpu.memory_space<vmem>>, %arg3: memref<1000x128xf32, #tpu.memory_space<vmem>>, %arg4: memref<128x128xf32, #tpu.memory_space<vmem>>, %arg5: memref<1x128xf32, #tpu.memory_space<vmem>>, %arg6: memref<128x128xf32, #tpu.memory_space<vmem>>, %arg7: memref<1x128xf32, #tpu.memory_space<vmem>>, %arg8: memref<1000x128xf32, #tpu.memory_space<vmem>>, %arg9: memref<1000x128xf32, #tpu.memory_space<vmem>>) attributes {dimension_semantics = [#tpu.dimension_semantics<arbitrary>], iteration_bounds = array<i64: 10>, scalar_prefetch = 0 : i64, scratch_operands = 0 : i64, tpu.core_type = #tpu.core_type<tc>, window_params = [{transform_indices = @transform_0, window_bounds = array<i64: 2, 1000, 128>}, {transform_indices = @transform_1, window_bounds = array<i64: 2, 1000, 1>}, {transform_indices = @transform_2, window_bounds = array<i64: 1000, 128>}, {pipeline_mode = #tpu.pipeline_mode<synchronous>, transform_indices = @transform_3, window_bounds = array<i64: 128, 128>}, {pipeline_mode = #tpu.pipeline_mode<synchronous>, transform_indices = @transform_4, window_bounds = array<i64: 1, 128>}, {pipeline_mode = #tpu.pipeline_mode<synchronous>, transform_indices = @transform_5, window_bounds = array<i64: 128, 128>}, {pipeline_mode = #tpu.pipeline_mode<synchronous>, transform_indices = @transform_6, window_bounds = array<i64: 1, 128>}, {transform_indices = @transform_7, window_bounds = array<i64: 1000, 128>}, {transform_indices = @transform_8, window_bounds = array<i64: 1000, 128>}]} {
    %get3A = arith.constant 0 : index
    %get3A_0 = arith.constant 0 : index
    %get3A_1 = arith.constant 0 : index
    %get3A_2 = vector.load %arg2[%get3A, %get3A_0, %get3A_1] : memref<2x1000x1xf32, #tpu.memory_space<vmem>>, vector<1x1000x1xf32>
    %get3A_3 = vector.shape_cast %get3A_2 : vector<1x1000x1xf32> to vector<1000x1xf32>
    %get3A_4 = arith.constant 1 : index
    %get3A_5 = arith.constant 0 : index
    %get3A_6 = arith.constant 0 : index
    %get3A_7 = vector.load %arg2[%get3A_4, %get3A_5, %get3A_6] : memref<2x1000x1xf32, #tpu.memory_space<vmem>>, vector<1x1000x1xf32>
    %get3A_8 = vector.shape_cast %get3A_7 : vector<1x1000x1xf32> to vector<1000x1xf32>
    %add3A = arith.addf %get3A_3, %get3A_8 : vector<1000x1xf32>
    %max3A = arith.constant 1.000000e+00 : f32
    %max3A_9 = vector.broadcast %max3A : f32 to vector<1000x1xf32>
    %max3A_10 = arith.maximumf %add3A, %max3A_9 : vector<1000x1xf32>
    %get3A_11 = arith.constant 0 : index
    %get3A_12 = arith.constant 0 : index
    %get3A_13 = arith.constant 0 : index
    %get3A_14 = vector.load %arg1[%get3A_11, %get3A_12, %get3A_13] : memref<2x1000x128xf32, #tpu.memory_space<vmem>>, vector<1x1000x128xf32>
    %get3A_15 = vector.shape_cast %get3A_14 : vector<1x1000x128xf32> to vector<1000x128xf32>
    %get3A_16 = arith.constant 1 : index
    %get3A_17 = arith.constant 0 : index
    %get3A_18 = arith.constant 0 : index
    %get3A_19 = vector.load %arg1[%get3A_16, %get3A_17, %get3A_18] : memref<2x1000x128xf32, #tpu.memory_space<vmem>>, vector<1x1000x128xf32>
    %get3A_20 = vector.shape_cast %get3A_19 : vector<1x1000x128xf32> to vector<1000x128xf32>
    %add3A_21 = arith.addf %get3A_15, %get3A_20 : vector<1000x128xf32>
    %div3A = arith.constant 1.000000e+00 : f32
    %div3A_22 = vector.broadcast %div3A : f32 to vector<1000x1xf32>
    %div3A_23 = arith.divf %div3A_22, %max3A_10 : vector<1000x1xf32>
    %mul3A = vector.broadcast %div3A_23 : vector<1000x1xf32> to vector<1000x128xf32>
    %mul3A_24 = arith.mulf %add3A_21, %mul3A : vector<1000x128xf32>
    %get3A_25 = arith.constant 0 : index
    %get3A_26 = arith.constant 0 : index
    %get3A_27 = vector.load %arg4[%get3A_25, %get3A_26] : memref<128x128xf32, #tpu.memory_space<vmem>>, vector<128x128xf32>
    %dot_general3A = arith.constant dense<0.000000e+00> : vector<1000x128xf32>
    %dot_general3A_28 = tpu.matmul %mul3A_24, %get3A_27, %dot_general3A {dimension_numbers = #tpu.dot_dimension_numbers<[1], [0], [0], [1], [0, 0, 1, 1], [], []>, transpose_lhs_hint = false} : vector<1000x128xf32>, vector<128x128xf32>, vector<1000x128xf32> -> vector<1000x128xf32>
    %get3A_29 = arith.constant 0 : index
    %get3A_30 = arith.constant 0 : index
    %get3A_31 = vector.load %arg5[%get3A_29, %get3A_30] : memref<1x128xf32, #tpu.memory_space<vmem>>, vector<1x128xf32>
    %add3A_32 = vector.broadcast %get3A_31 : vector<1x128xf32> to vector<1000x128xf32>
    %add3A_33 = arith.addf %dot_general3A_28, %add3A_32 : vector<1000x128xf32>
    %integer_pow3A = arith.mulf %add3A_33, %add3A_33 : vector<1000x128xf32>
    %integer_pow3A_34 = arith.mulf %add3A_33, %integer_pow3A : vector<1000x128xf32>
    %mul3A_35 = arith.constant 4.471500e-02 : f32
    %mul3A_36 = vector.broadcast %mul3A_35 : f32 to vector<1000x128xf32>
    %mul3A_37 = arith.mulf %mul3A_36, %integer_pow3A_34 : vector<1000x128xf32>
    %add3A_38 = arith.addf %add3A_33, %mul3A_37 : vector<1000x128xf32>
    %mul3A_39 = arith.constant 0.797884583 : f32
    %mul3A_40 = vector.broadcast %mul3A_39 : f32 to vector<1000x128xf32>
    %mul3A_41 = arith.mulf %mul3A_40, %add3A_38 : vector<1000x128xf32>
    %tanh3A = math.tanh %mul3A_41 : vector<1000x128xf32>
    %add3A_42 = arith.constant 1.000000e+00 : f32
    %add3A_43 = vector.broadcast %add3A_42 : f32 to vector<1000x128xf32>
    %add3A_44 = arith.addf %add3A_43, %tanh3A : vector<1000x128xf32>
    %mul3A_45 = arith.constant 5.000000e-01 : f32
    %mul3A_46 = vector.broadcast %mul3A_45 : f32 to vector<1000x128xf32>
    %mul3A_47 = arith.mulf %mul3A_46, %add3A_44 : vector<1000x128xf32>
    %mul3A_48 = arith.mulf %add3A_33, %mul3A_47 : vector<1000x128xf32>
    %get3A_49 = arith.constant 0 : index
    %get3A_50 = arith.constant 0 : index
    %get3A_51 = vector.load %arg3[%get3A_49, %get3A_50] : memref<1000x128xf32, #tpu.memory_space<vmem>>, vector<1000x128xf32>
    %add3A_52 = arith.addf %mul3A_48, %get3A_51 : vector<1000x128xf32>
    %swap3A = arith.constant 0 : index
    %swap3A_53 = arith.constant 0 : index
    %swap3A_54 = vector.load %arg8[%swap3A, %swap3A_53] : memref<1000x128xf32, #tpu.memory_space<vmem>>, vector<1000x128xf32>
    tpu.vector_store %arg8[%swap3A, %swap3A_53], %add3A_52 {strides = array<i32>} : memref<1000x128xf32, #tpu.memory_space<vmem>>, vector<1000x128xf32>,
    %get3A_55 = arith.constant 0 : index
    %get3A_56 = arith.constant 0 : index
    %get3A_57 = vector.load %arg6[%get3A_55, %get3A_56] : memref<128x128xf32, #tpu.memory_space<vmem>>, vector<128x128xf32>
    %dot_general3A_58 = arith.constant dense<0.000000e+00> : vector<1000x128xf32>
    %dot_general3A_59 = tpu.matmul %add3A_52, %get3A_57, %dot_general3A_58 {dimension_numbers = #tpu.dot_dimension_numbers<[1], [0], [0], [1], [0, 0, 1, 1], [], []>, transpose_lhs_hint = false} : vector<1000x128xf32>, vector<128x128xf32>, vector<1000x128xf32> -> vector<1000x128xf32>
    %get3A_60 = arith.constant 0 : index
    %get3A_61 = arith.constant 0 : index
    %get3A_62 = vector.load %arg7[%get3A_60, %get3A_61] : memref<1x128xf32, #tpu.memory_space<vmem>>, vector<1x128xf32>
    %add3A_63 = vector.broadcast %get3A_62 : vector<1x128xf32> to vector<1000x128xf32>
    %add3A_64 = arith.addf %dot_general3A_59, %add3A_63 : vector<1000x128xf32>
    %integer_pow3A_65 = arith.mulf %add3A_64, %add3A_64 : vector<1000x128xf32>
    %integer_pow3A_66 = arith.mulf %add3A_64, %integer_pow3A_65 : vector<1000x128xf32>
    %mul3A_67 = arith.constant 4.471500e-02 : f32
    %mul3A_68 = vector.broadcast %mul3A_67 : f32 to vector<1000x128xf32>
    %mul3A_69 = arith.mulf %mul3A_68, %integer_pow3A_66 : vector<1000x128xf32>
    %add3A_70 = arith.addf %add3A_64, %mul3A_69 : vector<1000x128xf32>
    %mul3A_71 = arith.constant 0.797884583 : f32
    %mul3A_72 = vector.broadcast %mul3A_71 : f32 to vector<1000x128xf32>
    %mul3A_73 = arith.mulf %mul3A_72, %add3A_70 : vector<1000x128xf32>
    %tanh3A_74 = math.tanh %mul3A_73 : vector<1000x128xf32>
    %add3A_75 = arith.constant 1.000000e+00 : f32
    %add3A_76 = vector.broadcast %add3A_75 : f32 to vector<1000x128xf32>
    %add3A_77 = arith.addf %add3A_76, %tanh3A_74 : vector<1000x128xf32>
    %mul3A_78 = arith.constant 5.000000e-01 : f32
    %mul3A_79 = vector.broadcast %mul3A_78 : f32 to vector<1000x128xf32>
    %mul3A_80 = arith.mulf %mul3A_79, %add3A_77 : vector<1000x128xf32>
    %mul3A_81 = arith.mulf %add3A_64, %mul3A_80 : vector<1000x128xf32>
    %swap3A_82 = arith.constant 0 : index
    %swap3A_83 = arith.constant 0 : index
    %swap3A_84 = vector.load %arg9[%swap3A_82, %swap3A_83] : memref<1000x128xf32, #tpu.memory_space<vmem>>, vector<1000x128xf32>
    tpu.vector_store %arg9[%swap3A_82, %swap3A_83], %mul3A_81 {strides = array<i32>} : memref<1000x128xf32, #tpu.memory_space<vmem>>, vector<1000x128xf32>,
    return
  }
  func.func @transform_0(%arg0: i32) -> (i32, i32, i32) {
    %c0_i32 = arith.constant 0 : i32
    %c0_i32_0 = arith.constant 0 : i32
    %c0_i32_1 = arith.constant 0 : i32
    return %c0_i32, %arg0, %c0_i32_0 : i32, i32, i32
  }
  func.func @transform_1(%arg0: i32) -> (i32, i32, i32) {
    %c0_i32 = arith.constant 0 : i32
    %c0_i32_0 = arith.constant 0 : i32
    %c0_i32_1 = arith.constant 0 : i32
    return %c0_i32, %arg0, %c0_i32_0 : i32, i32, i32
  }
  func.func @transform_2(%arg0: i32) -> (i32, i32) {
    %c0_i32 = arith.constant 0 : i32
    %c0_i32_0 = arith.constant 0 : i32
    return %arg0, %c0_i32 : i32, i32
  }
  func.func @transform_3(%arg0: i32) -> (i32, i32) {
    %c0_i32 = arith.constant 0 : i32
    %c0_i32_0 = arith.constant 0 : i32
    %c0_i32_1 = arith.constant 0 : i32
    return %c0_i32, %c0_i32_0 : i32, i32
  }
  func.func @transform_4(%arg0: i32) -> (i32, i32) {
    %c0_i32 = arith.constant 0 : i32
    %c0_i32_0 = arith.constant 0 : i32
    %c0_i32_1 = arith.constant 0 : i32
    return %c0_i32, %c0_i32_0 : i32, i32
  }
  func.func @transform_5(%arg0: i32) -> (i32, i32) {
    %c0_i32 = arith.constant 0 : i32
    %c0_i32_0 = arith.constant 0 : i32
    %c0_i32_1 = arith.constant 0 : i32
    return %c0_i32, %c0_i32_0 : i32, i32
  }
  func.func @transform_6(%arg0: i32) -> (i32, i32) {
    %c0_i32 = arith.constant 0 : i32
    %c0_i32_0 = arith.constant 0 : i32
    %c0_i32_1 = arith.constant 0 : i32
    return %c0_i32, %c0_i32_0 : i32, i32
  }
  func.func @transform_7(%arg0: i32) -> (i32, i32) {
    %c0_i32 = arith.constant 0 : i32
    %c0_i32_0 = arith.constant 0 : i32
    return %arg0, %c0_i32 : i32, i32
  }
  func.func @transform_8(%arg0: i32) -> (i32, i32) {
    %c0_i32 = arith.constant 0 : i32
    %c0_i32_0 = arith.constant 0 : i32
    return %arg0, %c0_i32 : i32, i32
  }
}

module attributes {stable_mosaic.version = 14 : i64} {
  func.func @_dense2_body(%arg0: i32, %arg1: memref<1000x128xf32, #tpu.memory_space<vmem>>, %arg2: memref<128x128xf32, #tpu.memory_space<vmem>>, %arg3: memref<1x128xf32, #tpu.memory_space<vmem>>, %arg4: memref<128x128xf32, #tpu.memory_space<vmem>>, %arg5: memref<1x128xf32, #tpu.memory_space<vmem>>, %arg6: memref<1000x128xf32, #tpu.memory_space<vmem>>, %arg7: memref<1000x128xf32, #tpu.memory_space<vmem>>) attributes {dimension_semantics = [#tpu.dimension_semantics<arbitrary>], iteration_bounds = array<i64: 10>, scalar_prefetch = 0 : i64, scratch_operands = 0 : i64, tpu.core_type = #tpu.core_type<tc>, window_params = [{transform_indices = @transform_0, window_bounds = array<i64: 1000, 128>}, {pipeline_mode = #tpu.pipeline_mode<synchronous>, transform_indices = @transform_1, window_bounds = array<i64: 128, 128>}, {pipeline_mode = #tpu.pipeline_mode<synchronous>, transform_indices = @transform_2, window_bounds = array<i64: 1, 128>}, {pipeline_mode = #tpu.pipeline_mode<synchronous>, transform_indices = @transform_3, window_bounds = array<i64: 128, 128>}, {pipeline_mode = #tpu.pipeline_mode<synchronous>, transform_indices = @transform_4, window_bounds = array<i64: 1, 128>}, {transform_indices = @transform_5, window_bounds = array<i64: 1000, 128>}, {transform_indices = @transform_6, window_bounds = array<i64: 1000, 128>}]} {
    %get3A = arith.constant 0 : index
    %get3A_0 = arith.constant 0 : index
    %get3A_1 = vector.load %arg1[%get3A, %get3A_0] : memref<1000x128xf32, #tpu.memory_space<vmem>>, vector<1000x128xf32>
    %get3A_2 = arith.constant 0 : index
    %get3A_3 = arith.constant 0 : index
    %get3A_4 = vector.load %arg2[%get3A_2, %get3A_3] : memref<128x128xf32, #tpu.memory_space<vmem>>, vector<128x128xf32>
    %dot_general3A = arith.constant dense<0.000000e+00> : vector<1000x128xf32>
    %dot_general3A_5 = tpu.matmul %get3A_1, %get3A_4, %dot_general3A {dimension_numbers = #tpu.dot_dimension_numbers<[1], [0], [0], [1], [0, 0, 1, 1], [], []>, transpose_lhs_hint = false} : vector<1000x128xf32>, vector<128x128xf32>, vector<1000x128xf32> -> vector<1000x128xf32>
    %get3A_6 = arith.constant 0 : index
    %get3A_7 = arith.constant 0 : index
    %get3A_8 = vector.load %arg3[%get3A_6, %get3A_7] : memref<1x128xf32, #tpu.memory_space<vmem>>, vector<1x128xf32>
    %add3A = vector.broadcast %get3A_8 : vector<1x128xf32> to vector<1000x128xf32>
    %add3A_9 = arith.addf %dot_general3A_5, %add3A : vector<1000x128xf32>
    %integer_pow3A = arith.mulf %add3A_9, %add3A_9 : vector<1000x128xf32>
    %integer_pow3A_10 = arith.mulf %add3A_9, %integer_pow3A : vector<1000x128xf32>
    %mul3A = arith.constant 4.471500e-02 : f32
    %mul3A_11 = vector.broadcast %mul3A : f32 to vector<1000x128xf32>
    %mul3A_12 = arith.mulf %mul3A_11, %integer_pow3A_10 : vector<1000x128xf32>
    %add3A_13 = arith.addf %add3A_9, %mul3A_12 : vector<1000x128xf32>
    %mul3A_14 = arith.constant 0.797884583 : f32
    %mul3A_15 = vector.broadcast %mul3A_14 : f32 to vector<1000x128xf32>
    %mul3A_16 = arith.mulf %mul3A_15, %add3A_13 : vector<1000x128xf32>
    %tanh3A = math.tanh %mul3A_16 : vector<1000x128xf32>
    %add3A_17 = arith.constant 1.000000e+00 : f32
    %add3A_18 = vector.broadcast %add3A_17 : f32 to vector<1000x128xf32>
    %add3A_19 = arith.addf %add3A_18, %tanh3A : vector<1000x128xf32>
    %mul3A_20 = arith.constant 5.000000e-01 : f32
    %mul3A_21 = vector.broadcast %mul3A_20 : f32 to vector<1000x128xf32>
    %mul3A_22 = arith.mulf %mul3A_21, %add3A_19 : vector<1000x128xf32>
    %mul3A_23 = arith.mulf %add3A_9, %mul3A_22 : vector<1000x128xf32>
    %swap3A = arith.constant 0 : index
    %swap3A_24 = arith.constant 0 : index
    %swap3A_25 = vector.load %arg6[%swap3A, %swap3A_24] : memref<1000x128xf32, #tpu.memory_space<vmem>>, vector<1000x128xf32>
    tpu.vector_store %arg6[%swap3A, %swap3A_24], %mul3A_23 {strides = array<i32>} : memref<1000x128xf32, #tpu.memory_space<vmem>>, vector<1000x128xf32>,
    %get3A_26 = arith.constant 0 : index
    %get3A_27 = arith.constant 0 : index
    %get3A_28 = vector.load %arg4[%get3A_26, %get3A_27] : memref<128x128xf32, #tpu.memory_space<vmem>>, vector<128x128xf32>
    %dot_general3A_29 = arith.constant dense<0.000000e+00> : vector<1000x128xf32>
    %dot_general3A_30 = tpu.matmul %mul3A_23, %get3A_28, %dot_general3A_29 {dimension_numbers = #tpu.dot_dimension_numbers<[1], [0], [0], [1], [0, 0, 1, 1], [], []>, transpose_lhs_hint = false} : vector<1000x128xf32>, vector<128x128xf32>, vector<1000x128xf32> -> vector<1000x128xf32>
    %get3A_31 = arith.constant 0 : index
    %get3A_32 = arith.constant 0 : index
    %get3A_33 = vector.load %arg5[%get3A_31, %get3A_32] : memref<1x128xf32, #tpu.memory_space<vmem>>, vector<1x128xf32>
    %add3A_34 = vector.broadcast %get3A_33 : vector<1x128xf32> to vector<1000x128xf32>
    %add3A_35 = arith.addf %dot_general3A_30, %add3A_34 : vector<1000x128xf32>
    %integer_pow3A_36 = arith.mulf %add3A_35, %add3A_35 : vector<1000x128xf32>
    %integer_pow3A_37 = arith.mulf %add3A_35, %integer_pow3A_36 : vector<1000x128xf32>
    %mul3A_38 = arith.constant 4.471500e-02 : f32
    %mul3A_39 = vector.broadcast %mul3A_38 : f32 to vector<1000x128xf32>
    %mul3A_40 = arith.mulf %mul3A_39, %integer_pow3A_37 : vector<1000x128xf32>
    %add3A_41 = arith.addf %add3A_35, %mul3A_40 : vector<1000x128xf32>
    %mul3A_42 = arith.constant 0.797884583 : f32
    %mul3A_43 = vector.broadcast %mul3A_42 : f32 to vector<1000x128xf32>
    %mul3A_44 = arith.mulf %mul3A_43, %add3A_41 : vector<1000x128xf32>
    %tanh3A_45 = math.tanh %mul3A_44 : vector<1000x128xf32>
    %add3A_46 = arith.constant 1.000000e+00 : f32
    %add3A_47 = vector.broadcast %add3A_46 : f32 to vector<1000x128xf32>
    %add3A_48 = arith.addf %add3A_47, %tanh3A_45 : vector<1000x128xf32>
    %mul3A_49 = arith.constant 5.000000e-01 : f32
    %mul3A_50 = vector.broadcast %mul3A_49 : f32 to vector<1000x128xf32>
    %mul3A_51 = arith.mulf %mul3A_50, %add3A_48 : vector<1000x128xf32>
    %mul3A_52 = arith.mulf %add3A_35, %mul3A_51 : vector<1000x128xf32>
    %swap3A_53 = arith.constant 0 : index
    %swap3A_54 = arith.constant 0 : index
    %swap3A_55 = vector.load %arg7[%swap3A_53, %swap3A_54] : memref<1000x128xf32, #tpu.memory_space<vmem>>, vector<1000x128xf32>
    tpu.vector_store %arg7[%swap3A_53, %swap3A_54], %mul3A_52 {strides = array<i32>} : memref<1000x128xf32, #tpu.memory_space<vmem>>, vector<1000x128xf32>,
    return
  }
  func.func @transform_0(%arg0: i32) -> (i32, i32) {
    %c0_i32 = arith.constant 0 : i32
    %c0_i32_0 = arith.constant 0 : i32
    return %arg0, %c0_i32 : i32, i32
  }
  func.func @transform_1(%arg0: i32) -> (i32, i32) {
    %c0_i32 = arith.constant 0 : i32
    %c0_i32_0 = arith.constant 0 : i32
    %c0_i32_1 = arith.constant 0 : i32
    return %c0_i32, %c0_i32_0 : i32, i32
  }
  func.func @transform_2(%arg0: i32) -> (i32, i32) {
    %c0_i32 = arith.constant 0 : i32
    %c0_i32_0 = arith.constant 0 : i32
    %c0_i32_1 = arith.constant 0 : i32
    return %c0_i32, %c0_i32_0 : i32, i32
  }
  func.func @transform_3(%arg0: i32) -> (i32, i32) {
    %c0_i32 = arith.constant 0 : i32
    %c0_i32_0 = arith.constant 0 : i32
    %c0_i32_1 = arith.constant 0 : i32
    return %c0_i32, %c0_i32_0 : i32, i32
  }
  func.func @transform_4(%arg0: i32) -> (i32, i32) {
    %c0_i32 = arith.constant 0 : i32
    %c0_i32_0 = arith.constant 0 : i32
    %c0_i32_1 = arith.constant 0 : i32
    return %c0_i32, %c0_i32_0 : i32, i32
  }
  func.func @transform_5(%arg0: i32) -> (i32, i32) {
    %c0_i32 = arith.constant 0 : i32
    %c0_i32_0 = arith.constant 0 : i32
    return %arg0, %c0_i32 : i32, i32
  }
  func.func @transform_6(%arg0: i32) -> (i32, i32) {
    %c0_i32 = arith.constant 0 : i32
    %c0_i32_0 = arith.constant 0 : i32
    return %arg0, %c0_i32 : i32, i32
  }
}

module attributes {stable_mosaic.version = 14 : i64} {
  func.func @_update_body(%arg0: i32, %arg1: memref<2x1000x128xf32, #tpu.memory_space<vmem>>, %arg2: memref<2x1000x1xf32, #tpu.memory_space<vmem>>, %arg3: memref<1000x128xf32, #tpu.memory_space<vmem>>, %arg4: memref<128x128xf32, #tpu.memory_space<vmem>>, %arg5: memref<1x128xf32, #tpu.memory_space<vmem>>, %arg6: memref<128x128xf32, #tpu.memory_space<vmem>>, %arg7: memref<1x128xf32, #tpu.memory_space<vmem>>, %arg8: memref<1000x128xf32, #tpu.memory_space<vmem>>) attributes {dimension_semantics = [#tpu.dimension_semantics<arbitrary>], iteration_bounds = array<i64: 10>, scalar_prefetch = 0 : i64, scratch_operands = 0 : i64, tpu.core_type = #tpu.core_type<tc>, window_params = [{transform_indices = @transform_0, window_bounds = array<i64: 2, 1000, 128>}, {transform_indices = @transform_1, window_bounds = array<i64: 2, 1000, 1>}, {transform_indices = @transform_2, window_bounds = array<i64: 1000, 128>}, {pipeline_mode = #tpu.pipeline_mode<synchronous>, transform_indices = @transform_3, window_bounds = array<i64: 128, 128>}, {pipeline_mode = #tpu.pipeline_mode<synchronous>, transform_indices = @transform_4, window_bounds = array<i64: 1, 128>}, {pipeline_mode = #tpu.pipeline_mode<synchronous>, transform_indices = @transform_5, window_bounds = array<i64: 128, 128>}, {pipeline_mode = #tpu.pipeline_mode<synchronous>, transform_indices = @transform_6, window_bounds = array<i64: 1, 128>}, {transform_indices = @transform_7, window_bounds = array<i64: 1000, 128>}]} {
    %get3A = arith.constant 0 : index
    %get3A_0 = arith.constant 0 : index
    %get3A_1 = arith.constant 0 : index
    %get3A_2 = vector.load %arg2[%get3A, %get3A_0, %get3A_1] : memref<2x1000x1xf32, #tpu.memory_space<vmem>>, vector<1x1000x1xf32>
    %get3A_3 = vector.shape_cast %get3A_2 : vector<1x1000x1xf32> to vector<1000x1xf32>
    %get3A_4 = arith.constant 1 : index
    %get3A_5 = arith.constant 0 : index
    %get3A_6 = arith.constant 0 : index
    %get3A_7 = vector.load %arg2[%get3A_4, %get3A_5, %get3A_6] : memref<2x1000x1xf32, #tpu.memory_space<vmem>>, vector<1x1000x1xf32>
    %get3A_8 = vector.shape_cast %get3A_7 : vector<1x1000x1xf32> to vector<1000x1xf32>
    %add3A = arith.addf %get3A_3, %get3A_8 : vector<1000x1xf32>
    %max3A = arith.constant 1.000000e+00 : f32
    %max3A_9 = vector.broadcast %max3A : f32 to vector<1000x1xf32>
    %max3A_10 = arith.maximumf %add3A, %max3A_9 : vector<1000x1xf32>
    %get3A_11 = arith.constant 0 : index
    %get3A_12 = arith.constant 0 : index
    %get3A_13 = arith.constant 0 : index
    %get3A_14 = vector.load %arg1[%get3A_11, %get3A_12, %get3A_13] : memref<2x1000x128xf32, #tpu.memory_space<vmem>>, vector<1x1000x128xf32>
    %get3A_15 = vector.shape_cast %get3A_14 : vector<1x1000x128xf32> to vector<1000x128xf32>
    %get3A_16 = arith.constant 1 : index
    %get3A_17 = arith.constant 0 : index
    %get3A_18 = arith.constant 0 : index
    %get3A_19 = vector.load %arg1[%get3A_16, %get3A_17, %get3A_18] : memref<2x1000x128xf32, #tpu.memory_space<vmem>>, vector<1x1000x128xf32>
    %get3A_20 = vector.shape_cast %get3A_19 : vector<1x1000x128xf32> to vector<1000x128xf32>
    %add3A_21 = arith.addf %get3A_15, %get3A_20 : vector<1000x128xf32>
    %div3A = arith.constant 1.000000e+00 : f32
    %div3A_22 = vector.broadcast %div3A : f32 to vector<1000x1xf32>
    %div3A_23 = arith.divf %div3A_22, %max3A_10 : vector<1000x1xf32>
    %mul3A = vector.broadcast %div3A_23 : vector<1000x1xf32> to vector<1000x128xf32>
    %mul3A_24 = arith.mulf %add3A_21, %mul3A : vector<1000x128xf32>
    %get3A_25 = arith.constant 0 : index
    %get3A_26 = arith.constant 0 : index
    %get3A_27 = vector.load %arg4[%get3A_25, %get3A_26] : memref<128x128xf32, #tpu.memory_space<vmem>>, vector<128x128xf32>
    %dot_general3A = arith.constant dense<0.000000e+00> : vector<1000x128xf32>
    %dot_general3A_28 = tpu.matmul %mul3A_24, %get3A_27, %dot_general3A {dimension_numbers = #tpu.dot_dimension_numbers<[1], [0], [0], [1], [0, 0, 1, 1], [], []>, transpose_lhs_hint = false} : vector<1000x128xf32>, vector<128x128xf32>, vector<1000x128xf32> -> vector<1000x128xf32>
    %get3A_29 = arith.constant 0 : index
    %get3A_30 = arith.constant 0 : index
    %get3A_31 = vector.load %arg5[%get3A_29, %get3A_30] : memref<1x128xf32, #tpu.memory_space<vmem>>, vector<1x128xf32>
    %add3A_32 = vector.broadcast %get3A_31 : vector<1x128xf32> to vector<1000x128xf32>
    %add3A_33 = arith.addf %dot_general3A_28, %add3A_32 : vector<1000x128xf32>
    %integer_pow3A = arith.mulf %add3A_33, %add3A_33 : vector<1000x128xf32>
    %integer_pow3A_34 = arith.mulf %add3A_33, %integer_pow3A : vector<1000x128xf32>
    %mul3A_35 = arith.constant 4.471500e-02 : f32
    %mul3A_36 = vector.broadcast %mul3A_35 : f32 to vector<1000x128xf32>
    %mul3A_37 = arith.mulf %mul3A_36, %integer_pow3A_34 : vector<1000x128xf32>
    %add3A_38 = arith.addf %add3A_33, %mul3A_37 : vector<1000x128xf32>
    %mul3A_39 = arith.constant 0.797884583 : f32
    %mul3A_40 = vector.broadcast %mul3A_39 : f32 to vector<1000x128xf32>
    %mul3A_41 = arith.mulf %mul3A_40, %add3A_38 : vector<1000x128xf32>
    %tanh3A = math.tanh %mul3A_41 : vector<1000x128xf32>
    %add3A_42 = arith.constant 1.000000e+00 : f32
    %add3A_43 = vector.broadcast %add3A_42 : f32 to vector<1000x128xf32>
    %add3A_44 = arith.addf %add3A_43, %tanh3A : vector<1000x128xf32>
    %mul3A_45 = arith.constant 5.000000e-01 : f32
    %mul3A_46 = vector.broadcast %mul3A_45 : f32 to vector<1000x128xf32>
    %mul3A_47 = arith.mulf %mul3A_46, %add3A_44 : vector<1000x128xf32>
    %mul3A_48 = arith.mulf %add3A_33, %mul3A_47 : vector<1000x128xf32>
    %get3A_49 = arith.constant 0 : index
    %get3A_50 = arith.constant 0 : index
    %get3A_51 = vector.load %arg3[%get3A_49, %get3A_50] : memref<1000x128xf32, #tpu.memory_space<vmem>>, vector<1000x128xf32>
    %add3A_52 = arith.addf %mul3A_48, %get3A_51 : vector<1000x128xf32>
    %swap3A = arith.constant 0 : index
    %swap3A_53 = arith.constant 0 : index
    %swap3A_54 = vector.load %arg8[%swap3A, %swap3A_53] : memref<1000x128xf32, #tpu.memory_space<vmem>>, vector<1000x128xf32>
    tpu.vector_store %arg8[%swap3A, %swap3A_53], %add3A_52 {strides = array<i32>} : memref<1000x128xf32, #tpu.memory_space<vmem>>, vector<1000x128xf32>,
    return
  }
  func.func @transform_0(%arg0: i32) -> (i32, i32, i32) {
    %c0_i32 = arith.constant 0 : i32
    %c0_i32_0 = arith.constant 0 : i32
    %c0_i32_1 = arith.constant 0 : i32
    return %c0_i32, %arg0, %c0_i32_0 : i32, i32, i32
  }
  func.func @transform_1(%arg0: i32) -> (i32, i32, i32) {
    %c0_i32 = arith.constant 0 : i32
    %c0_i32_0 = arith.constant 0 : i32
    %c0_i32_1 = arith.constant 0 : i32
    return %c0_i32, %arg0, %c0_i32_0 : i32, i32, i32
  }
  func.func @transform_2(%arg0: i32) -> (i32, i32) {
    %c0_i32 = arith.constant 0 : i32
    %c0_i32_0 = arith.constant 0 : i32
    return %arg0, %c0_i32 : i32, i32
  }
  func.func @transform_3(%arg0: i32) -> (i32, i32) {
    %c0_i32 = arith.constant 0 : i32
    %c0_i32_0 = arith.constant 0 : i32
    %c0_i32_1 = arith.constant 0 : i32
    return %c0_i32, %c0_i32_0 : i32, i32
  }
  func.func @transform_4(%arg0: i32) -> (i32, i32) {
    %c0_i32 = arith.constant 0 : i32
    %c0_i32_0 = arith.constant 0 : i32
    %c0_i32_1 = arith.constant 0 : i32
    return %c0_i32, %c0_i32_0 : i32, i32
  }
  func.func @transform_5(%arg0: i32) -> (i32, i32) {
    %c0_i32 = arith.constant 0 : i32
    %c0_i32_0 = arith.constant 0 : i32
    %c0_i32_1 = arith.constant 0 : i32
    return %c0_i32, %c0_i32_0 : i32, i32
  }
  func.func @transform_6(%arg0: i32) -> (i32, i32) {
    %c0_i32 = arith.constant 0 : i32
    %c0_i32_0 = arith.constant 0 : i32
    %c0_i32_1 = arith.constant 0 : i32
    return %c0_i32, %c0_i32_0 : i32, i32
  }
  func.func @transform_7(%arg0: i32) -> (i32, i32) {
    %c0_i32 = arith.constant 0 : i32
    %c0_i32_0 = arith.constant 0 : i32
    return %arg0, %c0_i32 : i32, i32
  }
}

module attributes {stable_mosaic.version = 14 : i64} {
  func.func @_head_body(%arg0: i32, %arg1: memref<512x128xf32, #tpu.memory_space<vmem>>, %arg2: memref<128x128xf32, #tpu.memory_space<vmem>>, %arg3: memref<1x128xf32, #tpu.memory_space<vmem>>, %arg4: memref<128x7xf32, #tpu.memory_space<vmem>>, %arg5: memref<1x7xf32, #tpu.memory_space<vmem>>, %arg6: memref<512x7xf32, #tpu.memory_space<vmem>>) attributes {dimension_semantics = [#tpu.dimension_semantics<arbitrary>], iteration_bounds = array<i64: 8>, scalar_prefetch = 0 : i64, scratch_operands = 0 : i64, tpu.core_type = #tpu.core_type<tc>, window_params = [{transform_indices = @transform_0, window_bounds = array<i64: 512, 128>}, {pipeline_mode = #tpu.pipeline_mode<synchronous>, transform_indices = @transform_1, window_bounds = array<i64: 128, 128>}, {pipeline_mode = #tpu.pipeline_mode<synchronous>, transform_indices = @transform_2, window_bounds = array<i64: 1, 128>}, {pipeline_mode = #tpu.pipeline_mode<synchronous>, transform_indices = @transform_3, window_bounds = array<i64: 128, 7>}, {pipeline_mode = #tpu.pipeline_mode<synchronous>, transform_indices = @transform_4, window_bounds = array<i64: 1, 7>}, {transform_indices = @transform_5, window_bounds = array<i64: 512, 7>}]} {
    %get3A = arith.constant 0 : index
    %get3A_0 = arith.constant 0 : index
    %get3A_1 = vector.load %arg1[%get3A, %get3A_0] : memref<512x128xf32, #tpu.memory_space<vmem>>, vector<512x128xf32>
    %get3A_2 = arith.constant 0 : index
    %get3A_3 = arith.constant 0 : index
    %get3A_4 = vector.load %arg2[%get3A_2, %get3A_3] : memref<128x128xf32, #tpu.memory_space<vmem>>, vector<128x128xf32>
    %dot_general3A = arith.constant dense<0.000000e+00> : vector<512x128xf32>
    %dot_general3A_5 = tpu.matmul %get3A_1, %get3A_4, %dot_general3A {dimension_numbers = #tpu.dot_dimension_numbers<[1], [0], [0], [1], [0, 0, 1, 1], [], []>, transpose_lhs_hint = false} : vector<512x128xf32>, vector<128x128xf32>, vector<512x128xf32> -> vector<512x128xf32>
    %get3A_6 = arith.constant 0 : index
    %get3A_7 = arith.constant 0 : index
    %get3A_8 = vector.load %arg3[%get3A_6, %get3A_7] : memref<1x128xf32, #tpu.memory_space<vmem>>, vector<1x128xf32>
    %add3A = vector.broadcast %get3A_8 : vector<1x128xf32> to vector<512x128xf32>
    %add3A_9 = arith.addf %dot_general3A_5, %add3A : vector<512x128xf32>
    %integer_pow3A = arith.mulf %add3A_9, %add3A_9 : vector<512x128xf32>
    %integer_pow3A_10 = arith.mulf %add3A_9, %integer_pow3A : vector<512x128xf32>
    %mul3A = arith.constant 4.471500e-02 : f32
    %mul3A_11 = vector.broadcast %mul3A : f32 to vector<512x128xf32>
    %mul3A_12 = arith.mulf %mul3A_11, %integer_pow3A_10 : vector<512x128xf32>
    %add3A_13 = arith.addf %add3A_9, %mul3A_12 : vector<512x128xf32>
    %mul3A_14 = arith.constant 0.797884583 : f32
    %mul3A_15 = vector.broadcast %mul3A_14 : f32 to vector<512x128xf32>
    %mul3A_16 = arith.mulf %mul3A_15, %add3A_13 : vector<512x128xf32>
    %tanh3A = math.tanh %mul3A_16 : vector<512x128xf32>
    %add3A_17 = arith.constant 1.000000e+00 : f32
    %add3A_18 = vector.broadcast %add3A_17 : f32 to vector<512x128xf32>
    %add3A_19 = arith.addf %add3A_18, %tanh3A : vector<512x128xf32>
    %mul3A_20 = arith.constant 5.000000e-01 : f32
    %mul3A_21 = vector.broadcast %mul3A_20 : f32 to vector<512x128xf32>
    %mul3A_22 = arith.mulf %mul3A_21, %add3A_19 : vector<512x128xf32>
    %mul3A_23 = arith.mulf %add3A_9, %mul3A_22 : vector<512x128xf32>
    %get3A_24 = arith.constant 0 : index
    %get3A_25 = arith.constant 0 : index
    %get3A_26 = vector.load %arg4[%get3A_24, %get3A_25] : memref<128x7xf32, #tpu.memory_space<vmem>>, vector<128x7xf32>
    %dot_general3A_27 = arith.constant dense<0.000000e+00> : vector<512x7xf32>
    %dot_general3A_28 = tpu.matmul %mul3A_23, %get3A_26, %dot_general3A_27 {dimension_numbers = #tpu.dot_dimension_numbers<[1], [0], [0], [1], [0, 0, 1, 1], [], []>, transpose_lhs_hint = false} : vector<512x128xf32>, vector<128x7xf32>, vector<512x7xf32> -> vector<512x7xf32>
    %get3A_29 = arith.constant 0 : index
    %get3A_30 = arith.constant 0 : index
    %get3A_31 = vector.load %arg5[%get3A_29, %get3A_30] : memref<1x7xf32, #tpu.memory_space<vmem>>, vector<1x7xf32>
    %add3A_32 = vector.broadcast %get3A_31 : vector<1x7xf32> to vector<512x7xf32>
    %add3A_33 = arith.addf %dot_general3A_28, %add3A_32 : vector<512x7xf32>
    %swap3A = arith.constant 0 : index
    %swap3A_34 = arith.constant 0 : index
    %swap3A_35 = vector.load %arg6[%swap3A, %swap3A_34] : memref<512x7xf32, #tpu.memory_space<vmem>>, vector<512x7xf32>
    tpu.vector_store %arg6[%swap3A, %swap3A_34], %add3A_33 {strides = array<i32>} : memref<512x7xf32, #tpu.memory_space<vmem>>, vector<512x7xf32>,
    return
  }
  func.func @transform_0(%arg0: i32) -> (i32, i32) {
    %c0_i32 = arith.constant 0 : i32
    %c0_i32_0 = arith.constant 0 : i32
    return %arg0, %c0_i32 : i32, i32
  }
  func.func @transform_1(%arg0: i32) -> (i32, i32) {
    %c0_i32 = arith.constant 0 : i32
    %c0_i32_0 = arith.constant 0 : i32
    %c0_i32_1 = arith.constant 0 : i32
    return %c0_i32, %c0_i32_0 : i32, i32
  }
  func.func @transform_2(%arg0: i32) -> (i32, i32) {
    %c0_i32 = arith.constant 0 : i32
    %c0_i32_0 = arith.constant 0 : i32
    %c0_i32_1 = arith.constant 0 : i32
    return %c0_i32, %c0_i32_0 : i32, i32
  }
  func.func @transform_3(%arg0: i32) -> (i32, i32) {
    %c0_i32 = arith.constant 0 : i32
    %c0_i32_0 = arith.constant 0 : i32
    %c0_i32_1 = arith.constant 0 : i32
    return %c0_i32, %c0_i32_0 : i32, i32
  }
  func.func @transform_4(%arg0: i32) -> (i32, i32) {
    %c0_i32 = arith.constant 0 : i32
    %c0_i32_0 = arith.constant 0 : i32
    %c0_i32_1 = arith.constant 0 : i32
    return %c0_i32, %c0_i32_0 : i32, i32
  }
  func.func @transform_5(%arg0: i32) -> (i32, i32) {
    %c0_i32 = arith.constant 0 : i32
    %c0_i32_0 = arith.constant 0 : i32
    return %arg0, %c0_i32 : i32, i32
  }
}

</mosaic_0001>

<sc_bundles>
// kernel: kernel.10.cloned.1.call-start
scs
__scs_entry_jumppad:
0x0: {  	(pc) =	sbr.rel $0x88, $3  }
0x1: {  	(tag) =	ssettag $0x0;
	lr =	simm.s32 $0x1  }
0x2: {  	[smem:$0x3F90] =	sst lr;
	_ =	strace $0xD0000000  }
0x3: {  	_ = 	snop  }
0x4: {  	_ = 	snop  }
0x5: {  	_ = 	snop  }
0x6: {  	_ = 	snop  }
0x7: {  	_ = 	snop  }
__scs_overlays_trampoline_lowered:
0x8: {  	[smem:$0x3F9F] =	sst s0  }
0x9: {  	[smem:$0x3FA0] =	sst s1  }
0xa: {  	[smem:$0x3FA1] =	sst s2  }
0xb: {  	[smem:$0x3FA2] =	sst s3  }
0xc: {  	[smem:$0x3FA3] =	sst s4  }
0xd: {  	[smem:$0x3FA4] =	sst s5  }
0xe: {  	[smem:$0x3FA5] =	sst s6  }
0xf: {  	[smem:$0x3FA6] =	sst s7  }
0x10: {  	[smem:$0x3FA7] =	sst s8  }
0x11: {  	[smem:$0x3FA8] =	sst s9;
	s0 =	simm.s32 @!p0 $0x0  }
0x12: {  	s1 =	sld [smem:$0x3F8E];
	s0 =	simm.s32 @p0 $0x1  }
0x13: {  	[smem:$0x3FA9] =	sst s0;
	s0 =	simm.s32 @!p1 $0x0  }
0x14: {  	s2 =	sld [smem:$0x3F8D];
	s0 =	simm.s32 @p1 $0x1  }
0x15: {  	[smem:$0x3FAA] =	sst s0;
	s0 =	simm.s32 @!p2 $0x0  }
0x16: {  	s3 =	sld [smem:$0x3FDB];
	s0 =	simm.s32 @p2 $0x1  }
0x17: {  	s4 =	simm.s32 $0x1BF5;
	[smem:$0x3FAC] =	sst s0  }
0x18: {  	s0 =	sld [smem:$0x3F8F];
	_ =	swait.ge [sflag:s4], $0x0  }
0x19: {  	s7 =	sld [smem:$0x3F90]  }
0x1a: {  	s8 =	sadd.s32 $0xFFFFE003, lr  }
0x1b: {  	s9 =	sadd.s32 $0xFFFFFEF7, lr;
	s5 =	simm.s32 $0xFFFFFFFF;
	p2 =	slt.u32 s8, $0xFFFFF086  }
0x1c: {  	p1 =	slt.u32 s9, $0xF7A;
	s5 =	simm.s32 @!p2 $0x0  }
0x1d: {  	s5 =	simm.s32 @p1 $0x1;
	p0 =	seq.s32 s7, s2  }
0x1e: {  	s7 =	smul.u32 @!p0 $0xF7A, s2;
	p2 =	seq.s32 @!p0 s5, $0x0  }
0x1f: {  	s9 =	smul.u32 $0xF7A, s1;
	s8 =	simm.s32 @!p0 $0x1BF5;
	p2 =	por !p2, p0  }
0x20: {  	[sflag:s8] =	ssyncset.s32 @!p0 $0xFFFFF086;
	s6 =	sadd.s32 @!p0 s3, s7;
	s7 =	simm.s32 @!p0 $0x108  }
0x21: {  	s3 =	sadd.s32 s3, s9;
	s6 =	sadd.s32 @!p0 $0x88, s6;
	s7 =	simm.s32 @p2 $0x1082  }
0x22: {  	[simem:s7], [sflag:s8] =	dma.local @!p0 [hbm:s6], $0xF7A  }
0x23: {  	s9 =	sor.u32 $0xD0000000, s2;
	s6 =	simm.s32 $0x108;
	_ =	swait.ge @!p0 [sflag:s8], $0x0  }
0x24: {  	s3 =	sadd.s32 $0x88, s3;
	s6 =	simm.s32 @!p1 $0x1082;
	[sflag:s4] =	ssyncset.s32 $0xFFFFF086  }
0x25: {  	[simem:s6], [sflag:s4] =	dma.local [hbm:s3], $0xF7A  }
0x26: {  	[smem:$0x3F90] =	sst s1;
	(tag) =	ssettag s2;
	_ =	strace s9  }
0x27: {  	s1 =	sld [smem:$0x3FA0]  }
0x28: {  	s2 =	sld [smem:$0x3FA1]  }
0x29: {  	s4 =	sld [smem:$0x3FA3]  }
0x2a: {  	p0 =	seq.s32 s5, $0x0;
	s5 =	sld [smem:$0x3FA4]  }
0x2b: {  	s6 =	sld [smem:$0x3FA5]  }
0x2c: {  	s7 =	sld [smem:$0x3FA6]  }
0x2d: {  	s3 =	simm.s32 $0x108;
	s8 =	sld [smem:$0x3FA7]  }
0x2e: {  	s3 =	simm.s32 @!p0 $0x1082;
	s9 =	sld [smem:$0x3FA8]  }
0x2f: {  	lr =	sadd.s32 s0, s3;
	s0 =	sld [smem:$0x3F9F]  }
0x30: {  	s3 =	sld [smem:$0x3FA2]  }
0x31: {  	[smem:$0x3FAB] =	sst s10  }
0x32: {  	s10 =	sld [smem:$0x3FA9];
	_ =	sdelay $0x3  }
0x33: {  	p0 =	seq.s32 s10, $0x1;
	s10 =	sld [smem:$0x3FAB];
	_ =	sdelay $0x3  }
0x34: {  	[smem:$0x3FAB] =	sst s10  }
0x35: {  	s10 =	sld [smem:$0x3FAA];
	_ =	sdelay $0x3  }
0x36: {  	p1 =	seq.s32 s10, $0x1;
	s10 =	sld [smem:$0x3FAB];
	_ =	sdelay $0x3  }
0x37: {  	[smem:$0x3FAB] =	sst s10  }
0x38: {  	s10 =	sld [smem:$0x3FAC]  }
0x39: {  	_ = 	snop;
	(pc) =	sbr.ind lr, $3  }
0x3a: {  	_ = 	snop  }
0x3b: {  	_ = 	snop  }
0x3c: {  	p2 =	seq.s32 s10, $0x1;
	s10 =	sld [smem:$0x3FAB]  }
0x3d: {  	_ =	shalt  }
0x3e: {  	_ =	shalt  }
0x3f: {  	_ =	shalt  }
0x40: {  	_ =	shalt  }
0x41: {  	_ =	shalt  }
0x42: {  	_ =	shalt  }
0x43: {  	_ =	shalt  }
0x44: {  	_ =	shalt  }
0x45: {  	_ =	shalt  }
0x46: {  	_ =	shalt  }
0x47: {  	_ =	shalt  }
0x48: {  	_ =	shalt  }
0x49: {  	_ =	shalt  }
0x4a: {  	_ =	shalt  }
0x4b: {  	_ =	shalt  }
0x4c: {  	_ =	shalt  }
0x4d: {  	_ =	shalt  }
0x4e: {  	_ =	shalt  }
0x4f: {  	_ =	shalt  }
0x50: {  	_ =	shalt  }
0x51: {  	_ =	shalt  }
0x52: {  	_ =	shalt  }
0x53: {  	_ =	shalt  }
0x54: {  	_ =	shalt  }
0x55: {  	_ =	shalt  }
0x56: {  	_ =	shalt  }
0x57: {  	_ =	shalt  }
0x58: {  	_ =	shalt  }
0x59: {  	_ =	shalt  }
0x5a: {  	_ =	shalt  }
0x5b: {  	_ =	shalt  }
0x5c: {  	_ =	shalt  }
0x5d: {  	_ =	shalt  }
0x5e: {  	_ =	shalt  }
0x5f: {  	_ =	shalt  }
0x60: {  	_ =	shalt  }
0x61: {  	_ =	shalt  }
0x62: {  	_ =	shalt  }
0x63: {  	_ =	shalt  }
0x64: {  	_ =	shalt  }
0x65: {  	_ =	shalt  }
0x66: {  	_ =	shalt  }
0x67: {  	_ =	shalt  }
0x68: {  	_ =	shalt  }
0x69: {  	_ =	shalt  }
0x6a: {  	_ =	shalt  }
0x6b: {  	_ =	shalt  }
0x6c: {  	_ =	shalt  }
0x6d: {  	_ =	shalt  }
0x6e: {  	_ =	shalt  }
0x6f: {  	_ =	shalt  }
0x70: {  	_ =	shalt  }
0x71: {  	_ =	shalt  }
0x72: {  	_ =	shalt  }
0x73: {  	_ =	shalt  }
0x74: {  	_ =	shalt  }
0x75: {  	_ =	shalt  }
0x76: {  	_ =	shalt  }
0x77: {  	_ =	shalt  }
0x78: {  	_ =	shalt  }
0x79: {  	_ =	shalt  }
0x7a: {  	_ =	shalt  }
0x7b: {  	_ =	shalt  }
0x7c: {  	_ =	shalt  }
0x7d: {  	_ =	shalt  }
0x7e: {  	_ =	shalt  }
0x7f: {  	_ =	shalt  }
0x80: {  	_ =	shalt  }
0x81: {  	_ =	shalt  }
0x82: {  	_ =	shalt  }
0x83: {  	_ =	shalt  }
0x84: {  	_ =	shalt  }
0x85: {  	_ =	shalt  }
0x86: {  	_ =	shalt  }
0x87: {  	_ =	shalt  }
.Lfunc_end0:
.L_simem_size_0:
called_computation_lowered:
.L_overlay_start_0:
0x88: {  	s2 =	sld [smem:$0x3FD9]  }
0x89: {  	s3 =	sld [smem:$0x3FFE];
	_ =	sdelay $0x1  }
0x8a: {  	s1 =	srdreg.scid  }
0x8b: {  	s0 =	sand.u32 $0x1, s1  }
0x8c: {  	s17 =	sshll.u32 s0, $0xA;
	s2 =	sadd.s32 s3, s2  }
0x8d: {  	s2 =	sadd.s32 s2, s17  }
0x8e: {  	[smem:$0x3FB7] =	sst s2  }
0x8f: {  	_ = 	snop  }
0x90: {  	s2 =	sld [smem:$0x3FD0];
	(tm) =	ssettm $0x1  }
0x91: {  	s18 =	sld [smem:$0x3FFB];
	_ =	sdelay $0x3  }
0x92: {  	_ =	strace s18  }
0x93: {  	s3 =	sld [smem:$0x3FFC];
	_ =	sdelay $0x3  }
0x94: {  	_ =	strace s3  }
0x95: {  	s3 =	sld [smem:$0x3FFD];
	_ =	sdelay $0x3  }
0x96: {  	_ =	strace s3  }
0x97: {  	_ =	strace $0x8FFFFFFF  }
0x98: {  	s19 =	sld [smem:$0x3FDB];
	_ =	sdelay $0x1  }
0x99: {  	s4 =	simm.s32 $_scs_section_size  }
0x9a: {  	s5 =	simm.s32 $_size__tile_overlayer_lowered;
	s6 =	simm.s32 $_tile_overlayer_lowered  }
0x9b: {  	s22 =	simm.s32 $0x1BFF;
	s21 =	sshll.u32 s6, $0x1;
	s3 =	sadd.s32 s4, s19  }
0x9c: {  	s7 =	simm.s32 $0x0;
	s20 =	sshll.u32 s5, $0x1;
	s5 =	sadd.s32 s21, s3  }
0x9d: {  	[timem:s7], [sflag:s22] =	dma.local [hbm:s5], s20  }
0x9e: {  	_ =	swait.ge [sflag:s22], s20  }
0x9f: {  	s4 =	ssub.s32 $0x0, s20;
	[sflag:s22] =	ssyncset.done $0x0  }
0xa0: {  	[sflag:s22] =	ssyncadd.s32 s4;
	_ =	sdelay $0x1  }
0xa1: {  	s23 =	simm.s32 $0x1B8B  }
0xa2: {  	_ =	swait.ge [sflag:s23], $0x1  }
0xa3: {  	[sflag:s23] =	ssyncset.done $0x0  }
0xa4: {  	s25 =	simm.s32 $0x1B8E;
	s24 =	sld [smem:$0x3FFE];
	[sflag:s23] =	ssyncadd.s32 $0xFFFFFFFF  }
0xa5: {  	s26 =	simm.s32 $execute0_lowered;
	[smem:$0x3FD2] =	sst s25  }
0xa6: {  	s5 =	sshll.u32 s26, $0x1;
	_ =	strace $0x80000046;
	[dreg:$0x1] =	wrdreg $0xFFFFFFFF  }
0xa7: {  	s28 =	simm.s32 $_size_execute0_lowered;
	s3 =	sadd.s32 s3, s5;
	[dreg:$0x0] =	wrdreg $0x0  }
0xa8: {  	s5 =	sshll.u32 s28, $0x1;
	[dreg:$0x2] =	wrdreg s3  }
0xa9: {  	[dreg:$0x3] =	wrdreg s5  }
0xaa: {  	[dreg:$0x4] =	wrdreg $0xC0  }
0xab: {  	_ =	task [dreg:s7], $0x5FFFF  }
0xac: {  	[dreg:$0x1] =	wrdreg $0xFFFFFFFF  }
0xad: {  	[dreg:$0x0] =	wrdreg $0x60  }
0xae: {  	[dreg:$0x2] =	wrdreg s24  }
0xaf: {  	[dreg:$0x3] =	wrdreg s2  }
0xb0: {  	[dreg:$0x4] =	wrdreg $0x0  }
0xb1: {  	[dreg:$0x5] =	wrdreg $0x9  }
0xb2: {  	_ =	task.clear_ibuf [dreg:s7], $0x6FFFF;
	_ =	strace $0x90000046  }
0xb3: {  	s29 =	simm.s32 $0x9;
	_ =	strace $0x80000048  }
0xb4: {  	_ =	swait.ge [sflag:s29], $0x1  }
0xb5: {  	[sflag:s29] =	ssyncadd.s32 $0xFFFFFFFF  }
0xb6: {  	_ =	strace $0x90000048  }
0xb7: {  	_ =	sfence  }
0xb8: {  	s30 =	sld [smem:$0x0];
	_ =	sdelay $0x2  }
0xb9: {  	s31 =	sshll.u32 s1, $0xD;
	s1 =	sshrl.u32 s1, $0x2  }
0xba: {  	s3 =	sand.u32 $0x4000, s31;
	s1 =	sadd.s32 s1, s30  }
0xbb: {  	s0 =	sor.u32 s3, s0;
	s1 =	sshll.u32 s1, $0x11  }
0xbc: {  	s0 =	sor.u32 s1, s0  }
0xbd: {  	s0 =	sadd.s32 $0x8F2B, s0  }
0xbe: {  	[sflag:s0] =	ssyncadd.remote.s32 $0x1  }
0xbf: {  	_ =	sfence.sel $0xFFFF  }
0xc0: {  	[dreg:$0x0] =	wrdreg $0xFFFFFFFF;
	(pc) =	sbr.abs _section_cstart, $3  }
0xc1: {  	[dreg:$0x1] =	wrdreg $0xFFFFFFFF  }
0xc2: {  	_ =	task.clear_ibuf [dreg:s7], $0x2FFFF;
	_ =	strace $0x9FFFFFFF  }
0xc3: {  	(tm) =	ssettm $0x7FFFFFFF  }
tec
execute0_lowered:
.L_overlay_start_1:
0x0: {  	(tag) =	ssettag $0x1  }
0x1: {  	s0 =	rddreg [dreg:$0x0]  }
0x2: {  	s1 =	srdreg.scid;
	s21 =	rddreg [dreg:$0x1]  }
0x3: {  	s5 =	rddreg [dreg:$0x2];
	s26 =	stileid.u32  }
0x4: {  	s2 =	simm.s32 $0x0;
	s23 =	simm.s32 $0x4000;
	s24 =	simm.s32 $0x1  }
0x5: {  	s25 =	simm.s32 $0x6780;
	s28 =	simm.s32 $0xA780;
	s29 =	simm.s32 $0x0  }
0x6: {  	s16 =	sand.u32 $0x1, s1;
	[smem:$0x7FF] =	sst s2;
	s18 =	sshll.u32 s26, $0xA  }
0x7: {  	s30 =	sshll.u32 s26, $0xE;
	s3 =	sshll.u32 s16, $0x4;
	s4 =	ssub.s32 $0x2, s16  }
0x8: {  	_ =	strace $0x80000047;
	s31 =	sshll.u32 s16, $0xE;
	s3 =	sor.u32 s26, s3  }
0x9: {  	s6 =	sshrl.u32 s4, $0x1;
	s26 =	simm.s32 $0xAB80;
	s3 =	smul.u32 $0x4E2, s3  }
0xa: {  	s22 =	ssub.s32 s4, s6;
	s4 =	sadd.s32 s18, s5;
	s5 =	sadd.s32 s30, s5  }
0xb: {  	s6 =	sadd.s32 $0x4000, s4;
	s7 =	sadd.s32 $0x8000, s4;
	s8 =	sadd.s32 $0xC000, s4  }
0xc: {  	s9 =	sadd.s32 $0x10000, s4;
	s10 =	sadd.s32 $0x14000, s4;
	s11 =	sadd.s32 $0x18000, s4  }
0xd: {  	s12 =	sadd.s32 $0x1C000, s4;
	s13 =	sadd.s32 $0x20000, s4;
	s14 =	sadd.s32 $0x24000, s4  }
0xe: {  	s15 =	sadd.s32 $0x28000, s4;
	s16 =	sadd.s32 $0x2C000, s4;
	s0 =	sadd.s32 s3, s0  }
0xf: {  	s17 =	sadd.s32 $0x30000, s4;
	s3 =	sadd.s32 $0x3800, s0;
	s0 =	sor.u32 s18, s31  }
0x10: {  	s19 =	sadd.s32 $0x38000, s4;
	s20 =	sadd.s32 $0x3C000, s4;
	s0 =	sshrl.u32 s0, $0x3  }
0x11: {  	v0 =	vimm.f32 $0.0e+00;
	v1 =	vimm.f32 $1.000000000e+00;
	s22 =	smax.u32 s22, $0x1;
	s18 =	sadd.s32 $0x34000, s4;
	s21 =	sadd.s32 s21, s0  }
.LBB2_1:
0x12: {  	s0 =	sand.u32 $0xFE00, s2  }
0x13: {  	s31 =	sand.u32 $0x70, s2;
	s0 =	sshrl.u32 s0, $0x2  }
0x14: {  	s30 =	simm.s32 $0x40;
	s0 =	sor.u32 s31, s0;
	s31 =	simm.s32 $0x0  }
.LBB2_2:
0x15: {  	p0 =	sne.s32 s30, $0xFFC0  }
0x16: {  	[tilespmem:s0+$0x6780] =	vst v0;
	s31 =	sadd.s32 $0x10, s31;
	s0 =	smov.u32 s30;
	s30 =	sadd.s32 $0x40, s30  }
.Ltmp0:
0x17: {  	(pc) =	sbr.rel @p0 .LBB2_2-.Ltmp0, $4  }
0x18: {  	_ = 	snop  }
0x19: {  	s0 =	sand.u32 $0xFE00, s0  }
0x1a: {  	s1 =	sand.u32 $0x70, s31;
	s0 =	sshrl.u32 s0, $0x2  }
0x1b: {  	s0 =	sor.u32 s1, s0  }
0x1c: {  	[tilespmem:s0+$0x6780] =	vst v0;
	s1 =	simm.s32 $0x0  }
0x1d: {  	[tilespmem:s23], [sflag:$0x1] =	stream.linear.gather [hbm4b:s3+s1], $0x2710, $0x38;
	[tilespmem:$0xAF80] =	vst v63  }
0x1e: {  	_ =	swait.ge [sflag:s24], $0x2710  }
0x1f: {  	[sflag:s24] =	ssyncset.done $0x0  }
0x20: {  	s31 =	simm.s32 $0x0;
	s30 =	simm.s32 $0x40;
	[sflag:s24] =	ssyncadd.s32 $0xFFFFD8F0  }
.LBB2_4:
0x21: {  	p0 =	sne.s32 s30, $0x9C00;
	v2 =	vld [tilespmem:s31+$0x4000];
	_ =	sdelay $0x3  }
.Ltmp1:
0x22: {  	(pc) =	sbr.rel @p0 .LBB2_4-.Ltmp1, $2  }
0x23: {  	_ =	sdelay $0x2  }
0x24: {  	s31 =	sshra.s32 s30, $0x2;
	s30 =	sadd.s32 $0x40, s30;
	[tilespmem:v2+s25+$0x0] =	vst.idx.add.f32.msk $0xffff, v1  }
0x25: {  	v2 =	vld [tilespmem:s31+$0x4000];
	_ =	sdelay $0x7  }
0x26: {  	[tilespmem:v2+s25+$0x0] =	vst.idx.add.f32.msk $0xffff, v1  }
0x27: {  	[spmem:s5] =	stream.linear.scatter [tilespmem:s25], [sflag:$0x1], $0x4000, $0x38;
	[tilespmem:$0xAF80] =	vst v63  }
0x28: {  	s30 =	simm.s32 $0x0;
	_ =	swait.ge [sflag:s24], $0x4000  }
0x29: {  	s0 =	sand.u32 $0xE00, s30;
	[sflag:s24] =	ssyncset.done $0x0  }
0x2a: {  	s1 =	sand.u32 $0x70, s30;
	s0 =	sshrl.u32 s0, $0x2;
	[sflag:s24] =	ssyncadd.s32 $0xFFFFC000  }
0x2b: {  	s31 =	simm.s32 $0x40;
	s0 =	sor.u32 s1, s0;
	[bflag:$0x0] =	sbarrier.arrive $0xFFFF  }
.LBB2_6:
0x2c: {  	p0 =	sne.s32 s31, $0xFC0  }
0x2d: {  	[tilespmem:s0+$0xA780] =	vst v0;
	s30 =	sadd.s32 $0x10, s30;
	s0 =	smov.u32 s31;
	s31 =	sadd.s32 $0x40, s31  }
.Ltmp2:
0x2e: {  	(pc) =	sbr.rel @p0 .LBB2_6-.Ltmp2, $4  }
0x2f: {  	_ = 	snop  }
0x30: {  	s0 =	sand.u32 $0xE00, s0  }
0x31: {  	s1 =	sand.u32 $0x70, s30;
	s0 =	sshrl.u32 s0, $0x2  }
0x32: {  	s0 =	sor.u32 s1, s0  }
0x33: {  	[tilespmem:s0+$0xA780] =	vst v0  }
0x34: {  	[tilespmem:s26], [sflag:$0x1] =	stream.linear.gather [spmem:s4], $0x400, $0x38;
	[tilespmem:$0xAF80] =	vst v63  }
0x35: {  	_ =	swait.ge [sflag:s24], $0x400  }
0x36: {  	[sflag:s24] =	ssyncset.done $0x0  }
0x37: {  	s30 =	simm.s32 $0x0;
	[sflag:s24] =	ssyncadd.s32 $0xFFFFFC00  }
0x38: {  	s31 =	simm.s32 $0x40;
	v2 =	vld [tilespmem:s30+$0xAB80]  }
.LBB2_8:
0x39: {  	p0 =	sne.s32 s31, $0xFC0;
	v3 =	vld [tilespmem:s30+$0xA780];
	_ =	sdelay $0x2  }
.Ltmp3:
0x3a: {  	(pc) =	sbr.rel @p0 .LBB2_8-.Ltmp3, $4  }
0x3b: {  	_ = 	snop  }
0x3c: {  	v3 =	vadd.f32 v2, v3  }
0x3d: {  	s0 =	sshra.s32 s31, $0x2  }
0x3e: {  	s31 =	sadd.s32 $0x40, s31;
	v2 =	vld [tilespmem:s0+$0xAB80];
	[tilespmem:s30+$0xA780] =	vst v3;
	s30 =	smov.u32 s0  }
0x3f: {  	v3 =	vld [tilespmem:s30+$0xA780];
	_ =	sdelay $0x4  }
0x40: {  	v2 =	vadd.f32 v2, v3;
	_ =	sdelay $0x1  }
0x41: {  	[tilespmem:s30+$0xA780] =	vst v2  }
0x42: {  	[tilespmem:s26], [sflag:$0x1] =	stream.linear.gather [spmem:s6], $0x400, $0x38;
	[tilespmem:$0xAF80] =	vst v63  }
0x43: {  	_ =	swait.ge [sflag:s24], $0x400  }
0x44: {  	[sflag:s24] =	ssyncset.done $0x0  }
0x45: {  	s30 =	simm.s32 $0x0;
	[sflag:s24] =	ssyncadd.s32 $0xFFFFFC00  }
0x46: {  	s31 =	simm.s32 $0x40;
	v2 =	vld [tilespmem:s30+$0xAB80]  }
.LBB2_10:
0x47: {  	p0 =	sne.s32 s31, $0xFC0;
	v3 =	vld [tilespmem:s30+$0xA780];
	_ =	sdelay $0x2  }
.Ltmp4:
0x48: {  	(pc) =	sbr.rel @p0 .LBB2_10-.Ltmp4, $4  }
0x49: {  	_ = 	snop  }
0x4a: {  	v3 =	vadd.f32 v2, v3  }
0x4b: {  	s0 =	sshra.s32 s31, $0x2  }
0x4c: {  	s31 =	sadd.s32 $0x40, s31;
	v2 =	vld [tilespmem:s0+$0xAB80];
	[tilespmem:s30+$0xA780] =	vst v3;
	s30 =	smov.u32 s0  }
0x4d: {  	v3 =	vld [tilespmem:s30+$0xA780];
	_ =	sdelay $0x4  }
0x4e: {  	v2 =	vadd.f32 v2, v3;
	_ =	sdelay $0x1  }
0x4f: {  	[tilespmem:s30+$0xA780] =	vst v2  }
0x50: {  	[tilespmem:s26], [sflag:$0x1] =	stream.linear.gather [spmem:s7], $0x400, $0x38;
	[tilespmem:$0xAF80] =	vst v63  }
0x51: {  	_ =	swait.ge [sflag:s24], $0x400  }
0x52: {  	[sflag:s24] =	ssyncset.done $0x0  }
0x53: {  	s30 =	simm.s32 $0x0;
	[sflag:s24] =	ssyncadd.s32 $0xFFFFFC00  }
0x54: {  	s31 =	simm.s32 $0x40;
	v2 =	vld [tilespmem:s30+$0xAB80]  }
.LBB2_12:
0x55: {  	p0 =	sne.s32 s31, $0xFC0;
	v3 =	vld [tilespmem:s30+$0xA780];
	_ =	sdelay $0x2  }
.Ltmp5:
0x56: {  	(pc) =	sbr.rel @p0 .LBB2_12-.Ltmp5, $4  }
0x57: {  	_ = 	snop  }
0x58: {  	v3 =	vadd.f32 v2, v3  }
0x59: {  	s0 =	sshra.s32 s31, $0x2  }
0x5a: {  	s31 =	sadd.s32 $0x40, s31;
	v2 =	vld [tilespmem:s0+$0xAB80];
	[tilespmem:s30+$0xA780] =	vst v3;
	s30 =	smov.u32 s0  }
0x5b: {  	v3 =	vld [tilespmem:s30+$0xA780];
	_ =	sdelay $0x4  }
0x5c: {  	v2 =	vadd.f32 v2, v3;
	_ =	sdelay $0x1  }
0x5d: {  	[tilespmem:s30+$0xA780] =	vst v2  }
0x5e: {  	[tilespmem:s26], [sflag:$0x1] =	stream.linear.gather [spmem:s8], $0x400, $0x38;
	[tilespmem:$0xAF80] =	vst v63  }
0x5f: {  	_ =	swait.ge [sflag:s24], $0x400  }
0x60: {  	[sflag:s24] =	ssyncset.done $0x0  }
0x61: {  	s30 =	simm.s32 $0x0;
	[sflag:s24] =	ssyncadd.s32 $0xFFFFFC00  }
0x62: {  	s31 =	simm.s32 $0x40;
	v2 =	vld [tilespmem:s30+$0xAB80]  }
.LBB2_14:
0x63: {  	p0 =	sne.s32 s31, $0xFC0;
	v3 =	vld [tilespmem:s30+$0xA780];
	_ =	sdelay $0x2  }
.Ltmp6:
0x64: {  	(pc) =	sbr.rel @p0 .LBB2_14-.Ltmp6, $4  }
0x65: {  	_ = 	snop  }
0x66: {  	v3 =	vadd.f32 v2, v3  }
0x67: {  	s0 =	sshra.s32 s31, $0x2  }
0x68: {  	s31 =	sadd.s32 $0x40, s31;
	v2 =	vld [tilespmem:s0+$0xAB80];
	[tilespmem:s30+$0xA780] =	vst v3;
	s30 =	smov.u32 s0  }
0x69: {  	v3 =	vld [tilespmem:s30+$0xA780];
	_ =	sdelay $0x4  }
0x6a: {  	v2 =	vadd.f32 v2, v3;
	_ =	sdelay $0x1  }
0x6b: {  	[tilespmem:s30+$0xA780] =	vst v2  }
0x6c: {  	[tilespmem:s26], [sflag:$0x1] =	stream.linear.gather [spmem:s9], $0x400, $0x38;
	[tilespmem:$0xAF80] =	vst v63  }
0x6d: {  	_ =	swait.ge [sflag:s24], $0x400  }
0x6e: {  	[sflag:s24] =	ssyncset.done $0x0  }
0x6f: {  	s30 =	simm.s32 $0x0;
	[sflag:s24] =	ssyncadd.s32 $0xFFFFFC00  }
0x70: {  	s31 =	simm.s32 $0x40;
	v2 =	vld [tilespmem:s30+$0xAB80]  }
.LBB2_16:
0x71: {  	p0 =	sne.s32 s31, $0xFC0;
	v3 =	vld [tilespmem:s30+$0xA780];
	_ =	sdelay $0x2  }
.Ltmp7:
0x72: {  	(pc) =	sbr.rel @p0 .LBB2_16-.Ltmp7, $4  }
0x73: {  	_ = 	snop  }
0x74: {  	v3 =	vadd.f32 v2, v3  }
0x75: {  	s0 =	sshra.s32 s31, $0x2  }
0x76: {  	s31 =	sadd.s32 $0x40, s31;
	v2 =	vld [tilespmem:s0+$0xAB80];
	[tilespmem:s30+$0xA780] =	vst v3;
	s30 =	smov.u32 s0  }
0x77: {  	v3 =	vld [tilespmem:s30+$0xA780];
	_ =	sdelay $0x4  }
0x78: {  	v2 =	vadd.f32 v2, v3;
	_ =	sdelay $0x1  }
0x79: {  	[tilespmem:s30+$0xA780] =	vst v2  }
0x7a: {  	[tilespmem:s26], [sflag:$0x1] =	stream.linear.gather [spmem:s10], $0x400, $0x38;
	[tilespmem:$0xAF80] =	vst v63  }
0x7b: {  	_ =	swait.ge [sflag:s24], $0x400  }
0x7c: {  	[sflag:s24] =	ssyncset.done $0x0  }
0x7d: {  	s30 =	simm.s32 $0x0;
	[sflag:s24] =	ssyncadd.s32 $0xFFFFFC00  }
0x7e: {  	s31 =	simm.s32 $0x40;
	v2 =	vld [tilespmem:s30+$0xAB80]  }
.LBB2_18:
0x7f: {  	p0 =	sne.s32 s31, $0xFC0;
	v3 =	vld [tilespmem:s30+$0xA780];
	_ =	sdelay $0x2  }
.Ltmp8:
0x80: {  	(pc) =	sbr.rel @p0 .LBB2_18-.Ltmp8, $4  }
0x81: {  	_ = 	snop  }
0x82: {  	v3 =	vadd.f32 v2, v3  }
0x83: {  	s0 =	sshra.s32 s31, $0x2  }
0x84: {  	s31 =	sadd.s32 $0x40, s31;
	v2 =	vld [tilespmem:s0+$0xAB80];
	[tilespmem:s30+$0xA780] =	vst v3;
	s30 =	smov.u32 s0  }
0x85: {  	v3 =	vld [tilespmem:s30+$0xA780];
	_ =	sdelay $0x4  }
0x86: {  	v2 =	vadd.f32 v2, v3;
	_ =	sdelay $0x1  }
0x87: {  	[tilespmem:s30+$0xA780] =	vst v2  }
0x88: {  	[tilespmem:s26], [sflag:$0x1] =	stream.linear.gather [spmem:s11], $0x400, $0x38;
	[tilespmem:$0xAF80] =	vst v63  }
0x89: {  	_ =	swait.ge [sflag:s24], $0x400  }
0x8a: {  	[sflag:s24] =	ssyncset.done $0x0  }
0x8b: {  	s30 =	simm.s32 $0x0;
	[sflag:s24] =	ssyncadd.s32 $0xFFFFFC00  }
0x8c: {  	s31 =	simm.s32 $0x40;
	v2 =	vld [tilespmem:s30+$0xAB80]  }
.LBB2_20:
0x8d: {  	p0 =	sne.s32 s31, $0xFC0;
	v3 =	vld [tilespmem:s30+$0xA780];
	_ =	sdelay $0x2  }
.Ltmp9:
0x8e: {  	(pc) =	sbr.rel @p0 .LBB2_20-.Ltmp9, $4  }
0x8f: {  	_ = 	snop  }
0x90: {  	v3 =	vadd.f32 v2, v3  }
0x91: {  	s0 =	sshra.s32 s31, $0x2  }
0x92: {  	s31 =	sadd.s32 $0x40, s31;
	v2 =	vld [tilespmem:s0+$0xAB80];
	[tilespmem:s30+$0xA780] =	vst v3;
	s30 =	smov.u32 s0  }
0x93: {  	v3 =	vld [tilespmem:s30+$0xA780];
	_ =	sdelay $0x4  }
0x94: {  	v2 =	vadd.f32 v2, v3;
	_ =	sdelay $0x1  }
0x95: {  	[tilespmem:s30+$0xA780] =	vst v2  }
0x96: {  	[tilespmem:s26], [sflag:$0x1] =	stream.linear.gather [spmem:s12], $0x400, $0x38;
	[tilespmem:$0xAF80] =	vst v63  }
0x97: {  	_ =	swait.ge [sflag:s24], $0x400  }
0x98: {  	[sflag:s24] =	ssyncset.done $0x0  }
0x99: {  	s30 =	simm.s32 $0x0;
	[sflag:s24] =	ssyncadd.s32 $0xFFFFFC00  }
0x9a: {  	s31 =	simm.s32 $0x40;
	v2 =	vld [tilespmem:s30+$0xAB80]  }
.LBB2_22:
0x9b: {  	p0 =	sne.s32 s31, $0xFC0;
	v3 =	vld [tilespmem:s30+$0xA780];
	_ =	sdelay $0x2  }
.Ltmp10:
0x9c: {  	(pc) =	sbr.rel @p0 .LBB2_22-.Ltmp10, $4  }
0x9d: {  	_ = 	snop  }
0x9e: {  	v3 =	vadd.f32 v2, v3  }
0x9f: {  	s0 =	sshra.s32 s31, $0x2  }
0xa0: {  	s31 =	sadd.s32 $0x40, s31;
	v2 =	vld [tilespmem:s0+$0xAB80];
	[tilespmem:s30+$0xA780] =	vst v3;
	s30 =	smov.u32 s0  }
0xa1: {  	v3 =	vld [tilespmem:s30+$0xA780];
	_ =	sdelay $0x4  }
0xa2: {  	v2 =	vadd.f32 v2, v3;
	_ =	sdelay $0x1  }
0xa3: {  	[tilespmem:s30+$0xA780] =	vst v2  }
0xa4: {  	[tilespmem:s26], [sflag:$0x1] =	stream.linear.gather [spmem:s13], $0x400, $0x38;
	[tilespmem:$0xAF80] =	vst v63  }
0xa5: {  	_ =	swait.ge [sflag:s24], $0x400  }
0xa6: {  	[sflag:s24] =	ssyncset.done $0x0  }
0xa7: {  	s30 =	simm.s32 $0x0;
	[sflag:s24] =	ssyncadd.s32 $0xFFFFFC00  }
0xa8: {  	s31 =	simm.s32 $0x40;
	v2 =	vld [tilespmem:s30+$0xAB80]  }
.LBB2_24:
0xa9: {  	p0 =	sne.s32 s31, $0xFC0;
	v3 =	vld [tilespmem:s30+$0xA780];
	_ =	sdelay $0x2  }
.Ltmp11:
0xaa: {  	(pc) =	sbr.rel @p0 .LBB2_24-.Ltmp11, $4  }
0xab: {  	_ = 	snop  }
0xac: {  	v3 =	vadd.f32 v2, v3  }
0xad: {  	s0 =	sshra.s32 s31, $0x2  }
0xae: {  	s31 =	sadd.s32 $0x40, s31;
	v2 =	vld [tilespmem:s0+$0xAB80];
	[tilespmem:s30+$0xA780] =	vst v3;
	s30 =	smov.u32 s0  }
0xaf: {  	v3 =	vld [tilespmem:s30+$0xA780];
	_ =	sdelay $0x4  }
0xb0: {  	v2 =	vadd.f32 v2, v3;
	_ =	sdelay $0x1  }
0xb1: {  	[tilespmem:s30+$0xA780] =	vst v2  }
0xb2: {  	[tilespmem:s26], [sflag:$0x1] =	stream.linear.gather [spmem:s14], $0x400, $0x38;
	[tilespmem:$0xAF80] =	vst v63  }
0xb3: {  	_ =	swait.ge [sflag:s24], $0x400  }
0xb4: {  	[sflag:s24] =	ssyncset.done $0x0  }
0xb5: {  	s30 =	simm.s32 $0x0;
	[sflag:s24] =	ssyncadd.s32 $0xFFFFFC00  }
0xb6: {  	s31 =	simm.s32 $0x40;
	v2 =	vld [tilespmem:s30+$0xAB80]  }
.LBB2_26:
0xb7: {  	p0 =	sne.s32 s31, $0xFC0;
	v3 =	vld [tilespmem:s30+$0xA780];
	_ =	sdelay $0x2  }
.Ltmp12:
0xb8: {  	(pc) =	sbr.rel @p0 .LBB2_26-.Ltmp12, $4  }
0xb9: {  	_ = 	snop  }
0xba: {  	v3 =	vadd.f32 v2, v3  }
0xbb: {  	s0 =	sshra.s32 s31, $0x2  }
0xbc: {  	s31 =	sadd.s32 $0x40, s31;
	v2 =	vld [tilespmem:s0+$0xAB80];
	[tilespmem:s30+$0xA780] =	vst v3;
	s30 =	smov.u32 s0  }
0xbd: {  	v3 =	vld [tilespmem:s30+$0xA780];
	_ =	sdelay $0x4  }
0xbe: {  	v2 =	vadd.f32 v2, v3;
	_ =	sdelay $0x1  }
0xbf: {  	[tilespmem:s30+$0xA780] =	vst v2  }
0xc0: {  	[tilespmem:s26], [sflag:$0x1] =	stream.linear.gather [spmem:s15], $0x400, $0x38;
	[tilespmem:$0xAF80] =	vst v63  }
0xc1: {  	_ =	swait.ge [sflag:s24], $0x400  }
0xc2: {  	[sflag:s24] =	ssyncset.done $0x0  }
0xc3: {  	s30 =	simm.s32 $0x0;
	[sflag:s24] =	ssyncadd.s32 $0xFFFFFC00  }
0xc4: {  	s31 =	simm.s32 $0x40;
	v2 =	vld [tilespmem:s30+$0xAB80]  }
.LBB2_28:
0xc5: {  	p0 =	sne.s32 s31, $0xFC0;
	v3 =	vld [tilespmem:s30+$0xA780];
	_ =	sdelay $0x2  }
.Ltmp13:
0xc6: {  	(pc) =	sbr.rel @p0 .LBB2_28-.Ltmp13, $4  }
0xc7: {  	_ = 	snop  }
0xc8: {  	v3 =	vadd.f32 v2, v3  }
0xc9: {  	s0 =	sshra.s32 s31, $0x2  }
0xca: {  	s31 =	sadd.s32 $0x40, s31;
	v2 =	vld [tilespmem:s0+$0xAB80];
	[tilespmem:s30+$0xA780] =	vst v3;
	s30 =	smov.u32 s0  }
0xcb: {  	v3 =	vld [tilespmem:s30+$0xA780];
	_ =	sdelay $0x4  }
0xcc: {  	v2 =	vadd.f32 v2, v3;
	_ =	sdelay $0x1  }
0xcd: {  	[tilespmem:s30+$0xA780] =	vst v2  }
0xce: {  	[tilespmem:s26], [sflag:$0x1] =	stream.linear.gather [spmem:s16], $0x400, $0x38;
	[tilespmem:$0xAF80] =	vst v63  }
0xcf: {  	_ =	swait.ge [sflag:s24], $0x400  }
0xd0: {  	[sflag:s24] =	ssyncset.done $0x0  }
0xd1: {  	s30 =	simm.s32 $0x0;
	[sflag:s24] =	ssyncadd.s32 $0xFFFFFC00  }
0xd2: {  	s31 =	simm.s32 $0x40;
	v2 =	vld [tilespmem:s30+$0xAB80]  }
.LBB2_30:
0xd3: {  	p0 =	sne.s32 s31, $0xFC0;
	v3 =	vld [tilespmem:s30+$0xA780];
	_ =	sdelay $0x2  }
.Ltmp14:
0xd4: {  	(pc) =	sbr.rel @p0 .LBB2_30-.Ltmp14, $4  }
0xd5: {  	_ = 	snop  }
0xd6: {  	v3 =	vadd.f32 v2, v3  }
0xd7: {  	s0 =	sshra.s32 s31, $0x2  }
0xd8: {  	s31 =	sadd.s32 $0x40, s31;
	v2 =	vld [tilespmem:s0+$0xAB80];
	[tilespmem:s30+$0xA780] =	vst v3;
	s30 =	smov.u32 s0  }
0xd9: {  	v3 =	vld [tilespmem:s30+$0xA780];
	_ =	sdelay $0x4  }
0xda: {  	v2 =	vadd.f32 v2, v3;
	_ =	sdelay $0x1  }
0xdb: {  	[tilespmem:s30+$0xA780] =	vst v2  }
0xdc: {  	[tilespmem:s26], [sflag:$0x1] =	stream.linear.gather [spmem:s17], $0x400, $0x38;
	[tilespmem:$0xAF80] =	vst v63  }
0xdd: {  	_ =	swait.ge [sflag:s24], $0x400  }
0xde: {  	[sflag:s24] =	ssyncset.done $0x0  }
0xdf: {  	s30 =	simm.s32 $0x0;
	[sflag:s24] =	ssyncadd.s32 $0xFFFFFC00  }
0xe0: {  	s31 =	simm.s32 $0x40;
	v2 =	vld [tilespmem:s30+$0xAB80]  }
.LBB2_32:
0xe1: {  	p0 =	sne.s32 s31, $0xFC0;
	v3 =	vld [tilespmem:s30+$0xA780];
	_ =	sdelay $0x2  }
.Ltmp15:
0xe2: {  	(pc) =	sbr.rel @p0 .LBB2_32-.Ltmp15, $4  }
0xe3: {  	_ = 	snop  }
0xe4: {  	v3 =	vadd.f32 v2, v3  }
0xe5: {  	s0 =	sshra.s32 s31, $0x2  }
0xe6: {  	s31 =	sadd.s32 $0x40, s31;
	v2 =	vld [tilespmem:s0+$0xAB80];
	[tilespmem:s30+$0xA780] =	vst v3;
	s30 =	smov.u32 s0  }
0xe7: {  	v3 =	vld [tilespmem:s30+$0xA780];
	_ =	sdelay $0x4  }
0xe8: {  	v2 =	vadd.f32 v2, v3;
	_ =	sdelay $0x1  }
0xe9: {  	[tilespmem:s30+$0xA780] =	vst v2  }
0xea: {  	[tilespmem:s26], [sflag:$0x1] =	stream.linear.gather [spmem:s18], $0x400, $0x38;
	[tilespmem:$0xAF80] =	vst v63  }
0xeb: {  	_ =	swait.ge [sflag:s24], $0x400  }
0xec: {  	[sflag:s24] =	ssyncset.done $0x0  }
0xed: {  	s30 =	simm.s32 $0x0;
	[sflag:s24] =	ssyncadd.s32 $0xFFFFFC00  }
0xee: {  	s31 =	simm.s32 $0x40;
	v2 =	vld [tilespmem:s30+$0xAB80]  }
.LBB2_34:
0xef: {  	p0 =	sne.s32 s31, $0xFC0;
	v3 =	vld [tilespmem:s30+$0xA780];
	_ =	sdelay $0x2  }
.Ltmp16:
0xf0: {  	(pc) =	sbr.rel @p0 .LBB2_34-.Ltmp16, $4  }
0xf1: {  	_ = 	snop  }
0xf2: {  	v3 =	vadd.f32 v2, v3  }
0xf3: {  	s0 =	sshra.s32 s31, $0x2  }
0xf4: {  	s31 =	sadd.s32 $0x40, s31;
	v2 =	vld [tilespmem:s0+$0xAB80];
	[tilespmem:s30+$0xA780] =	vst v3;
	s30 =	smov.u32 s0  }
0xf5: {  	v3 =	vld [tilespmem:s30+$0xA780];
	_ =	sdelay $0x4  }
0xf6: {  	v2 =	vadd.f32 v2, v3;
	_ =	sdelay $0x1  }
0xf7: {  	[tilespmem:s30+$0xA780] =	vst v2  }
0xf8: {  	[tilespmem:s26], [sflag:$0x1] =	stream.linear.gather [spmem:s19], $0x400, $0x38;
	[tilespmem:$0xAF80] =	vst v63  }
0xf9: {  	_ =	swait.ge [sflag:s24], $0x400  }
0xfa: {  	[sflag:s24] =	ssyncset.done $0x0  }
0xfb: {  	s30 =	simm.s32 $0x0;
	[sflag:s24] =	ssyncadd.s32 $0xFFFFFC00  }
0xfc: {  	s31 =	simm.s32 $0x40;
	v2 =	vld [tilespmem:s30+$0xAB80]  }
.LBB2_36:
0xfd: {  	p0 =	sne.s32 s31, $0xFC0;
	v3 =	vld [tilespmem:s30+$0xA780];
	_ =	sdelay $0x2  }
.Ltmp17:
0xfe: {  	(pc) =	sbr.rel @p0 .LBB2_36-.Ltmp17, $4  }
0xff: {  	_ = 	snop  }
0x100: {  	v3 =	vadd.f32 v2, v3  }
0x101: {  	s0 =	sshra.s32 s31, $0x2  }
0x102: {  	s31 =	sadd.s32 $0x40, s31;
	v2 =	vld [tilespmem:s0+$0xAB80];
	[tilespmem:s30+$0xA780] =	vst v3;
	s30 =	smov.u32 s0  }
0x103: {  	v3 =	vld [tilespmem:s30+$0xA780];
	_ =	sdelay $0x4  }
0x104: {  	v2 =	vadd.f32 v2, v3;
	_ =	sdelay $0x1  }
0x105: {  	[tilespmem:s30+$0xA780] =	vst v2  }
0x106: {  	[tilespmem:s26], [sflag:$0x1] =	stream.linear.gather [spmem:s20], $0x400, $0x38;
	[tilespmem:$0xAF80] =	vst v63  }
0x107: {  	_ =	swait.ge [sflag:s24], $0x400  }
0x108: {  	[sflag:s24] =	ssyncset.done $0x0  }
0x109: {  	s30 =	simm.s32 $0x0;
	[sflag:s24] =	ssyncadd.s32 $0xFFFFFC00  }
0x10a: {  	s31 =	simm.s32 $0x40;
	v2 =	vld [tilespmem:s30+$0xAB80]  }
.LBB2_38:
0x10b: {  	p0 =	sne.s32 s31, $0xFC0;
	v3 =	vld [tilespmem:s30+$0xA780];
	_ =	sdelay $0x2  }
.Ltmp18:
0x10c: {  	(pc) =	sbr.rel @p0 .LBB2_38-.Ltmp18, $4  }
0x10d: {  	_ = 	snop  }
0x10e: {  	v3 =	vadd.f32 v2, v3  }
0x10f: {  	s0 =	sshra.s32 s31, $0x2  }
0x110: {  	s31 =	sadd.s32 $0x40, s31;
	v2 =	vld [tilespmem:s0+$0xAB80];
	[tilespmem:s30+$0xA780] =	vst v3;
	s30 =	smov.u32 s0  }
0x111: {  	v3 =	vld [tilespmem:s30+$0xA780];
	_ =	sdelay $0x4  }
0x112: {  	s29 =	sadd.s32 $0x1, s29;
	v2 =	vadd.f32 v2, v3  }
0x113: {  	p0 =	sne.s32 s29, s22  }
.Ltmp19:
0x114: {  	[tilespmem:s30+$0xA780] =	vst v2;
	(pc) =	sbr.rel @p0 .LBB2_1-.Ltmp19, $4  }
0x115: {  	[hbm4b:s21+s2] =	stream.linear.scatter [tilespmem:s28], [sflag:$0x1], $0x400, $0x38;
	[tilespmem:$0xAF80] =	vst v63  }
0x116: {  	_ =	swait.ge [sflag:s24], $0x400  }
0x117: {  	[sflag:s24] =	ssyncset.done $0x0  }
0x118: {  	[sflag:s24] =	ssyncadd.s32 $0xFFFFFC00  }
0x119: {  	_ =	sfence.sel $0x180000  }
0x11a: {  	[bflag:$0x0] =	sbarrier.arrive $0xFFFF  }
0x11b: {  	_ =	strace $0x90000047  }
0x11c: {  	s0 =	stileid.u32;
	[bflag:$0x2] =	sbarrier.arrive $0xFFFF  }
0x11d: {  	p0 =	sne.s32 s0, $0x0;
	s0 =	rddreg [dreg:$0x3]  }
0x11e: {  	s0 =	sadd.s32 @!p0 $0x100000, s0  }
0x11f: {  	[sflag:s0] =	ssyncadd.tile.s32 @!p0 $0x1;
	_ =	shalt  }
.Lfunc_end2:
_tile_overlayer_lowered:
.L_overlay_start_2:
0x120: {  	(tag) =	ssettag $0x2  }
0x121: {  	s0 =	rddreg [dreg:$0x0];
	s2 =	stileid.u32  }
0x122: {  	s1 =	rddreg [dreg:$0x1];
	p0 =	sne.s32 s2, $0x0  }
0x123: {  	s3 =	rddreg [dreg:$0x2];
	[bflag:$0x3] =	sbarrier.arrive $0xFFFF;
	s2 =	simm.s32 @!p0 $0x1C01  }
0x124: {  	[timem:s3], [sflag:s2] =	dma.local @!p0 [hbm:s0], s1  }
0x125: {  	s0 =	simm.s32 @!p0 $0x1  }
0x126: {  	_ =	swait.ge @!p0 [sflag:s0], s1  }
0x127: {  	s1 =	ssub.s32 @!p0 $0x0, s1;
	[sflag:s0] =	ssyncset.done @!p0 $0x0  }
0x128: {  	[sflag:s0] =	ssyncadd.s32 @!p0 s1  }
0x129: {  	[bflag:$0x3] =	sbarrier.arrive $0xFFFF  }
0x12a: {  	_ =	shalt  }

// kernel: kernel.13.cloned.1.call-start
scs
__scs_entry_jumppad:
0x0: {  	(pc) =	sbr.rel $0x88, $3  }
0x1: {  	(tag) =	ssettag $0x0;
	lr =	simm.s32 $0x1  }
0x2: {  	[smem:$0x3F90] =	sst lr;
	_ =	strace $0xD0000000  }
0x3: {  	_ = 	snop  }
0x4: {  	_ = 	snop  }
0x5: {  	_ = 	snop  }
0x6: {  	_ = 	snop  }
0x7: {  	_ = 	snop  }
__scs_overlays_trampoline_lowered:
0x8: {  	[smem:$0x3F9F] =	sst s0  }
0x9: {  	[smem:$0x3FA0] =	sst s1  }
0xa: {  	[smem:$0x3FA1] =	sst s2  }
0xb: {  	[smem:$0x3FA2] =	sst s3  }
0xc: {  	[smem:$0x3FA3] =	sst s4  }
0xd: {  	[smem:$0x3FA4] =	sst s5  }
0xe: {  	[smem:$0x3FA5] =	sst s6  }
0xf: {  	[smem:$0x3FA6] =	sst s7  }
0x10: {  	[smem:$0x3FA7] =	sst s8  }
0x11: {  	[smem:$0x3FA8] =	sst s9;
	s0 =	simm.s32 @!p0 $0x0  }
0x12: {  	s1 =	sld [smem:$0x3F8E];
	s0 =	simm.s32 @p0 $0x1  }
0x13: {  	[smem:$0x3FA9] =	sst s0;
	s0 =	simm.s32 @!p1 $0x0  }
0x14: {  	s2 =	sld [smem:$0x3F8D];
	s0 =	simm.s32 @p1 $0x1  }
0x15: {  	[smem:$0x3FAA] =	sst s0;
	s0 =	simm.s32 @!p2 $0x0  }
0x16: {  	s3 =	sld [smem:$0x3FDB];
	s0 =	simm.s32 @p2 $0x1  }
0x17: {  	s4 =	simm.s32 $0x1BF5;
	[smem:$0x3FAC] =	sst s0  }
0x18: {  	s0 =	sld [smem:$0x3F8F];
	_ =	swait.ge [sflag:s4], $0x0  }
0x19: {  	s7 =	sld [smem:$0x3F90]  }
0x1a: {  	s8 =	sadd.s32 $0xFFFFE003, lr  }
0x1b: {  	s9 =	sadd.s32 $0xFFFFFEF7, lr;
	s5 =	simm.s32 $0xFFFFFFFF;
	p2 =	slt.u32 s8, $0xFFFFF086  }
0x1c: {  	p1 =	slt.u32 s9, $0xF7A;
	s5 =	simm.s32 @!p2 $0x0  }
0x1d: {  	s5 =	simm.s32 @p1 $0x1;
	p0 =	seq.s32 s7, s2  }
0x1e: {  	s7 =	smul.u32 @!p0 $0xF7A, s2;
	p2 =	seq.s32 @!p0 s5, $0x0  }
0x1f: {  	s9 =	smul.u32 $0xF7A, s1;
	s8 =	simm.s32 @!p0 $0x1BF5;
	p2 =	por !p2, p0  }
0x20: {  	[sflag:s8] =	ssyncset.s32 @!p0 $0xFFFFF086;
	s6 =	sadd.s32 @!p0 s3, s7;
	s7 =	simm.s32 @!p0 $0x108  }
0x21: {  	s3 =	sadd.s32 s3, s9;
	s6 =	sadd.s32 @!p0 $0x88, s6;
	s7 =	simm.s32 @p2 $0x1082  }
0x22: {  	[simem:s7], [sflag:s8] =	dma.local @!p0 [hbm:s6], $0xF7A  }
0x23: {  	s9 =	sor.u32 $0xD0000000, s2;
	s6 =	simm.s32 $0x108;
	_ =	swait.ge @!p0 [sflag:s8], $0x0  }
0x24: {  	s3 =	sadd.s32 $0x88, s3;
	s6 =	simm.s32 @!p1 $0x1082;
	[sflag:s4] =	ssyncset.s32 $0xFFFFF086  }
0x25: {  	[simem:s6], [sflag:s4] =	dma.local [hbm:s3], $0xF7A  }
0x26: {  	[smem:$0x3F90] =	sst s1;
	(tag) =	ssettag s2;
	_ =	strace s9  }
0x27: {  	s1 =	sld [smem:$0x3FA0]  }
0x28: {  	s2 =	sld [smem:$0x3FA1]  }
0x29: {  	s4 =	sld [smem:$0x3FA3]  }
0x2a: {  	p0 =	seq.s32 s5, $0x0;
	s5 =	sld [smem:$0x3FA4]  }
0x2b: {  	s6 =	sld [smem:$0x3FA5]  }
0x2c: {  	s7 =	sld [smem:$0x3FA6]  }
0x2d: {  	s3 =	simm.s32 $0x108;
	s8 =	sld [smem:$0x3FA7]  }
0x2e: {  	s3 =	simm.s32 @!p0 $0x1082;
	s9 =	sld [smem:$0x3FA8]  }
0x2f: {  	lr =	sadd.s32 s0, s3;
	s0 =	sld [smem:$0x3F9F]  }
0x30: {  	s3 =	sld [smem:$0x3FA2]  }
0x31: {  	[smem:$0x3FAB] =	sst s10  }
0x32: {  	s10 =	sld [smem:$0x3FA9];
	_ =	sdelay $0x3  }
0x33: {  	p0 =	seq.s32 s10, $0x1;
	s10 =	sld [smem:$0x3FAB];
	_ =	sdelay $0x3  }
0x34: {  	[smem:$0x3FAB] =	sst s10  }
0x35: {  	s10 =	sld [smem:$0x3FAA];
	_ =	sdelay $0x3  }
0x36: {  	p1 =	seq.s32 s10, $0x1;
	s10 =	sld [smem:$0x3FAB];
	_ =	sdelay $0x3  }
0x37: {  	[smem:$0x3FAB] =	sst s10  }
0x38: {  	s10 =	sld [smem:$0x3FAC]  }
0x39: {  	_ = 	snop;
	(pc) =	sbr.ind lr, $3  }
0x3a: {  	_ = 	snop  }
0x3b: {  	_ = 	snop  }
0x3c: {  	p2 =	seq.s32 s10, $0x1;
	s10 =	sld [smem:$0x3FAB]  }
0x3d: {  	_ =	shalt  }
0x3e: {  	_ =	shalt  }
0x3f: {  	_ =	shalt  }
0x40: {  	_ =	shalt  }
0x41: {  	_ =	shalt  }
0x42: {  	_ =	shalt  }
0x43: {  	_ =	shalt  }
0x44: {  	_ =	shalt  }
0x45: {  	_ =	shalt  }
0x46: {  	_ =	shalt  }
0x47: {  	_ =	shalt  }
0x48: {  	_ =	shalt  }
0x49: {  	_ =	shalt  }
0x4a: {  	_ =	shalt  }
0x4b: {  	_ =	shalt  }
0x4c: {  	_ =	shalt  }
0x4d: {  	_ =	shalt  }
0x4e: {  	_ =	shalt  }
0x4f: {  	_ =	shalt  }
0x50: {  	_ =	shalt  }
0x51: {  	_ =	shalt  }
0x52: {  	_ =	shalt  }
0x53: {  	_ =	shalt  }
0x54: {  	_ =	shalt  }
0x55: {  	_ =	shalt  }
0x56: {  	_ =	shalt  }
0x57: {  	_ =	shalt  }
0x58: {  	_ =	shalt  }
0x59: {  	_ =	shalt  }
0x5a: {  	_ =	shalt  }
0x5b: {  	_ =	shalt  }
0x5c: {  	_ =	shalt  }
0x5d: {  	_ =	shalt  }
0x5e: {  	_ =	shalt  }
0x5f: {  	_ =	shalt  }
0x60: {  	_ =	shalt  }
0x61: {  	_ =	shalt  }
0x62: {  	_ =	shalt  }
0x63: {  	_ =	shalt  }
0x64: {  	_ =	shalt  }
0x65: {  	_ =	shalt  }
0x66: {  	_ =	shalt  }
0x67: {  	_ =	shalt  }
0x68: {  	_ =	shalt  }
0x69: {  	_ =	shalt  }
0x6a: {  	_ =	shalt  }
0x6b: {  	_ =	shalt  }
0x6c: {  	_ =	shalt  }
0x6d: {  	_ =	shalt  }
0x6e: {  	_ =	shalt  }
0x6f: {  	_ =	shalt  }
0x70: {  	_ =	shalt  }
0x71: {  	_ =	shalt  }
0x72: {  	_ =	shalt  }
0x73: {  	_ =	shalt  }
0x74: {  	_ =	shalt  }
0x75: {  	_ =	shalt  }
0x76: {  	_ =	shalt  }
0x77: {  	_ =	shalt  }
0x78: {  	_ =	shalt  }
0x79: {  	_ =	shalt  }
0x7a: {  	_ =	shalt  }
0x7b: {  	_ =	shalt  }
0x7c: {  	_ =	shalt  }
0x7d: {  	_ =	shalt  }
0x7e: {  	_ =	shalt  }
0x7f: {  	_ =	shalt  }
0x80: {  	_ =	shalt  }
0x81: {  	_ =	shalt  }
0x82: {  	_ =	shalt  }
0x83: {  	_ =	shalt  }
0x84: {  	_ =	shalt  }
0x85: {  	_ =	shalt  }
0x86: {  	_ =	shalt  }
0x87: {  	_ =	shalt  }
.Lfunc_end0:
.L_simem_size_0:
called_computation.1_lowered:
.L_overlay_start_0:
0x88: {  	s2 =	sld [smem:$0x3FD9]  }
0x89: {  	s3 =	sld [smem:$0x3FFE];
	_ =	sdelay $0x1  }
0x8a: {  	s1 =	srdreg.scid  }
0x8b: {  	s0 =	sand.u32 $0x1, s1  }
0x8c: {  	s17 =	sshll.u32 s0, $0xA;
	s2 =	sadd.s32 s3, s2  }
0x8d: {  	s2 =	sadd.s32 s2, s17  }
0x8e: {  	[smem:$0x3FB7] =	sst s2  }
0x8f: {  	_ = 	snop  }
0x90: {  	s18 =	sld [smem:$0x3FC8];
	(tm) =	ssettm $0x1  }
0x91: {  	s19 =	sld [smem:$0x3FFB];
	_ =	sdelay $0x3  }
0x92: {  	_ =	strace s19  }
0x93: {  	s2 =	sld [smem:$0x3FFC];
	_ =	sdelay $0x3  }
0x94: {  	_ =	strace s2  }
0x95: {  	s2 =	sld [smem:$0x3FFD];
	_ =	sdelay $0x3  }
0x96: {  	_ =	strace s2  }
0x97: {  	_ =	strace $0x8FFFFFFF  }
0x98: {  	s20 =	sld [smem:$0x3FDB];
	_ =	sdelay $0x1  }
0x99: {  	s4 =	simm.s32 $_scs_section_size  }
0x9a: {  	s5 =	simm.s32 $_size__tile_overlayer_lowered;
	s6 =	simm.s32 $_tile_overlayer_lowered  }
0x9b: {  	s7 =	simm.s32 $0x1BFF;
	s21 =	sshll.u32 s6, $0x1;
	s4 =	sadd.s32 s4, s20  }
0x9c: {  	s22 =	simm.s32 $0x0;
	s5 =	sshll.u32 s5, $0x1;
	s6 =	sadd.s32 s21, s4  }
0x9d: {  	[timem:s22], [sflag:s7] =	dma.local [hbm:s6], s5  }
0x9e: {  	_ =	swait.ge [sflag:s7], s5  }
0x9f: {  	s5 =	ssub.s32 $0x0, s5;
	[sflag:s7] =	ssyncset.done $0x0  }
0xa0: {  	[sflag:s7] =	ssyncadd.s32 s5;
	_ =	sdelay $0x1  }
0xa1: {  	s23 =	simm.s32 $0x1B8B  }
0xa2: {  	_ =	swait.ge [sflag:s23], $0x1  }
0xa3: {  	[sflag:s23] =	ssyncset.done $0x0  }
0xa4: {  	[sflag:s23] =	ssyncadd.s32 $0xFFFFFFFF  }
0xa5: {  	s5 =	sld [smem:$0x0]  }
0xa6: {  	s6 =	sand.u32 $0xFFFFFFFE, s1  }
0xa7: {  	p0 =	sne.s32 s1, s6  }
0xa8: {  	s6 =	sshll.u32 @p0 s6, $0xE  }
0xa9: {  	s6 =	sadd.s32 @p0 $0x11B8D, s6;
	s7 =	sshll.u32 @p0 s5, $0x11  }
0xaa: {  	s6 =	sor.u32 @p0 s7, s6  }
0xab: {  	[sflag:s6] =	ssyncadd.remote.s32 @p0 $0x1;
	_ =	sdelay $0x1  }
0xac: {  	s6 =	simm.s32 @p0 $0x1B8D  }
0xad: {  	_ =	swait.eq @p0 [sflag:s6], $0x1  }
0xae: {  	[sflag:s6] =	ssyncadd.s32 @p0 $0xFFFFFFFF  }
0xaf: {  	s7 =	sshll.u32 @!p0 s1, $0xE  }
0xb0: {  	s7 =	sor.u32 @!p0 $0x4000, s7;
	s6 =	simm.s32 @!p0 $0x1B8D  }
0xb1: {  	s5 =	sshll.u32 @!p0 s5, $0x11;
	s7 =	sadd.s32 @!p0 $0x11B8D, s7;
	_ =	swait.eq @!p0 [sflag:s6], $0x1  }
0xb2: {  	s5 =	sor.u32 @!p0 s5, s7;
	[sflag:s6] =	ssyncadd.s32 @!p0 $0xFFFFFFFF  }
0xb3: {  	s25 =	simm.s32 $0x1B8E;
	s24 =	sld [smem:$0x3FFE];
	[sflag:s5] =	ssyncadd.remote.s32 @!p0 $0x1  }
0xb4: {  	s26 =	simm.s32 $execute0_lowered;
	[smem:$0x3FD2] =	sst s25  }
0xb5: {  	s6 =	sshll.u32 s26, $0x1;
	_ =	strace $0x80000049;
	[dreg:$0x1] =	wrdreg $0xFFFFFFFF  }
0xb6: {  	s28 =	simm.s32 $_size_execute0_lowered;
	s4 =	sadd.s32 s4, s6;
	[dreg:$0x0] =	wrdreg $0x0  }
0xb7: {  	s6 =	sshll.u32 s28, $0x1;
	[dreg:$0x2] =	wrdreg s4  }
0xb8: {  	[dreg:$0x3] =	wrdreg s6  }
0xb9: {  	[dreg:$0x4] =	wrdreg $0xC0  }
0xba: {  	_ =	task [dreg:s22], $0x5FFFF  }
0xbb: {  	[dreg:$0x1] =	wrdreg $0xFFFFFFFF  }
0xbc: {  	[dreg:$0x0] =	wrdreg $0x60  }
0xbd: {  	[dreg:$0x2] =	wrdreg s24  }
0xbe: {  	[dreg:$0x3] =	wrdreg s18  }
0xbf: {  	[dreg:$0x4] =	wrdreg $0x0  }
0xc0: {  	[dreg:$0x5] =	wrdreg $0xA  }
0xc1: {  	_ =	task.clear_ibuf [dreg:s22], $0x6FFFF;
	_ =	strace $0x90000049  }
0xc2: {  	s29 =	simm.s32 $0xA;
	_ =	strace $0x8000004B  }
0xc3: {  	_ =	swait.ge [sflag:s29], $0x1  }
0xc4: {  	[sflag:s29] =	ssyncadd.s32 $0xFFFFFFFF  }
0xc5: {  	_ =	strace $0x9000004B  }
0xc6: {  	_ =	sfence  }
0xc7: {  	s30 =	sld [smem:$0x0];
	_ =	sdelay $0x2  }
0xc8: {  	s31 =	sshll.u32 s1, $0xD;
	s1 =	sshrl.u32 s1, $0x2  }
0xc9: {  	s4 =	sand.u32 $0x4000, s31;
	s1 =	sadd.s32 s1, s30  }
0xca: {  	s0 =	sor.u32 s4, s0;
	s1 =	sshll.u32 s1, $0x11  }
0xcb: {  	s0 =	sor.u32 s1, s0  }
0xcc: {  	s0 =	sadd.s32 $0x8F2B, s0  }
0xcd: {  	[sflag:s0] =	ssyncadd.remote.s32 $0x1  }
0xce: {  	_ =	sfence.sel $0xFFFF  }
0xcf: {  	[dreg:$0x0] =	wrdreg $0xFFFFFFFF;
	(pc) =	sbr.abs _section_cstart, $3  }
0xd0: {  	[dreg:$0x1] =	wrdreg $0xFFFFFFFF  }
0xd1: {  	_ =	task.clear_ibuf [dreg:s22], $0x2FFFF;
	_ =	strace $0x9FFFFFFF  }
0xd2: {  	(tm) =	ssettm $0x7FFFFFFF  }
0xd3: {  	_ =	shalt  }
tec
execute0_lowered:
.L_overlay_start_1:
0x0: {  	(tag) =	ssettag $0x1  }
0x1: {  	s0 =	rddreg [dreg:$0x0]  }
0x2: {  	s2 =	rddreg [dreg:$0x1]  }
0x3: {  	s1 =	rddreg [dreg:$0x2];
	s3 =	simm.s32 $0x0;
	s17 =	stileid.u32  }
0x4: {  	s4 =	srdreg.scid;
	s28 =	simm.s32 $0x9;
	s7 =	smul.u32 $0x50000, s17  }
0x5: {  	s29 =	simm.s32 $0x1C000;
	s30 =	simm.s32 $0x1C100;
	s9 =	smul.u32 $0x14000, s17  }
0x6: {  	s31 =	simm.s32 $0x1C200;
	[smem:$0x7FF] =	sst s3;
	s16 =	smul.u32 $0x4E, s17  }
0x7: {  	s5 =	sand.u32 $0x1, s4;
	s4 =	sadd.s32 $0xD600, s0;
	s25 =	smul.u32 $0x4F00, s17  }
0x8: {  	s0 =	sadd.s32 $0x34800, s0;
	_ =	strace $0x8000004A;
	s14 =	smul.u32 $0x140000, s5  }
0x9: {  	s6 =	ssub.s32 $0x2, s5;
	s10 =	sshll.u32 s5, $0x4;
	s5 =	smul.u32 $0x4E0, s5  }
0xa: {  	s8 =	sshrl.u32 s6, $0x1;
	s7 =	sshrl.u32 s7, $0x2;
	s19 =	sadd.s32 $0x4000, s9  }
0xb: {  	s11 =	sadd.s32 $0x8000, s9;
	s13 =	sadd.s32 $0xC000, s9;
	s22 =	sadd.s32 $0x10000, s9  }
0xc: {  	s6 =	ssub.s32 s6, s8;
	s7 =	sadd.s32 s7, s1;
	s12 =	sadd.s32 s19, s1  }
0xd: {  	s20 =	sadd.s32 s11, s1;
	s15 =	sadd.s32 s13, s1;
	s18 =	sadd.s32 s22, s1  }
0xe: {  	s5 =	sadd.s32 s16, s5;
	s9 =	sadd.s32 s9, s14;
	[dreg:$0x5] =	wrdreg s7  }
0xf: {  	s8 =	sadd.s32 s14, s19;
	s11 =	sadd.s32 s14, s11;
	[dreg:$0x6] =	wrdreg s12  }
0x10: {  	s13 =	sadd.s32 s14, s13;
	s14 =	sadd.s32 s14, s22;
	[dreg:$0x7] =	wrdreg s20  }
0x11: {  	s16 =	simm.s32 $0x6;
	s7 =	sor.u32 s17, s10;
	[dreg:$0x8] =	wrdreg s15  }
0x12: {  	[dreg:$0xa] =	wrdreg s18;
	s17 =	sshrl.u32 s25, $0x3;
	s20 =	sshrl.u32 s9, $0x3  }
0x13: {  	s8 =	sshrl.u32 s8, $0x3;
	s22 =	sshrl.u32 s11, $0x3;
	s11 =	simm.s32 $0x1C300  }
0x14: {  	s9 =	simm.s32 $0x1C380;
	s10 =	smul.u32 $0x4E, s7;
	s21 =	smin.u32 s7, $0x4  }
0x15: {  	s12 =	sadd.s32 s2, s17;
	p0 =	sgt.u32 s7, $0x3;
	s17 =	simm.s32 $0x1C180  }
0x16: {  	s5 =	sadd.s32 s21, s5;
	s19 =	sadd.s32 $0x9C0, s12;
	s10 =	sadd.s32 s21, s10  }
0x17: {  	[dreg:$0x10] =	wrdreg s19;
	s21 =	sadd.s32 s0, s8;
	s10 =	sshll.u32 s10, $0x5  }
0x18: {  	s5 =	sshll.u32 s5, $0x5;
	[dreg:$0x12] =	wrdreg s21;
	s10 =	sadd.s32 s2, s10  }
0x19: {  	s2 =	sadd.s32 s2, s5;
	s5 =	sadd.s32 s0, s20;
	[dreg:$0x9] =	wrdreg s10  }
0x1a: {  	s12 =	simm.s32 $0x2;
	s23 =	sadd.s32 $0x20, s10;
	[dreg:$0x11] =	wrdreg s5  }
0x1b: {  	s19 =	simm.s32 $0x3;
	s24 =	sadd.s32 $0x40, s10;
	[dreg:$0xb] =	wrdreg s23  }
0x1c: {  	s21 =	simm.s32 $0x4;
	s26 =	sadd.s32 $0x60, s10;
	[dreg:$0xc] =	wrdreg s24  }
0x1d: {  	s20 =	simm.s32 $0x8;
	s15 =	sadd.s32 $0x80, s10;
	[dreg:$0xd] =	wrdreg s26  }
0x1e: {  	s18 =	sadd.s32 $0xA0, s10;
	s5 =	sadd.s32 s0, s22;
	[dreg:$0xe] =	wrdreg s15  }
0x1f: {  	s25 =	sadd.s32 $0x120, s2;
	s22 =	simm.s32 $0x1C280;
	[dreg:$0xf] =	wrdreg s18  }
0x20: {  	[dreg:$0x13] =	wrdreg s5;
	s23 =	sshrl.u32 s13, $0x3;
	s24 =	sshrl.u32 s14, $0x3  }
0x21: {  	s26 =	smax.u32 s6, $0x1;
	[dreg:$0x4] =	wrdreg s25;
	s25 =	sadd.s32 $0xC0, s2  }
0x22: {  	s13 =	simm.s32 $0x18000;
	s14 =	simm.s32 $0x5;
	s15 =	simm.s32 $0x1C080  }
0x23: {  	s18 =	simm.s32 $0x7;
	s5 =	sadd.s32 s0, s23;
	s0 =	sadd.s32 s0, s24  }
0x24: {  	[dreg:$0x16] =	wrdreg s26;
	s23 =	sadd.s32 $0x100, s2;
	s24 =	sadd.s32 $0xE0, s2  }
0x25: {  	s26 =	simm.s32 $0x14000;
	s2 =	simm.s32 $0x80;
	[dreg:$0x14] =	wrdreg s5  }
0x26: {  	v0 =	vimm.f32 $0.0e+00;
	[dreg:$0x15] =	wrdreg s0;
	s0 =	simm.s32 $0x1;
	s5 =	simm.s32 $0x0  }
.LBB2_1:
0x27: {  	s6 =	sand.u32 $0xFE00, s3  }
0x28: {  	s7 =	sand.u32 $0x70, s3;
	s8 =	sshrl.u32 s6, $0x2  }
0x29: {  	s6 =	simm.s32 $0x40;
	s8 =	sor.u32 s7, s8;
	s7 =	simm.s32 $0x0  }
.LBB2_2:
0x2a: {  	p1 =	sne.s32 s6, $0xFFC0  }
0x2b: {  	[tilespmem:s8+$0x14000] =	vst v0;
	s7 =	sadd.s32 $0x10, s7;
	s8 =	smov.u32 s6;
	s6 =	sadd.s32 $0x40, s6  }
.Ltmp0:
0x2c: {  	(pc) =	sbr.rel @p1 .LBB2_2-.Ltmp0, $4  }
0x2d: {  	_ = 	snop  }
0x2e: {  	s8 =	sand.u32 $0xFE00, s8  }
0x2f: {  	s10 =	sand.u32 $0x70, s7;
	s8 =	sshrl.u32 s8, $0x2  }
0x30: {  	s8 =	sor.u32 s10, s8  }
0x31: {  	[tilespmem:s8+$0x14000] =	vst v0;
	s6 =	rddreg [dreg:$0x5]  }
0x32: {  	[spmem:s6] =	stream.linear.scatter [tilespmem:s26], [sflag:$0x9], $0x4000, $0x38;
	[tilespmem:$0x1C400] =	vst v63  }
0x33: {  	_ =	swait.ge [sflag:s28], $0x4000  }
0x34: {  	[sflag:s28] =	ssyncset.done $0x0  }
0x35: {  	s7 =	rddreg [dreg:$0x6];
	[sflag:s28] =	ssyncadd.s32 $0xFFFFC000  }
0x36: {  	[spmem:s7] =	stream.linear.scatter [tilespmem:s26], [sflag:$0x9], $0x4000, $0x38;
	[tilespmem:$0x1C400] =	vst v63  }
0x37: {  	_ =	swait.ge [sflag:s28], $0x4000  }
0x38: {  	[sflag:s28] =	ssyncset.done $0x0  }
0x39: {  	s8 =	rddreg [dreg:$0x7];
	[sflag:s28] =	ssyncadd.s32 $0xFFFFC000  }
0x3a: {  	[spmem:s8] =	stream.linear.scatter [tilespmem:s26], [sflag:$0x9], $0x4000, $0x38;
	[tilespmem:$0x1C400] =	vst v63  }
0x3b: {  	_ =	swait.ge [sflag:s28], $0x4000  }
0x3c: {  	[sflag:s28] =	ssyncset.done $0x0  }
0x3d: {  	s10 =	rddreg [dreg:$0x8];
	[sflag:s28] =	ssyncadd.s32 $0xFFFFC000  }
0x3e: {  	[spmem:s10] =	stream.linear.scatter [tilespmem:s26], [sflag:$0x9], $0x4000, $0x38;
	[tilespmem:$0x1C400] =	vst v63  }
0x3f: {  	_ =	swait.ge [sflag:s28], $0x4000  }
0x40: {  	[sflag:s28] =	ssyncset.done $0x0  }
0x41: {  	s7 =	rddreg [dreg:$0xa];
	[sflag:s28] =	ssyncadd.s32 $0xFFFFC000  }
0x42: {  	[spmem:s7] =	stream.linear.scatter [tilespmem:s26], [sflag:$0x9], $0x4000, $0x38;
	[tilespmem:$0x1C400] =	vst v63  }
0x43: {  	_ =	swait.ge [sflag:s28], $0x4000  }
0x44: {  	[sflag:s28] =	ssyncset.done $0x0  }
0x45: {  	[sflag:s28] =	ssyncadd.s32 $0xFFFFC000  }
0x46: {  	[bflag:$0x0] =	sbarrier.arrive $0xFFFF  }
0x47: {  	s6 =	simm.s32 $0x0;
	s7 =	rddreg [dreg:$0x9]  }
0x48: {  	[tilespmem:s29], [sflag:$0x1] =	stream.linear.gather [hbm4b:s7+s6], $0x100, $0x38;
	[tilespmem:$0x1C400] =	vst v63  }
0x49: {  	s8 =	rddreg [dreg:$0xb]  }
0x4a: {  	[tilespmem:s30], [sflag:$0x2] =	stream.linear.gather [hbm4b:s8+s6], $0x100, $0x38;
	[tilespmem:$0x1C400] =	vst v63  }
0x4b: {  	s10 =	rddreg [dreg:$0xc]  }
0x4c: {  	[tilespmem:s31], [sflag:$0x3] =	stream.linear.gather [hbm4b:s10+s6], $0x100, $0x38;
	[tilespmem:$0x1C400] =	vst v63  }
0x4d: {  	_ =	swait.ge [sflag:s0], $0x100  }
0x4e: {  	[sflag:s0] =	ssyncset.done $0x0  }
0x4f: {  	[sflag:s0] =	ssyncadd.s32 $0xFFFFFF00  }
0x50: {  	[tilespmem:s26], [sflag:$0x5] =	stream.indirect.gather [hbm4b:s4+s2], $0x80, s29, s2, $0xb8;
	[tilespmem:$0x1C400] =	vst v63  }
0x51: {  	s8 =	rddreg [dreg:$0xd]  }
0x52: {  	[tilespmem:s11], [sflag:$0x4] =	stream.linear.gather [hbm4b:s8+s6], $0x100, $0x38;
	[tilespmem:$0x1C400] =	vst v63  }
0x53: {  	_ =	swait.ge [sflag:s12], $0x100  }
0x54: {  	[sflag:s12] =	ssyncset.done $0x0  }
0x55: {  	[sflag:s12] =	ssyncadd.s32 $0xFFFFFF00  }
0x56: {  	[tilespmem:s13], [sflag:$0x6] =	stream.indirect.gather [hbm4b:s4+s2], $0x80, s30, s2, $0xb8;
	[tilespmem:$0x1C400] =	vst v63  }
0x57: {  	_ =	swait.ge [sflag:s14], $0x4000  }
0x58: {  	[sflag:s14] =	ssyncset.done $0x0  }
0x59: {  	[sflag:s14] =	ssyncadd.s32 $0xFFFFC000  }
0x5a: {  	[spmem:s1] =	stream.indirect.scatter.add.f32 [tilespmem:s26], [sflag:$0x7], $0x80, s15, s2, $0xb8;
	[tilespmem:$0x1C400] =	vst v63  }
0x5b: {  	_ =	swait.ge [sflag:s16], $0x4000  }
0x5c: {  	[sflag:s16] =	ssyncset.done $0x0  }
0x5d: {  	[sflag:s16] =	ssyncadd.s32 $0xFFFFC000  }
0x5e: {  	[spmem:s1] =	stream.indirect.scatter.add.f32 [tilespmem:s13], [sflag:$0x8], $0x80, s17, s2, $0xb8;
	[tilespmem:$0x1C400] =	vst v63  }
0x5f: {  	_ =	swait.ge [sflag:s18], $0x4000  }
0x60: {  	[sflag:s18] =	ssyncset.done $0x0  }
0x61: {  	s10 =	rddreg [dreg:$0xe];
	[sflag:s18] =	ssyncadd.s32 $0xFFFFC000  }
0x62: {  	[tilespmem:s29], [sflag:$0x1] =	stream.linear.gather [hbm4b:s10+s6], $0x100, $0x38;
	[tilespmem:$0x1C400] =	vst v63  }
0x63: {  	_ =	swait.ge [sflag:s19], $0x100  }
0x64: {  	[sflag:s19] =	ssyncset.done $0x0  }
0x65: {  	[sflag:s19] =	ssyncadd.s32 $0xFFFFFF00  }
0x66: {  	[tilespmem:s26], [sflag:$0x5] =	stream.indirect.gather [hbm4b:s4+s2], $0x80, s31, s2, $0xb8;
	[tilespmem:$0x1C400] =	vst v63  }
0x67: {  	_ =	swait.ge [sflag:s20], $0x4000  }
0x68: {  	[sflag:s20] =	ssyncset.done $0x0  }
0x69: {  	s8 =	rddreg [dreg:$0xf];
	[sflag:s20] =	ssyncadd.s32 $0xFFFFC000  }
0x6a: {  	[tilespmem:s30], [sflag:$0x2] =	stream.linear.gather [hbm4b:s8+s6], $0x100, $0x38;
	[tilespmem:$0x1C400] =	vst v63  }
0x6b: {  	_ =	swait.ge [sflag:s21], $0x100  }
0x6c: {  	[sflag:s21] =	ssyncset.done $0x0  }
0x6d: {  	[sflag:s21] =	ssyncadd.s32 $0xFFFFFF00  }
0x6e: {  	[tilespmem:s13], [sflag:$0x6] =	stream.indirect.gather [hbm4b:s4+s2], $0x80, s11, s2, $0xb8;
	[tilespmem:$0x1C400] =	vst v63  }
0x6f: {  	_ =	swait.ge [sflag:s14], $0x4000  }
0x70: {  	[sflag:s14] =	ssyncset.done $0x0  }
0x71: {  	[sflag:s14] =	ssyncadd.s32 $0xFFFFC000  }
0x72: {  	[spmem:s1] =	stream.indirect.scatter.add.f32 [tilespmem:s26], [sflag:$0x7], $0x80, s22, s2, $0xb8;
	[tilespmem:$0x1C400] =	vst v63  }
0x73: {  	_ =	swait.ge [sflag:s16], $0x4000  }
0x74: {  	[sflag:s16] =	ssyncset.done $0x0  }
0x75: {  	[sflag:s16] =	ssyncadd.s32 $0xFFFFC000  }
0x76: {  	[spmem:s1] =	stream.indirect.scatter.add.f32 [tilespmem:s13], [sflag:$0x8], $0x80, s9, s2, $0xb8;
	[tilespmem:$0x1C400] =	vst v63  }
0x77: {  	_ =	swait.ge [sflag:s18], $0x4000  }
0x78: {  	[sflag:s18] =	ssyncset.done $0x0  }
0x79: {  	s10 =	sadd.s32 $0x0, s25;
	[sflag:s18] =	ssyncadd.s32 $0xFFFFC000  }
0x7a: {  	[tilespmem:s31], [sflag:$0x3] =	stream.linear.gather [hbm4b:s10+s3], $0x100, $0x38;
	[tilespmem:$0x1C400] =	vst v63  }
0x7b: {  	_ =	swait.ge [sflag:s0], $0x100  }
0x7c: {  	[sflag:s0] =	ssyncset.done $0x0  }
0x7d: {  	[sflag:s0] =	ssyncadd.s32 $0xFFFFFF00  }
0x7e: {  	[tilespmem:s26], [sflag:$0x5] =	stream.indirect.gather [hbm4b:s4+s2], $0x80, s29, s2, $0xb8;
	[tilespmem:$0x1C400] =	vst v63  }
0x7f: {  	_ =	swait.ge [sflag:s20], $0x4000  }
0x80: {  	[sflag:s20] =	ssyncset.done $0x0  }
0x81: {  	s7 =	sadd.s32 $0x0, s24;
	[sflag:s20] =	ssyncadd.s32 $0xFFFFC000  }
0x82: {  	[tilespmem:s11], [sflag:$0x4] =	stream.linear.gather [hbm4b:s7+s3], $0x100, $0x38;
	[tilespmem:$0x1C400] =	vst v63  }
0x83: {  	_ =	swait.ge [sflag:s12], $0x100  }
0x84: {  	[sflag:s12] =	ssyncset.done $0x0  }
0x85: {  	[sflag:s12] =	ssyncadd.s32 $0xFFFFFF00  }
0x86: {  	[tilespmem:s13], [sflag:$0x6] =	stream.indirect.gather [hbm4b:s4+s2], $0x80, s30, s2, $0xb8;
	[tilespmem:$0x1C400] =	vst v63  }
0x87: {  	_ =	swait.ge [sflag:s14], $0x4000  }
0x88: {  	[sflag:s14] =	ssyncset.done $0x0  }
0x89: {  	[sflag:s14] =	ssyncadd.s32 $0xFFFFC000  }
0x8a: {  	[spmem:s1] =	stream.indirect.scatter.add.f32 [tilespmem:s26], [sflag:$0x7], $0x80, s15, s2, $0xb8;
	[tilespmem:$0x1C400] =	vst v63  }
0x8b: {  	_ =	swait.ge [sflag:s16], $0x4000  }
0x8c: {  	[sflag:s16] =	ssyncset.done $0x0  }
0x8d: {  	[sflag:s16] =	ssyncadd.s32 $0xFFFFC000  }
0x8e: {  	[spmem:s1] =	stream.indirect.scatter.add.f32 [tilespmem:s13], [sflag:$0x8], $0x80, s17, s2, $0xb8;
	[tilespmem:$0x1C400] =	vst v63  }
0x8f: {  	_ =	swait.ge [sflag:s18], $0x4000  }
0x90: {  	[sflag:s18] =	ssyncset.done $0x0  }
0x91: {  	s8 =	sadd.s32 $0x0, s23;
	[sflag:s18] =	ssyncadd.s32 $0xFFFFC000  }
0x92: {  	[tilespmem:s29], [sflag:$0x1] =	stream.linear.gather [hbm4b:s8+s3], $0x100, $0x38;
	[tilespmem:$0x1C400] =	vst v63  }
0x93: {  	_ =	swait.ge [sflag:s19], $0x100  }
0x94: {  	[sflag:s19] =	ssyncset.done $0x0  }
0x95: {  	[sflag:s19] =	ssyncadd.s32 $0xFFFFFF00  }
0x96: {  	[tilespmem:s26], [sflag:$0x5] =	stream.indirect.gather [hbm4b:s4+s2], $0x80, s31, s2, $0xb8;
	[tilespmem:$0x1C400] =	vst v63  }
0x97: {  	_ =	swait.ge [sflag:s20], $0x4000  }
0x98: {  	s10 =	rddreg [dreg:$0x4];
	[sflag:s20] =	ssyncset.done $0x0  }
0x99: {  	[sflag:s20] =	ssyncadd.s32 $0xFFFFC000;
	s6 =	sadd.s32 $0x0, s10  }
0x9a: {  	[tilespmem:s30], [sflag:$0x2] =	stream.linear.gather [hbm4b:s6+s3], $0x100, $0x38;
	[tilespmem:$0x1C400] =	vst v63  }
0x9b: {  	_ =	swait.ge [sflag:s21], $0x100  }
0x9c: {  	[sflag:s21] =	ssyncset.done $0x0  }
0x9d: {  	[sflag:s21] =	ssyncadd.s32 $0xFFFFFF00  }
0x9e: {  	[tilespmem:s13], [sflag:$0x6] =	stream.indirect.gather [hbm4b:s4+s2], $0x80, s11, s2, $0xb8;
	[tilespmem:$0x1C400] =	vst v63  }
0x9f: {  	_ =	swait.ge [sflag:s14], $0x4000  }
0xa0: {  	[sflag:s14] =	ssyncset.done $0x0  }
0xa1: {  	[sflag:s14] =	ssyncadd.s32 $0xFFFFC000  }
0xa2: {  	[spmem:s1] =	stream.indirect.scatter.add.f32 [tilespmem:s26], [sflag:$0x7], $0x80, s22, s2, $0xb8;
	[tilespmem:$0x1C400] =	vst v63  }
0xa3: {  	_ =	swait.ge [sflag:s16], $0x4000  }
0xa4: {  	[sflag:s16] =	ssyncset.done $0x0  }
0xa5: {  	s6 =	simm.s32 $0x80;
	[sflag:s16] =	ssyncadd.s32 $0xFFFFC000  }
.LBB2_4:
0xa6: {  	[spmem:s1] =	stream.indirect.scatter.add.f32 [tilespmem:s13], [sflag:$0x8], $0x80, s9, s2, $0xb8;
	[tilespmem:$0x1C400] =	vst v63  }
0xa7: {  	_ =	swait.ge [sflag:s18], $0x4000  }
0xa8: {  	s7 =	smov.u32 s6;
	[sflag:s18] =	ssyncset.done $0x0  }
0xa9: {  	s8 =	sadd.s32 s7, s25;
	[sflag:s18] =	ssyncadd.s32 $0xFFFFC000  }
0xaa: {  	[tilespmem:s31], [sflag:$0x3] =	stream.linear.gather [hbm4b:s8+s3], $0x100, $0x38;
	[tilespmem:$0x1C400] =	vst v63  }
0xab: {  	_ =	swait.ge [sflag:s0], $0x100  }
0xac: {  	[sflag:s0] =	ssyncset.done $0x0  }
0xad: {  	[sflag:s0] =	ssyncadd.s32 $0xFFFFFF00  }
0xae: {  	[tilespmem:s26], [sflag:$0x5] =	stream.indirect.gather [hbm4b:s4+s2], $0x80, s29, s2, $0xb8;
	[tilespmem:$0x1C400] =	vst v63  }
0xaf: {  	_ =	swait.ge [sflag:s20], $0x4000  }
0xb0: {  	[sflag:s20] =	ssyncset.done $0x0  }
0xb1: {  	s10 =	sadd.s32 s7, s24;
	[sflag:s20] =	ssyncadd.s32 $0xFFFFC000  }
0xb2: {  	[tilespmem:s11], [sflag:$0x4] =	stream.linear.gather [hbm4b:s10+s3], $0x100, $0x38;
	[tilespmem:$0x1C400] =	vst v63  }
0xb3: {  	_ =	swait.ge [sflag:s12], $0x100  }
0xb4: {  	[sflag:s12] =	ssyncset.done $0x0  }
0xb5: {  	[sflag:s12] =	ssyncadd.s32 $0xFFFFFF00  }
0xb6: {  	[tilespmem:s13], [sflag:$0x6] =	stream.indirect.gather [hbm4b:s4+s2], $0x80, s30, s2, $0xb8;
	[tilespmem:$0x1C400] =	vst v63  }
0xb7: {  	_ =	swait.ge [sflag:s14], $0x4000  }
0xb8: {  	[sflag:s14] =	ssyncset.done $0x0  }
0xb9: {  	[sflag:s14] =	ssyncadd.s32 $0xFFFFC000  }
0xba: {  	[spmem:s1] =	stream.indirect.scatter.add.f32 [tilespmem:s26], [sflag:$0x7], $0x80, s15, s2, $0xb8;
	[tilespmem:$0x1C400] =	vst v63  }
0xbb: {  	_ =	swait.ge [sflag:s16], $0x4000  }
0xbc: {  	[sflag:s16] =	ssyncset.done $0x0  }
0xbd: {  	[sflag:s16] =	ssyncadd.s32 $0xFFFFC000  }
0xbe: {  	[spmem:s1] =	stream.indirect.scatter.add.f32 [tilespmem:s13], [sflag:$0x8], $0x80, s17, s2, $0xb8;
	[tilespmem:$0x1C400] =	vst v63  }
0xbf: {  	_ =	swait.ge [sflag:s18], $0x4000  }
0xc0: {  	[sflag:s18] =	ssyncset.done $0x0  }
0xc1: {  	s10 =	sadd.s32 s7, s23;
	[sflag:s18] =	ssyncadd.s32 $0xFFFFC000  }
0xc2: {  	[tilespmem:s29], [sflag:$0x1] =	stream.linear.gather [hbm4b:s10+s3], $0x100, $0x38;
	[tilespmem:$0x1C400] =	vst v63  }
0xc3: {  	_ =	swait.ge [sflag:s19], $0x100  }
0xc4: {  	[sflag:s19] =	ssyncset.done $0x0  }
0xc5: {  	[sflag:s19] =	ssyncadd.s32 $0xFFFFFF00  }
0xc6: {  	[tilespmem:s26], [sflag:$0x5] =	stream.indirect.gather [hbm4b:s4+s2], $0x80, s31, s2, $0xb8;
	[tilespmem:$0x1C400] =	vst v63  }
0xc7: {  	_ =	swait.ge [sflag:s20], $0x4000  }
0xc8: {  	s10 =	rddreg [dreg:$0x4];
	[sflag:s20] =	ssyncset.done $0x0  }
0xc9: {  	[sflag:s20] =	ssyncadd.s32 $0xFFFFC000;
	s7 =	sadd.s32 s7, s10  }
0xca: {  	[tilespmem:s30], [sflag:$0x2] =	stream.linear.gather [hbm4b:s7+s3], $0x100, $0x38;
	[tilespmem:$0x1C400] =	vst v63  }
0xcb: {  	_ =	swait.ge [sflag:s21], $0x100  }
0xcc: {  	[sflag:s21] =	ssyncset.done $0x0  }
0xcd: {  	[sflag:s21] =	ssyncadd.s32 $0xFFFFFF00  }
0xce: {  	[tilespmem:s13], [sflag:$0x6] =	stream.indirect.gather [hbm4b:s4+s2], $0x80, s11, s2, $0xb8;
	[tilespmem:$0x1C400] =	vst v63  }
0xcf: {  	_ =	swait.ge [sflag:s14], $0x4000  }
0xd0: {  	p1 =	sne.s32 s6, $0x880;
	[sflag:s14] =	ssyncset.done $0x0  }
.Ltmp1:
0xd1: {  	[sflag:s14] =	ssyncadd.s32 $0xFFFFC000;
	(pc) =	sbr.rel @p1 .LBB2_4-.Ltmp1, $4  }
0xd2: {  	[spmem:s1] =	stream.indirect.scatter.add.f32 [tilespmem:s26], [sflag:$0x7], $0x80, s22, s2, $0xb8;
	[tilespmem:$0x1C400] =	vst v63  }
0xd3: {  	_ =	swait.ge [sflag:s16], $0x4000  }
0xd4: {  	[sflag:s16] =	ssyncset.done $0x0  }
0xd5: {  	s6 =	sadd.s32 $0x80, s6;
	[sflag:s16] =	ssyncadd.s32 $0xFFFFC000  }
0xd6: {  	[spmem:s1] =	stream.indirect.scatter.add.f32 [tilespmem:s13], [sflag:$0x8], $0x80, s9, s2, $0xb8;
	[tilespmem:$0x1C400] =	vst v63  }
0xd7: {  	_ =	swait.ge [sflag:s18], $0x4000  }
0xd8: {  	[sflag:s18] =	ssyncset.done $0x0  }
0xd9: {  	[sflag:s18] =	ssyncadd.s32 $0xFFFFC000  }
0xda: {  	_ =	swait.ge [sflag:s0], $0x100  }
0xdb: {  	[sflag:s0] =	ssyncset.done $0x0  }
0xdc: {  	[sflag:s0] =	ssyncadd.s32 $0xFFFFFF00  }
0xdd: {  	[tilespmem:s26], [sflag:$0x5] =	stream.indirect.gather [hbm4b:s4+s2], $0x80, s29, s2, $0xb8;
	[tilespmem:$0x1C400] =	vst v63  }
0xde: {  	_ =	swait.ge [sflag:s20], $0x4000  }
0xdf: {  	[sflag:s20] =	ssyncset.done $0x0  }
0xe0: {  	[sflag:s20] =	ssyncadd.s32 $0xFFFFC000  }
0xe1: {  	_ =	swait.ge [sflag:s12], $0x100  }
0xe2: {  	[sflag:s12] =	ssyncset.done $0x0  }
0xe3: {  	[sflag:s12] =	ssyncadd.s32 $0xFFFFFF00  }
0xe4: {  	[tilespmem:s13], [sflag:$0x6] =	stream.indirect.gather [hbm4b:s4+s2], $0x80, s30, s2, $0xb8;
	[tilespmem:$0x1C400] =	vst v63  }
0xe5: {  	_ =	swait.ge [sflag:s14], $0x4000  }
0xe6: {  	[sflag:s14] =	ssyncset.done $0x0  }
0xe7: {  	[sflag:s14] =	ssyncadd.s32 $0xFFFFC000  }
0xe8: {  	[spmem:s1] =	stream.indirect.scatter.add.f32 [tilespmem:s26], [sflag:$0x7], $0x80, s15, s2, $0xb8;
	[tilespmem:$0x1C400] =	vst v63  }
0xe9: {  	_ =	swait.ge [sflag:s16], $0x4000  }
0xea: {  	[sflag:s16] =	ssyncset.done $0x0  }
0xeb: {  	[sflag:s16] =	ssyncadd.s32 $0xFFFFC000  }
0xec: {  	[spmem:s1] =	stream.indirect.scatter.add.f32 [tilespmem:s13], [sflag:$0x8], $0x80, s17, s2, $0xb8;
	[tilespmem:$0x1C400] =	vst v63  }
0xed: {  	_ =	swait.ge [sflag:s18], $0x4000  }
0xee: {  	[sflag:s18] =	ssyncset.done $0x0  }
0xef: {  	[sflag:s18] =	ssyncadd.s32 $0xFFFFC000  }
0xf0: {  	_ =	swait.ge [sflag:s20], $0x4000  }
0xf1: {  	s6 =	simm.s32 @!p0 $0x0;
	[sflag:s20] =	ssyncset.done $0x0  }
0xf2: {  	s7 =	simm.s32 @!p0 $0x1C000;
	s8 =	rddreg [dreg:$0x10];
	[sflag:s20] =	ssyncadd.s32 $0xFFFFC000  }
0xf3: {  	[tilespmem:s7], [sflag:$0x9] =	stream.linear.gather @!p0 [hbm4b:s8+s6], $0x100, $0x38;
	[tilespmem:$0x1C400] =	vst v63  }
0xf4: {  	s6 =	simm.s32 @!p0 $0x9  }
0xf5: {  	_ =	swait.ge @!p0 [sflag:s6], $0x100  }
0xf6: {  	[sflag:s6] =	ssyncset.done @!p0 $0x0  }
0xf7: {  	s10 =	simm.s32 @!p0 $0x14000;
	s8 =	simm.s32 @!p0 $0x80;
	[sflag:s6] =	ssyncadd.s32 @!p0 $0xFFFFFF00  }
0xf8: {  	[tilespmem:s10], [sflag:$0x9] =	stream.indirect.gather @!p0 [hbm4b:s4+s8], $0x80, s7, s8, $0xb8;
	[tilespmem:$0x1C400] =	vst v63  }
0xf9: {  	_ =	swait.ge @!p0 [sflag:s6], $0x4000  }
0xfa: {  	[sflag:s6] =	ssyncset.done @!p0 $0x0  }
0xfb: {  	s7 =	simm.s32 @!p0 $0x1C080;
	[sflag:s6] =	ssyncadd.s32 @!p0 $0xFFFFC000  }
0xfc: {  	[spmem:s1] =	stream.indirect.scatter.add.f32 @!p0 [tilespmem:s10], [sflag:$0x9], $0x80, s7, s8, $0xb8;
	[tilespmem:$0x1C400] =	vst v63  }
0xfd: {  	_ =	swait.ge @!p0 [sflag:s6], $0x4000  }
0xfe: {  	[sflag:s6] =	ssyncset.done @!p0 $0x0  }
0xff: {  	[sflag:s6] =	ssyncadd.s32 @!p0 $0xFFFFC000  }
0x100: {  	[bflag:$0x0] =	sbarrier.arrive $0xFFFF  }
0x101: {  	s8 =	rddreg [dreg:$0x5]  }
0x102: {  	[tilespmem:s26], [sflag:$0x9] =	stream.linear.gather [spmem:s8], $0x4000, $0x38;
	[tilespmem:$0x1C400] =	vst v63  }
0x103: {  	_ =	swait.ge [sflag:s28], $0x4000  }
0x104: {  	[sflag:s28] =	ssyncset.done $0x0  }
0x105: {  	s10 =	rddreg [dreg:$0x11];
	[sflag:s28] =	ssyncadd.s32 $0xFFFFC000  }
0x106: {  	[hbm4b:s10+s3] =	stream.linear.scatter [tilespmem:s26], [sflag:$0x5], $0x4000, $0x38;
	[tilespmem:$0x1C400] =	vst v63  }
0x107: {  	s7 =	rddreg [dreg:$0x6]  }
0x108: {  	[tilespmem:s13], [sflag:$0x9] =	stream.linear.gather [spmem:s7], $0x4000, $0x38;
	[tilespmem:$0x1C400] =	vst v63  }
0x109: {  	_ =	swait.ge [sflag:s28], $0x4000  }
0x10a: {  	[sflag:s28] =	ssyncset.done $0x0  }
0x10b: {  	s8 =	rddreg [dreg:$0x12];
	[sflag:s28] =	ssyncadd.s32 $0xFFFFC000  }
0x10c: {  	[hbm4b:s8+s3] =	stream.linear.scatter [tilespmem:s13], [sflag:$0x6], $0x4000, $0x38;
	[tilespmem:$0x1C400] =	vst v63  }
0x10d: {  	_ =	swait.ge [sflag:s14], $0x4000  }
0x10e: {  	[sflag:s14] =	ssyncset.done $0x0  }
0x10f: {  	s10 =	rddreg [dreg:$0x7];
	[sflag:s14] =	ssyncadd.s32 $0xFFFFC000  }
0x110: {  	[tilespmem:s26], [sflag:$0x9] =	stream.linear.gather [spmem:s10], $0x4000, $0x38;
	[tilespmem:$0x1C400] =	vst v63  }
0x111: {  	_ =	swait.ge [sflag:s28], $0x4000  }
0x112: {  	[sflag:s28] =	ssyncset.done $0x0  }
0x113: {  	s7 =	rddreg [dreg:$0x13];
	[sflag:s28] =	ssyncadd.s32 $0xFFFFC000  }
0x114: {  	[hbm4b:s7+s3] =	stream.linear.scatter [tilespmem:s26], [sflag:$0x5], $0x4000, $0x38;
	[tilespmem:$0x1C400] =	vst v63  }
0x115: {  	_ =	swait.ge [sflag:s16], $0x4000  }
0x116: {  	[sflag:s16] =	ssyncset.done $0x0  }
0x117: {  	s8 =	rddreg [dreg:$0x8];
	[sflag:s16] =	ssyncadd.s32 $0xFFFFC000  }
0x118: {  	[tilespmem:s13], [sflag:$0x9] =	stream.linear.gather [spmem:s8], $0x4000, $0x38;
	[tilespmem:$0x1C400] =	vst v63  }
0x119: {  	_ =	swait.ge [sflag:s28], $0x4000  }
0x11a: {  	[sflag:s28] =	ssyncset.done $0x0  }
0x11b: {  	s10 =	rddreg [dreg:$0x14];
	[sflag:s28] =	ssyncadd.s32 $0xFFFFC000  }
0x11c: {  	[hbm4b:s10+s3] =	stream.linear.scatter [tilespmem:s13], [sflag:$0x6], $0x4000, $0x38;
	[tilespmem:$0x1C400] =	vst v63  }
0x11d: {  	_ =	swait.ge [sflag:s14], $0x4000  }
0x11e: {  	[sflag:s14] =	ssyncset.done $0x0  }
0x11f: {  	s7 =	rddreg [dreg:$0xa];
	[sflag:s14] =	ssyncadd.s32 $0xFFFFC000  }
0x120: {  	[tilespmem:s26], [sflag:$0x9] =	stream.linear.gather [spmem:s7], $0x4000, $0x38;
	[tilespmem:$0x1C400] =	vst v63  }
0x121: {  	_ =	swait.ge [sflag:s28], $0x4000  }
0x122: {  	[sflag:s28] =	ssyncset.done $0x0  }
0x123: {  	s8 =	rddreg [dreg:$0x15];
	[sflag:s28] =	ssyncadd.s32 $0xFFFFC000  }
0x124: {  	[hbm4b:s8+s3] =	stream.linear.scatter [tilespmem:s26], [sflag:$0x5], $0x4000, $0x38;
	[tilespmem:$0x1C400] =	vst v63  }
0x125: {  	_ =	swait.ge [sflag:s16], $0x4000  }
0x126: {  	[sflag:s16] =	ssyncset.done $0x0  }
0x127: {  	[sflag:s16] =	ssyncadd.s32 $0xFFFFC000  }
0x128: {  	_ =	swait.ge [sflag:s14], $0x4000  }
0x129: {  	s5 =	sadd.s32 $0x1, s5;
	s10 =	rddreg [dreg:$0x16]  }
0x12a: {  	p1 =	sne.s32 s5, s10  }
.Ltmp2:
0x12b: {  	_ = 	snop;
	(pc) =	sbr.rel @p1 .LBB2_1-.Ltmp2, $3  }
0x12c: {  	_ =	sdelay $0x1  }
0x12d: {  	[sflag:s14] =	ssyncset.done $0x0  }
0x12e: {  	[sflag:s14] =	ssyncadd.s32 $0xFFFFC000  }
0x12f: {  	_ =	sfence.sel $0x180000  }
0x130: {  	[bflag:$0x0] =	sbarrier.arrive $0xFFFF  }
0x131: {  	_ =	strace $0x9000004A  }
0x132: {  	s0 =	stileid.u32;
	[bflag:$0x2] =	sbarrier.arrive $0xFFFF  }
0x133: {  	p0 =	sne.s32 s0, $0x0;
	s0 =	rddreg [dreg:$0x3]  }
0x134: {  	s0 =	sadd.s32 @!p0 $0x100000, s0  }
0x135: {  	[sflag:s0] =	ssyncadd.tile.s32 @!p0 $0x1;
	_ =	shalt  }
.Lfunc_end2:
_tile_overlayer_lowered:
.L_overlay_start_2:
0x136: {  	(tag) =	ssettag $0x2  }
0x137: {  	s0 =	rddreg [dreg:$0x0];
	s2 =	stileid.u32  }
0x138: {  	s1 =	rddreg [dreg:$0x1];
	p0 =	sne.s32 s2, $0x0  }
0x139: {  	s3 =	rddreg [dreg:$0x2];
	[bflag:$0x3] =	sbarrier.arrive $0xFFFF;
	s2 =	simm.s32 @!p0 $0x1C09  }
0x13a: {  	[timem:s3], [sflag:s2] =	dma.local @!p0 [hbm:s0], s1  }
0x13b: {  	s0 =	simm.s32 @!p0 $0x9  }
0x13c: {  	_ =	swait.ge @!p0 [sflag:s0], s1  }
0x13d: {  	s1 =	ssub.s32 @!p0 $0x0, s1;
	[sflag:s0] =	ssyncset.done @!p0 $0x0  }
0x13e: {  	[sflag:s0] =	ssyncadd.s32 @!p0 s1  }
0x13f: {  	[bflag:$0x3] =	sbarrier.arrive $0xFFFF  }
0x140: {  	_ =	shalt  }

// kernel: kernel.16.cloned.1.call-start
scs
__scs_entry_jumppad:
0x0: {  	(pc) =	sbr.rel $0x88, $3  }
0x1: {  	(tag) =	ssettag $0x0;
	lr =	simm.s32 $0x1  }
0x2: {  	[smem:$0x3F90] =	sst lr;
	_ =	strace $0xD0000000  }
0x3: {  	_ = 	snop  }
0x4: {  	_ = 	snop  }
0x5: {  	_ = 	snop  }
0x6: {  	_ = 	snop  }
0x7: {  	_ = 	snop  }
__scs_overlays_trampoline_lowered:
0x8: {  	[smem:$0x3F9F] =	sst s0  }
0x9: {  	[smem:$0x3FA0] =	sst s1  }
0xa: {  	[smem:$0x3FA1] =	sst s2  }
0xb: {  	[smem:$0x3FA2] =	sst s3  }
0xc: {  	[smem:$0x3FA3] =	sst s4  }
0xd: {  	[smem:$0x3FA4] =	sst s5  }
0xe: {  	[smem:$0x3FA5] =	sst s6  }
0xf: {  	[smem:$0x3FA6] =	sst s7  }
0x10: {  	[smem:$0x3FA7] =	sst s8  }
0x11: {  	[smem:$0x3FA8] =	sst s9;
	s0 =	simm.s32 @!p0 $0x0  }
0x12: {  	s1 =	sld [smem:$0x3F8E];
	s0 =	simm.s32 @p0 $0x1  }
0x13: {  	[smem:$0x3FA9] =	sst s0;
	s0 =	simm.s32 @!p1 $0x0  }
0x14: {  	s2 =	sld [smem:$0x3F8D];
	s0 =	simm.s32 @p1 $0x1  }
0x15: {  	[smem:$0x3FAA] =	sst s0;
	s0 =	simm.s32 @!p2 $0x0  }
0x16: {  	s3 =	sld [smem:$0x3FDB];
	s0 =	simm.s32 @p2 $0x1  }
0x17: {  	s4 =	simm.s32 $0x1BF5;
	[smem:$0x3FAC] =	sst s0  }
0x18: {  	s0 =	sld [smem:$0x3F8F];
	_ =	swait.ge [sflag:s4], $0x0  }
0x19: {  	s7 =	sld [smem:$0x3F90]  }
0x1a: {  	s8 =	sadd.s32 $0xFFFFE003, lr  }
0x1b: {  	s9 =	sadd.s32 $0xFFFFFEF7, lr;
	s5 =	simm.s32 $0xFFFFFFFF;
	p2 =	slt.u32 s8, $0xFFFFF086  }
0x1c: {  	p1 =	slt.u32 s9, $0xF7A;
	s5 =	simm.s32 @!p2 $0x0  }
0x1d: {  	s5 =	simm.s32 @p1 $0x1;
	p0 =	seq.s32 s7, s2  }
0x1e: {  	s7 =	smul.u32 @!p0 $0xF7A, s2;
	p2 =	seq.s32 @!p0 s5, $0x0  }
0x1f: {  	s9 =	smul.u32 $0xF7A, s1;
	s8 =	simm.s32 @!p0 $0x1BF5;
	p2 =	por !p2, p0  }
0x20: {  	[sflag:s8] =	ssyncset.s32 @!p0 $0xFFFFF086;
	s6 =	sadd.s32 @!p0 s3, s7;
	s7 =	simm.s32 @!p0 $0x108  }
0x21: {  	s3 =	sadd.s32 s3, s9;
	s6 =	sadd.s32 @!p0 $0x88, s6;
	s7 =	simm.s32 @p2 $0x1082  }
0x22: {  	[simem:s7], [sflag:s8] =	dma.local @!p0 [hbm:s6], $0xF7A  }
0x23: {  	s9 =	sor.u32 $0xD0000000, s2;
	s6 =	simm.s32 $0x108;
	_ =	swait.ge @!p0 [sflag:s8], $0x0  }
0x24: {  	s3 =	sadd.s32 $0x88, s3;
	s6 =	simm.s32 @!p1 $0x1082;
	[sflag:s4] =	ssyncset.s32 $0xFFFFF086  }
0x25: {  	[simem:s6], [sflag:s4] =	dma.local [hbm:s3], $0xF7A  }
0x26: {  	[smem:$0x3F90] =	sst s1;
	(tag) =	ssettag s2;
	_ =	strace s9  }
0x27: {  	s1 =	sld [smem:$0x3FA0]  }
0x28: {  	s2 =	sld [smem:$0x3FA1]  }
0x29: {  	s4 =	sld [smem:$0x3FA3]  }
0x2a: {  	p0 =	seq.s32 s5, $0x0;
	s5 =	sld [smem:$0x3FA4]  }
0x2b: {  	s6 =	sld [smem:$0x3FA5]  }
0x2c: {  	s7 =	sld [smem:$0x3FA6]  }
0x2d: {  	s3 =	simm.s32 $0x108;
	s8 =	sld [smem:$0x3FA7]  }
0x2e: {  	s3 =	simm.s32 @!p0 $0x1082;
	s9 =	sld [smem:$0x3FA8]  }
0x2f: {  	lr =	sadd.s32 s0, s3;
	s0 =	sld [smem:$0x3F9F]  }
0x30: {  	s3 =	sld [smem:$0x3FA2]  }
0x31: {  	[smem:$0x3FAB] =	sst s10  }
0x32: {  	s10 =	sld [smem:$0x3FA9];
	_ =	sdelay $0x3  }
0x33: {  	p0 =	seq.s32 s10, $0x1;
	s10 =	sld [smem:$0x3FAB];
	_ =	sdelay $0x3  }
0x34: {  	[smem:$0x3FAB] =	sst s10  }
0x35: {  	s10 =	sld [smem:$0x3FAA];
	_ =	sdelay $0x3  }
0x36: {  	p1 =	seq.s32 s10, $0x1;
	s10 =	sld [smem:$0x3FAB];
	_ =	sdelay $0x3  }
0x37: {  	[smem:$0x3FAB] =	sst s10  }
0x38: {  	s10 =	sld [smem:$0x3FAC]  }
0x39: {  	_ = 	snop;
	(pc) =	sbr.ind lr, $3  }
0x3a: {  	_ = 	snop  }
0x3b: {  	_ = 	snop  }
0x3c: {  	p2 =	seq.s32 s10, $0x1;
	s10 =	sld [smem:$0x3FAB]  }
0x3d: {  	_ =	shalt  }
0x3e: {  	_ =	shalt  }
0x3f: {  	_ =	shalt  }
0x40: {  	_ =	shalt  }
0x41: {  	_ =	shalt  }
0x42: {  	_ =	shalt  }
0x43: {  	_ =	shalt  }
0x44: {  	_ =	shalt  }
0x45: {  	_ =	shalt  }
0x46: {  	_ =	shalt  }
0x47: {  	_ =	shalt  }
0x48: {  	_ =	shalt  }
0x49: {  	_ =	shalt  }
0x4a: {  	_ =	shalt  }
0x4b: {  	_ =	shalt  }
0x4c: {  	_ =	shalt  }
0x4d: {  	_ =	shalt  }
0x4e: {  	_ =	shalt  }
0x4f: {  	_ =	shalt  }
0x50: {  	_ =	shalt  }
0x51: {  	_ =	shalt  }
0x52: {  	_ =	shalt  }
0x53: {  	_ =	shalt  }
0x54: {  	_ =	shalt  }
0x55: {  	_ =	shalt  }
0x56: {  	_ =	shalt  }
0x57: {  	_ =	shalt  }
0x58: {  	_ =	shalt  }
0x59: {  	_ =	shalt  }
0x5a: {  	_ =	shalt  }
0x5b: {  	_ =	shalt  }
0x5c: {  	_ =	shalt  }
0x5d: {  	_ =	shalt  }
0x5e: {  	_ =	shalt  }
0x5f: {  	_ =	shalt  }
0x60: {  	_ =	shalt  }
0x61: {  	_ =	shalt  }
0x62: {  	_ =	shalt  }
0x63: {  	_ =	shalt  }
0x64: {  	_ =	shalt  }
0x65: {  	_ =	shalt  }
0x66: {  	_ =	shalt  }
0x67: {  	_ =	shalt  }
0x68: {  	_ =	shalt  }
0x69: {  	_ =	shalt  }
0x6a: {  	_ =	shalt  }
0x6b: {  	_ =	shalt  }
0x6c: {  	_ =	shalt  }
0x6d: {  	_ =	shalt  }
0x6e: {  	_ =	shalt  }
0x6f: {  	_ =	shalt  }
0x70: {  	_ =	shalt  }
0x71: {  	_ =	shalt  }
0x72: {  	_ =	shalt  }
0x73: {  	_ =	shalt  }
0x74: {  	_ =	shalt  }
0x75: {  	_ =	shalt  }
0x76: {  	_ =	shalt  }
0x77: {  	_ =	shalt  }
0x78: {  	_ =	shalt  }
0x79: {  	_ =	shalt  }
0x7a: {  	_ =	shalt  }
0x7b: {  	_ =	shalt  }
0x7c: {  	_ =	shalt  }
0x7d: {  	_ =	shalt  }
0x7e: {  	_ =	shalt  }
0x7f: {  	_ =	shalt  }
0x80: {  	_ =	shalt  }
0x81: {  	_ =	shalt  }
0x82: {  	_ =	shalt  }
0x83: {  	_ =	shalt  }
0x84: {  	_ =	shalt  }
0x85: {  	_ =	shalt  }
0x86: {  	_ =	shalt  }
0x87: {  	_ =	shalt  }
.Lfunc_end0:
.L_simem_size_0:
called_computation.2_lowered:
.L_overlay_start_0:
0x88: {  	s2 =	sld [smem:$0x3FD9]  }
0x89: {  	s3 =	sld [smem:$0x3FFE];
	_ =	sdelay $0x1  }
0x8a: {  	s1 =	srdreg.scid  }
0x8b: {  	s0 =	sand.u32 $0x1, s1  }
0x8c: {  	s17 =	sshll.u32 s0, $0xA;
	s2 =	sadd.s32 s3, s2  }
0x8d: {  	s2 =	sadd.s32 s2, s17  }
0x8e: {  	[smem:$0x3FB7] =	sst s2  }
0x8f: {  	_ = 	snop  }
0x90: {  	s2 =	sld [smem:$0x3FC8];
	(tm) =	ssettm $0x1  }
0x91: {  	s18 =	sld [smem:$0x3FFB];
	_ =	sdelay $0x3  }
0x92: {  	_ =	strace s18  }
0x93: {  	s3 =	sld [smem:$0x3FFC];
	_ =	sdelay $0x3  }
0x94: {  	_ =	strace s3  }
0x95: {  	s3 =	sld [smem:$0x3FFD];
	_ =	sdelay $0x3  }
0x96: {  	_ =	strace s3  }
0x97: {  	_ =	strace $0x8FFFFFFF  }
0x98: {  	s19 =	sld [smem:$0x3FDB];
	_ =	sdelay $0x1  }
0x99: {  	s4 =	simm.s32 $_scs_section_size  }
0x9a: {  	s5 =	simm.s32 $_size__tile_overlayer_lowered;
	s6 =	simm.s32 $_tile_overlayer_lowered  }
0x9b: {  	s22 =	simm.s32 $0x1BFF;
	s21 =	sshll.u32 s6, $0x1;
	s3 =	sadd.s32 s4, s19  }
0x9c: {  	s7 =	simm.s32 $0x0;
	s20 =	sshll.u32 s5, $0x1;
	s5 =	sadd.s32 s21, s3  }
0x9d: {  	[timem:s7], [sflag:s22] =	dma.local [hbm:s5], s20  }
0x9e: {  	_ =	swait.ge [sflag:s22], s20  }
0x9f: {  	s4 =	ssub.s32 $0x0, s20;
	[sflag:s22] =	ssyncset.done $0x0  }
0xa0: {  	[sflag:s22] =	ssyncadd.s32 s4;
	_ =	sdelay $0x1  }
0xa1: {  	s23 =	simm.s32 $0x1B8B  }
0xa2: {  	_ =	swait.ge [sflag:s23], $0x1  }
0xa3: {  	[sflag:s23] =	ssyncset.done $0x0  }
0xa4: {  	s25 =	simm.s32 $0x1B8E;
	s24 =	sld [smem:$0x3FFE];
	[sflag:s23] =	ssyncadd.s32 $0xFFFFFFFF  }
0xa5: {  	s26 =	simm.s32 $execute0_lowered;
	[smem:$0x3FD2] =	sst s25  }
0xa6: {  	s5 =	sshll.u32 s26, $0x1;
	_ =	strace $0x8000004C;
	[dreg:$0x1] =	wrdreg $0xFFFFFFFF  }
0xa7: {  	s28 =	simm.s32 $_size_execute0_lowered;
	s3 =	sadd.s32 s3, s5;
	[dreg:$0x0] =	wrdreg $0x0  }
0xa8: {  	s5 =	sshll.u32 s28, $0x1;
	[dreg:$0x2] =	wrdreg s3  }
0xa9: {  	[dreg:$0x3] =	wrdreg s5  }
0xaa: {  	[dreg:$0x4] =	wrdreg $0xC0  }
0xab: {  	_ =	task [dreg:s7], $0x5FFFF  }
0xac: {  	[dreg:$0x1] =	wrdreg $0xFFFFFFFF  }
0xad: {  	[dreg:$0x0] =	wrdreg $0x60  }
0xae: {  	[dreg:$0x2] =	wrdreg s24  }
0xaf: {  	[dreg:$0x3] =	wrdreg s2  }
0xb0: {  	[dreg:$0x4] =	wrdreg $0x0  }
0xb1: {  	[dreg:$0x5] =	wrdreg $0x9  }
0xb2: {  	_ =	task.clear_ibuf [dreg:s7], $0x6FFFF;
	_ =	strace $0x9000004C  }
0xb3: {  	s29 =	simm.s32 $0x9;
	_ =	strace $0x8000004E  }
0xb4: {  	_ =	swait.ge [sflag:s29], $0x1  }
0xb5: {  	[sflag:s29] =	ssyncadd.s32 $0xFFFFFFFF  }
0xb6: {  	_ =	strace $0x9000004E  }
0xb7: {  	_ =	sfence  }
0xb8: {  	s30 =	sld [smem:$0x0];
	_ =	sdelay $0x2  }
0xb9: {  	s31 =	sshll.u32 s1, $0xD;
	s1 =	sshrl.u32 s1, $0x2  }
0xba: {  	s3 =	sand.u32 $0x4000, s31;
	s1 =	sadd.s32 s1, s30  }
0xbb: {  	s0 =	sor.u32 s3, s0;
	s1 =	sshll.u32 s1, $0x11  }
0xbc: {  	s0 =	sor.u32 s1, s0  }
0xbd: {  	s0 =	sadd.s32 $0x8F2B, s0  }
0xbe: {  	[sflag:s0] =	ssyncadd.remote.s32 $0x1  }
0xbf: {  	_ =	sfence.sel $0xFFFF  }
0xc0: {  	[dreg:$0x0] =	wrdreg $0xFFFFFFFF;
	(pc) =	sbr.abs _section_cstart, $3  }
0xc1: {  	[dreg:$0x1] =	wrdreg $0xFFFFFFFF  }
0xc2: {  	_ =	task.clear_ibuf [dreg:s7], $0x2FFFF;
	_ =	strace $0x9FFFFFFF  }
0xc3: {  	(tm) =	ssettm $0x7FFFFFFF  }
tec
execute0_lowered:
.L_overlay_start_1:
0x0: {  	(tag) =	ssettag $0x1  }
0x1: {  	s0 =	rddreg [dreg:$0x0]  }
0x2: {  	s2 =	rddreg [dreg:$0x1]  }
0x3: {  	s1 =	rddreg [dreg:$0x2];
	s3 =	simm.s32 $0x0;
	s17 =	stileid.u32  }
0x4: {  	s4 =	srdreg.scid;
	s28 =	simm.s32 $0x9;
	s7 =	smul.u32 $0x50000, s17  }
0x5: {  	s29 =	simm.s32 $0x1C000;
	s30 =	simm.s32 $0x1C100;
	s9 =	smul.u32 $0x14000, s17  }
0x6: {  	s31 =	simm.s32 $0x1C200;
	[smem:$0x7FF] =	sst s3;
	s16 =	smul.u32 $0x4E, s17  }
0x7: {  	s5 =	sand.u32 $0x1, s4;
	s4 =	sadd.s32 $0x3800, s0;
	s25 =	smul.u32 $0x4F00, s17  }
0x8: {  	s0 =	sadd.s32 $0x2AA00, s0;
	_ =	strace $0x8000004D;
	s14 =	smul.u32 $0x140000, s5  }
0x9: {  	s6 =	ssub.s32 $0x2, s5;
	s10 =	sshll.u32 s5, $0x4;
	s5 =	smul.u32 $0x4E0, s5  }
0xa: {  	s8 =	sshrl.u32 s6, $0x1;
	s7 =	sshrl.u32 s7, $0x2;
	s19 =	sadd.s32 $0x4000, s9  }
0xb: {  	s11 =	sadd.s32 $0x8000, s9;
	s13 =	sadd.s32 $0xC000, s9;
	s22 =	sadd.s32 $0x10000, s9  }
0xc: {  	s6 =	ssub.s32 s6, s8;
	s7 =	sadd.s32 s7, s1;
	s12 =	sadd.s32 s19, s1  }
0xd: {  	s20 =	sadd.s32 s11, s1;
	s15 =	sadd.s32 s13, s1;
	s18 =	sadd.s32 s22, s1  }
0xe: {  	s5 =	sadd.s32 s16, s5;
	s9 =	sadd.s32 s9, s14;
	[dreg:$0x5] =	wrdreg s7  }
0xf: {  	s8 =	sadd.s32 s14, s19;
	s11 =	sadd.s32 s14, s11;
	[dreg:$0x6] =	wrdreg s12  }
0x10: {  	s13 =	sadd.s32 s14, s13;
	s14 =	sadd.s32 s14, s22;
	[dreg:$0x7] =	wrdreg s20  }
0x11: {  	s16 =	simm.s32 $0x6;
	s7 =	sor.u32 s17, s10;
	[dreg:$0x8] =	wrdreg s15  }
0x12: {  	[dreg:$0xa] =	wrdreg s18;
	s17 =	sshrl.u32 s25, $0x3;
	s20 =	sshrl.u32 s9, $0x3  }
0x13: {  	s8 =	sshrl.u32 s8, $0x3;
	s22 =	sshrl.u32 s11, $0x3;
	s11 =	simm.s32 $0x1C300  }
0x14: {  	s9 =	simm.s32 $0x1C380;
	s10 =	smul.u32 $0x4E, s7;
	s21 =	smin.u32 s7, $0x4  }
0x15: {  	s12 =	sadd.s32 s2, s17;
	p0 =	sgt.u32 s7, $0x3;
	s17 =	simm.s32 $0x1C180  }
0x16: {  	s5 =	sadd.s32 s21, s5;
	s19 =	sadd.s32 $0x9C0, s12;
	s10 =	sadd.s32 s21, s10  }
0x17: {  	[dreg:$0x10] =	wrdreg s19;
	s21 =	sadd.s32 s0, s8;
	s10 =	sshll.u32 s10, $0x5  }
0x18: {  	s5 =	sshll.u32 s5, $0x5;
	[dreg:$0x12] =	wrdreg s21;
	s10 =	sadd.s32 s2, s10  }
0x19: {  	s2 =	sadd.s32 s2, s5;
	s5 =	sadd.s32 s0, s20;
	[dreg:$0x9] =	wrdreg s10  }
0x1a: {  	s12 =	simm.s32 $0x2;
	s23 =	sadd.s32 $0x20, s10;
	[dreg:$0x11] =	wrdreg s5  }
0x1b: {  	s19 =	simm.s32 $0x3;
	s24 =	sadd.s32 $0x40, s10;
	[dreg:$0xb] =	wrdreg s23  }
0x1c: {  	s21 =	simm.s32 $0x4;
	s26 =	sadd.s32 $0x60, s10;
	[dreg:$0xc] =	wrdreg s24  }
0x1d: {  	s20 =	simm.s32 $0x8;
	s15 =	sadd.s32 $0x80, s10;
	[dreg:$0xd] =	wrdreg s26  }
0x1e: {  	s18 =	sadd.s32 $0xA0, s10;
	s5 =	sadd.s32 s0, s22;
	[dreg:$0xe] =	wrdreg s15  }
0x1f: {  	s25 =	sadd.s32 $0x120, s2;
	s22 =	simm.s32 $0x1C280;
	[dreg:$0xf] =	wrdreg s18  }
0x20: {  	[dreg:$0x13] =	wrdreg s5;
	s23 =	sshrl.u32 s13, $0x3;
	s24 =	sshrl.u32 s14, $0x3  }
0x21: {  	s26 =	smax.u32 s6, $0x1;
	[dreg:$0x4] =	wrdreg s25;
	s25 =	sadd.s32 $0xC0, s2  }
0x22: {  	s13 =	simm.s32 $0x18000;
	s14 =	simm.s32 $0x5;
	s15 =	simm.s32 $0x1C080  }
0x23: {  	s18 =	simm.s32 $0x7;
	s5 =	sadd.s32 s0, s23;
	s0 =	sadd.s32 s0, s24  }
0x24: {  	[dreg:$0x16] =	wrdreg s26;
	s23 =	sadd.s32 $0x100, s2;
	s24 =	sadd.s32 $0xE0, s2  }
0x25: {  	s26 =	simm.s32 $0x14000;
	s2 =	simm.s32 $0x80;
	[dreg:$0x14] =	wrdreg s5  }
0x26: {  	v0 =	vimm.f32 $0.0e+00;
	[dreg:$0x15] =	wrdreg s0;
	s0 =	simm.s32 $0x1;
	s5 =	simm.s32 $0x0  }
.LBB2_1:
0x27: {  	s6 =	sand.u32 $0xFE00, s3  }
0x28: {  	s7 =	sand.u32 $0x70, s3;
	s8 =	sshrl.u32 s6, $0x2  }
0x29: {  	s6 =	simm.s32 $0x40;
	s8 =	sor.u32 s7, s8;
	s7 =	simm.s32 $0x0  }
.LBB2_2:
0x2a: {  	p1 =	sne.s32 s6, $0xFFC0  }
0x2b: {  	[tilespmem:s8+$0x14000] =	vst v0;
	s7 =	sadd.s32 $0x10, s7;
	s8 =	smov.u32 s6;
	s6 =	sadd.s32 $0x40, s6  }
.Ltmp0:
0x2c: {  	(pc) =	sbr.rel @p1 .LBB2_2-.Ltmp0, $4  }
0x2d: {  	_ = 	snop  }
0x2e: {  	s8 =	sand.u32 $0xFE00, s8  }
0x2f: {  	s10 =	sand.u32 $0x70, s7;
	s8 =	sshrl.u32 s8, $0x2  }
0x30: {  	s8 =	sor.u32 s10, s8  }
0x31: {  	[tilespmem:s8+$0x14000] =	vst v0;
	s6 =	rddreg [dreg:$0x5]  }
0x32: {  	[spmem:s6] =	stream.linear.scatter [tilespmem:s26], [sflag:$0x9], $0x4000, $0x38;
	[tilespmem:$0x1C400] =	vst v63  }
0x33: {  	_ =	swait.ge [sflag:s28], $0x4000  }
0x34: {  	[sflag:s28] =	ssyncset.done $0x0  }
0x35: {  	s7 =	rddreg [dreg:$0x6];
	[sflag:s28] =	ssyncadd.s32 $0xFFFFC000  }
0x36: {  	[spmem:s7] =	stream.linear.scatter [tilespmem:s26], [sflag:$0x9], $0x4000, $0x38;
	[tilespmem:$0x1C400] =	vst v63  }
0x37: {  	_ =	swait.ge [sflag:s28], $0x4000  }
0x38: {  	[sflag:s28] =	ssyncset.done $0x0  }
0x39: {  	s8 =	rddreg [dreg:$0x7];
	[sflag:s28] =	ssyncadd.s32 $0xFFFFC000  }
0x3a: {  	[spmem:s8] =	stream.linear.scatter [tilespmem:s26], [sflag:$0x9], $0x4000, $0x38;
	[tilespmem:$0x1C400] =	vst v63  }
0x3b: {  	_ =	swait.ge [sflag:s28], $0x4000  }
0x3c: {  	[sflag:s28] =	ssyncset.done $0x0  }
0x3d: {  	s10 =	rddreg [dreg:$0x8];
	[sflag:s28] =	ssyncadd.s32 $0xFFFFC000  }
0x3e: {  	[spmem:s10] =	stream.linear.scatter [tilespmem:s26], [sflag:$0x9], $0x4000, $0x38;
	[tilespmem:$0x1C400] =	vst v63  }
0x3f: {  	_ =	swait.ge [sflag:s28], $0x4000  }
0x40: {  	[sflag:s28] =	ssyncset.done $0x0  }
0x41: {  	s7 =	rddreg [dreg:$0xa];
	[sflag:s28] =	ssyncadd.s32 $0xFFFFC000  }
0x42: {  	[spmem:s7] =	stream.linear.scatter [tilespmem:s26], [sflag:$0x9], $0x4000, $0x38;
	[tilespmem:$0x1C400] =	vst v63  }
0x43: {  	_ =	swait.ge [sflag:s28], $0x4000  }
0x44: {  	[sflag:s28] =	ssyncset.done $0x0  }
0x45: {  	[sflag:s28] =	ssyncadd.s32 $0xFFFFC000  }
0x46: {  	[bflag:$0x0] =	sbarrier.arrive $0xFFFF  }
0x47: {  	s6 =	simm.s32 $0x0;
	s7 =	rddreg [dreg:$0x9]  }
0x48: {  	[tilespmem:s29], [sflag:$0x1] =	stream.linear.gather [hbm4b:s7+s6], $0x100, $0x38;
	[tilespmem:$0x1C400] =	vst v63  }
0x49: {  	s8 =	rddreg [dreg:$0xb]  }
0x4a: {  	[tilespmem:s30], [sflag:$0x2] =	stream.linear.gather [hbm4b:s8+s6], $0x100, $0x38;
	[tilespmem:$0x1C400] =	vst v63  }
0x4b: {  	s10 =	rddreg [dreg:$0xc]  }
0x4c: {  	[tilespmem:s31], [sflag:$0x3] =	stream.linear.gather [hbm4b:s10+s6], $0x100, $0x38;
	[tilespmem:$0x1C400] =	vst v63  }
0x4d: {  	_ =	swait.ge [sflag:s0], $0x100  }
0x4e: {  	[sflag:s0] =	ssyncset.done $0x0  }
0x4f: {  	[sflag:s0] =	ssyncadd.s32 $0xFFFFFF00  }
0x50: {  	[tilespmem:s26], [sflag:$0x5] =	stream.indirect.gather [hbm4b:s4+s2], $0x80, s29, s2, $0xb8;
	[tilespmem:$0x1C400] =	vst v63  }
0x51: {  	s8 =	rddreg [dreg:$0xd]  }
0x52: {  	[tilespmem:s11], [sflag:$0x4] =	stream.linear.gather [hbm4b:s8+s6], $0x100, $0x38;
	[tilespmem:$0x1C400] =	vst v63  }
0x53: {  	_ =	swait.ge [sflag:s12], $0x100  }
0x54: {  	[sflag:s12] =	ssyncset.done $0x0  }
0x55: {  	[sflag:s12] =	ssyncadd.s32 $0xFFFFFF00  }
0x56: {  	[tilespmem:s13], [sflag:$0x6] =	stream.indirect.gather [hbm4b:s4+s2], $0x80, s30, s2, $0xb8;
	[tilespmem:$0x1C400] =	vst v63  }
0x57: {  	_ =	swait.ge [sflag:s14], $0x4000  }
0x58: {  	[sflag:s14] =	ssyncset.done $0x0  }
0x59: {  	[sflag:s14] =	ssyncadd.s32 $0xFFFFC000  }
0x5a: {  	[spmem:s1] =	stream.indirect.scatter.add.f32 [tilespmem:s26], [sflag:$0x7], $0x80, s15, s2, $0xb8;
	[tilespmem:$0x1C400] =	vst v63  }
0x5b: {  	_ =	swait.ge [sflag:s16], $0x4000  }
0x5c: {  	[sflag:s16] =	ssyncset.done $0x0  }
0x5d: {  	[sflag:s16] =	ssyncadd.s32 $0xFFFFC000  }
0x5e: {  	[spmem:s1] =	stream.indirect.scatter.add.f32 [tilespmem:s13], [sflag:$0x8], $0x80, s17, s2, $0xb8;
	[tilespmem:$0x1C400] =	vst v63  }
0x5f: {  	_ =	swait.ge [sflag:s18], $0x4000  }
0x60: {  	[sflag:s18] =	ssyncset.done $0x0  }
0x61: {  	s10 =	rddreg [dreg:$0xe];
	[sflag:s18] =	ssyncadd.s32 $0xFFFFC000  }
0x62: {  	[tilespmem:s29], [sflag:$0x1] =	stream.linear.gather [hbm4b:s10+s6], $0x100, $0x38;
	[tilespmem:$0x1C400] =	vst v63  }
0x63: {  	_ =	swait.ge [sflag:s19], $0x100  }
0x64: {  	[sflag:s19] =	ssyncset.done $0x0  }
0x65: {  	[sflag:s19] =	ssyncadd.s32 $0xFFFFFF00  }
0x66: {  	[tilespmem:s26], [sflag:$0x5] =	stream.indirect.gather [hbm4b:s4+s2], $0x80, s31, s2, $0xb8;
	[tilespmem:$0x1C400] =	vst v63  }
0x67: {  	_ =	swait.ge [sflag:s20], $0x4000  }
0x68: {  	[sflag:s20] =	ssyncset.done $0x0  }
0x69: {  	s8 =	rddreg [dreg:$0xf];
	[sflag:s20] =	ssyncadd.s32 $0xFFFFC000  }
0x6a: {  	[tilespmem:s30], [sflag:$0x2] =	stream.linear.gather [hbm4b:s8+s6], $0x100, $0x38;
	[tilespmem:$0x1C400] =	vst v63  }
0x6b: {  	_ =	swait.ge [sflag:s21], $0x100  }
0x6c: {  	[sflag:s21] =	ssyncset.done $0x0  }
0x6d: {  	[sflag:s21] =	ssyncadd.s32 $0xFFFFFF00  }
0x6e: {  	[tilespmem:s13], [sflag:$0x6] =	stream.indirect.gather [hbm4b:s4+s2], $0x80, s11, s2, $0xb8;
	[tilespmem:$0x1C400] =	vst v63  }
0x6f: {  	_ =	swait.ge [sflag:s14], $0x4000  }
0x70: {  	[sflag:s14] =	ssyncset.done $0x0  }
0x71: {  	[sflag:s14] =	ssyncadd.s32 $0xFFFFC000  }
0x72: {  	[spmem:s1] =	stream.indirect.scatter.add.f32 [tilespmem:s26], [sflag:$0x7], $0x80, s22, s2, $0xb8;
	[tilespmem:$0x1C400] =	vst v63  }
0x73: {  	_ =	swait.ge [sflag:s16], $0x4000  }
0x74: {  	[sflag:s16] =	ssyncset.done $0x0  }
0x75: {  	[sflag:s16] =	ssyncadd.s32 $0xFFFFC000  }
0x76: {  	[spmem:s1] =	stream.indirect.scatter.add.f32 [tilespmem:s13], [sflag:$0x8], $0x80, s9, s2, $0xb8;
	[tilespmem:$0x1C400] =	vst v63  }
0x77: {  	_ =	swait.ge [sflag:s18], $0x4000  }
0x78: {  	[sflag:s18] =	ssyncset.done $0x0  }
0x79: {  	s10 =	sadd.s32 $0x0, s25;
	[sflag:s18] =	ssyncadd.s32 $0xFFFFC000  }
0x7a: {  	[tilespmem:s31], [sflag:$0x3] =	stream.linear.gather [hbm4b:s10+s3], $0x100, $0x38;
	[tilespmem:$0x1C400] =	vst v63  }
0x7b: {  	_ =	swait.ge [sflag:s0], $0x100  }
0x7c: {  	[sflag:s0] =	ssyncset.done $0x0  }
0x7d: {  	[sflag:s0] =	ssyncadd.s32 $0xFFFFFF00  }
0x7e: {  	[tilespmem:s26], [sflag:$0x5] =	stream.indirect.gather [hbm4b:s4+s2], $0x80, s29, s2, $0xb8;
	[tilespmem:$0x1C400] =	vst v63  }
0x7f: {  	_ =	swait.ge [sflag:s20], $0x4000  }
0x80: {  	[sflag:s20] =	ssyncset.done $0x0  }
0x81: {  	s7 =	sadd.s32 $0x0, s24;
	[sflag:s20] =	ssyncadd.s32 $0xFFFFC000  }
0x82: {  	[tilespmem:s11], [sflag:$0x4] =	stream.linear.gather [hbm4b:s7+s3], $0x100, $0x38;
	[tilespmem:$0x1C400] =	vst v63  }
0x83: {  	_ =	swait.ge [sflag:s12], $0x100  }
0x84: {  	[sflag:s12] =	ssyncset.done $0x0  }
0x85: {  	[sflag:s12] =	ssyncadd.s32 $0xFFFFFF00  }
0x86: {  	[tilespmem:s13], [sflag:$0x6] =	stream.indirect.gather [hbm4b:s4+s2], $0x80, s30, s2, $0xb8;
	[tilespmem:$0x1C400] =	vst v63  }
0x87: {  	_ =	swait.ge [sflag:s14], $0x4000  }
0x88: {  	[sflag:s14] =	ssyncset.done $0x0  }
0x89: {  	[sflag:s14] =	ssyncadd.s32 $0xFFFFC000  }
0x8a: {  	[spmem:s1] =	stream.indirect.scatter.add.f32 [tilespmem:s26], [sflag:$0x7], $0x80, s15, s2, $0xb8;
	[tilespmem:$0x1C400] =	vst v63  }
0x8b: {  	_ =	swait.ge [sflag:s16], $0x4000  }
0x8c: {  	[sflag:s16] =	ssyncset.done $0x0  }
0x8d: {  	[sflag:s16] =	ssyncadd.s32 $0xFFFFC000  }
0x8e: {  	[spmem:s1] =	stream.indirect.scatter.add.f32 [tilespmem:s13], [sflag:$0x8], $0x80, s17, s2, $0xb8;
	[tilespmem:$0x1C400] =	vst v63  }
0x8f: {  	_ =	swait.ge [sflag:s18], $0x4000  }
0x90: {  	[sflag:s18] =	ssyncset.done $0x0  }
0x91: {  	s8 =	sadd.s32 $0x0, s23;
	[sflag:s18] =	ssyncadd.s32 $0xFFFFC000  }
0x92: {  	[tilespmem:s29], [sflag:$0x1] =	stream.linear.gather [hbm4b:s8+s3], $0x100, $0x38;
	[tilespmem:$0x1C400] =	vst v63  }
0x93: {  	_ =	swait.ge [sflag:s19], $0x100  }
0x94: {  	[sflag:s19] =	ssyncset.done $0x0  }
0x95: {  	[sflag:s19] =	ssyncadd.s32 $0xFFFFFF00  }
0x96: {  	[tilespmem:s26], [sflag:$0x5] =	stream.indirect.gather [hbm4b:s4+s2], $0x80, s31, s2, $0xb8;
	[tilespmem:$0x1C400] =	vst v63  }
0x97: {  	_ =	swait.ge [sflag:s20], $0x4000  }
0x98: {  	s10 =	rddreg [dreg:$0x4];
	[sflag:s20] =	ssyncset.done $0x0  }
0x99: {  	[sflag:s20] =	ssyncadd.s32 $0xFFFFC000;
	s6 =	sadd.s32 $0x0, s10  }
0x9a: {  	[tilespmem:s30], [sflag:$0x2] =	stream.linear.gather [hbm4b:s6+s3], $0x100, $0x38;
	[tilespmem:$0x1C400] =	vst v63  }
0x9b: {  	_ =	swait.ge [sflag:s21], $0x100  }
0x9c: {  	[sflag:s21] =	ssyncset.done $0x0  }
0x9d: {  	[sflag:s21] =	ssyncadd.s32 $0xFFFFFF00  }
0x9e: {  	[tilespmem:s13], [sflag:$0x6] =	stream.indirect.gather [hbm4b:s4+s2], $0x80, s11, s2, $0xb8;
	[tilespmem:$0x1C400] =	vst v63  }
0x9f: {  	_ =	swait.ge [sflag:s14], $0x4000  }
0xa0: {  	[sflag:s14] =	ssyncset.done $0x0  }
0xa1: {  	[sflag:s14] =	ssyncadd.s32 $0xFFFFC000  }
0xa2: {  	[spmem:s1] =	stream.indirect.scatter.add.f32 [tilespmem:s26], [sflag:$0x7], $0x80, s22, s2, $0xb8;
	[tilespmem:$0x1C400] =	vst v63  }
0xa3: {  	_ =	swait.ge [sflag:s16], $0x4000  }
0xa4: {  	[sflag:s16] =	ssyncset.done $0x0  }
0xa5: {  	s6 =	simm.s32 $0x80;
	[sflag:s16] =	ssyncadd.s32 $0xFFFFC000  }
.LBB2_4:
0xa6: {  	[spmem:s1] =	stream.indirect.scatter.add.f32 [tilespmem:s13], [sflag:$0x8], $0x80, s9, s2, $0xb8;
	[tilespmem:$0x1C400] =	vst v63  }
0xa7: {  	_ =	swait.ge [sflag:s18], $0x4000  }
0xa8: {  	s7 =	smov.u32 s6;
	[sflag:s18] =	ssyncset.done $0x0  }
0xa9: {  	s8 =	sadd.s32 s7, s25;
	[sflag:s18] =	ssyncadd.s32 $0xFFFFC000  }
0xaa: {  	[tilespmem:s31], [sflag:$0x3] =	stream.linear.gather [hbm4b:s8+s3], $0x100, $0x38;
	[tilespmem:$0x1C400] =	vst v63  }
0xab: {  	_ =	swait.ge [sflag:s0], $0x100  }
0xac: {  	[sflag:s0] =	ssyncset.done $0x0  }
0xad: {  	[sflag:s0] =	ssyncadd.s32 $0xFFFFFF00  }
0xae: {  	[tilespmem:s26], [sflag:$0x5] =	stream.indirect.gather [hbm4b:s4+s2], $0x80, s29, s2, $0xb8;
	[tilespmem:$0x1C400] =	vst v63  }
0xaf: {  	_ =	swait.ge [sflag:s20], $0x4000  }
0xb0: {  	[sflag:s20] =	ssyncset.done $0x0  }
0xb1: {  	s10 =	sadd.s32 s7, s24;
	[sflag:s20] =	ssyncadd.s32 $0xFFFFC000  }
0xb2: {  	[tilespmem:s11], [sflag:$0x4] =	stream.linear.gather [hbm4b:s10+s3], $0x100, $0x38;
	[tilespmem:$0x1C400] =	vst v63  }
0xb3: {  	_ =	swait.ge [sflag:s12], $0x100  }
0xb4: {  	[sflag:s12] =	ssyncset.done $0x0  }
0xb5: {  	[sflag:s12] =	ssyncadd.s32 $0xFFFFFF00  }
0xb6: {  	[tilespmem:s13], [sflag:$0x6] =	stream.indirect.gather [hbm4b:s4+s2], $0x80, s30, s2, $0xb8;
	[tilespmem:$0x1C400] =	vst v63  }
0xb7: {  	_ =	swait.ge [sflag:s14], $0x4000  }
0xb8: {  	[sflag:s14] =	ssyncset.done $0x0  }
0xb9: {  	[sflag:s14] =	ssyncadd.s32 $0xFFFFC000  }
0xba: {  	[spmem:s1] =	stream.indirect.scatter.add.f32 [tilespmem:s26], [sflag:$0x7], $0x80, s15, s2, $0xb8;
	[tilespmem:$0x1C400] =	vst v63  }
0xbb: {  	_ =	swait.ge [sflag:s16], $0x4000  }
0xbc: {  	[sflag:s16] =	ssyncset.done $0x0  }
0xbd: {  	[sflag:s16] =	ssyncadd.s32 $0xFFFFC000  }
0xbe: {  	[spmem:s1] =	stream.indirect.scatter.add.f32 [tilespmem:s13], [sflag:$0x8], $0x80, s17, s2, $0xb8;
	[tilespmem:$0x1C400] =	vst v63  }
0xbf: {  	_ =	swait.ge [sflag:s18], $0x4000  }
0xc0: {  	[sflag:s18] =	ssyncset.done $0x0  }
0xc1: {  	s10 =	sadd.s32 s7, s23;
	[sflag:s18] =	ssyncadd.s32 $0xFFFFC000  }
0xc2: {  	[tilespmem:s29], [sflag:$0x1] =	stream.linear.gather [hbm4b:s10+s3], $0x100, $0x38;
	[tilespmem:$0x1C400] =	vst v63  }
0xc3: {  	_ =	swait.ge [sflag:s19], $0x100  }
0xc4: {  	[sflag:s19] =	ssyncset.done $0x0  }
0xc5: {  	[sflag:s19] =	ssyncadd.s32 $0xFFFFFF00  }
0xc6: {  	[tilespmem:s26], [sflag:$0x5] =	stream.indirect.gather [hbm4b:s4+s2], $0x80, s31, s2, $0xb8;
	[tilespmem:$0x1C400] =	vst v63  }
0xc7: {  	_ =	swait.ge [sflag:s20], $0x4000  }
0xc8: {  	s10 =	rddreg [dreg:$0x4];
	[sflag:s20] =	ssyncset.done $0x0  }
0xc9: {  	[sflag:s20] =	ssyncadd.s32 $0xFFFFC000;
	s7 =	sadd.s32 s7, s10  }
0xca: {  	[tilespmem:s30], [sflag:$0x2] =	stream.linear.gather [hbm4b:s7+s3], $0x100, $0x38;
	[tilespmem:$0x1C400] =	vst v63  }
0xcb: {  	_ =	swait.ge [sflag:s21], $0x100  }
0xcc: {  	[sflag:s21] =	ssyncset.done $0x0  }
0xcd: {  	[sflag:s21] =	ssyncadd.s32 $0xFFFFFF00  }
0xce: {  	[tilespmem:s13], [sflag:$0x6] =	stream.indirect.gather [hbm4b:s4+s2], $0x80, s11, s2, $0xb8;
	[tilespmem:$0x1C400] =	vst v63  }
0xcf: {  	_ =	swait.ge [sflag:s14], $0x4000  }
0xd0: {  	p1 =	sne.s32 s6, $0x880;
	[sflag:s14] =	ssyncset.done $0x0  }
.Ltmp1:
0xd1: {  	[sflag:s14] =	ssyncadd.s32 $0xFFFFC000;
	(pc) =	sbr.rel @p1 .LBB2_4-.Ltmp1, $4  }
0xd2: {  	[spmem:s1] =	stream.indirect.scatter.add.f32 [tilespmem:s26], [sflag:$0x7], $0x80, s22, s2, $0xb8;
	[tilespmem:$0x1C400] =	vst v63  }
0xd3: {  	_ =	swait.ge [sflag:s16], $0x4000  }
0xd4: {  	[sflag:s16] =	ssyncset.done $0x0  }
0xd5: {  	s6 =	sadd.s32 $0x80, s6;
	[sflag:s16] =	ssyncadd.s32 $0xFFFFC000  }
0xd6: {  	[spmem:s1] =	stream.indirect.scatter.add.f32 [tilespmem:s13], [sflag:$0x8], $0x80, s9, s2, $0xb8;
	[tilespmem:$0x1C400] =	vst v63  }
0xd7: {  	_ =	swait.ge [sflag:s18], $0x4000  }
0xd8: {  	[sflag:s18] =	ssyncset.done $0x0  }
0xd9: {  	[sflag:s18] =	ssyncadd.s32 $0xFFFFC000  }
0xda: {  	_ =	swait.ge [sflag:s0], $0x100  }
0xdb: {  	[sflag:s0] =	ssyncset.done $0x0  }
0xdc: {  	[sflag:s0] =	ssyncadd.s32 $0xFFFFFF00  }
0xdd: {  	[tilespmem:s26], [sflag:$0x5] =	stream.indirect.gather [hbm4b:s4+s2], $0x80, s29, s2, $0xb8;
	[tilespmem:$0x1C400] =	vst v63  }
0xde: {  	_ =	swait.ge [sflag:s20], $0x4000  }
0xdf: {  	[sflag:s20] =	ssyncset.done $0x0  }
0xe0: {  	[sflag:s20] =	ssyncadd.s32 $0xFFFFC000  }
0xe1: {  	_ =	swait.ge [sflag:s12], $0x100  }
0xe2: {  	[sflag:s12] =	ssyncset.done $0x0  }
0xe3: {  	[sflag:s12] =	ssyncadd.s32 $0xFFFFFF00  }
0xe4: {  	[tilespmem:s13], [sflag:$0x6] =	stream.indirect.gather [hbm4b:s4+s2], $0x80, s30, s2, $0xb8;
	[tilespmem:$0x1C400] =	vst v63  }
0xe5: {  	_ =	swait.ge [sflag:s14], $0x4000  }
0xe6: {  	[sflag:s14] =	ssyncset.done $0x0  }
0xe7: {  	[sflag:s14] =	ssyncadd.s32 $0xFFFFC000  }
0xe8: {  	[spmem:s1] =	stream.indirect.scatter.add.f32 [tilespmem:s26], [sflag:$0x7], $0x80, s15, s2, $0xb8;
	[tilespmem:$0x1C400] =	vst v63  }
0xe9: {  	_ =	swait.ge [sflag:s16], $0x4000  }
0xea: {  	[sflag:s16] =	ssyncset.done $0x0  }
0xeb: {  	[sflag:s16] =	ssyncadd.s32 $0xFFFFC000  }
0xec: {  	[spmem:s1] =	stream.indirect.scatter.add.f32 [tilespmem:s13], [sflag:$0x8], $0x80, s17, s2, $0xb8;
	[tilespmem:$0x1C400] =	vst v63  }
0xed: {  	_ =	swait.ge [sflag:s18], $0x4000  }
0xee: {  	[sflag:s18] =	ssyncset.done $0x0  }
0xef: {  	[sflag:s18] =	ssyncadd.s32 $0xFFFFC000  }
0xf0: {  	_ =	swait.ge [sflag:s20], $0x4000  }
0xf1: {  	s6 =	simm.s32 @!p0 $0x0;
	[sflag:s20] =	ssyncset.done $0x0  }
0xf2: {  	s7 =	simm.s32 @!p0 $0x1C000;
	s8 =	rddreg [dreg:$0x10];
	[sflag:s20] =	ssyncadd.s32 $0xFFFFC000  }
0xf3: {  	[tilespmem:s7], [sflag:$0x9] =	stream.linear.gather @!p0 [hbm4b:s8+s6], $0x100, $0x38;
	[tilespmem:$0x1C400] =	vst v63  }
0xf4: {  	s6 =	simm.s32 @!p0 $0x9  }
0xf5: {  	_ =	swait.ge @!p0 [sflag:s6], $0x100  }
0xf6: {  	[sflag:s6] =	ssyncset.done @!p0 $0x0  }
0xf7: {  	s10 =	simm.s32 @!p0 $0x14000;
	s8 =	simm.s32 @!p0 $0x80;
	[sflag:s6] =	ssyncadd.s32 @!p0 $0xFFFFFF00  }
0xf8: {  	[tilespmem:s10], [sflag:$0x9] =	stream.indirect.gather @!p0 [hbm4b:s4+s8], $0x80, s7, s8, $0xb8;
	[tilespmem:$0x1C400] =	vst v63  }
0xf9: {  	_ =	swait.ge @!p0 [sflag:s6], $0x4000  }
0xfa: {  	[sflag:s6] =	ssyncset.done @!p0 $0x0  }
0xfb: {  	s7 =	simm.s32 @!p0 $0x1C080;
	[sflag:s6] =	ssyncadd.s32 @!p0 $0xFFFFC000  }
0xfc: {  	[spmem:s1] =	stream.indirect.scatter.add.f32 @!p0 [tilespmem:s10], [sflag:$0x9], $0x80, s7, s8, $0xb8;
	[tilespmem:$0x1C400] =	vst v63  }
0xfd: {  	_ =	swait.ge @!p0 [sflag:s6], $0x4000  }
0xfe: {  	[sflag:s6] =	ssyncset.done @!p0 $0x0  }
0xff: {  	[sflag:s6] =	ssyncadd.s32 @!p0 $0xFFFFC000  }
0x100: {  	[bflag:$0x0] =	sbarrier.arrive $0xFFFF  }
0x101: {  	s8 =	rddreg [dreg:$0x5]  }
0x102: {  	[tilespmem:s26], [sflag:$0x9] =	stream.linear.gather [spmem:s8], $0x4000, $0x38;
	[tilespmem:$0x1C400] =	vst v63  }
0x103: {  	_ =	swait.ge [sflag:s28], $0x4000  }
0x104: {  	[sflag:s28] =	ssyncset.done $0x0  }
0x105: {  	s10 =	rddreg [dreg:$0x11];
	[sflag:s28] =	ssyncadd.s32 $0xFFFFC000  }
0x106: {  	[hbm4b:s10+s3] =	stream.linear.scatter [tilespmem:s26], [sflag:$0x5], $0x4000, $0x38;
	[tilespmem:$0x1C400] =	vst v63  }
0x107: {  	s7 =	rddreg [dreg:$0x6]  }
0x108: {  	[tilespmem:s13], [sflag:$0x9] =	stream.linear.gather [spmem:s7], $0x4000, $0x38;
	[tilespmem:$0x1C400] =	vst v63  }
0x109: {  	_ =	swait.ge [sflag:s28], $0x4000  }
0x10a: {  	[sflag:s28] =	ssyncset.done $0x0  }
0x10b: {  	s8 =	rddreg [dreg:$0x12];
	[sflag:s28] =	ssyncadd.s32 $0xFFFFC000  }
0x10c: {  	[hbm4b:s8+s3] =	stream.linear.scatter [tilespmem:s13], [sflag:$0x6], $0x4000, $0x38;
	[tilespmem:$0x1C400] =	vst v63  }
0x10d: {  	_ =	swait.ge [sflag:s14], $0x4000  }
0x10e: {  	[sflag:s14] =	ssyncset.done $0x0  }
0x10f: {  	s10 =	rddreg [dreg:$0x7];
	[sflag:s14] =	ssyncadd.s32 $0xFFFFC000  }
0x110: {  	[tilespmem:s26], [sflag:$0x9] =	stream.linear.gather [spmem:s10], $0x4000, $0x38;
	[tilespmem:$0x1C400] =	vst v63  }
0x111: {  	_ =	swait.ge [sflag:s28], $0x4000  }
0x112: {  	[sflag:s28] =	ssyncset.done $0x0  }
0x113: {  	s7 =	rddreg [dreg:$0x13];
	[sflag:s28] =	ssyncadd.s32 $0xFFFFC000  }
0x114: {  	[hbm4b:s7+s3] =	stream.linear.scatter [tilespmem:s26], [sflag:$0x5], $0x4000, $0x38;
	[tilespmem:$0x1C400] =	vst v63  }
0x115: {  	_ =	swait.ge [sflag:s16], $0x4000  }
0x116: {  	[sflag:s16] =	ssyncset.done $0x0  }
0x117: {  	s8 =	rddreg [dreg:$0x8];
	[sflag:s16] =	ssyncadd.s32 $0xFFFFC000  }
0x118: {  	[tilespmem:s13], [sflag:$0x9] =	stream.linear.gather [spmem:s8], $0x4000, $0x38;
	[tilespmem:$0x1C400] =	vst v63  }
0x119: {  	_ =	swait.ge [sflag:s28], $0x4000  }
0x11a: {  	[sflag:s28] =	ssyncset.done $0x0  }
0x11b: {  	s10 =	rddreg [dreg:$0x14];
	[sflag:s28] =	ssyncadd.s32 $0xFFFFC000  }
0x11c: {  	[hbm4b:s10+s3] =	stream.linear.scatter [tilespmem:s13], [sflag:$0x6], $0x4000, $0x38;
	[tilespmem:$0x1C400] =	vst v63  }
0x11d: {  	_ =	swait.ge [sflag:s14], $0x4000  }
0x11e: {  	[sflag:s14] =	ssyncset.done $0x0  }
0x11f: {  	s7 =	rddreg [dreg:$0xa];
	[sflag:s14] =	ssyncadd.s32 $0xFFFFC000  }
0x120: {  	[tilespmem:s26], [sflag:$0x9] =	stream.linear.gather [spmem:s7], $0x4000, $0x38;
	[tilespmem:$0x1C400] =	vst v63  }
0x121: {  	_ =	swait.ge [sflag:s28], $0x4000  }
0x122: {  	[sflag:s28] =	ssyncset.done $0x0  }
0x123: {  	s8 =	rddreg [dreg:$0x15];
	[sflag:s28] =	ssyncadd.s32 $0xFFFFC000  }
0x124: {  	[hbm4b:s8+s3] =	stream.linear.scatter [tilespmem:s26], [sflag:$0x5], $0x4000, $0x38;
	[tilespmem:$0x1C400] =	vst v63  }
0x125: {  	_ =	swait.ge [sflag:s16], $0x4000  }
0x126: {  	[sflag:s16] =	ssyncset.done $0x0  }
0x127: {  	[sflag:s16] =	ssyncadd.s32 $0xFFFFC000  }
0x128: {  	_ =	swait.ge [sflag:s14], $0x4000  }
0x129: {  	s5 =	sadd.s32 $0x1, s5;
	s10 =	rddreg [dreg:$0x16]  }
0x12a: {  	p1 =	sne.s32 s5, s10  }
.Ltmp2:
0x12b: {  	_ = 	snop;
	(pc) =	sbr.rel @p1 .LBB2_1-.Ltmp2, $3  }
0x12c: {  	_ =	sdelay $0x1  }
0x12d: {  	[sflag:s14] =	ssyncset.done $0x0  }
0x12e: {  	[sflag:s14] =	ssyncadd.s32 $0xFFFFC000  }
0x12f: {  	_ =	sfence.sel $0x180000  }
0x130: {  	[bflag:$0x0] =	sbarrier.arrive $0xFFFF  }
0x131: {  	_ =	strace $0x9000004D  }
0x132: {  	s0 =	stileid.u32;
	[bflag:$0x2] =	sbarrier.arrive $0xFFFF  }
0x133: {  	p0 =	sne.s32 s0, $0x0;
	s0 =	rddreg [dreg:$0x3]  }
0x134: {  	s0 =	sadd.s32 @!p0 $0x100000, s0  }
0x135: {  	[sflag:s0] =	ssyncadd.tile.s32 @!p0 $0x1;
	_ =	shalt  }
.Lfunc_end2:
_tile_overlayer_lowered:
.L_overlay_start_2:
0x136: {  	(tag) =	ssettag $0x2  }
0x137: {  	s0 =	rddreg [dreg:$0x0];
	s2 =	stileid.u32  }
0x138: {  	s1 =	rddreg [dreg:$0x1];
	p0 =	sne.s32 s2, $0x0  }
0x139: {  	s3 =	rddreg [dreg:$0x2];
	[bflag:$0x3] =	sbarrier.arrive $0xFFFF;
	s2 =	simm.s32 @!p0 $0x1C09  }
0x13a: {  	[timem:s3], [sflag:s2] =	dma.local @!p0 [hbm:s0], s1  }
0x13b: {  	s0 =	simm.s32 @!p0 $0x9  }
0x13c: {  	_ =	swait.ge @!p0 [sflag:s0], s1  }
0x13d: {  	s1 =	ssub.s32 @!p0 $0x0, s1;
	[sflag:s0] =	ssyncset.done @!p0 $0x0  }
0x13e: {  	[sflag:s0] =	ssyncadd.s32 @!p0 s1  }
0x13f: {  	[bflag:$0x3] =	sbarrier.arrive $0xFFFF  }
0x140: {  	_ =	shalt  }

// kernel: kernel.19.cloned.1.call-start
scs
__scs_entry_jumppad:
0x0: {  	(pc) =	sbr.rel $0x88, $3  }
0x1: {  	(tag) =	ssettag $0x0;
	lr =	simm.s32 $0x1  }
0x2: {  	[smem:$0x3F90] =	sst lr;
	_ =	strace $0xD0000000  }
0x3: {  	_ = 	snop  }
0x4: {  	_ = 	snop  }
0x5: {  	_ = 	snop  }
0x6: {  	_ = 	snop  }
0x7: {  	_ = 	snop  }
__scs_overlays_trampoline_lowered:
0x8: {  	[smem:$0x3F9F] =	sst s0  }
0x9: {  	[smem:$0x3FA0] =	sst s1  }
0xa: {  	[smem:$0x3FA1] =	sst s2  }
0xb: {  	[smem:$0x3FA2] =	sst s3  }
0xc: {  	[smem:$0x3FA3] =	sst s4  }
0xd: {  	[smem:$0x3FA4] =	sst s5  }
0xe: {  	[smem:$0x3FA5] =	sst s6  }
0xf: {  	[smem:$0x3FA6] =	sst s7  }
0x10: {  	[smem:$0x3FA7] =	sst s8  }
0x11: {  	[smem:$0x3FA8] =	sst s9;
	s0 =	simm.s32 @!p0 $0x0  }
0x12: {  	s1 =	sld [smem:$0x3F8E];
	s0 =	simm.s32 @p0 $0x1  }
0x13: {  	[smem:$0x3FA9] =	sst s0;
	s0 =	simm.s32 @!p1 $0x0  }
0x14: {  	s2 =	sld [smem:$0x3F8D];
	s0 =	simm.s32 @p1 $0x1  }
0x15: {  	[smem:$0x3FAA] =	sst s0;
	s0 =	simm.s32 @!p2 $0x0  }
0x16: {  	s3 =	sld [smem:$0x3FDB];
	s0 =	simm.s32 @p2 $0x1  }
0x17: {  	s4 =	simm.s32 $0x1BF5;
	[smem:$0x3FAC] =	sst s0  }
0x18: {  	s0 =	sld [smem:$0x3F8F];
	_ =	swait.ge [sflag:s4], $0x0  }
0x19: {  	s7 =	sld [smem:$0x3F90]  }
0x1a: {  	s8 =	sadd.s32 $0xFFFFE003, lr  }
0x1b: {  	s9 =	sadd.s32 $0xFFFFFEF7, lr;
	s5 =	simm.s32 $0xFFFFFFFF;
	p2 =	slt.u32 s8, $0xFFFFF086  }
0x1c: {  	p1 =	slt.u32 s9, $0xF7A;
	s5 =	simm.s32 @!p2 $0x0  }
0x1d: {  	s5 =	simm.s32 @p1 $0x1;
	p0 =	seq.s32 s7, s2  }
0x1e: {  	s7 =	smul.u32 @!p0 $0xF7A, s2;
	p2 =	seq.s32 @!p0 s5, $0x0  }
0x1f: {  	s9 =	smul.u32 $0xF7A, s1;
	s8 =	simm.s32 @!p0 $0x1BF5;
	p2 =	por !p2, p0  }
0x20: {  	[sflag:s8] =	ssyncset.s32 @!p0 $0xFFFFF086;
	s6 =	sadd.s32 @!p0 s3, s7;
	s7 =	simm.s32 @!p0 $0x108  }
0x21: {  	s3 =	sadd.s32 s3, s9;
	s6 =	sadd.s32 @!p0 $0x88, s6;
	s7 =	simm.s32 @p2 $0x1082  }
0x22: {  	[simem:s7], [sflag:s8] =	dma.local @!p0 [hbm:s6], $0xF7A  }
0x23: {  	s9 =	sor.u32 $0xD0000000, s2;
	s6 =	simm.s32 $0x108;
	_ =	swait.ge @!p0 [sflag:s8], $0x0  }
0x24: {  	s3 =	sadd.s32 $0x88, s3;
	s6 =	simm.s32 @!p1 $0x1082;
	[sflag:s4] =	ssyncset.s32 $0xFFFFF086  }
0x25: {  	[simem:s6], [sflag:s4] =	dma.local [hbm:s3], $0xF7A  }
0x26: {  	[smem:$0x3F90] =	sst s1;
	(tag) =	ssettag s2;
	_ =	strace s9  }
0x27: {  	s1 =	sld [smem:$0x3FA0]  }
0x28: {  	s2 =	sld [smem:$0x3FA1]  }
0x29: {  	s4 =	sld [smem:$0x3FA3]  }
0x2a: {  	p0 =	seq.s32 s5, $0x0;
	s5 =	sld [smem:$0x3FA4]  }
0x2b: {  	s6 =	sld [smem:$0x3FA5]  }
0x2c: {  	s7 =	sld [smem:$0x3FA6]  }
0x2d: {  	s3 =	simm.s32 $0x108;
	s8 =	sld [smem:$0x3FA7]  }
0x2e: {  	s3 =	simm.s32 @!p0 $0x1082;
	s9 =	sld [smem:$0x3FA8]  }
0x2f: {  	lr =	sadd.s32 s0, s3;
	s0 =	sld [smem:$0x3F9F]  }
0x30: {  	s3 =	sld [smem:$0x3FA2]  }
0x31: {  	[smem:$0x3FAB] =	sst s10  }
0x32: {  	s10 =	sld [smem:$0x3FA9];
	_ =	sdelay $0x3  }
0x33: {  	p0 =	seq.s32 s10, $0x1;
	s10 =	sld [smem:$0x3FAB];
	_ =	sdelay $0x3  }
0x34: {  	[smem:$0x3FAB] =	sst s10  }
0x35: {  	s10 =	sld [smem:$0x3FAA];
	_ =	sdelay $0x3  }
0x36: {  	p1 =	seq.s32 s10, $0x1;
	s10 =	sld [smem:$0x3FAB];
	_ =	sdelay $0x3  }
0x37: {  	[smem:$0x3FAB] =	sst s10  }
0x38: {  	s10 =	sld [smem:$0x3FAC]  }
0x39: {  	_ = 	snop;
	(pc) =	sbr.ind lr, $3  }
0x3a: {  	_ = 	snop  }
0x3b: {  	_ = 	snop  }
0x3c: {  	p2 =	seq.s32 s10, $0x1;
	s10 =	sld [smem:$0x3FAB]  }
0x3d: {  	_ =	shalt  }
0x3e: {  	_ =	shalt  }
0x3f: {  	_ =	shalt  }
0x40: {  	_ =	shalt  }
0x41: {  	_ =	shalt  }
0x42: {  	_ =	shalt  }
0x43: {  	_ =	shalt  }
0x44: {  	_ =	shalt  }
0x45: {  	_ =	shalt  }
0x46: {  	_ =	shalt  }
0x47: {  	_ =	shalt  }
0x48: {  	_ =	shalt  }
0x49: {  	_ =	shalt  }
0x4a: {  	_ =	shalt  }
0x4b: {  	_ =	shalt  }
0x4c: {  	_ =	shalt  }
0x4d: {  	_ =	shalt  }
0x4e: {  	_ =	shalt  }
0x4f: {  	_ =	shalt  }
0x50: {  	_ =	shalt  }
0x51: {  	_ =	shalt  }
0x52: {  	_ =	shalt  }
0x53: {  	_ =	shalt  }
0x54: {  	_ =	shalt  }
0x55: {  	_ =	shalt  }
0x56: {  	_ =	shalt  }
0x57: {  	_ =	shalt  }
0x58: {  	_ =	shalt  }
0x59: {  	_ =	shalt  }
0x5a: {  	_ =	shalt  }
0x5b: {  	_ =	shalt  }
0x5c: {  	_ =	shalt  }
0x5d: {  	_ =	shalt  }
0x5e: {  	_ =	shalt  }
0x5f: {  	_ =	shalt  }
0x60: {  	_ =	shalt  }
0x61: {  	_ =	shalt  }
0x62: {  	_ =	shalt  }
0x63: {  	_ =	shalt  }
0x64: {  	_ =	shalt  }
0x65: {  	_ =	shalt  }
0x66: {  	_ =	shalt  }
0x67: {  	_ =	shalt  }
0x68: {  	_ =	shalt  }
0x69: {  	_ =	shalt  }
0x6a: {  	_ =	shalt  }
0x6b: {  	_ =	shalt  }
0x6c: {  	_ =	shalt  }
0x6d: {  	_ =	shalt  }
0x6e: {  	_ =	shalt  }
0x6f: {  	_ =	shalt  }
0x70: {  	_ =	shalt  }
0x71: {  	_ =	shalt  }
0x72: {  	_ =	shalt  }
0x73: {  	_ =	shalt  }
0x74: {  	_ =	shalt  }
0x75: {  	_ =	shalt  }
0x76: {  	_ =	shalt  }
0x77: {  	_ =	shalt  }
0x78: {  	_ =	shalt  }
0x79: {  	_ =	shalt  }
0x7a: {  	_ =	shalt  }
0x7b: {  	_ =	shalt  }
0x7c: {  	_ =	shalt  }
0x7d: {  	_ =	shalt  }
0x7e: {  	_ =	shalt  }
0x7f: {  	_ =	shalt  }
0x80: {  	_ =	shalt  }
0x81: {  	_ =	shalt  }
0x82: {  	_ =	shalt  }
0x83: {  	_ =	shalt  }
0x84: {  	_ =	shalt  }
0x85: {  	_ =	shalt  }
0x86: {  	_ =	shalt  }
0x87: {  	_ =	shalt  }
.Lfunc_end0:
.L_simem_size_0:
called_computation.3_lowered:
.L_overlay_start_0:
0x88: {  	s2 =	sld [smem:$0x3FD9]  }
0x89: {  	s3 =	sld [smem:$0x3FFE];
	_ =	sdelay $0x1  }
0x8a: {  	s1 =	srdreg.scid  }
0x8b: {  	s0 =	sand.u32 $0x1, s1  }
0x8c: {  	s17 =	sshll.u32 s0, $0xA;
	s2 =	sadd.s32 s3, s2  }
0x8d: {  	s2 =	sadd.s32 s2, s17  }
0x8e: {  	[smem:$0x3FB7] =	sst s2  }
0x8f: {  	_ = 	snop  }
0x90: {  	s2 =	sld [smem:$0x3FC7];
	(tm) =	ssettm $0x1  }
0x91: {  	s18 =	sld [smem:$0x3FFB];
	_ =	sdelay $0x3  }
0x92: {  	_ =	strace s18  }
0x93: {  	s3 =	sld [smem:$0x3FFC];
	_ =	sdelay $0x3  }
0x94: {  	_ =	strace s3  }
0x95: {  	s3 =	sld [smem:$0x3FFD];
	_ =	sdelay $0x3  }
0x96: {  	_ =	strace s3  }
0x97: {  	_ =	strace $0x8FFFFFFF  }
0x98: {  	s19 =	sld [smem:$0x3FDB];
	_ =	sdelay $0x1  }
0x99: {  	s4 =	simm.s32 $_scs_section_size  }
0x9a: {  	s5 =	simm.s32 $_size__tile_overlayer_lowered;
	s6 =	simm.s32 $_tile_overlayer_lowered  }
0x9b: {  	s22 =	simm.s32 $0x1BFF;
	s21 =	sshll.u32 s6, $0x1;
	s3 =	sadd.s32 s4, s19  }
0x9c: {  	s7 =	simm.s32 $0x0;
	s20 =	sshll.u32 s5, $0x1;
	s5 =	sadd.s32 s21, s3  }
0x9d: {  	[timem:s7], [sflag:s22] =	dma.local [hbm:s5], s20  }
0x9e: {  	_ =	swait.ge [sflag:s22], s20  }
0x9f: {  	s4 =	ssub.s32 $0x0, s20;
	[sflag:s22] =	ssyncset.done $0x0  }
0xa0: {  	[sflag:s22] =	ssyncadd.s32 s4;
	_ =	sdelay $0x1  }
0xa1: {  	s23 =	simm.s32 $0x1B8B  }
0xa2: {  	_ =	swait.ge [sflag:s23], $0x1  }
0xa3: {  	[sflag:s23] =	ssyncset.done $0x0  }
0xa4: {  	s25 =	simm.s32 $0x1B8E;
	s24 =	sld [smem:$0x3FFE];
	[sflag:s23] =	ssyncadd.s32 $0xFFFFFFFF  }
0xa5: {  	s26 =	simm.s32 $execute0_lowered;
	[smem:$0x3FD2] =	sst s25  }
0xa6: {  	s5 =	sshll.u32 s26, $0x1;
	_ =	strace $0x8000004F;
	[dreg:$0x1] =	wrdreg $0xFFFFFFFF  }
0xa7: {  	s28 =	simm.s32 $_size_execute0_lowered;
	s3 =	sadd.s32 s3, s5;
	[dreg:$0x0] =	wrdreg $0x0  }
0xa8: {  	s5 =	sshll.u32 s28, $0x1;
	[dreg:$0x2] =	wrdreg s3  }
0xa9: {  	[dreg:$0x3] =	wrdreg s5  }
0xaa: {  	[dreg:$0x4] =	wrdreg $0xC0  }
0xab: {  	_ =	task [dreg:s7], $0x5FFFF  }
0xac: {  	[dreg:$0x1] =	wrdreg $0xFFFFFFFF  }
0xad: {  	[dreg:$0x0] =	wrdreg $0x60  }
0xae: {  	[dreg:$0x2] =	wrdreg s24  }
0xaf: {  	[dreg:$0x3] =	wrdreg s2  }
0xb0: {  	[dreg:$0x4] =	wrdreg $0x9  }
0xb1: {  	_ =	task.clear_ibuf [dreg:s7], $0x5FFFF;
	_ =	strace $0x9000004F  }
0xb2: {  	s29 =	simm.s32 $0x9;
	_ =	strace $0x80000051  }
0xb3: {  	_ =	swait.ge [sflag:s29], $0x1  }
0xb4: {  	[sflag:s29] =	ssyncadd.s32 $0xFFFFFFFF  }
0xb5: {  	_ =	strace $0x90000051  }
0xb6: {  	_ =	sfence  }
0xb7: {  	s30 =	sld [smem:$0x0];
	_ =	sdelay $0x2  }
0xb8: {  	s31 =	sshll.u32 s1, $0xD;
	s1 =	sshrl.u32 s1, $0x2  }
0xb9: {  	s3 =	sand.u32 $0x4000, s31;
	s1 =	sadd.s32 s1, s30  }
0xba: {  	s0 =	sor.u32 s3, s0;
	s1 =	sshll.u32 s1, $0x11  }
0xbb: {  	s0 =	sor.u32 s1, s0  }
0xbc: {  	s0 =	sadd.s32 $0x8F2B, s0  }
0xbd: {  	[sflag:s0] =	ssyncadd.remote.s32 $0x1  }
0xbe: {  	_ =	sfence.sel $0xFFFF  }
0xbf: {  	[dreg:$0x0] =	wrdreg $0xFFFFFFFF;
	(pc) =	sbr.abs _section_cstart, $3  }
0xc0: {  	[dreg:$0x1] =	wrdreg $0xFFFFFFFF  }
0xc1: {  	_ =	task.clear_ibuf [dreg:s7], $0x2FFFF;
	_ =	strace $0x9FFFFFFF  }
0xc2: {  	(tm) =	ssettm $0x7FFFFFFF  }
0xc3: {  	_ =	shalt  }
tec
execute0_lowered:
.L_overlay_start_1:
0x0: {  	(tag) =	ssettag $0x1  }
0x1: {  	s1 =	srdreg.scid  }
0x2: {  	s7 =	rddreg [dreg:$0x0];
	s0 =	stileid.u32  }
0x3: {  	s3 =	rddreg [dreg:$0x1];
	s2 =	simm.s32 $0x0;
	s6 =	sand.u32 $0x1, s1  }
0x4: {  	s5 =	sshll.u32 s0, $0x7;
	s1 =	rddreg [dreg:$0x2];
	s4 =	sshll.u32 s6, $0xB  }
0x5: {  	[smem:$0x7FF] =	sst s2;
	s8 =	sor.u32 s5, s4  }
0x6: {  	_ =	strace $0x80000050;
	s9 =	ssub.s32 $0x2, s6;
	s4 =	sshrl.u32 s8, $0x3  }
0x7: {  	s6 =	simm.s32 $0x80;
	s4 =	sadd.s32 s3, s4;
	s3 =	simm.s32 $0x1  }
0x8: {  	[tilespmem:s2], [sflag:$0x1] =	stream.linear.gather [hbm4b:s4+s2], $0x80, $0x38;
	[tilespmem:$0x4080] =	vst v63  }
0x9: {  	s5 =	sadd.s32 $0x3800, s7;
	s10 =	sshrl.u32 s9, $0x1;
	_ =	swait.ge [sflag:s3], $0x80  }
0xa: {  	s8 =	sshll.u32 s8, $0x4;
	s31 =	ssub.s32 s9, s10;
	[sflag:s3] =	ssyncset.done $0x0  }
0xb: {  	s7 =	sadd.s32 s8, s7;
	s8 =	smax.u32 s31, $0x1;
	[sflag:s3] =	ssyncadd.s32 $0xFFFFFF80  }
0xc: {  	[tilespmem:s6], [sflag:$0x1] =	stream.indirect.gather [hbm4b:s5+s6], $0x80, s2, s6, $0xb8;
	[tilespmem:$0x4080] =	vst v63  }
0xd: {  	p0 =	sne.s32 s8, $0x1;
	_ =	swait.ge [sflag:s3], $0x4000  }
.Ltmp0:
0xe: {  	[sflag:s3] =	ssyncset.done $0x0;
	(pc) =	sbr.rel @!p0 .LBB2_2-.Ltmp0, $4  }
0xf: {  	s7 =	sadd.s32 $0x2AA00, s7;
	[sflag:s3] =	ssyncadd.s32 $0xFFFFC000  }
0x10: {  	[hbm4b:s7+s2] =	stream.linear.scatter [tilespmem:s6], [sflag:$0x1], $0x4000, $0x38;
	[tilespmem:$0x4080] =	vst v63  }
0x11: {  	_ =	swait.ge [sflag:s3], $0x4000  }
0x12: {  	s8 =	sadd.s32 $0xFFFFFFFF, s8;
	[sflag:s3] =	ssyncset.done $0x0  }
.LBB2_1:
0x13: {  	p0 =	sne.s32 s8, $0x1;
	s8 =	sadd.s32 $0xFFFFFFFF, s8;
	[sflag:s3] =	ssyncadd.s32 $0xFFFFC000  }
0x14: {  	[tilespmem:s2], [sflag:$0x1] =	stream.linear.gather [hbm4b:s4+s2], $0x80, $0x38;
	[tilespmem:$0x4080] =	vst v63  }
0x15: {  	_ =	swait.ge [sflag:s3], $0x80  }
0x16: {  	[sflag:s3] =	ssyncset.done $0x0  }
0x17: {  	[sflag:s3] =	ssyncadd.s32 $0xFFFFFF80  }
0x18: {  	[tilespmem:s6], [sflag:$0x1] =	stream.indirect.gather [hbm4b:s5+s6], $0x80, s2, s6, $0xb8;
	[tilespmem:$0x4080] =	vst v63  }
0x19: {  	_ =	swait.ge [sflag:s3], $0x4000  }
.Ltmp1:
0x1a: {  	[sflag:s3] =	ssyncset.done $0x0;
	(pc) =	sbr.rel @p0 .LBB2_1-.Ltmp1, $4  }
0x1b: {  	[sflag:s3] =	ssyncadd.s32 $0xFFFFC000  }
0x1c: {  	[hbm4b:s7+s2] =	stream.linear.scatter [tilespmem:s6], [sflag:$0x1], $0x4000, $0x38;
	[tilespmem:$0x4080] =	vst v63  }
0x1d: {  	_ =	swait.ge [sflag:s3], $0x4000  }
0x1e: {  	[sflag:s3] =	ssyncset.done $0x0  }
.LBB2_2:
0x1f: {  	[sflag:s3] =	ssyncadd.s32 $0xFFFFC000  }
0x20: {  	_ =	sfence.sel $0x180000  }
0x21: {  	[bflag:$0x0] =	sbarrier.arrive $0xFFFF  }
0x22: {  	p0 =	sne.s32 s0, $0x0;
	_ =	strace $0x90000050  }
0x23: {  	s0 =	sadd.s32 @!p0 $0x100000, s1;
	[bflag:$0x2] =	sbarrier.arrive $0xFFFF  }
0x24: {  	[sflag:s0] =	ssyncadd.tile.s32 @!p0 $0x1;
	_ =	shalt  }
.Lfunc_end2:
_tile_overlayer_lowered:
.L_overlay_start_2:
0x25: {  	(tag) =	ssettag $0x2  }
0x26: {  	s0 =	rddreg [dreg:$0x0];
	s2 =	stileid.u32  }
0x27: {  	s1 =	rddreg [dreg:$0x1];
	p0 =	sne.s32 s2, $0x0  }
0x28: {  	s3 =	rddreg [dreg:$0x2];
	[bflag:$0x3] =	sbarrier.arrive $0xFFFF;
	s2 =	simm.s32 @!p0 $0x1C01  }
0x29: {  	[timem:s3], [sflag:s2] =	dma.local @!p0 [hbm:s0], s1  }
0x2a: {  	s0 =	simm.s32 @!p0 $0x1  }
0x2b: {  	_ =	swait.ge @!p0 [sflag:s0], s1  }
0x2c: {  	s1 =	ssub.s32 @!p0 $0x0, s1;
	[sflag:s0] =	ssyncset.done @!p0 $0x0  }
0x2d: {  	[sflag:s0] =	ssyncadd.s32 @!p0 s1  }
0x2e: {  	[bflag:$0x3] =	sbarrier.arrive $0xFFFF  }
0x2f: {  	_ =	shalt  }

</sc_bundles>
